<compile_context>
chip_gen: v7x
topology: tpu7x:2x2x1
jax: 0.10.2.dev20260603
libtpu: 0.0.44.dev20260713+nightly
codegen_flags: <defaults>
</compile_context>

<pallas_src>
import functools

import numpy as np

import jax
import jax.numpy as jnp
from jax import lax
from jax.experimental import pallas as pl
from jax.experimental.pallas import tpu as pltpu
from jax.experimental.pallas import tpu_sc as plsc

N = 10000
E = 320000
F = 128
HF = F // 2
C = 16

NC = 2
NS = 16
NW = NC * NS

N_PAD = 10240
CH = 128
NCH = 80
NCH2 = 160
E_PAD = NW * NCH * CH
RPT = N_PAD // NS
ZR = 128
BR = 512


def _sc_mesh():
  return plsc.VectorSubcoreMesh(core_axis_name="c", subcore_axis_name="s")


_SC_PARAMS = pltpu.CompilerParams(use_tc_tiling_on_sc=False,
                                  needs_layout_passes=False)


@functools.partial(
    pl.kernel,
    out_type=(
        jax.ShapeDtypeStruct((NC, N_PAD), jnp.float32),
        jax.ShapeDtypeStruct((NC, N_PAD), jnp.float32),
    ),
    mesh=_sc_mesh(),
    compiler_params=_SC_PARAMS,
    scratch_types=[
        pltpu.VMEM((NCH, CH), jnp.int32),
        pltpu.VMEM((NCH, CH), jnp.int32),
        pltpu.VMEM((CH,), jnp.float32),
        pltpu.VMEM((RPT,), jnp.float32),
        pltpu.VMEM_SHARED((N_PAD,), jnp.float32),
        pltpu.VMEM_SHARED((N_PAD,), jnp.float32),
        pltpu.SemaphoreType.DMA,
        pltpu.SemaphoreType.DMA,
    ],
)
def _sc_degrees(src_hbm, dst_hbm, od_out, id_out,
                src_i, dst_i, ones_v, zbuf, od_acc, id_acc, sem_o, sem_i):
  cid = lax.axis_index("c")
  sid = lax.axis_index("s")
  t = cid * NS + sid
  pltpu.sync_copy(src_hbm.at[t], src_i)
  pltpu.sync_copy(dst_hbm.at[t], dst_i)

  one16 = jnp.ones((16,), jnp.float32)
  zero16 = jnp.zeros((16,), jnp.float32)
  for i in range(CH // 16):
    ones_v[pl.ds(i * 16, 16)] = one16

  def zfill(i, carry):
    zbuf[pl.ds(i * 16, 16)] = zero16
    return carry

  lax.fori_loop(0, RPT // 16, zfill, 0)
  pltpu.sync_copy(zbuf, od_acc.at[pl.ds(sid * RPT, RPT)])
  pltpu.sync_copy(zbuf, id_acc.at[pl.ds(sid * RPT, RPT)])
  plsc.subcore_barrier()

  def body(k, carry):
    pltpu.async_copy(ones_v, od_acc.at[src_i.at[k]], sem_o, add=True)
    pltpu.async_copy(ones_v, id_acc.at[dst_i.at[k]], sem_i, add=True)

    @pl.when(k > 0)
    def _():
      pltpu.make_async_copy(ones_v, od_acc.at[src_i.at[k - 1]], sem_o).wait()
      pltpu.make_async_copy(ones_v, id_acc.at[dst_i.at[k - 1]], sem_i).wait()

    return carry

  lax.fori_loop(0, NCH, body, 0)
  pltpu.make_async_copy(ones_v, od_acc.at[src_i.at[NCH - 1]], sem_o).wait()
  pltpu.make_async_copy(ones_v, id_acc.at[dst_i.at[NCH - 1]], sem_i).wait()
  plsc.subcore_barrier()
  pltpu.sync_copy(od_acc.at[pl.ds(sid * RPT, RPT)],
                  od_out.at[cid, pl.ds(sid * RPT, RPT)])
  pltpu.sync_copy(id_acc.at[pl.ds(sid * RPT, RPT)],
                  id_out.at[cid, pl.ds(sid * RPT, RPT)])


NBUF = 4
FB = 2
ZR2 = 64


@functools.partial(
    pl.kernel,
    out_type=jax.ShapeDtypeStruct((NC, N_PAD, HF), jnp.float32),
    mesh=_sc_mesh(),
    compiler_params=_SC_PARAMS,
    scratch_types=[
        pltpu.VMEM((NCH2, CH), jnp.int32),
        pltpu.VMEM((NCH2, CH), jnp.int32),
        [pltpu.VMEM((CH, HF), jnp.bfloat16)] * NBUF,
        [pltpu.VMEM((CH, HF), jnp.float32)] * FB,
        pltpu.VMEM((ZR2, HF), jnp.float32),
        pltpu.VMEM_SHARED((N_PAD, HF), jnp.float32),
        [pltpu.SemaphoreType.DMA] * NBUF,
        [pltpu.SemaphoreType.DMA] * FB,
    ],
)
def _sc_agg_128(src_hbm, dst_hbm, h_hbm, out_hbm,
                src_i, dst_i, bufs, fbufs, zbuf, acc, gsems, ssems):
  cid = lax.axis_index("c")
  sid = lax.axis_index("s")
  pltpu.sync_copy(src_hbm.at[sid], src_i)
  pltpu.sync_copy(dst_hbm.at[sid], dst_i)
  h_half = h_hbm.at[cid]

  zero16 = jnp.zeros((16,), jnp.float32)

  def zfill(r, carry):
    for cc in range(HF // 16):
      zbuf[r, pl.ds(cc * 16, 16)] = zero16
    return carry

  lax.fori_loop(0, ZR2, zfill, 0)
  for j in range(RPT // ZR2):
    pltpu.sync_copy(zbuf, acc.at[pl.ds(sid * RPT + j * ZR2, ZR2)])
  plsc.subcore_barrier()

  for b in range(NBUF):
    pltpu.async_copy(h_half.at[src_i.at[b]], bufs[b], gsems[b])

  hi_mask = jnp.full((16,), -65536, jnp.int32)

  def body(g, carry):
    for b in range(NBUF):
      k = g * NBUF + b
      f = b % FB
      pltpu.make_async_copy(h_half.at[src_i.at[k]], bufs[b], gsems[b]).wait()

      if b < FB:
        @pl.when(g > 0)
        def _():
          kp = k - FB
          pltpu.make_async_copy(fbufs[f], acc.at[dst_i.at[kp]], ssems[f]).wait()
      else:
        pltpu.make_async_copy(fbufs[f], acc.at[dst_i.at[k - FB]], ssems[f]).wait()

      @plsc.parallel_loop(0, CH, unroll=4)
      def conv(r):
        for w in range(HF // 32):
          v = plsc.bitcast(bufs[b][r, pl.ds(32 * w, 32)], jnp.int32)
          fbufs[f][r, pl.ds(32 * w, 16)] = plsc.bitcast(v << 16, jnp.float32)
          fbufs[f][r, pl.ds(32 * w + 16, 16)] = plsc.bitcast(v & hi_mask,
                                                             jnp.float32)
      pltpu.async_copy(fbufs[f], acc.at[dst_i.at[k]], ssems[f], add=True)

      @pl.when(g + 1 < NCH2 // NBUF)
      def _():
        pltpu.async_copy(h_half.at[src_i.at[k + NBUF]], bufs[b], gsems[b])

    return carry

  lax.fori_loop(0, NCH2 // NBUF, body, 0)
  for f in range(FB):
    k = NCH2 - FB + f
    pltpu.make_async_copy(fbufs[f], acc.at[dst_i.at[k]], ssems[f]).wait()
  plsc.subcore_barrier()
  for j in range(RPT // ZR2):
    r = sid * RPT + j * ZR2
    pltpu.sync_copy(acc.at[pl.ds(r, ZR2)], out_hbm.at[cid, pl.ds(r, ZR2)])


@functools.partial(
    pl.kernel,
    out_type=jax.ShapeDtypeStruct((NC, N_PAD, C), jnp.float32),
    mesh=_sc_mesh(),
    compiler_params=_SC_PARAMS,
    scratch_types=[
        pltpu.VMEM((NCH, CH), jnp.int32),
        pltpu.VMEM((NCH, CH), jnp.int32),
        [pltpu.VMEM((CH, C), jnp.float32)] * NBUF,
        pltpu.VMEM((ZR, C), jnp.float32),
        pltpu.VMEM_SHARED((N_PAD, C), jnp.float32),
        [pltpu.SemaphoreType.DMA] * NBUF,
        [pltpu.SemaphoreType.DMA] * NBUF,
    ],
)
def _sc_agg_16(src_hbm, dst_hbm, h_hbm, out_hbm,
               src_i, dst_i, bufs, zbuf, acc, gsems, ssems):
  cid = lax.axis_index("c")
  sid = lax.axis_index("s")
  t = cid * NS + sid
  pltpu.sync_copy(src_hbm.at[t], src_i)
  pltpu.sync_copy(dst_hbm.at[t], dst_i)

  zero16 = jnp.zeros((16,), jnp.float32)

  def zfill(r, carry):
    zbuf[r, pl.ds(0, 16)] = zero16
    return carry

  lax.fori_loop(0, ZR, zfill, 0)
  for j in range(RPT // ZR):
    pltpu.sync_copy(zbuf, acc.at[pl.ds(sid * RPT + j * ZR, ZR)])
  plsc.subcore_barrier()

  for b in range(NBUF):
    pltpu.async_copy(h_hbm.at[src_i.at[b]], bufs[b], gsems[b])

  def body(g, carry):
    for b in range(NBUF):
      k = g * NBUF + b
      pltpu.make_async_copy(h_hbm.at[src_i.at[k]], bufs[b], gsems[b]).wait()
      pltpu.async_copy(bufs[b], acc.at[dst_i.at[k]], ssems[b], add=True)
    for b in range(NBUF):
      k = g * NBUF + b
      pltpu.make_async_copy(bufs[b], acc.at[dst_i.at[k]], ssems[b]).wait()

      @pl.when(g + 1 < NCH // NBUF)
      def _():
        pltpu.async_copy(h_hbm.at[src_i.at[k + NBUF]], bufs[b], gsems[b])

    return carry

  lax.fori_loop(0, NCH // NBUF, body, 0)
  plsc.subcore_barrier()
  for j in range(RPT // ZR):
    r = sid * RPT + j * ZR
    pltpu.sync_copy(acc.at[pl.ds(r, ZR)], out_hbm.at[cid, pl.ds(r, ZR)])


def _norms(deg_parts):
  def body(d_ref, n_ref):
    d = d_ref[0] + d_ref[1]
    n_ref[...] = jnp.where(d > 0, lax.rsqrt(jnp.maximum(d, 1.0)), 0.0)

  return pl.pallas_call(
      body,
      out_shape=jax.ShapeDtypeStruct((N_PAD // 128, 128), jnp.float32),
  )(deg_parts)


def _tc_first(x, ns, W):
  def body(x_ref, ns_ref, w_ref, o_ref):
    h = jnp.dot(x_ref[...] * ns_ref[...], w_ref[...],
                preferred_element_type=jnp.float32)
    o_ref[0] = h[:, :HF].astype(jnp.bfloat16)
    o_ref[1] = h[:, HF:].astype(jnp.bfloat16)

  return pl.pallas_call(
      body,
      grid=(N_PAD // BR,),
      in_specs=[
          pl.BlockSpec((BR, F), lambda i: (i, 0)),
          pl.BlockSpec((BR, 1), lambda i: (i, 0)),
          pl.BlockSpec((F, F), lambda i: (0, 0)),
      ],
      out_specs=pl.BlockSpec((NC, BR, HF), lambda i: (0, i, 0)),
      out_shape=jax.ShapeDtypeStruct((NC, N_PAD, HF), jnp.bfloat16),
  )(x, ns, W)


def _tc_mid(agg, nd, b, ns, W, split_out):
  DO = W.shape[1]

  def body(a_ref, nd_ref, b_ref, ns_ref, w_ref, o_ref):
    a0 = a_ref[0] * nd_ref[...] + b_ref[:, :HF]
    a1 = a_ref[1] * nd_ref[...] + b_ref[:, HF:]
    h0 = jnp.maximum(a0, 0.0) * ns_ref[...]
    h1 = jnp.maximum(a1, 0.0) * ns_ref[...]
    h = (jnp.dot(h0, w_ref[:HF], preferred_element_type=jnp.float32)
         + jnp.dot(h1, w_ref[HF:], preferred_element_type=jnp.float32))
    if split_out:
      o_ref[0] = h[:, :HF].astype(jnp.bfloat16)
      o_ref[1] = h[:, HF:].astype(jnp.bfloat16)
    else:
      o_ref[...] = h

  if split_out:
    out_spec = pl.BlockSpec((NC, BR, HF), lambda i: (0, i, 0))
    out_shape = jax.ShapeDtypeStruct((NC, N_PAD, HF), jnp.bfloat16)
  else:
    out_spec = pl.BlockSpec((BR, DO), lambda i: (i, 0))
    out_shape = jax.ShapeDtypeStruct((N_PAD, DO), jnp.float32)

  return pl.pallas_call(
      body,
      grid=(N_PAD // BR,),
      in_specs=[
          pl.BlockSpec((NC, BR, HF), lambda i: (0, i, 0)),
          pl.BlockSpec((BR, 1), lambda i: (i, 0)),
          pl.BlockSpec((1, F), lambda i: (0, 0)),
          pl.BlockSpec((BR, 1), lambda i: (i, 0)),
          pl.BlockSpec((F, DO), lambda i: (0, 0)),
      ],
      out_specs=out_spec,
      out_shape=out_shape,
  )(agg, nd, b, ns, W)


def _tc_final(agg, nd, b):
  def body(a_ref, nd_ref, b_ref, o_ref):
    o_ref[...] = (a_ref[0] + a_ref[1]) * nd_ref[...] + b_ref[...]

  return pl.pallas_call(
      body,
      grid=(N_PAD // BR,),
      in_specs=[
          pl.BlockSpec((NC, BR, C), lambda i: (0, i, 0)),
          pl.BlockSpec((BR, 1), lambda i: (i, 0)),
          pl.BlockSpec((1, C), lambda i: (0, 0)),
      ],
      out_specs=pl.BlockSpec((BR, C), lambda i: (i, 0)),
      out_shape=jax.ShapeDtypeStruct((N_PAD, C), jnp.float32),
  )(agg, nd, b)


_SIG = np.concatenate(
    [np.arange(g * 32, (g + 1) * 32).reshape(16, 2).T.reshape(32)
     for g in range(4)])


def kernel(x, edge_index, W1, b1, W2, b2, W3, b3):
  src = edge_index[0]
  dst = edge_index[1]
  pad = jnp.full((E_PAD - E,), N, jnp.int32)
  src_p = jnp.concatenate([src, pad])
  dst_p = jnp.concatenate([dst, pad])
  src_r = src_p.reshape(NW, NCH, CH)
  dst_r = dst_p.reshape(NW, NCH, CH)
  src_r2 = src_p.reshape(NS, NCH2, CH)
  dst_r2 = dst_p.reshape(NS, NCH2, CH)
  x_p = jnp.zeros((N_PAD, F), jnp.float32).at[:N].set(x)

  od_parts, id_parts = _sc_degrees(src_r, dst_r)
  ns = _norms(od_parts.reshape(NC, N_PAD // 128, 128)).reshape(N_PAD, 1)
  nd = _norms(id_parts.reshape(NC, N_PAD // 128, 128)).reshape(N_PAD, 1)

  h1 = _tc_first(x_p, ns, W1)
  agg1 = _sc_agg_128(src_r2, dst_r2, h1)
  h2 = _tc_mid(agg1, nd, b1[_SIG][None, :], ns, W2[_SIG, :], True)
  agg2 = _sc_agg_128(src_r2, dst_r2, h2)
  h3 = _tc_mid(agg2, nd, b2[_SIG][None, :], ns, W3[_SIG, :], False)
  agg3 = _sc_agg_16(src_r, dst_r, h3)
  out = _tc_final(agg3, nd, b3[None, :])
  return out[:N]

# --- scband reference (transcript-rebuilt; emitter-appended) ---
"""Pipeline reference for scband-gcn-2585570312241 (READ-ONLY COPY).

The authoritative reference and input builder live on the scoring server;
editing this copy changes nothing except your own understanding.
"""

import jax, jax.numpy as jnp
import numpy as np

N_NODES = 10000
N_EDGES = 320000
FEAT_DIM = 128
H_DIMS = [128, 128]
NUM_CLASSES = 16


def _glorot(key, shape):
    fan_in, fan_out = shape
    lim = (6.0 / (fan_in + fan_out)) ** 0.5
    return jax.random.uniform(key, shape, dtype=jnp.float32, minval=-lim, maxval=lim)


def setup_inputs(seed: int = 0):
    key = jax.random.key(seed)
    ks = jax.random.split(key, 8)
    x = jax.random.normal(ks[0], (N_NODES, FEAT_DIM), dtype=jnp.float32)
    edge_index = jax.random.randint(ks[1], (2, N_EDGES), 0, N_NODES, dtype=jnp.int32)
    W1 = _glorot(ks[2], (FEAT_DIM, H_DIMS[0]))
    b1 = jnp.zeros((H_DIMS[0],), jnp.float32)
    W2 = _glorot(ks[3], (H_DIMS[0], H_DIMS[1]))
    b2 = jnp.zeros((H_DIMS[1],), jnp.float32)
    W3 = _glorot(ks[4], (H_DIMS[1], NUM_CLASSES))
    b3 = jnp.zeros((NUM_CLASSES,), jnp.float32)
    return {"x": x, "edge_index": edge_index, "W1": W1, "b1": b1, "W2": W2, "b2": b2, "W3": W3, "b3": b3}


def _gcn_layer(x, src, dst, W, b):
    # DGL GraphConv with norm='both': D_out^{-1/2} on src side, D_in^{-1/2} on dst side
    N = x.shape[0]
    out_deg = jnp.zeros((N,), jnp.float32).at[src].add(1.0)
    in_deg = jnp.zeros((N,), jnp.float32).at[dst].add(1.0)
    norm_s = jnp.where(out_deg > 0, 1.0 / jnp.sqrt(jnp.maximum(out_deg, 1.0)), 0.0)
    norm_d = jnp.where(in_deg > 0, 1.0 / jnp.sqrt(jnp.maximum(in_deg, 1.0)), 0.0)
    h = (x * norm_s[:, None]) @ W
    agg = jnp.zeros((N, W.shape[1]), jnp.float32).at[dst].add(h[src])
    return agg * norm_d[:, None] + b


def reference(x, edge_index, W1, b1, W2, b2, W3, b3):
    src = edge_index[0]
    dst = edge_index[1]
    h = jax.nn.relu(_gcn_layer(x, src, dst, W1, b1))
    h = jax.nn.relu(_gcn_layer(h, src, dst, W2, b2))
    out = _gcn_layer(h, src, dst, W3, b3)
    return out

if __name__ == "__main__":
    import jax
    _d = setup_inputs()
    print(jax.jit(kernel)(*tuple(_d.values())))

</pallas_src>

<mosaic_0001>
#map = affine_map<(d0, d1) -> (0, 0, 0)>
#map1 = affine_map<(d0, d1) -> (0, 0)>
module attributes {stable_mosaic.version = 14 : i64} {
  func.func @_sc_degrees(%arg0: i32, %arg1: i32, %arg2: memref<32x80x128xi32, #tpu.memory_space<hbm>>, %arg3: memref<32x80x128xi32, #tpu.memory_space<hbm>>, %arg4: memref<2x10240xf32, #tpu.memory_space<hbm>>, %arg5: memref<2x10240xf32, #tpu.memory_space<hbm>>, %arg6: memref<80x128xi32, #tpu.memory_space<vmem>>, %arg7: memref<80x128xi32, #tpu.memory_space<vmem>>, %arg8: memref<128xf32, #tpu.memory_space<vmem>>, %arg9: memref<640xf32, #tpu.memory_space<vmem>>, %arg10: memref<10240xf32, #tpu.memory_space<vmem_shared>>, %arg11: memref<10240xf32, #tpu.memory_space<vmem_shared>>, %arg12: memref<!tpu.dma_semaphore, #tpu.memory_space<semaphore_mem>>, %arg13: memref<!tpu.dma_semaphore, #tpu.memory_space<semaphore_mem>>) attributes {dimension_semantics = [#tpu.dimension_semantics<core_parallel>, #tpu.dimension_semantics<subcore_parallel>], iteration_bounds = array<i64: 2, 16>, scalar_prefetch = 0 : i64, scratch_operands = 8 : i64, tpu.core_type = #tpu.core_type<sc_vector_subcore>, window_params = [{transform_indices = #map}, {transform_indices = #map}, {transform_indices = #map1}, {transform_indices = #map1}]} {
    %mul3A = arith.constant 16 : i32
    %mul3A_0 = arith.muli %arg0, %mul3A : i32
    %add3A = arith.addi %mul3A_0, %arg1 : i32
    "tpu.region"() ({
      %run_scoped3A = tpu.sem_alloc : memref<!tpu.dma_semaphore, #tpu.memory_space<semaphore_mem>>
      %dma_start3A = arith.constant 0 : i32
      %dma_start3A_54 = arith.constant 0 : i32
      %dma_start3A_55 = tpu.memref_slice %arg2[%add3A, %dma_start3A, %dma_start3A_54] : memref<32x80x128xi32, #tpu.memory_space<hbm>> -> memref<1x80x128xi32, #tpu.memory_space<hbm>>
      %dma_start3A_56 = tpu.memref_squeeze %dma_start3A_55 : memref<1x80x128xi32, #tpu.memory_space<hbm>> -> memref<80x128xi32, #tpu.memory_space<hbm>>
      %dma_start3A_57 = arith.constant 0 : i32
      %dma_start3A_58 = arith.constant 0 : i32
      %dma_start3A_59 = tpu.memref_slice %arg2[%add3A, %dma_start3A_57, %dma_start3A_58] : memref<32x80x128xi32, #tpu.memory_space<hbm>> -> memref<1x80x128xi32, #tpu.memory_space<hbm>>
      %dma_start3A_60 = tpu.memref_squeeze %dma_start3A_59 : memref<1x80x128xi32, #tpu.memory_space<hbm>> -> memref<80x128xi32, #tpu.memory_space<hbm>>
      tpu.enqueue_dma source(%dma_start3A_60 : memref<80x128xi32, #tpu.memory_space<hbm>>) target(%arg6 : memref<80x128xi32, #tpu.memory_space<vmem>>) target_semaphore(%run_scoped3A : memref<!tpu.dma_semaphore, #tpu.memory_space<semaphore_mem>>)
      %dma_wait3A_61 = arith.constant 0 : i32
      %dma_wait3A_62 = arith.constant 0 : i32
      %dma_wait3A_63 = tpu.memref_slice %arg2[%add3A, %dma_wait3A_61, %dma_wait3A_62] : memref<32x80x128xi32, #tpu.memory_space<hbm>> -> memref<1x80x128xi32, #tpu.memory_space<hbm>>
      %dma_wait3A_64 = tpu.memref_squeeze %dma_wait3A_63 : memref<1x80x128xi32, #tpu.memory_space<hbm>> -> memref<80x128xi32, #tpu.memory_space<hbm>>
      %dma_wait3A_65 = arith.constant 0 : i32
      %dma_wait3A_66 = arith.constant 0 : i32
      %dma_wait3A_67 = tpu.memref_slice %arg2[%add3A, %dma_wait3A_65, %dma_wait3A_66] : memref<32x80x128xi32, #tpu.memory_space<hbm>> -> memref<1x80x128xi32, #tpu.memory_space<hbm>>
      %dma_wait3A_68 = tpu.memref_squeeze %dma_wait3A_67 : memref<1x80x128xi32, #tpu.memory_space<hbm>> -> memref<80x128xi32, #tpu.memory_space<hbm>>
      tpu.wait_dma2 semaphore(%run_scoped3A : memref<!tpu.dma_semaphore, #tpu.memory_space<semaphore_mem>>) src(%dma_wait3A_68 : memref<80x128xi32, #tpu.memory_space<hbm>>) dst(%arg6 : memref<80x128xi32, #tpu.memory_space<vmem>>)
      tpu.yield
    }) : () -> ()
    "tpu.region"() ({
      %run_scoped3A = tpu.sem_alloc : memref<!tpu.dma_semaphore, #tpu.memory_space<semaphore_mem>>
      %dma_start3A = arith.constant 0 : i32
      %dma_start3A_54 = arith.constant 0 : i32
      %dma_start3A_55 = tpu.memref_slice %arg3[%add3A, %dma_start3A, %dma_start3A_54] : memref<32x80x128xi32, #tpu.memory_space<hbm>> -> memref<1x80x128xi32, #tpu.memory_space<hbm>>
      %dma_start3A_56 = tpu.memref_squeeze %dma_start3A_55 : memref<1x80x128xi32, #tpu.memory_space<hbm>> -> memref<80x128xi32, #tpu.memory_space<hbm>>
      %dma_start3A_57 = arith.constant 0 : i32
      %dma_start3A_58 = arith.constant 0 : i32
      %dma_start3A_59 = tpu.memref_slice %arg3[%add3A, %dma_start3A_57, %dma_start3A_58] : memref<32x80x128xi32, #tpu.memory_space<hbm>> -> memref<1x80x128xi32, #tpu.memory_space<hbm>>
      %dma_start3A_60 = tpu.memref_squeeze %dma_start3A_59 : memref<1x80x128xi32, #tpu.memory_space<hbm>> -> memref<80x128xi32, #tpu.memory_space<hbm>>
      tpu.enqueue_dma source(%dma_start3A_60 : memref<80x128xi32, #tpu.memory_space<hbm>>) target(%arg7 : memref<80x128xi32, #tpu.memory_space<vmem>>) target_semaphore(%run_scoped3A : memref<!tpu.dma_semaphore, #tpu.memory_space<semaphore_mem>>)
      %dma_wait3A_61 = arith.constant 0 : i32
      %dma_wait3A_62 = arith.constant 0 : i32
      %dma_wait3A_63 = tpu.memref_slice %arg3[%add3A, %dma_wait3A_61, %dma_wait3A_62] : memref<32x80x128xi32, #tpu.memory_space<hbm>> -> memref<1x80x128xi32, #tpu.memory_space<hbm>>
      %dma_wait3A_64 = tpu.memref_squeeze %dma_wait3A_63 : memref<1x80x128xi32, #tpu.memory_space<hbm>> -> memref<80x128xi32, #tpu.memory_space<hbm>>
      %dma_wait3A_65 = arith.constant 0 : i32
      %dma_wait3A_66 = arith.constant 0 : i32
      %dma_wait3A_67 = tpu.memref_slice %arg3[%add3A, %dma_wait3A_65, %dma_wait3A_66] : memref<32x80x128xi32, #tpu.memory_space<hbm>> -> memref<1x80x128xi32, #tpu.memory_space<hbm>>
      %dma_wait3A_68 = tpu.memref_squeeze %dma_wait3A_67 : memref<1x80x128xi32, #tpu.memory_space<hbm>> -> memref<80x128xi32, #tpu.memory_space<hbm>>
      tpu.wait_dma2 semaphore(%run_scoped3A : memref<!tpu.dma_semaphore, #tpu.memory_space<semaphore_mem>>) src(%dma_wait3A_68 : memref<80x128xi32, #tpu.memory_space<hbm>>) dst(%arg7 : memref<80x128xi32, #tpu.memory_space<vmem>>)
      tpu.yield
    }) : () -> ()
    %broadcast_in_dim3A = arith.constant 1.000000e+00 : f32
    %broadcast_in_dim3A_1 = vector.broadcast %broadcast_in_dim3A : f32 to vector<16xf32>
    %broadcast_in_dim3A_2 = arith.constant 0.000000e+00 : f32
    %broadcast_in_dim3A_3 = vector.broadcast %broadcast_in_dim3A_2 : f32 to vector<16xf32>
    %swap3A = arith.constant 0 : index
    %swap3A_4 = tpu.vector_load %arg8[%swap3A] {strides = array<i32>} : memref<128xf32, #tpu.memory_space<vmem>>, vector<16xf32>,
    tpu.vector_store %arg8[%swap3A], %broadcast_in_dim3A_1 {strides = array<i32>} : memref<128xf32, #tpu.memory_space<vmem>>, vector<16xf32>,
    %swap3A_5 = arith.constant 16 : index
    %swap3A_6 = tpu.vector_load %arg8[%swap3A_5] {strides = array<i32>} : memref<128xf32, #tpu.memory_space<vmem>>, vector<16xf32>,
    tpu.vector_store %arg8[%swap3A_5], %broadcast_in_dim3A_1 {strides = array<i32>} : memref<128xf32, #tpu.memory_space<vmem>>, vector<16xf32>,
    %swap3A_7 = arith.constant 32 : index
    %swap3A_8 = tpu.vector_load %arg8[%swap3A_7] {strides = array<i32>} : memref<128xf32, #tpu.memory_space<vmem>>, vector<16xf32>,
    tpu.vector_store %arg8[%swap3A_7], %broadcast_in_dim3A_1 {strides = array<i32>} : memref<128xf32, #tpu.memory_space<vmem>>, vector<16xf32>,
    %swap3A_9 = arith.constant 48 : index
    %swap3A_10 = tpu.vector_load %arg8[%swap3A_9] {strides = array<i32>} : memref<128xf32, #tpu.memory_space<vmem>>, vector<16xf32>,
    tpu.vector_store %arg8[%swap3A_9], %broadcast_in_dim3A_1 {strides = array<i32>} : memref<128xf32, #tpu.memory_space<vmem>>, vector<16xf32>,
    %swap3A_11 = arith.constant 64 : index
    %swap3A_12 = tpu.vector_load %arg8[%swap3A_11] {strides = array<i32>} : memref<128xf32, #tpu.memory_space<vmem>>, vector<16xf32>,
    tpu.vector_store %arg8[%swap3A_11], %broadcast_in_dim3A_1 {strides = array<i32>} : memref<128xf32, #tpu.memory_space<vmem>>, vector<16xf32>,
    %swap3A_13 = arith.constant 80 : index
    %swap3A_14 = tpu.vector_load %arg8[%swap3A_13] {strides = array<i32>} : memref<128xf32, #tpu.memory_space<vmem>>, vector<16xf32>,
    tpu.vector_store %arg8[%swap3A_13], %broadcast_in_dim3A_1 {strides = array<i32>} : memref<128xf32, #tpu.memory_space<vmem>>, vector<16xf32>,
    %swap3A_15 = arith.constant 96 : index
    %swap3A_16 = tpu.vector_load %arg8[%swap3A_15] {strides = array<i32>} : memref<128xf32, #tpu.memory_space<vmem>>, vector<16xf32>,
    tpu.vector_store %arg8[%swap3A_15], %broadcast_in_dim3A_1 {strides = array<i32>} : memref<128xf32, #tpu.memory_space<vmem>>, vector<16xf32>,
    %swap3A_17 = arith.constant 112 : index
    %swap3A_18 = tpu.vector_load %arg8[%swap3A_17] {strides = array<i32>} : memref<128xf32, #tpu.memory_space<vmem>>, vector<16xf32>,
    tpu.vector_store %arg8[%swap3A_17], %broadcast_in_dim3A_1 {strides = array<i32>} : memref<128xf32, #tpu.memory_space<vmem>>, vector<16xf32>,
    %scan3A = arith.constant 0 : i32
    %scan3A_19 = arith.constant 0 : i32
    %scan3A_20 = arith.constant 40 : i32
    %scan3A_21 = arith.addi %scan3A_19, %scan3A_20 : i32
    %scan3A_22 = arith.constant 1 : i32
    scf.for %scan3A_54 = %scan3A_19 to %scan3A_21 step %scan3A_22  : i32 {
      %mul3A_55 = arith.constant 16 : i32
      %mul3A_56 = arith.muli %scan3A_54, %mul3A_55 : i32
      %swap3A_57 = arith.index_cast %mul3A_56 : i32 to index
      %swap3A_58 = tpu.vector_load %arg9[%swap3A_57] {strides = array<i32>} : memref<640xf32, #tpu.memory_space<vmem>>, vector<16xf32>,
      tpu.vector_store %arg9[%swap3A_57], %broadcast_in_dim3A_3 {strides = array<i32>} : memref<640xf32, #tpu.memory_space<vmem>>, vector<16xf32>,
    }
    %scan3A_23 = arith.constant 40 : i32
    %mul3A_24 = arith.constant 640 : i32
    %mul3A_25 = arith.muli %arg1, %mul3A_24 : i32
    "tpu.region"() ({
      %run_scoped3A = tpu.sem_alloc : memref<!tpu.dma_semaphore, #tpu.memory_space<semaphore_mem>>
      %dma_start3A = tpu.memref_slice %arg10[%mul3A_25] : memref<10240xf32, #tpu.memory_space<vmem_shared>> -> memref<640xf32, #tpu.memory_space<vmem_shared>>
      %dma_start3A_54 = tpu.memref_slice %arg10[%mul3A_25] : memref<10240xf32, #tpu.memory_space<vmem_shared>> -> memref<640xf32, #tpu.memory_space<vmem_shared>>
      tpu.enqueue_dma source(%arg9 : memref<640xf32, #tpu.memory_space<vmem>>) target(%dma_start3A_54 : memref<640xf32, #tpu.memory_space<vmem_shared>>) target_semaphore(%run_scoped3A : memref<!tpu.dma_semaphore, #tpu.memory_space<semaphore_mem>>)
      %dma_wait3A_55 = tpu.memref_slice %arg10[%mul3A_25] : memref<10240xf32, #tpu.memory_space<vmem_shared>> -> memref<640xf32, #tpu.memory_space<vmem_shared>>
      %dma_wait3A_56 = tpu.memref_slice %arg10[%mul3A_25] : memref<10240xf32, #tpu.memory_space<vmem_shared>> -> memref<640xf32, #tpu.memory_space<vmem_shared>>
      tpu.wait_dma2 semaphore(%run_scoped3A : memref<!tpu.dma_semaphore, #tpu.memory_space<semaphore_mem>>) src(%arg9 : memref<640xf32, #tpu.memory_space<vmem>>) dst(%dma_wait3A_56 : memref<640xf32, #tpu.memory_space<vmem_shared>>)
      tpu.yield
    }) : () -> ()
    %mul3A_26 = arith.constant 640 : i32
    %mul3A_27 = arith.muli %arg1, %mul3A_26 : i32
    "tpu.region"() ({
      %run_scoped3A = tpu.sem_alloc : memref<!tpu.dma_semaphore, #tpu.memory_space<semaphore_mem>>
      %dma_start3A = tpu.memref_slice %arg11[%mul3A_27] : memref<10240xf32, #tpu.memory_space<vmem_shared>> -> memref<640xf32, #tpu.memory_space<vmem_shared>>
      %dma_start3A_54 = tpu.memref_slice %arg11[%mul3A_27] : memref<10240xf32, #tpu.memory_space<vmem_shared>> -> memref<640xf32, #tpu.memory_space<vmem_shared>>
      tpu.enqueue_dma source(%arg9 : memref<640xf32, #tpu.memory_space<vmem>>) target(%dma_start3A_54 : memref<640xf32, #tpu.memory_space<vmem_shared>>) target_semaphore(%run_scoped3A : memref<!tpu.dma_semaphore, #tpu.memory_space<semaphore_mem>>)
      %dma_wait3A_55 = tpu.memref_slice %arg11[%mul3A_27] : memref<10240xf32, #tpu.memory_space<vmem_shared>> -> memref<640xf32, #tpu.memory_space<vmem_shared>>
      %dma_wait3A_56 = tpu.memref_slice %arg11[%mul3A_27] : memref<10240xf32, #tpu.memory_space<vmem_shared>> -> memref<640xf32, #tpu.memory_space<vmem_shared>>
      tpu.wait_dma2 semaphore(%run_scoped3A : memref<!tpu.dma_semaphore, #tpu.memory_space<semaphore_mem>>) src(%arg9 : memref<640xf32, #tpu.memory_space<vmem>>) dst(%dma_wait3A_56 : memref<640xf32, #tpu.memory_space<vmem_shared>>)
      tpu.yield
    }) : () -> ()
    %barrier3A = arith.constant 0 : index
    tpu.barrier barrier_id(%barrier3A)
    %scan3A_28 = arith.constant 0 : i32
    %scan3A_29 = arith.constant 0 : i32
    %scan3A_30 = arith.constant 80 : i32
    %scan3A_31 = arith.addi %scan3A_29, %scan3A_30 : i32
    %scan3A_32 = arith.constant 1 : i32
    scf.for %scan3A_54 = %scan3A_29 to %scan3A_31 step %scan3A_32  : i32 {
      %dma_start3A = arith.constant 0 : i32
      %dma_start3A_55 = tpu.memref_slice %arg6[%scan3A_54, %dma_start3A] : memref<80x128xi32, #tpu.memory_space<vmem>> -> memref<1x128xi32, #tpu.memory_space<vmem>>
      %dma_start3A_56 = tpu.memref_squeeze %dma_start3A_55 : memref<1x128xi32, #tpu.memory_space<vmem>> -> memref<128xi32, #tpu.memory_space<vmem>>
      %dma_start3A_57 = arith.constant 0 : i32
      %dma_start3A_58 = tpu.memref_slice %arg10[%dma_start3A_57] : memref<10240xf32, #tpu.memory_space<vmem_shared>> -> memref<10240xf32, #tpu.memory_space<vmem_shared>>
      tpu.enqueue_indirect_dma source(%arg8 : memref<128xf32, #tpu.memory_space<vmem>>) target(%dma_start3A_58 : memref<10240xf32, #tpu.memory_space<vmem_shared>>) offsets(%dma_start3A_56 : memref<128xi32, #tpu.memory_space<vmem>>) semaphore(%arg12 : memref<!tpu.dma_semaphore, #tpu.memory_space<semaphore_mem>>) {add = true}
      %dma_start3A_59 = arith.constant 0 : i32
      %dma_start3A_60 = tpu.memref_slice %arg7[%scan3A_54, %dma_start3A_59] : memref<80x128xi32, #tpu.memory_space<vmem>> -> memref<1x128xi32, #tpu.memory_space<vmem>>
      %dma_start3A_61 = tpu.memref_squeeze %dma_start3A_60 : memref<1x128xi32, #tpu.memory_space<vmem>> -> memref<128xi32, #tpu.memory_space<vmem>>
      %dma_start3A_62 = arith.constant 0 : i32
      %dma_start3A_63 = tpu.memref_slice %arg11[%dma_start3A_62] : memref<10240xf32, #tpu.memory_space<vmem_shared>> -> memref<10240xf32, #tpu.memory_space<vmem_shared>>
      tpu.enqueue_indirect_dma source(%arg8 : memref<128xf32, #tpu.memory_space<vmem>>) target(%dma_start3A_63 : memref<10240xf32, #tpu.memory_space<vmem_shared>>) offsets(%dma_start3A_61 : memref<128xi32, #tpu.memory_space<vmem>>) semaphore(%arg13 : memref<!tpu.dma_semaphore, #tpu.memory_space<semaphore_mem>>) {add = true}
      %gt3A = arith.constant 0 : i32
      %gt3A_64 = arith.cmpi sgt, %scan3A_54, %gt3A : i32
      %convert_element_type3A = arith.extui %gt3A_64 : i1 to i32
      %cond3A = arith.constant 0 : i32
      %cond3A_65 = arith.cmpi ne, %convert_element_type3A, %cond3A : i32
      scf.if %cond3A_65 {
        %sub3A = arith.constant 1 : i32
        %sub3A_66 = arith.subi %scan3A_54, %sub3A : i32
        %dma_wait3A_67 = arith.constant 0 : i32
        %dma_wait3A_68 = tpu.memref_slice %arg6[%sub3A_66, %dma_wait3A_67] : memref<80x128xi32, #tpu.memory_space<vmem>> -> memref<1x128xi32, #tpu.memory_space<vmem>>
        %dma_wait3A_69 = tpu.memref_squeeze %dma_wait3A_68 : memref<1x128xi32, #tpu.memory_space<vmem>> -> memref<128xi32, #tpu.memory_space<vmem>>
        %dma_wait3A_70 = arith.constant 0 : i32
        %dma_wait3A_71 = tpu.memref_slice %arg10[%dma_wait3A_70] : memref<10240xf32, #tpu.memory_space<vmem_shared>> -> memref<10240xf32, #tpu.memory_space<vmem_shared>>
        tpu.wait_indirect_dma semaphore(%arg12 : memref<!tpu.dma_semaphore, #tpu.memory_space<semaphore_mem>>) src(%arg8 : memref<128xf32, #tpu.memory_space<vmem>>) dst(%dma_wait3A_71 : memref<10240xf32, #tpu.memory_space<vmem_shared>>)
        %sub3A_72 = arith.constant 1 : i32
        %sub3A_73 = arith.subi %scan3A_54, %sub3A_72 : i32
        %dma_wait3A_74 = arith.constant 0 : i32
        %dma_wait3A_75 = tpu.memref_slice %arg7[%sub3A_73, %dma_wait3A_74] : memref<80x128xi32, #tpu.memory_space<vmem>> -> memref<1x128xi32, #tpu.memory_space<vmem>>
        %dma_wait3A_76 = tpu.memref_squeeze %dma_wait3A_75 : memref<1x128xi32, #tpu.memory_space<vmem>> -> memref<128xi32, #tpu.memory_space<vmem>>
        %dma_wait3A_77 = arith.constant 0 : i32
        %dma_wait3A_78 = tpu.memref_slice %arg11[%dma_wait3A_77] : memref<10240xf32, #tpu.memory_space<vmem_shared>> -> memref<10240xf32, #tpu.memory_space<vmem_shared>>
        tpu.wait_indirect_dma semaphore(%arg13 : memref<!tpu.dma_semaphore, #tpu.memory_space<semaphore_mem>>) src(%arg8 : memref<128xf32, #tpu.memory_space<vmem>>) dst(%dma_wait3A_78 : memref<10240xf32, #tpu.memory_space<vmem_shared>>)
      } else {
      }
    }
    %scan3A_33 = arith.constant 80 : i32
    %dma_wait3A = arith.constant 79 : i32
    %dma_wait3A_34 = arith.constant 0 : i32
    %dma_wait3A_35 = tpu.memref_slice %arg6[%dma_wait3A, %dma_wait3A_34] : memref<80x128xi32, #tpu.memory_space<vmem>> -> memref<1x128xi32, #tpu.memory_space<vmem>>
    %dma_wait3A_36 = tpu.memref_squeeze %dma_wait3A_35 : memref<1x128xi32, #tpu.memory_space<vmem>> -> memref<128xi32, #tpu.memory_space<vmem>>
    %dma_wait3A_37 = arith.constant 0 : i32
    %dma_wait3A_38 = tpu.memref_slice %arg10[%dma_wait3A_37] : memref<10240xf32, #tpu.memory_space<vmem_shared>> -> memref<10240xf32, #tpu.memory_space<vmem_shared>>
    tpu.wait_indirect_dma semaphore(%arg12 : memref<!tpu.dma_semaphore, #tpu.memory_space<semaphore_mem>>) src(%arg8 : memref<128xf32, #tpu.memory_space<vmem>>) dst(%dma_wait3A_38 : memref<10240xf32, #tpu.memory_space<vmem_shared>>)
    %dma_wait3A_39 = arith.constant 79 : i32
    %dma_wait3A_40 = arith.constant 0 : i32
    %dma_wait3A_41 = tpu.memref_slice %arg7[%dma_wait3A_39, %dma_wait3A_40] : memref<80x128xi32, #tpu.memory_space<vmem>> -> memref<1x128xi32, #tpu.memory_space<vmem>>
    %dma_wait3A_42 = tpu.memref_squeeze %dma_wait3A_41 : memref<1x128xi32, #tpu.memory_space<vmem>> -> memref<128xi32, #tpu.memory_space<vmem>>
    %dma_wait3A_43 = arith.constant 0 : i32
    %dma_wait3A_44 = tpu.memref_slice %arg11[%dma_wait3A_43] : memref<10240xf32, #tpu.memory_space<vmem_shared>> -> memref<10240xf32, #tpu.memory_space<vmem_shared>>
    tpu.wait_indirect_dma semaphore(%arg13 : memref<!tpu.dma_semaphore, #tpu.memory_space<semaphore_mem>>) src(%arg8 : memref<128xf32, #tpu.memory_space<vmem>>) dst(%dma_wait3A_44 : memref<10240xf32, #tpu.memory_space<vmem_shared>>)
    %barrier3A_45 = arith.constant 0 : index
    tpu.barrier barrier_id(%barrier3A_45)
    %mul3A_46 = arith.constant 640 : i32
    %mul3A_47 = arith.muli %arg1, %mul3A_46 : i32
    %mul3A_48 = arith.constant 640 : i32
    %mul3A_49 = arith.muli %arg1, %mul3A_48 : i32
    "tpu.region"() ({
      %run_scoped3A = tpu.sem_alloc : memref<!tpu.dma_semaphore, #tpu.memory_space<semaphore_mem>>
      %dma_start3A = tpu.memref_slice %arg4[%arg0, %mul3A_49] : memref<2x10240xf32, #tpu.memory_space<hbm>> -> memref<1x640xf32, #tpu.memory_space<hbm>>
      %dma_start3A_54 = tpu.memref_squeeze %dma_start3A : memref<1x640xf32, #tpu.memory_space<hbm>> -> memref<640xf32, #tpu.memory_space<hbm>>
      %dma_start3A_55 = tpu.memref_slice %arg10[%mul3A_47] : memref<10240xf32, #tpu.memory_space<vmem_shared>> -> memref<640xf32, #tpu.memory_space<vmem_shared>>
      tpu.enqueue_dma source(%dma_start3A_55 : memref<640xf32, #tpu.memory_space<vmem_shared>>) target(%dma_start3A_54 : memref<640xf32, #tpu.memory_space<hbm>>) target_semaphore(%run_scoped3A : memref<!tpu.dma_semaphore, #tpu.memory_space<semaphore_mem>>)
      %dma_wait3A_56 = tpu.memref_slice %arg4[%arg0, %mul3A_49] : memref<2x10240xf32, #tpu.memory_space<hbm>> -> memref<1x640xf32, #tpu.memory_space<hbm>>
      %dma_wait3A_57 = tpu.memref_squeeze %dma_wait3A_56 : memref<1x640xf32, #tpu.memory_space<hbm>> -> memref<640xf32, #tpu.memory_space<hbm>>
      %dma_wait3A_58 = tpu.memref_slice %arg10[%mul3A_47] : memref<10240xf32, #tpu.memory_space<vmem_shared>> -> memref<640xf32, #tpu.memory_space<vmem_shared>>
      tpu.wait_dma2 semaphore(%run_scoped3A : memref<!tpu.dma_semaphore, #tpu.memory_space<semaphore_mem>>) src(%dma_wait3A_58 : memref<640xf32, #tpu.memory_space<vmem_shared>>) dst(%dma_wait3A_57 : memref<640xf32, #tpu.memory_space<hbm>>)
      tpu.yield
    }) : () -> ()
    %mul3A_50 = arith.constant 640 : i32
    %mul3A_51 = arith.muli %arg1, %mul3A_50 : i32
    %mul3A_52 = arith.constant 640 : i32
    %mul3A_53 = arith.muli %arg1, %mul3A_52 : i32
    "tpu.region"() ({
      %run_scoped3A = tpu.sem_alloc : memref<!tpu.dma_semaphore, #tpu.memory_space<semaphore_mem>>
      %dma_start3A = tpu.memref_slice %arg5[%arg0, %mul3A_53] : memref<2x10240xf32, #tpu.memory_space<hbm>> -> memref<1x640xf32, #tpu.memory_space<hbm>>
      %dma_start3A_54 = tpu.memref_squeeze %dma_start3A : memref<1x640xf32, #tpu.memory_space<hbm>> -> memref<640xf32, #tpu.memory_space<hbm>>
      %dma_start3A_55 = tpu.memref_slice %arg11[%mul3A_51] : memref<10240xf32, #tpu.memory_space<vmem_shared>> -> memref<640xf32, #tpu.memory_space<vmem_shared>>
      tpu.enqueue_dma source(%dma_start3A_55 : memref<640xf32, #tpu.memory_space<vmem_shared>>) target(%dma_start3A_54 : memref<640xf32, #tpu.memory_space<hbm>>) target_semaphore(%run_scoped3A : memref<!tpu.dma_semaphore, #tpu.memory_space<semaphore_mem>>)
      %dma_wait3A_56 = tpu.memref_slice %arg5[%arg0, %mul3A_53] : memref<2x10240xf32, #tpu.memory_space<hbm>> -> memref<1x640xf32, #tpu.memory_space<hbm>>
      %dma_wait3A_57 = tpu.memref_squeeze %dma_wait3A_56 : memref<1x640xf32, #tpu.memory_space<hbm>> -> memref<640xf32, #tpu.memory_space<hbm>>
      %dma_wait3A_58 = tpu.memref_slice %arg11[%mul3A_51] : memref<10240xf32, #tpu.memory_space<vmem_shared>> -> memref<640xf32, #tpu.memory_space<vmem_shared>>
      tpu.wait_dma2 semaphore(%run_scoped3A : memref<!tpu.dma_semaphore, #tpu.memory_space<semaphore_mem>>) src(%dma_wait3A_58 : memref<640xf32, #tpu.memory_space<vmem_shared>>) dst(%dma_wait3A_57 : memref<640xf32, #tpu.memory_space<hbm>>)
      tpu.yield
    }) : () -> ()
    return
  }
}

#map = affine_map<(d0, d1) -> (0, 0, 0)>
#map1 = affine_map<(d0, d1) -> (0, 0)>
module attributes {stable_mosaic.version = 14 : i64} {
  func.func @_sc_agg_16(%arg0: i32, %arg1: i32, %arg2: memref<32x80x128xi32, #tpu.memory_space<hbm>>, %arg3: memref<32x80x128xi32, #tpu.memory_space<hbm>>, %arg4: memref<10240x16xf32, #tpu.memory_space<hbm>>, %arg5: memref<2x10240x16xf32, #tpu.memory_space<hbm>>, %arg6: memref<80x128xi32, #tpu.memory_space<vmem>>, %arg7: memref<80x128xi32, #tpu.memory_space<vmem>>, %arg8: memref<128x16xf32, #tpu.memory_space<vmem>>, %arg9: memref<128x16xf32, #tpu.memory_space<vmem>>, %arg10: memref<128x16xf32, #tpu.memory_space<vmem>>, %arg11: memref<128x16xf32, #tpu.memory_space<vmem>>, %arg12: memref<128x16xf32, #tpu.memory_space<vmem>>, %arg13: memref<10240x16xf32, #tpu.memory_space<vmem_shared>>, %arg14: memref<!tpu.dma_semaphore, #tpu.memory_space<semaphore_mem>>, %arg15: memref<!tpu.dma_semaphore, #tpu.memory_space<semaphore_mem>>, %arg16: memref<!tpu.dma_semaphore, #tpu.memory_space<semaphore_mem>>, %arg17: memref<!tpu.dma_semaphore, #tpu.memory_space<semaphore_mem>>, %arg18: memref<!tpu.dma_semaphore, #tpu.memory_space<semaphore_mem>>, %arg19: memref<!tpu.dma_semaphore, #tpu.memory_space<semaphore_mem>>, %arg20: memref<!tpu.dma_semaphore, #tpu.memory_space<semaphore_mem>>, %arg21: memref<!tpu.dma_semaphore, #tpu.memory_space<semaphore_mem>>) attributes {dimension_semantics = [#tpu.dimension_semantics<core_parallel>, #tpu.dimension_semantics<subcore_parallel>], iteration_bounds = array<i64: 2, 16>, scalar_prefetch = 0 : i64, scratch_operands = 16 : i64, tpu.core_type = #tpu.core_type<sc_vector_subcore>, window_params = [{transform_indices = #map}, {transform_indices = #map}, {transform_indices = #map1}, {transform_indices = #map}]} {
    %mul3A = arith.constant 16 : i32
    %mul3A_0 = arith.muli %arg0, %mul3A : i32
    %add3A = arith.addi %mul3A_0, %arg1 : i32
    "tpu.region"() ({
      %run_scoped3A = tpu.sem_alloc : memref<!tpu.dma_semaphore, #tpu.memory_space<semaphore_mem>>
      %dma_start3A_81 = arith.constant 0 : i32
      %dma_start3A_82 = arith.constant 0 : i32
      %dma_start3A_83 = tpu.memref_slice %arg2[%add3A, %dma_start3A_81, %dma_start3A_82] : memref<32x80x128xi32, #tpu.memory_space<hbm>> -> memref<1x80x128xi32, #tpu.memory_space<hbm>>
      %dma_start3A_84 = tpu.memref_squeeze %dma_start3A_83 : memref<1x80x128xi32, #tpu.memory_space<hbm>> -> memref<80x128xi32, #tpu.memory_space<hbm>>
      %dma_start3A_85 = arith.constant 0 : i32
      %dma_start3A_86 = arith.constant 0 : i32
      %dma_start3A_87 = tpu.memref_slice %arg2[%add3A, %dma_start3A_85, %dma_start3A_86] : memref<32x80x128xi32, #tpu.memory_space<hbm>> -> memref<1x80x128xi32, #tpu.memory_space<hbm>>
      %dma_start3A_88 = tpu.memref_squeeze %dma_start3A_87 : memref<1x80x128xi32, #tpu.memory_space<hbm>> -> memref<80x128xi32, #tpu.memory_space<hbm>>
      tpu.enqueue_dma source(%dma_start3A_88 : memref<80x128xi32, #tpu.memory_space<hbm>>) target(%arg6 : memref<80x128xi32, #tpu.memory_space<vmem>>) target_semaphore(%run_scoped3A : memref<!tpu.dma_semaphore, #tpu.memory_space<semaphore_mem>>)
      %dma_wait3A = arith.constant 0 : i32
      %dma_wait3A_89 = arith.constant 0 : i32
      %dma_wait3A_90 = tpu.memref_slice %arg2[%add3A, %dma_wait3A, %dma_wait3A_89] : memref<32x80x128xi32, #tpu.memory_space<hbm>> -> memref<1x80x128xi32, #tpu.memory_space<hbm>>
      %dma_wait3A_91 = tpu.memref_squeeze %dma_wait3A_90 : memref<1x80x128xi32, #tpu.memory_space<hbm>> -> memref<80x128xi32, #tpu.memory_space<hbm>>
      %dma_wait3A_92 = arith.constant 0 : i32
      %dma_wait3A_93 = arith.constant 0 : i32
      %dma_wait3A_94 = tpu.memref_slice %arg2[%add3A, %dma_wait3A_92, %dma_wait3A_93] : memref<32x80x128xi32, #tpu.memory_space<hbm>> -> memref<1x80x128xi32, #tpu.memory_space<hbm>>
      %dma_wait3A_95 = tpu.memref_squeeze %dma_wait3A_94 : memref<1x80x128xi32, #tpu.memory_space<hbm>> -> memref<80x128xi32, #tpu.memory_space<hbm>>
      tpu.wait_dma2 semaphore(%run_scoped3A : memref<!tpu.dma_semaphore, #tpu.memory_space<semaphore_mem>>) src(%dma_wait3A_95 : memref<80x128xi32, #tpu.memory_space<hbm>>) dst(%arg6 : memref<80x128xi32, #tpu.memory_space<vmem>>)
      tpu.yield
    }) : () -> ()
    "tpu.region"() ({
      %run_scoped3A = tpu.sem_alloc : memref<!tpu.dma_semaphore, #tpu.memory_space<semaphore_mem>>
      %dma_start3A_81 = arith.constant 0 : i32
      %dma_start3A_82 = arith.constant 0 : i32
      %dma_start3A_83 = tpu.memref_slice %arg3[%add3A, %dma_start3A_81, %dma_start3A_82] : memref<32x80x128xi32, #tpu.memory_space<hbm>> -> memref<1x80x128xi32, #tpu.memory_space<hbm>>
      %dma_start3A_84 = tpu.memref_squeeze %dma_start3A_83 : memref<1x80x128xi32, #tpu.memory_space<hbm>> -> memref<80x128xi32, #tpu.memory_space<hbm>>
      %dma_start3A_85 = arith.constant 0 : i32
      %dma_start3A_86 = arith.constant 0 : i32
      %dma_start3A_87 = tpu.memref_slice %arg3[%add3A, %dma_start3A_85, %dma_start3A_86] : memref<32x80x128xi32, #tpu.memory_space<hbm>> -> memref<1x80x128xi32, #tpu.memory_space<hbm>>
      %dma_start3A_88 = tpu.memref_squeeze %dma_start3A_87 : memref<1x80x128xi32, #tpu.memory_space<hbm>> -> memref<80x128xi32, #tpu.memory_space<hbm>>
      tpu.enqueue_dma source(%dma_start3A_88 : memref<80x128xi32, #tpu.memory_space<hbm>>) target(%arg7 : memref<80x128xi32, #tpu.memory_space<vmem>>) target_semaphore(%run_scoped3A : memref<!tpu.dma_semaphore, #tpu.memory_space<semaphore_mem>>)
      %dma_wait3A = arith.constant 0 : i32
      %dma_wait3A_89 = arith.constant 0 : i32
      %dma_wait3A_90 = tpu.memref_slice %arg3[%add3A, %dma_wait3A, %dma_wait3A_89] : memref<32x80x128xi32, #tpu.memory_space<hbm>> -> memref<1x80x128xi32, #tpu.memory_space<hbm>>
      %dma_wait3A_91 = tpu.memref_squeeze %dma_wait3A_90 : memref<1x80x128xi32, #tpu.memory_space<hbm>> -> memref<80x128xi32, #tpu.memory_space<hbm>>
      %dma_wait3A_92 = arith.constant 0 : i32
      %dma_wait3A_93 = arith.constant 0 : i32
      %dma_wait3A_94 = tpu.memref_slice %arg3[%add3A, %dma_wait3A_92, %dma_wait3A_93] : memref<32x80x128xi32, #tpu.memory_space<hbm>> -> memref<1x80x128xi32, #tpu.memory_space<hbm>>
      %dma_wait3A_95 = tpu.memref_squeeze %dma_wait3A_94 : memref<1x80x128xi32, #tpu.memory_space<hbm>> -> memref<80x128xi32, #tpu.memory_space<hbm>>
      tpu.wait_dma2 semaphore(%run_scoped3A : memref<!tpu.dma_semaphore, #tpu.memory_space<semaphore_mem>>) src(%dma_wait3A_95 : memref<80x128xi32, #tpu.memory_space<hbm>>) dst(%arg7 : memref<80x128xi32, #tpu.memory_space<vmem>>)
      tpu.yield
    }) : () -> ()
    %broadcast_in_dim3A = arith.constant 0.000000e+00 : f32
    %broadcast_in_dim3A_1 = vector.broadcast %broadcast_in_dim3A : f32 to vector<16xf32>
    %scan3A = arith.constant 0 : i32
    %scan3A_2 = arith.constant 0 : i32
    %scan3A_3 = arith.constant 128 : i32
    %scan3A_4 = arith.addi %scan3A_2, %scan3A_3 : i32
    %scan3A_5 = arith.constant 1 : i32
    scf.for %scan3A_81 = %scan3A_2 to %scan3A_4 step %scan3A_5  : i32 {
      %swap3A = arith.index_cast %scan3A_81 : i32 to index
      %swap3A_82 = arith.constant 0 : index
      %swap3A_83 = tpu.vector_load %arg12[%swap3A, %swap3A_82] {strides = array<i32>} : memref<128x16xf32, #tpu.memory_space<vmem>>, vector<16xf32>,
      tpu.vector_store %arg12[%swap3A, %swap3A_82], %broadcast_in_dim3A_1 {strides = array<i32>} : memref<128x16xf32, #tpu.memory_space<vmem>>, vector<16xf32>,
    }
    %scan3A_6 = arith.constant 128 : i32
    %mul3A_7 = arith.constant 640 : i32
    %mul3A_8 = arith.muli %arg1, %mul3A_7 : i32
    %add3A_9 = arith.constant 0 : i32
    %add3A_10 = arith.addi %mul3A_8, %add3A_9 : i32
    "tpu.region"() ({
      %run_scoped3A = tpu.sem_alloc : memref<!tpu.dma_semaphore, #tpu.memory_space<semaphore_mem>>
      %dma_start3A_81 = arith.constant 0 : i32
      %dma_start3A_82 = tpu.memref_slice %arg13[%add3A_10, %dma_start3A_81] : memref<10240x16xf32, #tpu.memory_space<vmem_shared>> -> memref<128x16xf32, #tpu.memory_space<vmem_shared>>
      %dma_start3A_83 = arith.constant 0 : i32
      %dma_start3A_84 = tpu.memref_slice %arg13[%add3A_10, %dma_start3A_83] : memref<10240x16xf32, #tpu.memory_space<vmem_shared>> -> memref<128x16xf32, #tpu.memory_space<vmem_shared>>
      tpu.enqueue_dma source(%arg12 : memref<128x16xf32, #tpu.memory_space<vmem>>) target(%dma_start3A_84 : memref<128x16xf32, #tpu.memory_space<vmem_shared>>) target_semaphore(%run_scoped3A : memref<!tpu.dma_semaphore, #tpu.memory_space<semaphore_mem>>)
      %dma_wait3A = arith.constant 0 : i32
      %dma_wait3A_85 = tpu.memref_slice %arg13[%add3A_10, %dma_wait3A] : memref<10240x16xf32, #tpu.memory_space<vmem_shared>> -> memref<128x16xf32, #tpu.memory_space<vmem_shared>>
      %dma_wait3A_86 = arith.constant 0 : i32
      %dma_wait3A_87 = tpu.memref_slice %arg13[%add3A_10, %dma_wait3A_86] : memref<10240x16xf32, #tpu.memory_space<vmem_shared>> -> memref<128x16xf32, #tpu.memory_space<vmem_shared>>
      tpu.wait_dma2 semaphore(%run_scoped3A : memref<!tpu.dma_semaphore, #tpu.memory_space<semaphore_mem>>) src(%arg12 : memref<128x16xf32, #tpu.memory_space<vmem>>) dst(%dma_wait3A_87 : memref<128x16xf32, #tpu.memory_space<vmem_shared>>)
      tpu.yield
    }) : () -> ()
    %mul3A_11 = arith.constant 640 : i32
    %mul3A_12 = arith.muli %arg1, %mul3A_11 : i32
    %add3A_13 = arith.constant 128 : i32
    %add3A_14 = arith.addi %mul3A_12, %add3A_13 : i32
    "tpu.region"() ({
      %run_scoped3A = tpu.sem_alloc : memref<!tpu.dma_semaphore, #tpu.memory_space<semaphore_mem>>
      %dma_start3A_81 = arith.constant 0 : i32
      %dma_start3A_82 = tpu.memref_slice %arg13[%add3A_14, %dma_start3A_81] : memref<10240x16xf32, #tpu.memory_space<vmem_shared>> -> memref<128x16xf32, #tpu.memory_space<vmem_shared>>
      %dma_start3A_83 = arith.constant 0 : i32
      %dma_start3A_84 = tpu.memref_slice %arg13[%add3A_14, %dma_start3A_83] : memref<10240x16xf32, #tpu.memory_space<vmem_shared>> -> memref<128x16xf32, #tpu.memory_space<vmem_shared>>
      tpu.enqueue_dma source(%arg12 : memref<128x16xf32, #tpu.memory_space<vmem>>) target(%dma_start3A_84 : memref<128x16xf32, #tpu.memory_space<vmem_shared>>) target_semaphore(%run_scoped3A : memref<!tpu.dma_semaphore, #tpu.memory_space<semaphore_mem>>)
      %dma_wait3A = arith.constant 0 : i32
      %dma_wait3A_85 = tpu.memref_slice %arg13[%add3A_14, %dma_wait3A] : memref<10240x16xf32, #tpu.memory_space<vmem_shared>> -> memref<128x16xf32, #tpu.memory_space<vmem_shared>>
      %dma_wait3A_86 = arith.constant 0 : i32
      %dma_wait3A_87 = tpu.memref_slice %arg13[%add3A_14, %dma_wait3A_86] : memref<10240x16xf32, #tpu.memory_space<vmem_shared>> -> memref<128x16xf32, #tpu.memory_space<vmem_shared>>
      tpu.wait_dma2 semaphore(%run_scoped3A : memref<!tpu.dma_semaphore, #tpu.memory_space<semaphore_mem>>) src(%arg12 : memref<128x16xf32, #tpu.memory_space<vmem>>) dst(%dma_wait3A_87 : memref<128x16xf32, #tpu.memory_space<vmem_shared>>)
      tpu.yield
    }) : () -> ()
    %mul3A_15 = arith.constant 640 : i32
    %mul3A_16 = arith.muli %arg1, %mul3A_15 : i32
    %add3A_17 = arith.constant 256 : i32
    %add3A_18 = arith.addi %mul3A_16, %add3A_17 : i32
    "tpu.region"() ({
      %run_scoped3A = tpu.sem_alloc : memref<!tpu.dma_semaphore, #tpu.memory_space<semaphore_mem>>
      %dma_start3A_81 = arith.constant 0 : i32
      %dma_start3A_82 = tpu.memref_slice %arg13[%add3A_18, %dma_start3A_81] : memref<10240x16xf32, #tpu.memory_space<vmem_shared>> -> memref<128x16xf32, #tpu.memory_space<vmem_shared>>
      %dma_start3A_83 = arith.constant 0 : i32
      %dma_start3A_84 = tpu.memref_slice %arg13[%add3A_18, %dma_start3A_83] : memref<10240x16xf32, #tpu.memory_space<vmem_shared>> -> memref<128x16xf32, #tpu.memory_space<vmem_shared>>
      tpu.enqueue_dma source(%arg12 : memref<128x16xf32, #tpu.memory_space<vmem>>) target(%dma_start3A_84 : memref<128x16xf32, #tpu.memory_space<vmem_shared>>) target_semaphore(%run_scoped3A : memref<!tpu.dma_semaphore, #tpu.memory_space<semaphore_mem>>)
      %dma_wait3A = arith.constant 0 : i32
      %dma_wait3A_85 = tpu.memref_slice %arg13[%add3A_18, %dma_wait3A] : memref<10240x16xf32, #tpu.memory_space<vmem_shared>> -> memref<128x16xf32, #tpu.memory_space<vmem_shared>>
      %dma_wait3A_86 = arith.constant 0 : i32
      %dma_wait3A_87 = tpu.memref_slice %arg13[%add3A_18, %dma_wait3A_86] : memref<10240x16xf32, #tpu.memory_space<vmem_shared>> -> memref<128x16xf32, #tpu.memory_space<vmem_shared>>
      tpu.wait_dma2 semaphore(%run_scoped3A : memref<!tpu.dma_semaphore, #tpu.memory_space<semaphore_mem>>) src(%arg12 : memref<128x16xf32, #tpu.memory_space<vmem>>) dst(%dma_wait3A_87 : memref<128x16xf32, #tpu.memory_space<vmem_shared>>)
      tpu.yield
    }) : () -> ()
    %mul3A_19 = arith.constant 640 : i32
    %mul3A_20 = arith.muli %arg1, %mul3A_19 : i32
    %add3A_21 = arith.constant 384 : i32
    %add3A_22 = arith.addi %mul3A_20, %add3A_21 : i32
    "tpu.region"() ({
      %run_scoped3A = tpu.sem_alloc : memref<!tpu.dma_semaphore, #tpu.memory_space<semaphore_mem>>
      %dma_start3A_81 = arith.constant 0 : i32
      %dma_start3A_82 = tpu.memref_slice %arg13[%add3A_22, %dma_start3A_81] : memref<10240x16xf32, #tpu.memory_space<vmem_shared>> -> memref<128x16xf32, #tpu.memory_space<vmem_shared>>
      %dma_start3A_83 = arith.constant 0 : i32
      %dma_start3A_84 = tpu.memref_slice %arg13[%add3A_22, %dma_start3A_83] : memref<10240x16xf32, #tpu.memory_space<vmem_shared>> -> memref<128x16xf32, #tpu.memory_space<vmem_shared>>
      tpu.enqueue_dma source(%arg12 : memref<128x16xf32, #tpu.memory_space<vmem>>) target(%dma_start3A_84 : memref<128x16xf32, #tpu.memory_space<vmem_shared>>) target_semaphore(%run_scoped3A : memref<!tpu.dma_semaphore, #tpu.memory_space<semaphore_mem>>)
      %dma_wait3A = arith.constant 0 : i32
      %dma_wait3A_85 = tpu.memref_slice %arg13[%add3A_22, %dma_wait3A] : memref<10240x16xf32, #tpu.memory_space<vmem_shared>> -> memref<128x16xf32, #tpu.memory_space<vmem_shared>>
      %dma_wait3A_86 = arith.constant 0 : i32
      %dma_wait3A_87 = tpu.memref_slice %arg13[%add3A_22, %dma_wait3A_86] : memref<10240x16xf32, #tpu.memory_space<vmem_shared>> -> memref<128x16xf32, #tpu.memory_space<vmem_shared>>
      tpu.wait_dma2 semaphore(%run_scoped3A : memref<!tpu.dma_semaphore, #tpu.memory_space<semaphore_mem>>) src(%arg12 : memref<128x16xf32, #tpu.memory_space<vmem>>) dst(%dma_wait3A_87 : memref<128x16xf32, #tpu.memory_space<vmem_shared>>)
      tpu.yield
    }) : () -> ()
    %mul3A_23 = arith.constant 640 : i32
    %mul3A_24 = arith.muli %arg1, %mul3A_23 : i32
    %add3A_25 = arith.constant 512 : i32
    %add3A_26 = arith.addi %mul3A_24, %add3A_25 : i32
    "tpu.region"() ({
      %run_scoped3A = tpu.sem_alloc : memref<!tpu.dma_semaphore, #tpu.memory_space<semaphore_mem>>
      %dma_start3A_81 = arith.constant 0 : i32
      %dma_start3A_82 = tpu.memref_slice %arg13[%add3A_26, %dma_start3A_81] : memref<10240x16xf32, #tpu.memory_space<vmem_shared>> -> memref<128x16xf32, #tpu.memory_space<vmem_shared>>
      %dma_start3A_83 = arith.constant 0 : i32
      %dma_start3A_84 = tpu.memref_slice %arg13[%add3A_26, %dma_start3A_83] : memref<10240x16xf32, #tpu.memory_space<vmem_shared>> -> memref<128x16xf32, #tpu.memory_space<vmem_shared>>
      tpu.enqueue_dma source(%arg12 : memref<128x16xf32, #tpu.memory_space<vmem>>) target(%dma_start3A_84 : memref<128x16xf32, #tpu.memory_space<vmem_shared>>) target_semaphore(%run_scoped3A : memref<!tpu.dma_semaphore, #tpu.memory_space<semaphore_mem>>)
      %dma_wait3A = arith.constant 0 : i32
      %dma_wait3A_85 = tpu.memref_slice %arg13[%add3A_26, %dma_wait3A] : memref<10240x16xf32, #tpu.memory_space<vmem_shared>> -> memref<128x16xf32, #tpu.memory_space<vmem_shared>>
      %dma_wait3A_86 = arith.constant 0 : i32
      %dma_wait3A_87 = tpu.memref_slice %arg13[%add3A_26, %dma_wait3A_86] : memref<10240x16xf32, #tpu.memory_space<vmem_shared>> -> memref<128x16xf32, #tpu.memory_space<vmem_shared>>
      tpu.wait_dma2 semaphore(%run_scoped3A : memref<!tpu.dma_semaphore, #tpu.memory_space<semaphore_mem>>) src(%arg12 : memref<128x16xf32, #tpu.memory_space<vmem>>) dst(%dma_wait3A_87 : memref<128x16xf32, #tpu.memory_space<vmem_shared>>)
      tpu.yield
    }) : () -> ()
    %barrier3A = arith.constant 0 : index
    tpu.barrier barrier_id(%barrier3A)
    %dma_start3A = arith.constant 0 : i32
    %dma_start3A_27 = arith.constant 0 : i32
    %dma_start3A_28 = tpu.memref_slice %arg6[%dma_start3A, %dma_start3A_27] : memref<80x128xi32, #tpu.memory_space<vmem>> -> memref<1x128xi32, #tpu.memory_space<vmem>>
    %dma_start3A_29 = tpu.memref_squeeze %dma_start3A_28 : memref<1x128xi32, #tpu.memory_space<vmem>> -> memref<128xi32, #tpu.memory_space<vmem>>
    %dma_start3A_30 = arith.constant 0 : i32
    %dma_start3A_31 = arith.constant 0 : i32
    %dma_start3A_32 = tpu.memref_slice %arg4[%dma_start3A_30, %dma_start3A_31] : memref<10240x16xf32, #tpu.memory_space<hbm>> -> memref<10240x16xf32, #tpu.memory_space<hbm>>
    tpu.enqueue_indirect_dma source(%dma_start3A_32 : memref<10240x16xf32, #tpu.memory_space<hbm>>) target(%arg8 : memref<128x16xf32, #tpu.memory_space<vmem>>) offsets(%dma_start3A_29 : memref<128xi32, #tpu.memory_space<vmem>>) semaphore(%arg14 : memref<!tpu.dma_semaphore, #tpu.memory_space<semaphore_mem>>)
    %dma_start3A_33 = arith.constant 1 : i32
    %dma_start3A_34 = arith.constant 0 : i32
    %dma_start3A_35 = tpu.memref_slice %arg6[%dma_start3A_33, %dma_start3A_34] : memref<80x128xi32, #tpu.memory_space<vmem>> -> memref<1x128xi32, #tpu.memory_space<vmem>>
    %dma_start3A_36 = tpu.memref_squeeze %dma_start3A_35 : memref<1x128xi32, #tpu.memory_space<vmem>> -> memref<128xi32, #tpu.memory_space<vmem>>
    %dma_start3A_37 = arith.constant 0 : i32
    %dma_start3A_38 = arith.constant 0 : i32
    %dma_start3A_39 = tpu.memref_slice %arg4[%dma_start3A_37, %dma_start3A_38] : memref<10240x16xf32, #tpu.memory_space<hbm>> -> memref<10240x16xf32, #tpu.memory_space<hbm>>
    tpu.enqueue_indirect_dma source(%dma_start3A_39 : memref<10240x16xf32, #tpu.memory_space<hbm>>) target(%arg9 : memref<128x16xf32, #tpu.memory_space<vmem>>) offsets(%dma_start3A_36 : memref<128xi32, #tpu.memory_space<vmem>>) semaphore(%arg15 : memref<!tpu.dma_semaphore, #tpu.memory_space<semaphore_mem>>)
    %dma_start3A_40 = arith.constant 2 : i32
    %dma_start3A_41 = arith.constant 0 : i32
    %dma_start3A_42 = tpu.memref_slice %arg6[%dma_start3A_40, %dma_start3A_41] : memref<80x128xi32, #tpu.memory_space<vmem>> -> memref<1x128xi32, #tpu.memory_space<vmem>>
    %dma_start3A_43 = tpu.memref_squeeze %dma_start3A_42 : memref<1x128xi32, #tpu.memory_space<vmem>> -> memref<128xi32, #tpu.memory_space<vmem>>
    %dma_start3A_44 = arith.constant 0 : i32
    %dma_start3A_45 = arith.constant 0 : i32
    %dma_start3A_46 = tpu.memref_slice %arg4[%dma_start3A_44, %dma_start3A_45] : memref<10240x16xf32, #tpu.memory_space<hbm>> -> memref<10240x16xf32, #tpu.memory_space<hbm>>
    tpu.enqueue_indirect_dma source(%dma_start3A_46 : memref<10240x16xf32, #tpu.memory_space<hbm>>) target(%arg10 : memref<128x16xf32, #tpu.memory_space<vmem>>) offsets(%dma_start3A_43 : memref<128xi32, #tpu.memory_space<vmem>>) semaphore(%arg16 : memref<!tpu.dma_semaphore, #tpu.memory_space<semaphore_mem>>)
    %dma_start3A_47 = arith.constant 3 : i32
    %dma_start3A_48 = arith.constant 0 : i32
    %dma_start3A_49 = tpu.memref_slice %arg6[%dma_start3A_47, %dma_start3A_48] : memref<80x128xi32, #tpu.memory_space<vmem>> -> memref<1x128xi32, #tpu.memory_space<vmem>>
    %dma_start3A_50 = tpu.memref_squeeze %dma_start3A_49 : memref<1x128xi32, #tpu.memory_space<vmem>> -> memref<128xi32, #tpu.memory_space<vmem>>
    %dma_start3A_51 = arith.constant 0 : i32
    %dma_start3A_52 = arith.constant 0 : i32
    %dma_start3A_53 = tpu.memref_slice %arg4[%dma_start3A_51, %dma_start3A_52] : memref<10240x16xf32, #tpu.memory_space<hbm>> -> memref<10240x16xf32, #tpu.memory_space<hbm>>
    tpu.enqueue_indirect_dma source(%dma_start3A_53 : memref<10240x16xf32, #tpu.memory_space<hbm>>) target(%arg11 : memref<128x16xf32, #tpu.memory_space<vmem>>) offsets(%dma_start3A_50 : memref<128xi32, #tpu.memory_space<vmem>>) semaphore(%arg17 : memref<!tpu.dma_semaphore, #tpu.memory_space<semaphore_mem>>)
    %scan3A_54 = arith.constant 0 : i32
    %scan3A_55 = arith.constant 0 : i32
    %scan3A_56 = arith.constant 20 : i32
    %scan3A_57 = arith.addi %scan3A_55, %scan3A_56 : i32
    %scan3A_58 = arith.constant 1 : i32
    scf.for %scan3A_81 = %scan3A_55 to %scan3A_57 step %scan3A_58  : i32 {
      %mul3A_82 = arith.constant 4 : i32
      %mul3A_83 = arith.muli %scan3A_81, %mul3A_82 : i32
      %add3A_84 = arith.constant 0 : i32
      %add3A_85 = arith.addi %mul3A_83, %add3A_84 : i32
      %dma_wait3A = arith.constant 0 : i32
      %dma_wait3A_86 = tpu.memref_slice %arg6[%add3A_85, %dma_wait3A] : memref<80x128xi32, #tpu.memory_space<vmem>> -> memref<1x128xi32, #tpu.memory_space<vmem>>
      %dma_wait3A_87 = tpu.memref_squeeze %dma_wait3A_86 : memref<1x128xi32, #tpu.memory_space<vmem>> -> memref<128xi32, #tpu.memory_space<vmem>>
      %dma_wait3A_88 = arith.constant 0 : i32
      %dma_wait3A_89 = arith.constant 0 : i32
      %dma_wait3A_90 = tpu.memref_slice %arg4[%dma_wait3A_88, %dma_wait3A_89] : memref<10240x16xf32, #tpu.memory_space<hbm>> -> memref<10240x16xf32, #tpu.memory_space<hbm>>
      tpu.wait_indirect_dma semaphore(%arg14 : memref<!tpu.dma_semaphore, #tpu.memory_space<semaphore_mem>>) src(%dma_wait3A_90 : memref<10240x16xf32, #tpu.memory_space<hbm>>) dst(%arg8 : memref<128x16xf32, #tpu.memory_space<vmem>>)
      %dma_start3A_91 = arith.constant 0 : i32
      %dma_start3A_92 = tpu.memref_slice %arg7[%add3A_85, %dma_start3A_91] : memref<80x128xi32, #tpu.memory_space<vmem>> -> memref<1x128xi32, #tpu.memory_space<vmem>>
      %dma_start3A_93 = tpu.memref_squeeze %dma_start3A_92 : memref<1x128xi32, #tpu.memory_space<vmem>> -> memref<128xi32, #tpu.memory_space<vmem>>
      %dma_start3A_94 = arith.constant 0 : i32
      %dma_start3A_95 = arith.constant 0 : i32
      %dma_start3A_96 = tpu.memref_slice %arg13[%dma_start3A_94, %dma_start3A_95] : memref<10240x16xf32, #tpu.memory_space<vmem_shared>> -> memref<10240x16xf32, #tpu.memory_space<vmem_shared>>
      tpu.enqueue_indirect_dma source(%arg8 : memref<128x16xf32, #tpu.memory_space<vmem>>) target(%dma_start3A_96 : memref<10240x16xf32, #tpu.memory_space<vmem_shared>>) offsets(%dma_start3A_93 : memref<128xi32, #tpu.memory_space<vmem>>) semaphore(%arg18 : memref<!tpu.dma_semaphore, #tpu.memory_space<semaphore_mem>>) {add = true}
      %mul3A_97 = arith.constant 4 : i32
      %mul3A_98 = arith.muli %scan3A_81, %mul3A_97 : i32
      %add3A_99 = arith.constant 1 : i32
      %add3A_100 = arith.addi %mul3A_98, %add3A_99 : i32
      %dma_wait3A_101 = arith.constant 0 : i32
      %dma_wait3A_102 = tpu.memref_slice %arg6[%add3A_100, %dma_wait3A_101] : memref<80x128xi32, #tpu.memory_space<vmem>> -> memref<1x128xi32, #tpu.memory_space<vmem>>
      %dma_wait3A_103 = tpu.memref_squeeze %dma_wait3A_102 : memref<1x128xi32, #tpu.memory_space<vmem>> -> memref<128xi32, #tpu.memory_space<vmem>>
      %dma_wait3A_104 = arith.constant 0 : i32
      %dma_wait3A_105 = arith.constant 0 : i32
      %dma_wait3A_106 = tpu.memref_slice %arg4[%dma_wait3A_104, %dma_wait3A_105] : memref<10240x16xf32, #tpu.memory_space<hbm>> -> memref<10240x16xf32, #tpu.memory_space<hbm>>
      tpu.wait_indirect_dma semaphore(%arg15 : memref<!tpu.dma_semaphore, #tpu.memory_space<semaphore_mem>>) src(%dma_wait3A_106 : memref<10240x16xf32, #tpu.memory_space<hbm>>) dst(%arg9 : memref<128x16xf32, #tpu.memory_space<vmem>>)
      %dma_start3A_107 = arith.constant 0 : i32
      %dma_start3A_108 = tpu.memref_slice %arg7[%add3A_100, %dma_start3A_107] : memref<80x128xi32, #tpu.memory_space<vmem>> -> memref<1x128xi32, #tpu.memory_space<vmem>>
      %dma_start3A_109 = tpu.memref_squeeze %dma_start3A_108 : memref<1x128xi32, #tpu.memory_space<vmem>> -> memref<128xi32, #tpu.memory_space<vmem>>
      %dma_start3A_110 = arith.constant 0 : i32
      %dma_start3A_111 = arith.constant 0 : i32
      %dma_start3A_112 = tpu.memref_slice %arg13[%dma_start3A_110, %dma_start3A_111] : memref<10240x16xf32, #tpu.memory_space<vmem_shared>> -> memref<10240x16xf32, #tpu.memory_space<vmem_shared>>
      tpu.enqueue_indirect_dma source(%arg9 : memref<128x16xf32, #tpu.memory_space<vmem>>) target(%dma_start3A_112 : memref<10240x16xf32, #tpu.memory_space<vmem_shared>>) offsets(%dma_start3A_109 : memref<128xi32, #tpu.memory_space<vmem>>) semaphore(%arg19 : memref<!tpu.dma_semaphore, #tpu.memory_space<semaphore_mem>>) {add = true}
      %mul3A_113 = arith.constant 4 : i32
      %mul3A_114 = arith.muli %scan3A_81, %mul3A_113 : i32
      %add3A_115 = arith.constant 2 : i32
      %add3A_116 = arith.addi %mul3A_114, %add3A_115 : i32
      %dma_wait3A_117 = arith.constant 0 : i32
      %dma_wait3A_118 = tpu.memref_slice %arg6[%add3A_116, %dma_wait3A_117] : memref<80x128xi32, #tpu.memory_space<vmem>> -> memref<1x128xi32, #tpu.memory_space<vmem>>
      %dma_wait3A_119 = tpu.memref_squeeze %dma_wait3A_118 : memref<1x128xi32, #tpu.memory_space<vmem>> -> memref<128xi32, #tpu.memory_space<vmem>>
      %dma_wait3A_120 = arith.constant 0 : i32
      %dma_wait3A_121 = arith.constant 0 : i32
      %dma_wait3A_122 = tpu.memref_slice %arg4[%dma_wait3A_120, %dma_wait3A_121] : memref<10240x16xf32, #tpu.memory_space<hbm>> -> memref<10240x16xf32, #tpu.memory_space<hbm>>
      tpu.wait_indirect_dma semaphore(%arg16 : memref<!tpu.dma_semaphore, #tpu.memory_space<semaphore_mem>>) src(%dma_wait3A_122 : memref<10240x16xf32, #tpu.memory_space<hbm>>) dst(%arg10 : memref<128x16xf32, #tpu.memory_space<vmem>>)
      %dma_start3A_123 = arith.constant 0 : i32
      %dma_start3A_124 = tpu.memref_slice %arg7[%add3A_116, %dma_start3A_123] : memref<80x128xi32, #tpu.memory_space<vmem>> -> memref<1x128xi32, #tpu.memory_space<vmem>>
      %dma_start3A_125 = tpu.memref_squeeze %dma_start3A_124 : memref<1x128xi32, #tpu.memory_space<vmem>> -> memref<128xi32, #tpu.memory_space<vmem>>
      %dma_start3A_126 = arith.constant 0 : i32
      %dma_start3A_127 = arith.constant 0 : i32
      %dma_start3A_128 = tpu.memref_slice %arg13[%dma_start3A_126, %dma_start3A_127] : memref<10240x16xf32, #tpu.memory_space<vmem_shared>> -> memref<10240x16xf32, #tpu.memory_space<vmem_shared>>
      tpu.enqueue_indirect_dma source(%arg10 : memref<128x16xf32, #tpu.memory_space<vmem>>) target(%dma_start3A_128 : memref<10240x16xf32, #tpu.memory_space<vmem_shared>>) offsets(%dma_start3A_125 : memref<128xi32, #tpu.memory_space<vmem>>) semaphore(%arg20 : memref<!tpu.dma_semaphore, #tpu.memory_space<semaphore_mem>>) {add = true}
      %mul3A_129 = arith.constant 4 : i32
      %mul3A_130 = arith.muli %scan3A_81, %mul3A_129 : i32
      %add3A_131 = arith.constant 3 : i32
      %add3A_132 = arith.addi %mul3A_130, %add3A_131 : i32
      %dma_wait3A_133 = arith.constant 0 : i32
      %dma_wait3A_134 = tpu.memref_slice %arg6[%add3A_132, %dma_wait3A_133] : memref<80x128xi32, #tpu.memory_space<vmem>> -> memref<1x128xi32, #tpu.memory_space<vmem>>
      %dma_wait3A_135 = tpu.memref_squeeze %dma_wait3A_134 : memref<1x128xi32, #tpu.memory_space<vmem>> -> memref<128xi32, #tpu.memory_space<vmem>>
      %dma_wait3A_136 = arith.constant 0 : i32
      %dma_wait3A_137 = arith.constant 0 : i32
      %dma_wait3A_138 = tpu.memref_slice %arg4[%dma_wait3A_136, %dma_wait3A_137] : memref<10240x16xf32, #tpu.memory_space<hbm>> -> memref<10240x16xf32, #tpu.memory_space<hbm>>
      tpu.wait_indirect_dma semaphore(%arg17 : memref<!tpu.dma_semaphore, #tpu.memory_space<semaphore_mem>>) src(%dma_wait3A_138 : memref<10240x16xf32, #tpu.memory_space<hbm>>) dst(%arg11 : memref<128x16xf32, #tpu.memory_space<vmem>>)
      %dma_start3A_139 = arith.constant 0 : i32
      %dma_start3A_140 = tpu.memref_slice %arg7[%add3A_132, %dma_start3A_139] : memref<80x128xi32, #tpu.memory_space<vmem>> -> memref<1x128xi32, #tpu.memory_space<vmem>>
      %dma_start3A_141 = tpu.memref_squeeze %dma_start3A_140 : memref<1x128xi32, #tpu.memory_space<vmem>> -> memref<128xi32, #tpu.memory_space<vmem>>
      %dma_start3A_142 = arith.constant 0 : i32
      %dma_start3A_143 = arith.constant 0 : i32
      %dma_start3A_144 = tpu.memref_slice %arg13[%dma_start3A_142, %dma_start3A_143] : memref<10240x16xf32, #tpu.memory_space<vmem_shared>> -> memref<10240x16xf32, #tpu.memory_space<vmem_shared>>
      tpu.enqueue_indirect_dma source(%arg11 : memref<128x16xf32, #tpu.memory_space<vmem>>) target(%dma_start3A_144 : memref<10240x16xf32, #tpu.memory_space<vmem_shared>>) offsets(%dma_start3A_141 : memref<128xi32, #tpu.memory_space<vmem>>) semaphore(%arg21 : memref<!tpu.dma_semaphore, #tpu.memory_space<semaphore_mem>>) {add = true}
      %mul3A_145 = arith.constant 4 : i32
      %mul3A_146 = arith.muli %scan3A_81, %mul3A_145 : i32
      %add3A_147 = arith.constant 0 : i32
      %add3A_148 = arith.addi %mul3A_146, %add3A_147 : i32
      %dma_wait3A_149 = arith.constant 0 : i32
      %dma_wait3A_150 = tpu.memref_slice %arg7[%add3A_148, %dma_wait3A_149] : memref<80x128xi32, #tpu.memory_space<vmem>> -> memref<1x128xi32, #tpu.memory_space<vmem>>
      %dma_wait3A_151 = tpu.memref_squeeze %dma_wait3A_150 : memref<1x128xi32, #tpu.memory_space<vmem>> -> memref<128xi32, #tpu.memory_space<vmem>>
      %dma_wait3A_152 = arith.constant 0 : i32
      %dma_wait3A_153 = arith.constant 0 : i32
      %dma_wait3A_154 = tpu.memref_slice %arg13[%dma_wait3A_152, %dma_wait3A_153] : memref<10240x16xf32, #tpu.memory_space<vmem_shared>> -> memref<10240x16xf32, #tpu.memory_space<vmem_shared>>
      tpu.wait_indirect_dma semaphore(%arg18 : memref<!tpu.dma_semaphore, #tpu.memory_space<semaphore_mem>>) src(%arg8 : memref<128x16xf32, #tpu.memory_space<vmem>>) dst(%dma_wait3A_154 : memref<10240x16xf32, #tpu.memory_space<vmem_shared>>)
      %add3A_155 = arith.constant 1 : i32
      %add3A_156 = arith.addi %scan3A_81, %add3A_155 : i32
      %lt3A = arith.constant 20 : i32
      %lt3A_157 = arith.cmpi slt, %add3A_156, %lt3A : i32
      %convert_element_type3A = arith.extui %lt3A_157 : i1 to i32
      %cond3A = arith.constant 0 : i32
      %cond3A_158 = arith.cmpi ne, %convert_element_type3A, %cond3A : i32
      scf.if %cond3A_158 {
        %add3A_210 = arith.constant 4 : i32
        %add3A_211 = arith.addi %add3A_148, %add3A_210 : i32
        %dma_start3A_212 = arith.constant 0 : i32
        %dma_start3A_213 = tpu.memref_slice %arg6[%add3A_211, %dma_start3A_212] : memref<80x128xi32, #tpu.memory_space<vmem>> -> memref<1x128xi32, #tpu.memory_space<vmem>>
        %dma_start3A_214 = tpu.memref_squeeze %dma_start3A_213 : memref<1x128xi32, #tpu.memory_space<vmem>> -> memref<128xi32, #tpu.memory_space<vmem>>
        %dma_start3A_215 = arith.constant 0 : i32
        %dma_start3A_216 = arith.constant 0 : i32
        %dma_start3A_217 = tpu.memref_slice %arg4[%dma_start3A_215, %dma_start3A_216] : memref<10240x16xf32, #tpu.memory_space<hbm>> -> memref<10240x16xf32, #tpu.memory_space<hbm>>
        tpu.enqueue_indirect_dma source(%dma_start3A_217 : memref<10240x16xf32, #tpu.memory_space<hbm>>) target(%arg8 : memref<128x16xf32, #tpu.memory_space<vmem>>) offsets(%dma_start3A_214 : memref<128xi32, #tpu.memory_space<vmem>>) semaphore(%arg14 : memref<!tpu.dma_semaphore, #tpu.memory_space<semaphore_mem>>)
      } else {
      }
      %mul3A_159 = arith.constant 4 : i32
      %mul3A_160 = arith.muli %scan3A_81, %mul3A_159 : i32
      %add3A_161 = arith.constant 1 : i32
      %add3A_162 = arith.addi %mul3A_160, %add3A_161 : i32
      %dma_wait3A_163 = arith.constant 0 : i32
      %dma_wait3A_164 = tpu.memref_slice %arg7[%add3A_162, %dma_wait3A_163] : memref<80x128xi32, #tpu.memory_space<vmem>> -> memref<1x128xi32, #tpu.memory_space<vmem>>
      %dma_wait3A_165 = tpu.memref_squeeze %dma_wait3A_164 : memref<1x128xi32, #tpu.memory_space<vmem>> -> memref<128xi32, #tpu.memory_space<vmem>>
      %dma_wait3A_166 = arith.constant 0 : i32
      %dma_wait3A_167 = arith.constant 0 : i32
      %dma_wait3A_168 = tpu.memref_slice %arg13[%dma_wait3A_166, %dma_wait3A_167] : memref<10240x16xf32, #tpu.memory_space<vmem_shared>> -> memref<10240x16xf32, #tpu.memory_space<vmem_shared>>
      tpu.wait_indirect_dma semaphore(%arg19 : memref<!tpu.dma_semaphore, #tpu.memory_space<semaphore_mem>>) src(%arg9 : memref<128x16xf32, #tpu.memory_space<vmem>>) dst(%dma_wait3A_168 : memref<10240x16xf32, #tpu.memory_space<vmem_shared>>)
      %add3A_169 = arith.constant 1 : i32
      %add3A_170 = arith.addi %scan3A_81, %add3A_169 : i32
      %lt3A_171 = arith.constant 20 : i32
      %lt3A_172 = arith.cmpi slt, %add3A_170, %lt3A_171 : i32
      %convert_element_type3A_173 = arith.extui %lt3A_172 : i1 to i32
      %cond3A_174 = arith.constant 0 : i32
      %cond3A_175 = arith.cmpi ne, %convert_element_type3A_173, %cond3A_174 : i32
      scf.if %cond3A_175 {
        %add3A_210 = arith.constant 4 : i32
        %add3A_211 = arith.addi %add3A_162, %add3A_210 : i32
        %dma_start3A_212 = arith.constant 0 : i32
        %dma_start3A_213 = tpu.memref_slice %arg6[%add3A_211, %dma_start3A_212] : memref<80x128xi32, #tpu.memory_space<vmem>> -> memref<1x128xi32, #tpu.memory_space<vmem>>
        %dma_start3A_214 = tpu.memref_squeeze %dma_start3A_213 : memref<1x128xi32, #tpu.memory_space<vmem>> -> memref<128xi32, #tpu.memory_space<vmem>>
        %dma_start3A_215 = arith.constant 0 : i32
        %dma_start3A_216 = arith.constant 0 : i32
        %dma_start3A_217 = tpu.memref_slice %arg4[%dma_start3A_215, %dma_start3A_216] : memref<10240x16xf32, #tpu.memory_space<hbm>> -> memref<10240x16xf32, #tpu.memory_space<hbm>>
        tpu.enqueue_indirect_dma source(%dma_start3A_217 : memref<10240x16xf32, #tpu.memory_space<hbm>>) target(%arg9 : memref<128x16xf32, #tpu.memory_space<vmem>>) offsets(%dma_start3A_214 : memref<128xi32, #tpu.memory_space<vmem>>) semaphore(%arg15 : memref<!tpu.dma_semaphore, #tpu.memory_space<semaphore_mem>>)
      } else {
      }
      %mul3A_176 = arith.constant 4 : i32
      %mul3A_177 = arith.muli %scan3A_81, %mul3A_176 : i32
      %add3A_178 = arith.constant 2 : i32
      %add3A_179 = arith.addi %mul3A_177, %add3A_178 : i32
      %dma_wait3A_180 = arith.constant 0 : i32
      %dma_wait3A_181 = tpu.memref_slice %arg7[%add3A_179, %dma_wait3A_180] : memref<80x128xi32, #tpu.memory_space<vmem>> -> memref<1x128xi32, #tpu.memory_space<vmem>>
      %dma_wait3A_182 = tpu.memref_squeeze %dma_wait3A_181 : memref<1x128xi32, #tpu.memory_space<vmem>> -> memref<128xi32, #tpu.memory_space<vmem>>
      %dma_wait3A_183 = arith.constant 0 : i32
      %dma_wait3A_184 = arith.constant 0 : i32
      %dma_wait3A_185 = tpu.memref_slice %arg13[%dma_wait3A_183, %dma_wait3A_184] : memref<10240x16xf32, #tpu.memory_space<vmem_shared>> -> memref<10240x16xf32, #tpu.memory_space<vmem_shared>>
      tpu.wait_indirect_dma semaphore(%arg20 : memref<!tpu.dma_semaphore, #tpu.memory_space<semaphore_mem>>) src(%arg10 : memref<128x16xf32, #tpu.memory_space<vmem>>) dst(%dma_wait3A_185 : memref<10240x16xf32, #tpu.memory_space<vmem_shared>>)
      %add3A_186 = arith.constant 1 : i32
      %add3A_187 = arith.addi %scan3A_81, %add3A_186 : i32
      %lt3A_188 = arith.constant 20 : i32
      %lt3A_189 = arith.cmpi slt, %add3A_187, %lt3A_188 : i32
      %convert_element_type3A_190 = arith.extui %lt3A_189 : i1 to i32
      %cond3A_191 = arith.constant 0 : i32
      %cond3A_192 = arith.cmpi ne, %convert_element_type3A_190, %cond3A_191 : i32
      scf.if %cond3A_192 {
        %add3A_210 = arith.constant 4 : i32
        %add3A_211 = arith.addi %add3A_179, %add3A_210 : i32
        %dma_start3A_212 = arith.constant 0 : i32
        %dma_start3A_213 = tpu.memref_slice %arg6[%add3A_211, %dma_start3A_212] : memref<80x128xi32, #tpu.memory_space<vmem>> -> memref<1x128xi32, #tpu.memory_space<vmem>>
        %dma_start3A_214 = tpu.memref_squeeze %dma_start3A_213 : memref<1x128xi32, #tpu.memory_space<vmem>> -> memref<128xi32, #tpu.memory_space<vmem>>
        %dma_start3A_215 = arith.constant 0 : i32
        %dma_start3A_216 = arith.constant 0 : i32
        %dma_start3A_217 = tpu.memref_slice %arg4[%dma_start3A_215, %dma_start3A_216] : memref<10240x16xf32, #tpu.memory_space<hbm>> -> memref<10240x16xf32, #tpu.memory_space<hbm>>
        tpu.enqueue_indirect_dma source(%dma_start3A_217 : memref<10240x16xf32, #tpu.memory_space<hbm>>) target(%arg10 : memref<128x16xf32, #tpu.memory_space<vmem>>) offsets(%dma_start3A_214 : memref<128xi32, #tpu.memory_space<vmem>>) semaphore(%arg16 : memref<!tpu.dma_semaphore, #tpu.memory_space<semaphore_mem>>)
      } else {
      }
      %mul3A_193 = arith.constant 4 : i32
      %mul3A_194 = arith.muli %scan3A_81, %mul3A_193 : i32
      %add3A_195 = arith.constant 3 : i32
      %add3A_196 = arith.addi %mul3A_194, %add3A_195 : i32
      %dma_wait3A_197 = arith.constant 0 : i32
      %dma_wait3A_198 = tpu.memref_slice %arg7[%add3A_196, %dma_wait3A_197] : memref<80x128xi32, #tpu.memory_space<vmem>> -> memref<1x128xi32, #tpu.memory_space<vmem>>
      %dma_wait3A_199 = tpu.memref_squeeze %dma_wait3A_198 : memref<1x128xi32, #tpu.memory_space<vmem>> -> memref<128xi32, #tpu.memory_space<vmem>>
      %dma_wait3A_200 = arith.constant 0 : i32
      %dma_wait3A_201 = arith.constant 0 : i32
      %dma_wait3A_202 = tpu.memref_slice %arg13[%dma_wait3A_200, %dma_wait3A_201] : memref<10240x16xf32, #tpu.memory_space<vmem_shared>> -> memref<10240x16xf32, #tpu.memory_space<vmem_shared>>
      tpu.wait_indirect_dma semaphore(%arg21 : memref<!tpu.dma_semaphore, #tpu.memory_space<semaphore_mem>>) src(%arg11 : memref<128x16xf32, #tpu.memory_space<vmem>>) dst(%dma_wait3A_202 : memref<10240x16xf32, #tpu.memory_space<vmem_shared>>)
      %add3A_203 = arith.constant 1 : i32
      %add3A_204 = arith.addi %scan3A_81, %add3A_203 : i32
      %lt3A_205 = arith.constant 20 : i32
      %lt3A_206 = arith.cmpi slt, %add3A_204, %lt3A_205 : i32
      %convert_element_type3A_207 = arith.extui %lt3A_206 : i1 to i32
      %cond3A_208 = arith.constant 0 : i32
      %cond3A_209 = arith.cmpi ne, %convert_element_type3A_207, %cond3A_208 : i32
      scf.if %cond3A_209 {
        %add3A_210 = arith.constant 4 : i32
        %add3A_211 = arith.addi %add3A_196, %add3A_210 : i32
        %dma_start3A_212 = arith.constant 0 : i32
        %dma_start3A_213 = tpu.memref_slice %arg6[%add3A_211, %dma_start3A_212] : memref<80x128xi32, #tpu.memory_space<vmem>> -> memref<1x128xi32, #tpu.memory_space<vmem>>
        %dma_start3A_214 = tpu.memref_squeeze %dma_start3A_213 : memref<1x128xi32, #tpu.memory_space<vmem>> -> memref<128xi32, #tpu.memory_space<vmem>>
        %dma_start3A_215 = arith.constant 0 : i32
        %dma_start3A_216 = arith.constant 0 : i32
        %dma_start3A_217 = tpu.memref_slice %arg4[%dma_start3A_215, %dma_start3A_216] : memref<10240x16xf32, #tpu.memory_space<hbm>> -> memref<10240x16xf32, #tpu.memory_space<hbm>>
        tpu.enqueue_indirect_dma source(%dma_start3A_217 : memref<10240x16xf32, #tpu.memory_space<hbm>>) target(%arg11 : memref<128x16xf32, #tpu.memory_space<vmem>>) offsets(%dma_start3A_214 : memref<128xi32, #tpu.memory_space<vmem>>) semaphore(%arg17 : memref<!tpu.dma_semaphore, #tpu.memory_space<semaphore_mem>>)
      } else {
      }
    }
    %scan3A_59 = arith.constant 20 : i32
    %barrier3A_60 = arith.constant 0 : index
    tpu.barrier barrier_id(%barrier3A_60)
    %mul3A_61 = arith.constant 640 : i32
    %mul3A_62 = arith.muli %arg1, %mul3A_61 : i32
    %add3A_63 = arith.constant 0 : i32
    %add3A_64 = arith.addi %mul3A_62, %add3A_63 : i32
    "tpu.region"() ({
      %run_scoped3A = tpu.sem_alloc : memref<!tpu.dma_semaphore, #tpu.memory_space<semaphore_mem>>
      %dma_start3A_81 = arith.constant 0 : i32
      %dma_start3A_82 = tpu.memref_slice %arg5[%arg0, %add3A_64, %dma_start3A_81] : memref<2x10240x16xf32, #tpu.memory_space<hbm>> -> memref<1x128x16xf32, #tpu.memory_space<hbm>>
      %dma_start3A_83 = tpu.memref_squeeze %dma_start3A_82 : memref<1x128x16xf32, #tpu.memory_space<hbm>> -> memref<128x16xf32, #tpu.memory_space<hbm>>
      %dma_start3A_84 = arith.constant 0 : i32
      %dma_start3A_85 = tpu.memref_slice %arg13[%add3A_64, %dma_start3A_84] : memref<10240x16xf32, #tpu.memory_space<vmem_shared>> -> memref<128x16xf32, #tpu.memory_space<vmem_shared>>
      tpu.enqueue_dma source(%dma_start3A_85 : memref<128x16xf32, #tpu.memory_space<vmem_shared>>) target(%dma_start3A_83 : memref<128x16xf32, #tpu.memory_space<hbm>>) target_semaphore(%run_scoped3A : memref<!tpu.dma_semaphore, #tpu.memory_space<semaphore_mem>>)
      %dma_wait3A = arith.constant 0 : i32
      %dma_wait3A_86 = tpu.memref_slice %arg5[%arg0, %add3A_64, %dma_wait3A] : memref<2x10240x16xf32, #tpu.memory_space<hbm>> -> memref<1x128x16xf32, #tpu.memory_space<hbm>>
      %dma_wait3A_87 = tpu.memref_squeeze %dma_wait3A_86 : memref<1x128x16xf32, #tpu.memory_space<hbm>> -> memref<128x16xf32, #tpu.memory_space<hbm>>
      %dma_wait3A_88 = arith.constant 0 : i32
      %dma_wait3A_89 = tpu.memref_slice %arg13[%add3A_64, %dma_wait3A_88] : memref<10240x16xf32, #tpu.memory_space<vmem_shared>> -> memref<128x16xf32, #tpu.memory_space<vmem_shared>>
      tpu.wait_dma2 semaphore(%run_scoped3A : memref<!tpu.dma_semaphore, #tpu.memory_space<semaphore_mem>>) src(%dma_wait3A_89 : memref<128x16xf32, #tpu.memory_space<vmem_shared>>) dst(%dma_wait3A_87 : memref<128x16xf32, #tpu.memory_space<hbm>>)
      tpu.yield
    }) : () -> ()
    %mul3A_65 = arith.constant 640 : i32
    %mul3A_66 = arith.muli %arg1, %mul3A_65 : i32
    %add3A_67 = arith.constant 128 : i32
    %add3A_68 = arith.addi %mul3A_66, %add3A_67 : i32
    "tpu.region"() ({
      %run_scoped3A = tpu.sem_alloc : memref<!tpu.dma_semaphore, #tpu.memory_space<semaphore_mem>>
      %dma_start3A_81 = arith.constant 0 : i32
      %dma_start3A_82 = tpu.memref_slice %arg5[%arg0, %add3A_68, %dma_start3A_81] : memref<2x10240x16xf32, #tpu.memory_space<hbm>> -> memref<1x128x16xf32, #tpu.memory_space<hbm>>
      %dma_start3A_83 = tpu.memref_squeeze %dma_start3A_82 : memref<1x128x16xf32, #tpu.memory_space<hbm>> -> memref<128x16xf32, #tpu.memory_space<hbm>>
      %dma_start3A_84 = arith.constant 0 : i32
      %dma_start3A_85 = tpu.memref_slice %arg13[%add3A_68, %dma_start3A_84] : memref<10240x16xf32, #tpu.memory_space<vmem_shared>> -> memref<128x16xf32, #tpu.memory_space<vmem_shared>>
      tpu.enqueue_dma source(%dma_start3A_85 : memref<128x16xf32, #tpu.memory_space<vmem_shared>>) target(%dma_start3A_83 : memref<128x16xf32, #tpu.memory_space<hbm>>) target_semaphore(%run_scoped3A : memref<!tpu.dma_semaphore, #tpu.memory_space<semaphore_mem>>)
      %dma_wait3A = arith.constant 0 : i32
      %dma_wait3A_86 = tpu.memref_slice %arg5[%arg0, %add3A_68, %dma_wait3A] : memref<2x10240x16xf32, #tpu.memory_space<hbm>> -> memref<1x128x16xf32, #tpu.memory_space<hbm>>
      %dma_wait3A_87 = tpu.memref_squeeze %dma_wait3A_86 : memref<1x128x16xf32, #tpu.memory_space<hbm>> -> memref<128x16xf32, #tpu.memory_space<hbm>>
      %dma_wait3A_88 = arith.constant 0 : i32
      %dma_wait3A_89 = tpu.memref_slice %arg13[%add3A_68, %dma_wait3A_88] : memref<10240x16xf32, #tpu.memory_space<vmem_shared>> -> memref<128x16xf32, #tpu.memory_space<vmem_shared>>
      tpu.wait_dma2 semaphore(%run_scoped3A : memref<!tpu.dma_semaphore, #tpu.memory_space<semaphore_mem>>) src(%dma_wait3A_89 : memref<128x16xf32, #tpu.memory_space<vmem_shared>>) dst(%dma_wait3A_87 : memref<128x16xf32, #tpu.memory_space<hbm>>)
      tpu.yield
    }) : () -> ()
    %mul3A_69 = arith.constant 640 : i32
    %mul3A_70 = arith.muli %arg1, %mul3A_69 : i32
    %add3A_71 = arith.constant 256 : i32
    %add3A_72 = arith.addi %mul3A_70, %add3A_71 : i32
    "tpu.region"() ({
      %run_scoped3A = tpu.sem_alloc : memref<!tpu.dma_semaphore, #tpu.memory_space<semaphore_mem>>
      %dma_start3A_81 = arith.constant 0 : i32
      %dma_start3A_82 = tpu.memref_slice %arg5[%arg0, %add3A_72, %dma_start3A_81] : memref<2x10240x16xf32, #tpu.memory_space<hbm>> -> memref<1x128x16xf32, #tpu.memory_space<hbm>>
      %dma_start3A_83 = tpu.memref_squeeze %dma_start3A_82 : memref<1x128x16xf32, #tpu.memory_space<hbm>> -> memref<128x16xf32, #tpu.memory_space<hbm>>
      %dma_start3A_84 = arith.constant 0 : i32
      %dma_start3A_85 = tpu.memref_slice %arg13[%add3A_72, %dma_start3A_84] : memref<10240x16xf32, #tpu.memory_space<vmem_shared>> -> memref<128x16xf32, #tpu.memory_space<vmem_shared>>
      tpu.enqueue_dma source(%dma_start3A_85 : memref<128x16xf32, #tpu.memory_space<vmem_shared>>) target(%dma_start3A_83 : memref<128x16xf32, #tpu.memory_space<hbm>>) target_semaphore(%run_scoped3A : memref<!tpu.dma_semaphore, #tpu.memory_space<semaphore_mem>>)
      %dma_wait3A = arith.constant 0 : i32
      %dma_wait3A_86 = tpu.memref_slice %arg5[%arg0, %add3A_72, %dma_wait3A] : memref<2x10240x16xf32, #tpu.memory_space<hbm>> -> memref<1x128x16xf32, #tpu.memory_space<hbm>>
      %dma_wait3A_87 = tpu.memref_squeeze %dma_wait3A_86 : memref<1x128x16xf32, #tpu.memory_space<hbm>> -> memref<128x16xf32, #tpu.memory_space<hbm>>
      %dma_wait3A_88 = arith.constant 0 : i32
      %dma_wait3A_89 = tpu.memref_slice %arg13[%add3A_72, %dma_wait3A_88] : memref<10240x16xf32, #tpu.memory_space<vmem_shared>> -> memref<128x16xf32, #tpu.memory_space<vmem_shared>>
      tpu.wait_dma2 semaphore(%run_scoped3A : memref<!tpu.dma_semaphore, #tpu.memory_space<semaphore_mem>>) src(%dma_wait3A_89 : memref<128x16xf32, #tpu.memory_space<vmem_shared>>) dst(%dma_wait3A_87 : memref<128x16xf32, #tpu.memory_space<hbm>>)
      tpu.yield
    }) : () -> ()
    %mul3A_73 = arith.constant 640 : i32
    %mul3A_74 = arith.muli %arg1, %mul3A_73 : i32
    %add3A_75 = arith.constant 384 : i32
    %add3A_76 = arith.addi %mul3A_74, %add3A_75 : i32
    "tpu.region"() ({
      %run_scoped3A = tpu.sem_alloc : memref<!tpu.dma_semaphore, #tpu.memory_space<semaphore_mem>>
      %dma_start3A_81 = arith.constant 0 : i32
      %dma_start3A_82 = tpu.memref_slice %arg5[%arg0, %add3A_76, %dma_start3A_81] : memref<2x10240x16xf32, #tpu.memory_space<hbm>> -> memref<1x128x16xf32, #tpu.memory_space<hbm>>
      %dma_start3A_83 = tpu.memref_squeeze %dma_start3A_82 : memref<1x128x16xf32, #tpu.memory_space<hbm>> -> memref<128x16xf32, #tpu.memory_space<hbm>>
      %dma_start3A_84 = arith.constant 0 : i32
      %dma_start3A_85 = tpu.memref_slice %arg13[%add3A_76, %dma_start3A_84] : memref<10240x16xf32, #tpu.memory_space<vmem_shared>> -> memref<128x16xf32, #tpu.memory_space<vmem_shared>>
      tpu.enqueue_dma source(%dma_start3A_85 : memref<128x16xf32, #tpu.memory_space<vmem_shared>>) target(%dma_start3A_83 : memref<128x16xf32, #tpu.memory_space<hbm>>) target_semaphore(%run_scoped3A : memref<!tpu.dma_semaphore, #tpu.memory_space<semaphore_mem>>)
      %dma_wait3A = arith.constant 0 : i32
      %dma_wait3A_86 = tpu.memref_slice %arg5[%arg0, %add3A_76, %dma_wait3A] : memref<2x10240x16xf32, #tpu.memory_space<hbm>> -> memref<1x128x16xf32, #tpu.memory_space<hbm>>
      %dma_wait3A_87 = tpu.memref_squeeze %dma_wait3A_86 : memref<1x128x16xf32, #tpu.memory_space<hbm>> -> memref<128x16xf32, #tpu.memory_space<hbm>>
      %dma_wait3A_88 = arith.constant 0 : i32
      %dma_wait3A_89 = tpu.memref_slice %arg13[%add3A_76, %dma_wait3A_88] : memref<10240x16xf32, #tpu.memory_space<vmem_shared>> -> memref<128x16xf32, #tpu.memory_space<vmem_shared>>
      tpu.wait_dma2 semaphore(%run_scoped3A : memref<!tpu.dma_semaphore, #tpu.memory_space<semaphore_mem>>) src(%dma_wait3A_89 : memref<128x16xf32, #tpu.memory_space<vmem_shared>>) dst(%dma_wait3A_87 : memref<128x16xf32, #tpu.memory_space<hbm>>)
      tpu.yield
    }) : () -> ()
    %mul3A_77 = arith.constant 640 : i32
    %mul3A_78 = arith.muli %arg1, %mul3A_77 : i32
    %add3A_79 = arith.constant 512 : i32
    %add3A_80 = arith.addi %mul3A_78, %add3A_79 : i32
    "tpu.region"() ({
      %run_scoped3A = tpu.sem_alloc : memref<!tpu.dma_semaphore, #tpu.memory_space<semaphore_mem>>
      %dma_start3A_81 = arith.constant 0 : i32
      %dma_start3A_82 = tpu.memref_slice %arg5[%arg0, %add3A_80, %dma_start3A_81] : memref<2x10240x16xf32, #tpu.memory_space<hbm>> -> memref<1x128x16xf32, #tpu.memory_space<hbm>>
      %dma_start3A_83 = tpu.memref_squeeze %dma_start3A_82 : memref<1x128x16xf32, #tpu.memory_space<hbm>> -> memref<128x16xf32, #tpu.memory_space<hbm>>
      %dma_start3A_84 = arith.constant 0 : i32
      %dma_start3A_85 = tpu.memref_slice %arg13[%add3A_80, %dma_start3A_84] : memref<10240x16xf32, #tpu.memory_space<vmem_shared>> -> memref<128x16xf32, #tpu.memory_space<vmem_shared>>
      tpu.enqueue_dma source(%dma_start3A_85 : memref<128x16xf32, #tpu.memory_space<vmem_shared>>) target(%dma_start3A_83 : memref<128x16xf32, #tpu.memory_space<hbm>>) target_semaphore(%run_scoped3A : memref<!tpu.dma_semaphore, #tpu.memory_space<semaphore_mem>>)
      %dma_wait3A = arith.constant 0 : i32
      %dma_wait3A_86 = tpu.memref_slice %arg5[%arg0, %add3A_80, %dma_wait3A] : memref<2x10240x16xf32, #tpu.memory_space<hbm>> -> memref<1x128x16xf32, #tpu.memory_space<hbm>>
      %dma_wait3A_87 = tpu.memref_squeeze %dma_wait3A_86 : memref<1x128x16xf32, #tpu.memory_space<hbm>> -> memref<128x16xf32, #tpu.memory_space<hbm>>
      %dma_wait3A_88 = arith.constant 0 : i32
      %dma_wait3A_89 = tpu.memref_slice %arg13[%add3A_80, %dma_wait3A_88] : memref<10240x16xf32, #tpu.memory_space<vmem_shared>> -> memref<128x16xf32, #tpu.memory_space<vmem_shared>>
      tpu.wait_dma2 semaphore(%run_scoped3A : memref<!tpu.dma_semaphore, #tpu.memory_space<semaphore_mem>>) src(%dma_wait3A_89 : memref<128x16xf32, #tpu.memory_space<vmem_shared>>) dst(%dma_wait3A_87 : memref<128x16xf32, #tpu.memory_space<hbm>>)
      tpu.yield
    }) : () -> ()
    return
  }
}

#map = affine_map<(d0, d1) -> (0, 0, 0)>
module attributes {stable_mosaic.version = 14 : i64} {
  func.func @_sc_agg_128(%arg0: i32, %arg1: i32, %arg2: memref<16x160x128xi32, #tpu.memory_space<hbm>>, %arg3: memref<16x160x128xi32, #tpu.memory_space<hbm>>, %arg4: memref<2x10240x64xbf16, #tpu.memory_space<hbm>>, %arg5: memref<2x10240x64xf32, #tpu.memory_space<hbm>>, %arg6: memref<160x128xi32, #tpu.memory_space<vmem>>, %arg7: memref<160x128xi32, #tpu.memory_space<vmem>>, %arg8: memref<128x64xbf16, #tpu.memory_space<vmem>>, %arg9: memref<128x64xbf16, #tpu.memory_space<vmem>>, %arg10: memref<128x64xbf16, #tpu.memory_space<vmem>>, %arg11: memref<128x64xbf16, #tpu.memory_space<vmem>>, %arg12: memref<128x64xf32, #tpu.memory_space<vmem>>, %arg13: memref<128x64xf32, #tpu.memory_space<vmem>>, %arg14: memref<64x64xf32, #tpu.memory_space<vmem>>, %arg15: memref<10240x64xf32, #tpu.memory_space<vmem_shared>>, %arg16: memref<!tpu.dma_semaphore, #tpu.memory_space<semaphore_mem>>, %arg17: memref<!tpu.dma_semaphore, #tpu.memory_space<semaphore_mem>>, %arg18: memref<!tpu.dma_semaphore, #tpu.memory_space<semaphore_mem>>, %arg19: memref<!tpu.dma_semaphore, #tpu.memory_space<semaphore_mem>>, %arg20: memref<!tpu.dma_semaphore, #tpu.memory_space<semaphore_mem>>, %arg21: memref<!tpu.dma_semaphore, #tpu.memory_space<semaphore_mem>>) attributes {dimension_semantics = [#tpu.dimension_semantics<core_parallel>, #tpu.dimension_semantics<subcore_parallel>], iteration_bounds = array<i64: 2, 16>, scalar_prefetch = 0 : i64, scratch_operands = 16 : i64, tpu.core_type = #tpu.core_type<sc_vector_subcore>, window_params = [{transform_indices = #map}, {transform_indices = #map}, {transform_indices = #map}, {transform_indices = #map}]} {
    "tpu.region"() ({
      %run_scoped3A = tpu.sem_alloc : memref<!tpu.dma_semaphore, #tpu.memory_space<semaphore_mem>>
      %dma_start3A_149 = arith.constant 0 : i32
      %dma_start3A_150 = arith.constant 0 : i32
      %dma_start3A_151 = tpu.memref_slice %arg2[%arg1, %dma_start3A_149, %dma_start3A_150] : memref<16x160x128xi32, #tpu.memory_space<hbm>> -> memref<1x160x128xi32, #tpu.memory_space<hbm>>
      %dma_start3A_152 = tpu.memref_squeeze %dma_start3A_151 : memref<1x160x128xi32, #tpu.memory_space<hbm>> -> memref<160x128xi32, #tpu.memory_space<hbm>>
      %dma_start3A_153 = arith.constant 0 : i32
      %dma_start3A_154 = arith.constant 0 : i32
      %dma_start3A_155 = tpu.memref_slice %arg2[%arg1, %dma_start3A_153, %dma_start3A_154] : memref<16x160x128xi32, #tpu.memory_space<hbm>> -> memref<1x160x128xi32, #tpu.memory_space<hbm>>
      %dma_start3A_156 = tpu.memref_squeeze %dma_start3A_155 : memref<1x160x128xi32, #tpu.memory_space<hbm>> -> memref<160x128xi32, #tpu.memory_space<hbm>>
      tpu.enqueue_dma source(%dma_start3A_156 : memref<160x128xi32, #tpu.memory_space<hbm>>) target(%arg6 : memref<160x128xi32, #tpu.memory_space<vmem>>) target_semaphore(%run_scoped3A : memref<!tpu.dma_semaphore, #tpu.memory_space<semaphore_mem>>)
      %dma_wait3A_157 = arith.constant 0 : i32
      %dma_wait3A_158 = arith.constant 0 : i32
      %dma_wait3A_159 = tpu.memref_slice %arg2[%arg1, %dma_wait3A_157, %dma_wait3A_158] : memref<16x160x128xi32, #tpu.memory_space<hbm>> -> memref<1x160x128xi32, #tpu.memory_space<hbm>>
      %dma_wait3A_160 = tpu.memref_squeeze %dma_wait3A_159 : memref<1x160x128xi32, #tpu.memory_space<hbm>> -> memref<160x128xi32, #tpu.memory_space<hbm>>
      %dma_wait3A_161 = arith.constant 0 : i32
      %dma_wait3A_162 = arith.constant 0 : i32
      %dma_wait3A_163 = tpu.memref_slice %arg2[%arg1, %dma_wait3A_161, %dma_wait3A_162] : memref<16x160x128xi32, #tpu.memory_space<hbm>> -> memref<1x160x128xi32, #tpu.memory_space<hbm>>
      %dma_wait3A_164 = tpu.memref_squeeze %dma_wait3A_163 : memref<1x160x128xi32, #tpu.memory_space<hbm>> -> memref<160x128xi32, #tpu.memory_space<hbm>>
      tpu.wait_dma2 semaphore(%run_scoped3A : memref<!tpu.dma_semaphore, #tpu.memory_space<semaphore_mem>>) src(%dma_wait3A_164 : memref<160x128xi32, #tpu.memory_space<hbm>>) dst(%arg6 : memref<160x128xi32, #tpu.memory_space<vmem>>)
      tpu.yield
    }) : () -> ()
    "tpu.region"() ({
      %run_scoped3A = tpu.sem_alloc : memref<!tpu.dma_semaphore, #tpu.memory_space<semaphore_mem>>
      %dma_start3A_149 = arith.constant 0 : i32
      %dma_start3A_150 = arith.constant 0 : i32
      %dma_start3A_151 = tpu.memref_slice %arg3[%arg1, %dma_start3A_149, %dma_start3A_150] : memref<16x160x128xi32, #tpu.memory_space<hbm>> -> memref<1x160x128xi32, #tpu.memory_space<hbm>>
      %dma_start3A_152 = tpu.memref_squeeze %dma_start3A_151 : memref<1x160x128xi32, #tpu.memory_space<hbm>> -> memref<160x128xi32, #tpu.memory_space<hbm>>
      %dma_start3A_153 = arith.constant 0 : i32
      %dma_start3A_154 = arith.constant 0 : i32
      %dma_start3A_155 = tpu.memref_slice %arg3[%arg1, %dma_start3A_153, %dma_start3A_154] : memref<16x160x128xi32, #tpu.memory_space<hbm>> -> memref<1x160x128xi32, #tpu.memory_space<hbm>>
      %dma_start3A_156 = tpu.memref_squeeze %dma_start3A_155 : memref<1x160x128xi32, #tpu.memory_space<hbm>> -> memref<160x128xi32, #tpu.memory_space<hbm>>
      tpu.enqueue_dma source(%dma_start3A_156 : memref<160x128xi32, #tpu.memory_space<hbm>>) target(%arg7 : memref<160x128xi32, #tpu.memory_space<vmem>>) target_semaphore(%run_scoped3A : memref<!tpu.dma_semaphore, #tpu.memory_space<semaphore_mem>>)
      %dma_wait3A_157 = arith.constant 0 : i32
      %dma_wait3A_158 = arith.constant 0 : i32
      %dma_wait3A_159 = tpu.memref_slice %arg3[%arg1, %dma_wait3A_157, %dma_wait3A_158] : memref<16x160x128xi32, #tpu.memory_space<hbm>> -> memref<1x160x128xi32, #tpu.memory_space<hbm>>
      %dma_wait3A_160 = tpu.memref_squeeze %dma_wait3A_159 : memref<1x160x128xi32, #tpu.memory_space<hbm>> -> memref<160x128xi32, #tpu.memory_space<hbm>>
      %dma_wait3A_161 = arith.constant 0 : i32
      %dma_wait3A_162 = arith.constant 0 : i32
      %dma_wait3A_163 = tpu.memref_slice %arg3[%arg1, %dma_wait3A_161, %dma_wait3A_162] : memref<16x160x128xi32, #tpu.memory_space<hbm>> -> memref<1x160x128xi32, #tpu.memory_space<hbm>>
      %dma_wait3A_164 = tpu.memref_squeeze %dma_wait3A_163 : memref<1x160x128xi32, #tpu.memory_space<hbm>> -> memref<160x128xi32, #tpu.memory_space<hbm>>
      tpu.wait_dma2 semaphore(%run_scoped3A : memref<!tpu.dma_semaphore, #tpu.memory_space<semaphore_mem>>) src(%dma_wait3A_164 : memref<160x128xi32, #tpu.memory_space<hbm>>) dst(%arg7 : memref<160x128xi32, #tpu.memory_space<vmem>>)
      tpu.yield
    }) : () -> ()
    %broadcast_in_dim3A = arith.constant 0.000000e+00 : f32
    %broadcast_in_dim3A_0 = vector.broadcast %broadcast_in_dim3A : f32 to vector<16xf32>
    %scan3A = arith.constant 0 : i32
    %scan3A_1 = arith.constant 0 : i32
    %scan3A_2 = arith.constant 64 : i32
    %scan3A_3 = arith.addi %scan3A_1, %scan3A_2 : i32
    %scan3A_4 = arith.constant 1 : i32
    scf.for %scan3A_149 = %scan3A_1 to %scan3A_3 step %scan3A_4  : i32 {
      %swap3A = arith.index_cast %scan3A_149 : i32 to index
      %swap3A_150 = arith.constant 0 : index
      %swap3A_151 = tpu.vector_load %arg14[%swap3A, %swap3A_150] {strides = array<i32>} : memref<64x64xf32, #tpu.memory_space<vmem>>, vector<16xf32>,
      tpu.vector_store %arg14[%swap3A, %swap3A_150], %broadcast_in_dim3A_0 {strides = array<i32>} : memref<64x64xf32, #tpu.memory_space<vmem>>, vector<16xf32>,
      %swap3A_152 = arith.index_cast %scan3A_149 : i32 to index
      %swap3A_153 = arith.constant 16 : index
      %swap3A_154 = tpu.vector_load %arg14[%swap3A_152, %swap3A_153] {strides = array<i32>} : memref<64x64xf32, #tpu.memory_space<vmem>>, vector<16xf32>,
      tpu.vector_store %arg14[%swap3A_152, %swap3A_153], %broadcast_in_dim3A_0 {strides = array<i32>} : memref<64x64xf32, #tpu.memory_space<vmem>>, vector<16xf32>,
      %swap3A_155 = arith.index_cast %scan3A_149 : i32 to index
      %swap3A_156 = arith.constant 32 : index
      %swap3A_157 = tpu.vector_load %arg14[%swap3A_155, %swap3A_156] {strides = array<i32>} : memref<64x64xf32, #tpu.memory_space<vmem>>, vector<16xf32>,
      tpu.vector_store %arg14[%swap3A_155, %swap3A_156], %broadcast_in_dim3A_0 {strides = array<i32>} : memref<64x64xf32, #tpu.memory_space<vmem>>, vector<16xf32>,
      %swap3A_158 = arith.index_cast %scan3A_149 : i32 to index
      %swap3A_159 = arith.constant 48 : index
      %swap3A_160 = tpu.vector_load %arg14[%swap3A_158, %swap3A_159] {strides = array<i32>} : memref<64x64xf32, #tpu.memory_space<vmem>>, vector<16xf32>,
      tpu.vector_store %arg14[%swap3A_158, %swap3A_159], %broadcast_in_dim3A_0 {strides = array<i32>} : memref<64x64xf32, #tpu.memory_space<vmem>>, vector<16xf32>,
    }
    %scan3A_5 = arith.constant 64 : i32
    %mul3A = arith.constant 640 : i32
    %mul3A_6 = arith.muli %arg1, %mul3A : i32
    %add3A = arith.constant 0 : i32
    %add3A_7 = arith.addi %mul3A_6, %add3A : i32
    "tpu.region"() ({
      %run_scoped3A = tpu.sem_alloc : memref<!tpu.dma_semaphore, #tpu.memory_space<semaphore_mem>>
      %dma_start3A_149 = arith.constant 0 : i32
      %dma_start3A_150 = tpu.memref_slice %arg15[%add3A_7, %dma_start3A_149] : memref<10240x64xf32, #tpu.memory_space<vmem_shared>> -> memref<64x64xf32, #tpu.memory_space<vmem_shared>>
      %dma_start3A_151 = arith.constant 0 : i32
      %dma_start3A_152 = tpu.memref_slice %arg15[%add3A_7, %dma_start3A_151] : memref<10240x64xf32, #tpu.memory_space<vmem_shared>> -> memref<64x64xf32, #tpu.memory_space<vmem_shared>>
      tpu.enqueue_dma source(%arg14 : memref<64x64xf32, #tpu.memory_space<vmem>>) target(%dma_start3A_152 : memref<64x64xf32, #tpu.memory_space<vmem_shared>>) target_semaphore(%run_scoped3A : memref<!tpu.dma_semaphore, #tpu.memory_space<semaphore_mem>>)
      %dma_wait3A_153 = arith.constant 0 : i32
      %dma_wait3A_154 = tpu.memref_slice %arg15[%add3A_7, %dma_wait3A_153] : memref<10240x64xf32, #tpu.memory_space<vmem_shared>> -> memref<64x64xf32, #tpu.memory_space<vmem_shared>>
      %dma_wait3A_155 = arith.constant 0 : i32
      %dma_wait3A_156 = tpu.memref_slice %arg15[%add3A_7, %dma_wait3A_155] : memref<10240x64xf32, #tpu.memory_space<vmem_shared>> -> memref<64x64xf32, #tpu.memory_space<vmem_shared>>
      tpu.wait_dma2 semaphore(%run_scoped3A : memref<!tpu.dma_semaphore, #tpu.memory_space<semaphore_mem>>) src(%arg14 : memref<64x64xf32, #tpu.memory_space<vmem>>) dst(%dma_wait3A_156 : memref<64x64xf32, #tpu.memory_space<vmem_shared>>)
      tpu.yield
    }) : () -> ()
    %mul3A_8 = arith.constant 640 : i32
    %mul3A_9 = arith.muli %arg1, %mul3A_8 : i32
    %add3A_10 = arith.constant 64 : i32
    %add3A_11 = arith.addi %mul3A_9, %add3A_10 : i32
    "tpu.region"() ({
      %run_scoped3A = tpu.sem_alloc : memref<!tpu.dma_semaphore, #tpu.memory_space<semaphore_mem>>
      %dma_start3A_149 = arith.constant 0 : i32
      %dma_start3A_150 = tpu.memref_slice %arg15[%add3A_11, %dma_start3A_149] : memref<10240x64xf32, #tpu.memory_space<vmem_shared>> -> memref<64x64xf32, #tpu.memory_space<vmem_shared>>
      %dma_start3A_151 = arith.constant 0 : i32
      %dma_start3A_152 = tpu.memref_slice %arg15[%add3A_11, %dma_start3A_151] : memref<10240x64xf32, #tpu.memory_space<vmem_shared>> -> memref<64x64xf32, #tpu.memory_space<vmem_shared>>
      tpu.enqueue_dma source(%arg14 : memref<64x64xf32, #tpu.memory_space<vmem>>) target(%dma_start3A_152 : memref<64x64xf32, #tpu.memory_space<vmem_shared>>) target_semaphore(%run_scoped3A : memref<!tpu.dma_semaphore, #tpu.memory_space<semaphore_mem>>)
      %dma_wait3A_153 = arith.constant 0 : i32
      %dma_wait3A_154 = tpu.memref_slice %arg15[%add3A_11, %dma_wait3A_153] : memref<10240x64xf32, #tpu.memory_space<vmem_shared>> -> memref<64x64xf32, #tpu.memory_space<vmem_shared>>
      %dma_wait3A_155 = arith.constant 0 : i32
      %dma_wait3A_156 = tpu.memref_slice %arg15[%add3A_11, %dma_wait3A_155] : memref<10240x64xf32, #tpu.memory_space<vmem_shared>> -> memref<64x64xf32, #tpu.memory_space<vmem_shared>>
      tpu.wait_dma2 semaphore(%run_scoped3A : memref<!tpu.dma_semaphore, #tpu.memory_space<semaphore_mem>>) src(%arg14 : memref<64x64xf32, #tpu.memory_space<vmem>>) dst(%dma_wait3A_156 : memref<64x64xf32, #tpu.memory_space<vmem_shared>>)
      tpu.yield
    }) : () -> ()
    %mul3A_12 = arith.constant 640 : i32
    %mul3A_13 = arith.muli %arg1, %mul3A_12 : i32
    %add3A_14 = arith.constant 128 : i32
    %add3A_15 = arith.addi %mul3A_13, %add3A_14 : i32
    "tpu.region"() ({
      %run_scoped3A = tpu.sem_alloc : memref<!tpu.dma_semaphore, #tpu.memory_space<semaphore_mem>>
      %dma_start3A_149 = arith.constant 0 : i32
      %dma_start3A_150 = tpu.memref_slice %arg15[%add3A_15, %dma_start3A_149] : memref<10240x64xf32, #tpu.memory_space<vmem_shared>> -> memref<64x64xf32, #tpu.memory_space<vmem_shared>>
      %dma_start3A_151 = arith.constant 0 : i32
      %dma_start3A_152 = tpu.memref_slice %arg15[%add3A_15, %dma_start3A_151] : memref<10240x64xf32, #tpu.memory_space<vmem_shared>> -> memref<64x64xf32, #tpu.memory_space<vmem_shared>>
      tpu.enqueue_dma source(%arg14 : memref<64x64xf32, #tpu.memory_space<vmem>>) target(%dma_start3A_152 : memref<64x64xf32, #tpu.memory_space<vmem_shared>>) target_semaphore(%run_scoped3A : memref<!tpu.dma_semaphore, #tpu.memory_space<semaphore_mem>>)
      %dma_wait3A_153 = arith.constant 0 : i32
      %dma_wait3A_154 = tpu.memref_slice %arg15[%add3A_15, %dma_wait3A_153] : memref<10240x64xf32, #tpu.memory_space<vmem_shared>> -> memref<64x64xf32, #tpu.memory_space<vmem_shared>>
      %dma_wait3A_155 = arith.constant 0 : i32
      %dma_wait3A_156 = tpu.memref_slice %arg15[%add3A_15, %dma_wait3A_155] : memref<10240x64xf32, #tpu.memory_space<vmem_shared>> -> memref<64x64xf32, #tpu.memory_space<vmem_shared>>
      tpu.wait_dma2 semaphore(%run_scoped3A : memref<!tpu.dma_semaphore, #tpu.memory_space<semaphore_mem>>) src(%arg14 : memref<64x64xf32, #tpu.memory_space<vmem>>) dst(%dma_wait3A_156 : memref<64x64xf32, #tpu.memory_space<vmem_shared>>)
      tpu.yield
    }) : () -> ()
    %mul3A_16 = arith.constant 640 : i32
    %mul3A_17 = arith.muli %arg1, %mul3A_16 : i32
    %add3A_18 = arith.constant 192 : i32
    %add3A_19 = arith.addi %mul3A_17, %add3A_18 : i32
    "tpu.region"() ({
      %run_scoped3A = tpu.sem_alloc : memref<!tpu.dma_semaphore, #tpu.memory_space<semaphore_mem>>
      %dma_start3A_149 = arith.constant 0 : i32
      %dma_start3A_150 = tpu.memref_slice %arg15[%add3A_19, %dma_start3A_149] : memref<10240x64xf32, #tpu.memory_space<vmem_shared>> -> memref<64x64xf32, #tpu.memory_space<vmem_shared>>
      %dma_start3A_151 = arith.constant 0 : i32
      %dma_start3A_152 = tpu.memref_slice %arg15[%add3A_19, %dma_start3A_151] : memref<10240x64xf32, #tpu.memory_space<vmem_shared>> -> memref<64x64xf32, #tpu.memory_space<vmem_shared>>
      tpu.enqueue_dma source(%arg14 : memref<64x64xf32, #tpu.memory_space<vmem>>) target(%dma_start3A_152 : memref<64x64xf32, #tpu.memory_space<vmem_shared>>) target_semaphore(%run_scoped3A : memref<!tpu.dma_semaphore, #tpu.memory_space<semaphore_mem>>)
      %dma_wait3A_153 = arith.constant 0 : i32
      %dma_wait3A_154 = tpu.memref_slice %arg15[%add3A_19, %dma_wait3A_153] : memref<10240x64xf32, #tpu.memory_space<vmem_shared>> -> memref<64x64xf32, #tpu.memory_space<vmem_shared>>
      %dma_wait3A_155 = arith.constant 0 : i32
      %dma_wait3A_156 = tpu.memref_slice %arg15[%add3A_19, %dma_wait3A_155] : memref<10240x64xf32, #tpu.memory_space<vmem_shared>> -> memref<64x64xf32, #tpu.memory_space<vmem_shared>>
      tpu.wait_dma2 semaphore(%run_scoped3A : memref<!tpu.dma_semaphore, #tpu.memory_space<semaphore_mem>>) src(%arg14 : memref<64x64xf32, #tpu.memory_space<vmem>>) dst(%dma_wait3A_156 : memref<64x64xf32, #tpu.memory_space<vmem_shared>>)
      tpu.yield
    }) : () -> ()
    %mul3A_20 = arith.constant 640 : i32
    %mul3A_21 = arith.muli %arg1, %mul3A_20 : i32
    %add3A_22 = arith.constant 256 : i32
    %add3A_23 = arith.addi %mul3A_21, %add3A_22 : i32
    "tpu.region"() ({
      %run_scoped3A = tpu.sem_alloc : memref<!tpu.dma_semaphore, #tpu.memory_space<semaphore_mem>>
      %dma_start3A_149 = arith.constant 0 : i32
      %dma_start3A_150 = tpu.memref_slice %arg15[%add3A_23, %dma_start3A_149] : memref<10240x64xf32, #tpu.memory_space<vmem_shared>> -> memref<64x64xf32, #tpu.memory_space<vmem_shared>>
      %dma_start3A_151 = arith.constant 0 : i32
      %dma_start3A_152 = tpu.memref_slice %arg15[%add3A_23, %dma_start3A_151] : memref<10240x64xf32, #tpu.memory_space<vmem_shared>> -> memref<64x64xf32, #tpu.memory_space<vmem_shared>>
      tpu.enqueue_dma source(%arg14 : memref<64x64xf32, #tpu.memory_space<vmem>>) target(%dma_start3A_152 : memref<64x64xf32, #tpu.memory_space<vmem_shared>>) target_semaphore(%run_scoped3A : memref<!tpu.dma_semaphore, #tpu.memory_space<semaphore_mem>>)
      %dma_wait3A_153 = arith.constant 0 : i32
      %dma_wait3A_154 = tpu.memref_slice %arg15[%add3A_23, %dma_wait3A_153] : memref<10240x64xf32, #tpu.memory_space<vmem_shared>> -> memref<64x64xf32, #tpu.memory_space<vmem_shared>>
      %dma_wait3A_155 = arith.constant 0 : i32
      %dma_wait3A_156 = tpu.memref_slice %arg15[%add3A_23, %dma_wait3A_155] : memref<10240x64xf32, #tpu.memory_space<vmem_shared>> -> memref<64x64xf32, #tpu.memory_space<vmem_shared>>
      tpu.wait_dma2 semaphore(%run_scoped3A : memref<!tpu.dma_semaphore, #tpu.memory_space<semaphore_mem>>) src(%arg14 : memref<64x64xf32, #tpu.memory_space<vmem>>) dst(%dma_wait3A_156 : memref<64x64xf32, #tpu.memory_space<vmem_shared>>)
      tpu.yield
    }) : () -> ()
    %mul3A_24 = arith.constant 640 : i32
    %mul3A_25 = arith.muli %arg1, %mul3A_24 : i32
    %add3A_26 = arith.constant 320 : i32
    %add3A_27 = arith.addi %mul3A_25, %add3A_26 : i32
    "tpu.region"() ({
      %run_scoped3A = tpu.sem_alloc : memref<!tpu.dma_semaphore, #tpu.memory_space<semaphore_mem>>
      %dma_start3A_149 = arith.constant 0 : i32
      %dma_start3A_150 = tpu.memref_slice %arg15[%add3A_27, %dma_start3A_149] : memref<10240x64xf32, #tpu.memory_space<vmem_shared>> -> memref<64x64xf32, #tpu.memory_space<vmem_shared>>
      %dma_start3A_151 = arith.constant 0 : i32
      %dma_start3A_152 = tpu.memref_slice %arg15[%add3A_27, %dma_start3A_151] : memref<10240x64xf32, #tpu.memory_space<vmem_shared>> -> memref<64x64xf32, #tpu.memory_space<vmem_shared>>
      tpu.enqueue_dma source(%arg14 : memref<64x64xf32, #tpu.memory_space<vmem>>) target(%dma_start3A_152 : memref<64x64xf32, #tpu.memory_space<vmem_shared>>) target_semaphore(%run_scoped3A : memref<!tpu.dma_semaphore, #tpu.memory_space<semaphore_mem>>)
      %dma_wait3A_153 = arith.constant 0 : i32
      %dma_wait3A_154 = tpu.memref_slice %arg15[%add3A_27, %dma_wait3A_153] : memref<10240x64xf32, #tpu.memory_space<vmem_shared>> -> memref<64x64xf32, #tpu.memory_space<vmem_shared>>
      %dma_wait3A_155 = arith.constant 0 : i32
      %dma_wait3A_156 = tpu.memref_slice %arg15[%add3A_27, %dma_wait3A_155] : memref<10240x64xf32, #tpu.memory_space<vmem_shared>> -> memref<64x64xf32, #tpu.memory_space<vmem_shared>>
      tpu.wait_dma2 semaphore(%run_scoped3A : memref<!tpu.dma_semaphore, #tpu.memory_space<semaphore_mem>>) src(%arg14 : memref<64x64xf32, #tpu.memory_space<vmem>>) dst(%dma_wait3A_156 : memref<64x64xf32, #tpu.memory_space<vmem_shared>>)
      tpu.yield
    }) : () -> ()
    %mul3A_28 = arith.constant 640 : i32
    %mul3A_29 = arith.muli %arg1, %mul3A_28 : i32
    %add3A_30 = arith.constant 384 : i32
    %add3A_31 = arith.addi %mul3A_29, %add3A_30 : i32
    "tpu.region"() ({
      %run_scoped3A = tpu.sem_alloc : memref<!tpu.dma_semaphore, #tpu.memory_space<semaphore_mem>>
      %dma_start3A_149 = arith.constant 0 : i32
      %dma_start3A_150 = tpu.memref_slice %arg15[%add3A_31, %dma_start3A_149] : memref<10240x64xf32, #tpu.memory_space<vmem_shared>> -> memref<64x64xf32, #tpu.memory_space<vmem_shared>>
      %dma_start3A_151 = arith.constant 0 : i32
      %dma_start3A_152 = tpu.memref_slice %arg15[%add3A_31, %dma_start3A_151] : memref<10240x64xf32, #tpu.memory_space<vmem_shared>> -> memref<64x64xf32, #tpu.memory_space<vmem_shared>>
      tpu.enqueue_dma source(%arg14 : memref<64x64xf32, #tpu.memory_space<vmem>>) target(%dma_start3A_152 : memref<64x64xf32, #tpu.memory_space<vmem_shared>>) target_semaphore(%run_scoped3A : memref<!tpu.dma_semaphore, #tpu.memory_space<semaphore_mem>>)
      %dma_wait3A_153 = arith.constant 0 : i32
      %dma_wait3A_154 = tpu.memref_slice %arg15[%add3A_31, %dma_wait3A_153] : memref<10240x64xf32, #tpu.memory_space<vmem_shared>> -> memref<64x64xf32, #tpu.memory_space<vmem_shared>>
      %dma_wait3A_155 = arith.constant 0 : i32
      %dma_wait3A_156 = tpu.memref_slice %arg15[%add3A_31, %dma_wait3A_155] : memref<10240x64xf32, #tpu.memory_space<vmem_shared>> -> memref<64x64xf32, #tpu.memory_space<vmem_shared>>
      tpu.wait_dma2 semaphore(%run_scoped3A : memref<!tpu.dma_semaphore, #tpu.memory_space<semaphore_mem>>) src(%arg14 : memref<64x64xf32, #tpu.memory_space<vmem>>) dst(%dma_wait3A_156 : memref<64x64xf32, #tpu.memory_space<vmem_shared>>)
      tpu.yield
    }) : () -> ()
    %mul3A_32 = arith.constant 640 : i32
    %mul3A_33 = arith.muli %arg1, %mul3A_32 : i32
    %add3A_34 = arith.constant 448 : i32
    %add3A_35 = arith.addi %mul3A_33, %add3A_34 : i32
    "tpu.region"() ({
      %run_scoped3A = tpu.sem_alloc : memref<!tpu.dma_semaphore, #tpu.memory_space<semaphore_mem>>
      %dma_start3A_149 = arith.constant 0 : i32
      %dma_start3A_150 = tpu.memref_slice %arg15[%add3A_35, %dma_start3A_149] : memref<10240x64xf32, #tpu.memory_space<vmem_shared>> -> memref<64x64xf32, #tpu.memory_space<vmem_shared>>
      %dma_start3A_151 = arith.constant 0 : i32
      %dma_start3A_152 = tpu.memref_slice %arg15[%add3A_35, %dma_start3A_151] : memref<10240x64xf32, #tpu.memory_space<vmem_shared>> -> memref<64x64xf32, #tpu.memory_space<vmem_shared>>
      tpu.enqueue_dma source(%arg14 : memref<64x64xf32, #tpu.memory_space<vmem>>) target(%dma_start3A_152 : memref<64x64xf32, #tpu.memory_space<vmem_shared>>) target_semaphore(%run_scoped3A : memref<!tpu.dma_semaphore, #tpu.memory_space<semaphore_mem>>)
      %dma_wait3A_153 = arith.constant 0 : i32
      %dma_wait3A_154 = tpu.memref_slice %arg15[%add3A_35, %dma_wait3A_153] : memref<10240x64xf32, #tpu.memory_space<vmem_shared>> -> memref<64x64xf32, #tpu.memory_space<vmem_shared>>
      %dma_wait3A_155 = arith.constant 0 : i32
      %dma_wait3A_156 = tpu.memref_slice %arg15[%add3A_35, %dma_wait3A_155] : memref<10240x64xf32, #tpu.memory_space<vmem_shared>> -> memref<64x64xf32, #tpu.memory_space<vmem_shared>>
      tpu.wait_dma2 semaphore(%run_scoped3A : memref<!tpu.dma_semaphore, #tpu.memory_space<semaphore_mem>>) src(%arg14 : memref<64x64xf32, #tpu.memory_space<vmem>>) dst(%dma_wait3A_156 : memref<64x64xf32, #tpu.memory_space<vmem_shared>>)
      tpu.yield
    }) : () -> ()
    %mul3A_36 = arith.constant 640 : i32
    %mul3A_37 = arith.muli %arg1, %mul3A_36 : i32
    %add3A_38 = arith.constant 512 : i32
    %add3A_39 = arith.addi %mul3A_37, %add3A_38 : i32
    "tpu.region"() ({
      %run_scoped3A = tpu.sem_alloc : memref<!tpu.dma_semaphore, #tpu.memory_space<semaphore_mem>>
      %dma_start3A_149 = arith.constant 0 : i32
      %dma_start3A_150 = tpu.memref_slice %arg15[%add3A_39, %dma_start3A_149] : memref<10240x64xf32, #tpu.memory_space<vmem_shared>> -> memref<64x64xf32, #tpu.memory_space<vmem_shared>>
      %dma_start3A_151 = arith.constant 0 : i32
      %dma_start3A_152 = tpu.memref_slice %arg15[%add3A_39, %dma_start3A_151] : memref<10240x64xf32, #tpu.memory_space<vmem_shared>> -> memref<64x64xf32, #tpu.memory_space<vmem_shared>>
      tpu.enqueue_dma source(%arg14 : memref<64x64xf32, #tpu.memory_space<vmem>>) target(%dma_start3A_152 : memref<64x64xf32, #tpu.memory_space<vmem_shared>>) target_semaphore(%run_scoped3A : memref<!tpu.dma_semaphore, #tpu.memory_space<semaphore_mem>>)
      %dma_wait3A_153 = arith.constant 0 : i32
      %dma_wait3A_154 = tpu.memref_slice %arg15[%add3A_39, %dma_wait3A_153] : memref<10240x64xf32, #tpu.memory_space<vmem_shared>> -> memref<64x64xf32, #tpu.memory_space<vmem_shared>>
      %dma_wait3A_155 = arith.constant 0 : i32
      %dma_wait3A_156 = tpu.memref_slice %arg15[%add3A_39, %dma_wait3A_155] : memref<10240x64xf32, #tpu.memory_space<vmem_shared>> -> memref<64x64xf32, #tpu.memory_space<vmem_shared>>
      tpu.wait_dma2 semaphore(%run_scoped3A : memref<!tpu.dma_semaphore, #tpu.memory_space<semaphore_mem>>) src(%arg14 : memref<64x64xf32, #tpu.memory_space<vmem>>) dst(%dma_wait3A_156 : memref<64x64xf32, #tpu.memory_space<vmem_shared>>)
      tpu.yield
    }) : () -> ()
    %mul3A_40 = arith.constant 640 : i32
    %mul3A_41 = arith.muli %arg1, %mul3A_40 : i32
    %add3A_42 = arith.constant 576 : i32
    %add3A_43 = arith.addi %mul3A_41, %add3A_42 : i32
    "tpu.region"() ({
      %run_scoped3A = tpu.sem_alloc : memref<!tpu.dma_semaphore, #tpu.memory_space<semaphore_mem>>
      %dma_start3A_149 = arith.constant 0 : i32
      %dma_start3A_150 = tpu.memref_slice %arg15[%add3A_43, %dma_start3A_149] : memref<10240x64xf32, #tpu.memory_space<vmem_shared>> -> memref<64x64xf32, #tpu.memory_space<vmem_shared>>
      %dma_start3A_151 = arith.constant 0 : i32
      %dma_start3A_152 = tpu.memref_slice %arg15[%add3A_43, %dma_start3A_151] : memref<10240x64xf32, #tpu.memory_space<vmem_shared>> -> memref<64x64xf32, #tpu.memory_space<vmem_shared>>
      tpu.enqueue_dma source(%arg14 : memref<64x64xf32, #tpu.memory_space<vmem>>) target(%dma_start3A_152 : memref<64x64xf32, #tpu.memory_space<vmem_shared>>) target_semaphore(%run_scoped3A : memref<!tpu.dma_semaphore, #tpu.memory_space<semaphore_mem>>)
      %dma_wait3A_153 = arith.constant 0 : i32
      %dma_wait3A_154 = tpu.memref_slice %arg15[%add3A_43, %dma_wait3A_153] : memref<10240x64xf32, #tpu.memory_space<vmem_shared>> -> memref<64x64xf32, #tpu.memory_space<vmem_shared>>
      %dma_wait3A_155 = arith.constant 0 : i32
      %dma_wait3A_156 = tpu.memref_slice %arg15[%add3A_43, %dma_wait3A_155] : memref<10240x64xf32, #tpu.memory_space<vmem_shared>> -> memref<64x64xf32, #tpu.memory_space<vmem_shared>>
      tpu.wait_dma2 semaphore(%run_scoped3A : memref<!tpu.dma_semaphore, #tpu.memory_space<semaphore_mem>>) src(%arg14 : memref<64x64xf32, #tpu.memory_space<vmem>>) dst(%dma_wait3A_156 : memref<64x64xf32, #tpu.memory_space<vmem_shared>>)
      tpu.yield
    }) : () -> ()
    %barrier3A = arith.constant 0 : index
    tpu.barrier barrier_id(%barrier3A)
    %dma_start3A = arith.constant 0 : i32
    %dma_start3A_44 = arith.constant 0 : i32
    %dma_start3A_45 = tpu.memref_slice %arg6[%dma_start3A, %dma_start3A_44] : memref<160x128xi32, #tpu.memory_space<vmem>> -> memref<1x128xi32, #tpu.memory_space<vmem>>
    %dma_start3A_46 = tpu.memref_squeeze %dma_start3A_45 : memref<1x128xi32, #tpu.memory_space<vmem>> -> memref<128xi32, #tpu.memory_space<vmem>>
    %dma_start3A_47 = arith.constant 0 : i32
    %dma_start3A_48 = arith.constant 0 : i32
    %dma_start3A_49 = tpu.memref_slice %arg4[%arg0, %dma_start3A_47, %dma_start3A_48] : memref<2x10240x64xbf16, #tpu.memory_space<hbm>> -> memref<1x10240x64xbf16, #tpu.memory_space<hbm>>
    %dma_start3A_50 = tpu.memref_squeeze %dma_start3A_49 : memref<1x10240x64xbf16, #tpu.memory_space<hbm>> -> memref<10240x64xbf16, #tpu.memory_space<hbm>>
    %dma_start3A_51 = arith.constant 0 : i32
    %dma_start3A_52 = arith.constant 0 : i32
    %dma_start3A_53 = tpu.memref_slice %dma_start3A_50[%dma_start3A_51, %dma_start3A_52] : memref<10240x64xbf16, #tpu.memory_space<hbm>> -> memref<10240x64xbf16, #tpu.memory_space<hbm>>
    tpu.enqueue_indirect_dma source(%dma_start3A_53 : memref<10240x64xbf16, #tpu.memory_space<hbm>>) target(%arg8 : memref<128x64xbf16, #tpu.memory_space<vmem>>) offsets(%dma_start3A_46 : memref<128xi32, #tpu.memory_space<vmem>>) semaphore(%arg16 : memref<!tpu.dma_semaphore, #tpu.memory_space<semaphore_mem>>)
    %dma_start3A_54 = arith.constant 1 : i32
    %dma_start3A_55 = arith.constant 0 : i32
    %dma_start3A_56 = tpu.memref_slice %arg6[%dma_start3A_54, %dma_start3A_55] : memref<160x128xi32, #tpu.memory_space<vmem>> -> memref<1x128xi32, #tpu.memory_space<vmem>>
    %dma_start3A_57 = tpu.memref_squeeze %dma_start3A_56 : memref<1x128xi32, #tpu.memory_space<vmem>> -> memref<128xi32, #tpu.memory_space<vmem>>
    %dma_start3A_58 = arith.constant 0 : i32
    %dma_start3A_59 = arith.constant 0 : i32
    %dma_start3A_60 = tpu.memref_slice %arg4[%arg0, %dma_start3A_58, %dma_start3A_59] : memref<2x10240x64xbf16, #tpu.memory_space<hbm>> -> memref<1x10240x64xbf16, #tpu.memory_space<hbm>>
    %dma_start3A_61 = tpu.memref_squeeze %dma_start3A_60 : memref<1x10240x64xbf16, #tpu.memory_space<hbm>> -> memref<10240x64xbf16, #tpu.memory_space<hbm>>
    %dma_start3A_62 = arith.constant 0 : i32
    %dma_start3A_63 = arith.constant 0 : i32
    %dma_start3A_64 = tpu.memref_slice %dma_start3A_61[%dma_start3A_62, %dma_start3A_63] : memref<10240x64xbf16, #tpu.memory_space<hbm>> -> memref<10240x64xbf16, #tpu.memory_space<hbm>>
    tpu.enqueue_indirect_dma source(%dma_start3A_64 : memref<10240x64xbf16, #tpu.memory_space<hbm>>) target(%arg9 : memref<128x64xbf16, #tpu.memory_space<vmem>>) offsets(%dma_start3A_57 : memref<128xi32, #tpu.memory_space<vmem>>) semaphore(%arg17 : memref<!tpu.dma_semaphore, #tpu.memory_space<semaphore_mem>>)
    %dma_start3A_65 = arith.constant 2 : i32
    %dma_start3A_66 = arith.constant 0 : i32
    %dma_start3A_67 = tpu.memref_slice %arg6[%dma_start3A_65, %dma_start3A_66] : memref<160x128xi32, #tpu.memory_space<vmem>> -> memref<1x128xi32, #tpu.memory_space<vmem>>
    %dma_start3A_68 = tpu.memref_squeeze %dma_start3A_67 : memref<1x128xi32, #tpu.memory_space<vmem>> -> memref<128xi32, #tpu.memory_space<vmem>>
    %dma_start3A_69 = arith.constant 0 : i32
    %dma_start3A_70 = arith.constant 0 : i32
    %dma_start3A_71 = tpu.memref_slice %arg4[%arg0, %dma_start3A_69, %dma_start3A_70] : memref<2x10240x64xbf16, #tpu.memory_space<hbm>> -> memref<1x10240x64xbf16, #tpu.memory_space<hbm>>
    %dma_start3A_72 = tpu.memref_squeeze %dma_start3A_71 : memref<1x10240x64xbf16, #tpu.memory_space<hbm>> -> memref<10240x64xbf16, #tpu.memory_space<hbm>>
    %dma_start3A_73 = arith.constant 0 : i32
    %dma_start3A_74 = arith.constant 0 : i32
    %dma_start3A_75 = tpu.memref_slice %dma_start3A_72[%dma_start3A_73, %dma_start3A_74] : memref<10240x64xbf16, #tpu.memory_space<hbm>> -> memref<10240x64xbf16, #tpu.memory_space<hbm>>
    tpu.enqueue_indirect_dma source(%dma_start3A_75 : memref<10240x64xbf16, #tpu.memory_space<hbm>>) target(%arg10 : memref<128x64xbf16, #tpu.memory_space<vmem>>) offsets(%dma_start3A_68 : memref<128xi32, #tpu.memory_space<vmem>>) semaphore(%arg18 : memref<!tpu.dma_semaphore, #tpu.memory_space<semaphore_mem>>)
    %dma_start3A_76 = arith.constant 3 : i32
    %dma_start3A_77 = arith.constant 0 : i32
    %dma_start3A_78 = tpu.memref_slice %arg6[%dma_start3A_76, %dma_start3A_77] : memref<160x128xi32, #tpu.memory_space<vmem>> -> memref<1x128xi32, #tpu.memory_space<vmem>>
    %dma_start3A_79 = tpu.memref_squeeze %dma_start3A_78 : memref<1x128xi32, #tpu.memory_space<vmem>> -> memref<128xi32, #tpu.memory_space<vmem>>
    %dma_start3A_80 = arith.constant 0 : i32
    %dma_start3A_81 = arith.constant 0 : i32
    %dma_start3A_82 = tpu.memref_slice %arg4[%arg0, %dma_start3A_80, %dma_start3A_81] : memref<2x10240x64xbf16, #tpu.memory_space<hbm>> -> memref<1x10240x64xbf16, #tpu.memory_space<hbm>>
    %dma_start3A_83 = tpu.memref_squeeze %dma_start3A_82 : memref<1x10240x64xbf16, #tpu.memory_space<hbm>> -> memref<10240x64xbf16, #tpu.memory_space<hbm>>
    %dma_start3A_84 = arith.constant 0 : i32
    %dma_start3A_85 = arith.constant 0 : i32
    %dma_start3A_86 = tpu.memref_slice %dma_start3A_83[%dma_start3A_84, %dma_start3A_85] : memref<10240x64xbf16, #tpu.memory_space<hbm>> -> memref<10240x64xbf16, #tpu.memory_space<hbm>>
    tpu.enqueue_indirect_dma source(%dma_start3A_86 : memref<10240x64xbf16, #tpu.memory_space<hbm>>) target(%arg11 : memref<128x64xbf16, #tpu.memory_space<vmem>>) offsets(%dma_start3A_79 : memref<128xi32, #tpu.memory_space<vmem>>) semaphore(%arg19 : memref<!tpu.dma_semaphore, #tpu.memory_space<semaphore_mem>>)
    %broadcast_in_dim3A_87 = arith.constant -65536 : i32
    %broadcast_in_dim3A_88 = vector.broadcast %broadcast_in_dim3A_87 : i32 to vector<16xi32>
    %scan3A_89 = arith.constant 0 : i32
    %scan3A_90 = arith.constant 0 : i32
    %scan3A_91 = arith.constant 40 : i32
    %scan3A_92 = arith.addi %scan3A_90, %scan3A_91 : i32
    %scan3A_93 = arith.constant 1 : i32
    scf.for %scan3A_149 = %scan3A_90 to %scan3A_92 step %scan3A_93  : i32 {
      %mul3A_150 = arith.constant 4 : i32
      %mul3A_151 = arith.muli %scan3A_149, %mul3A_150 : i32
      %add3A_152 = arith.constant 0 : i32
      %add3A_153 = arith.addi %mul3A_151, %add3A_152 : i32
      %dma_wait3A_154 = arith.constant 0 : i32
      %dma_wait3A_155 = tpu.memref_slice %arg6[%add3A_153, %dma_wait3A_154] : memref<160x128xi32, #tpu.memory_space<vmem>> -> memref<1x128xi32, #tpu.memory_space<vmem>>
      %dma_wait3A_156 = tpu.memref_squeeze %dma_wait3A_155 : memref<1x128xi32, #tpu.memory_space<vmem>> -> memref<128xi32, #tpu.memory_space<vmem>>
      %dma_wait3A_157 = arith.constant 0 : i32
      %dma_wait3A_158 = arith.constant 0 : i32
      %dma_wait3A_159 = tpu.memref_slice %arg4[%arg0, %dma_wait3A_157, %dma_wait3A_158] : memref<2x10240x64xbf16, #tpu.memory_space<hbm>> -> memref<1x10240x64xbf16, #tpu.memory_space<hbm>>
      %dma_wait3A_160 = tpu.memref_squeeze %dma_wait3A_159 : memref<1x10240x64xbf16, #tpu.memory_space<hbm>> -> memref<10240x64xbf16, #tpu.memory_space<hbm>>
      %dma_wait3A_161 = arith.constant 0 : i32
      %dma_wait3A_162 = arith.constant 0 : i32
      %dma_wait3A_163 = tpu.memref_slice %dma_wait3A_160[%dma_wait3A_161, %dma_wait3A_162] : memref<10240x64xbf16, #tpu.memory_space<hbm>> -> memref<10240x64xbf16, #tpu.memory_space<hbm>>
      tpu.wait_indirect_dma semaphore(%arg16 : memref<!tpu.dma_semaphore, #tpu.memory_space<semaphore_mem>>) src(%dma_wait3A_163 : memref<10240x64xbf16, #tpu.memory_space<hbm>>) dst(%arg8 : memref<128x64xbf16, #tpu.memory_space<vmem>>)
      %gt3A = arith.constant 0 : i32
      %gt3A_164 = arith.cmpi sgt, %scan3A_149, %gt3A : i32
      %convert_element_type3A = arith.extui %gt3A_164 : i1 to i32
      %cond3A = arith.constant 0 : i32
      %cond3A_165 = arith.cmpi ne, %convert_element_type3A, %cond3A : i32
      scf.if %cond3A_165 {
        %sub3A_290 = arith.constant 2 : i32
        %sub3A_291 = arith.subi %add3A_153, %sub3A_290 : i32
        %dma_wait3A_292 = arith.constant 0 : i32
        %dma_wait3A_293 = tpu.memref_slice %arg7[%sub3A_291, %dma_wait3A_292] : memref<160x128xi32, #tpu.memory_space<vmem>> -> memref<1x128xi32, #tpu.memory_space<vmem>>
        %dma_wait3A_294 = tpu.memref_squeeze %dma_wait3A_293 : memref<1x128xi32, #tpu.memory_space<vmem>> -> memref<128xi32, #tpu.memory_space<vmem>>
        %dma_wait3A_295 = arith.constant 0 : i32
        %dma_wait3A_296 = arith.constant 0 : i32
        %dma_wait3A_297 = tpu.memref_slice %arg15[%dma_wait3A_295, %dma_wait3A_296] : memref<10240x64xf32, #tpu.memory_space<vmem_shared>> -> memref<10240x64xf32, #tpu.memory_space<vmem_shared>>
        tpu.wait_indirect_dma semaphore(%arg20 : memref<!tpu.dma_semaphore, #tpu.memory_space<semaphore_mem>>) src(%arg12 : memref<128x64xf32, #tpu.memory_space<vmem>>) dst(%dma_wait3A_297 : memref<10240x64xf32, #tpu.memory_space<vmem_shared>>)
      } else {
      }
      %parallel_loop3A = arith.constant 0 : i32
      %parallel_loop3A_166 = arith.constant 128 : i32
      %parallel_loop3A_167 = arith.constant 1 : i32
      scf.for %parallel_loop3A_290 = %parallel_loop3A to %parallel_loop3A_166 step %parallel_loop3A_167  : i32 {
        %parallel_loop3A_291 = arith.index_cast %parallel_loop3A_290 : i32 to index
        %parallel_loop3A_292 = arith.constant 0 : index
        %parallel_loop3A_293 = tpu.vector_load %arg8[%parallel_loop3A_291, %parallel_loop3A_292] {strides = array<i32>} : memref<128x64xbf16, #tpu.memory_space<vmem>>, vector<32xbf16>,
        %parallel_loop3A_294 = vector.bitcast %parallel_loop3A_293 : vector<32xbf16> to vector<16xi32>
        %parallel_loop3A_295 = arith.constant 16 : i32
        %parallel_loop3A_296 = vector.broadcast %parallel_loop3A_295 : i32 to vector<16xi32>
        %parallel_loop3A_297 = arith.shli %parallel_loop3A_294, %parallel_loop3A_296 : vector<16xi32>
        %parallel_loop3A_298 = vector.bitcast %parallel_loop3A_297 : vector<16xi32> to vector<16xf32>
        %parallel_loop3A_299 = arith.index_cast %parallel_loop3A_290 : i32 to index
        %parallel_loop3A_300 = arith.constant 0 : index
        %parallel_loop3A_301 = tpu.vector_load %arg12[%parallel_loop3A_299, %parallel_loop3A_300] {strides = array<i32>} : memref<128x64xf32, #tpu.memory_space<vmem>>, vector<16xf32>,
        tpu.vector_store %arg12[%parallel_loop3A_299, %parallel_loop3A_300], %parallel_loop3A_298 {strides = array<i32>} : memref<128x64xf32, #tpu.memory_space<vmem>>, vector<16xf32>,
        %parallel_loop3A_302 = arith.andi %parallel_loop3A_294, %broadcast_in_dim3A_88 : vector<16xi32>
        %parallel_loop3A_303 = vector.bitcast %parallel_loop3A_302 : vector<16xi32> to vector<16xf32>
        %parallel_loop3A_304 = arith.index_cast %parallel_loop3A_290 : i32 to index
        %parallel_loop3A_305 = arith.constant 16 : index
        %parallel_loop3A_306 = tpu.vector_load %arg12[%parallel_loop3A_304, %parallel_loop3A_305] {strides = array<i32>} : memref<128x64xf32, #tpu.memory_space<vmem>>, vector<16xf32>,
        tpu.vector_store %arg12[%parallel_loop3A_304, %parallel_loop3A_305], %parallel_loop3A_303 {strides = array<i32>} : memref<128x64xf32, #tpu.memory_space<vmem>>, vector<16xf32>,
        %parallel_loop3A_307 = arith.index_cast %parallel_loop3A_290 : i32 to index
        %parallel_loop3A_308 = arith.constant 32 : index
        %parallel_loop3A_309 = tpu.vector_load %arg8[%parallel_loop3A_307, %parallel_loop3A_308] {strides = array<i32>} : memref<128x64xbf16, #tpu.memory_space<vmem>>, vector<32xbf16>,
        %parallel_loop3A_310 = vector.bitcast %parallel_loop3A_309 : vector<32xbf16> to vector<16xi32>
        %parallel_loop3A_311 = arith.constant 16 : i32
        %parallel_loop3A_312 = vector.broadcast %parallel_loop3A_311 : i32 to vector<16xi32>
        %parallel_loop3A_313 = arith.shli %parallel_loop3A_310, %parallel_loop3A_312 : vector<16xi32>
        %parallel_loop3A_314 = vector.bitcast %parallel_loop3A_313 : vector<16xi32> to vector<16xf32>
        %parallel_loop3A_315 = arith.index_cast %parallel_loop3A_290 : i32 to index
        %parallel_loop3A_316 = arith.constant 32 : index
        %parallel_loop3A_317 = tpu.vector_load %arg12[%parallel_loop3A_315, %parallel_loop3A_316] {strides = array<i32>} : memref<128x64xf32, #tpu.memory_space<vmem>>, vector<16xf32>,
        tpu.vector_store %arg12[%parallel_loop3A_315, %parallel_loop3A_316], %parallel_loop3A_314 {strides = array<i32>} : memref<128x64xf32, #tpu.memory_space<vmem>>, vector<16xf32>,
        %parallel_loop3A_318 = arith.andi %parallel_loop3A_310, %broadcast_in_dim3A_88 : vector<16xi32>
        %parallel_loop3A_319 = vector.bitcast %parallel_loop3A_318 : vector<16xi32> to vector<16xf32>
        %parallel_loop3A_320 = arith.index_cast %parallel_loop3A_290 : i32 to index
        %parallel_loop3A_321 = arith.constant 48 : index
        %parallel_loop3A_322 = tpu.vector_load %arg12[%parallel_loop3A_320, %parallel_loop3A_321] {strides = array<i32>} : memref<128x64xf32, #tpu.memory_space<vmem>>, vector<16xf32>,
        tpu.vector_store %arg12[%parallel_loop3A_320, %parallel_loop3A_321], %parallel_loop3A_319 {strides = array<i32>} : memref<128x64xf32, #tpu.memory_space<vmem>>, vector<16xf32>,
      } {sc.loop_unroll_factor = 4 : i64, sc.parallel_access}
      %dma_start3A_168 = arith.constant 0 : i32
      %dma_start3A_169 = tpu.memref_slice %arg7[%add3A_153, %dma_start3A_168] : memref<160x128xi32, #tpu.memory_space<vmem>> -> memref<1x128xi32, #tpu.memory_space<vmem>>
      %dma_start3A_170 = tpu.memref_squeeze %dma_start3A_169 : memref<1x128xi32, #tpu.memory_space<vmem>> -> memref<128xi32, #tpu.memory_space<vmem>>
      %dma_start3A_171 = arith.constant 0 : i32
      %dma_start3A_172 = arith.constant 0 : i32
      %dma_start3A_173 = tpu.memref_slice %arg15[%dma_start3A_171, %dma_start3A_172] : memref<10240x64xf32, #tpu.memory_space<vmem_shared>> -> memref<10240x64xf32, #tpu.memory_space<vmem_shared>>
      tpu.enqueue_indirect_dma source(%arg12 : memref<128x64xf32, #tpu.memory_space<vmem>>) target(%dma_start3A_173 : memref<10240x64xf32, #tpu.memory_space<vmem_shared>>) offsets(%dma_start3A_170 : memref<128xi32, #tpu.memory_space<vmem>>) semaphore(%arg20 : memref<!tpu.dma_semaphore, #tpu.memory_space<semaphore_mem>>) {add = true}
      %add3A_174 = arith.constant 1 : i32
      %add3A_175 = arith.addi %scan3A_149, %add3A_174 : i32
      %lt3A = arith.constant 40 : i32
      %lt3A_176 = arith.cmpi slt, %add3A_175, %lt3A : i32
      %convert_element_type3A_177 = arith.extui %lt3A_176 : i1 to i32
      %cond3A_178 = arith.constant 0 : i32
      %cond3A_179 = arith.cmpi ne, %convert_element_type3A_177, %cond3A_178 : i32
      scf.if %cond3A_179 {
        %add3A_290 = arith.constant 4 : i32
        %add3A_291 = arith.addi %add3A_153, %add3A_290 : i32
        %dma_start3A_292 = arith.constant 0 : i32
        %dma_start3A_293 = tpu.memref_slice %arg6[%add3A_291, %dma_start3A_292] : memref<160x128xi32, #tpu.memory_space<vmem>> -> memref<1x128xi32, #tpu.memory_space<vmem>>
        %dma_start3A_294 = tpu.memref_squeeze %dma_start3A_293 : memref<1x128xi32, #tpu.memory_space<vmem>> -> memref<128xi32, #tpu.memory_space<vmem>>
        %dma_start3A_295 = arith.constant 0 : i32
        %dma_start3A_296 = arith.constant 0 : i32
        %dma_start3A_297 = tpu.memref_slice %arg4[%arg0, %dma_start3A_295, %dma_start3A_296] : memref<2x10240x64xbf16, #tpu.memory_space<hbm>> -> memref<1x10240x64xbf16, #tpu.memory_space<hbm>>
        %dma_start3A_298 = tpu.memref_squeeze %dma_start3A_297 : memref<1x10240x64xbf16, #tpu.memory_space<hbm>> -> memref<10240x64xbf16, #tpu.memory_space<hbm>>
        %dma_start3A_299 = arith.constant 0 : i32
        %dma_start3A_300 = arith.constant 0 : i32
        %dma_start3A_301 = tpu.memref_slice %dma_start3A_298[%dma_start3A_299, %dma_start3A_300] : memref<10240x64xbf16, #tpu.memory_space<hbm>> -> memref<10240x64xbf16, #tpu.memory_space<hbm>>
        tpu.enqueue_indirect_dma source(%dma_start3A_301 : memref<10240x64xbf16, #tpu.memory_space<hbm>>) target(%arg8 : memref<128x64xbf16, #tpu.memory_space<vmem>>) offsets(%dma_start3A_294 : memref<128xi32, #tpu.memory_space<vmem>>) semaphore(%arg16 : memref<!tpu.dma_semaphore, #tpu.memory_space<semaphore_mem>>)
      } else {
      }
      %mul3A_180 = arith.constant 4 : i32
      %mul3A_181 = arith.muli %scan3A_149, %mul3A_180 : i32
      %add3A_182 = arith.constant 1 : i32
      %add3A_183 = arith.addi %mul3A_181, %add3A_182 : i32
      %dma_wait3A_184 = arith.constant 0 : i32
      %dma_wait3A_185 = tpu.memref_slice %arg6[%add3A_183, %dma_wait3A_184] : memref<160x128xi32, #tpu.memory_space<vmem>> -> memref<1x128xi32, #tpu.memory_space<vmem>>
      %dma_wait3A_186 = tpu.memref_squeeze %dma_wait3A_185 : memref<1x128xi32, #tpu.memory_space<vmem>> -> memref<128xi32, #tpu.memory_space<vmem>>
      %dma_wait3A_187 = arith.constant 0 : i32
      %dma_wait3A_188 = arith.constant 0 : i32
      %dma_wait3A_189 = tpu.memref_slice %arg4[%arg0, %dma_wait3A_187, %dma_wait3A_188] : memref<2x10240x64xbf16, #tpu.memory_space<hbm>> -> memref<1x10240x64xbf16, #tpu.memory_space<hbm>>
      %dma_wait3A_190 = tpu.memref_squeeze %dma_wait3A_189 : memref<1x10240x64xbf16, #tpu.memory_space<hbm>> -> memref<10240x64xbf16, #tpu.memory_space<hbm>>
      %dma_wait3A_191 = arith.constant 0 : i32
      %dma_wait3A_192 = arith.constant 0 : i32
      %dma_wait3A_193 = tpu.memref_slice %dma_wait3A_190[%dma_wait3A_191, %dma_wait3A_192] : memref<10240x64xbf16, #tpu.memory_space<hbm>> -> memref<10240x64xbf16, #tpu.memory_space<hbm>>
      tpu.wait_indirect_dma semaphore(%arg17 : memref<!tpu.dma_semaphore, #tpu.memory_space<semaphore_mem>>) src(%dma_wait3A_193 : memref<10240x64xbf16, #tpu.memory_space<hbm>>) dst(%arg9 : memref<128x64xbf16, #tpu.memory_space<vmem>>)
      %gt3A_194 = arith.constant 0 : i32
      %gt3A_195 = arith.cmpi sgt, %scan3A_149, %gt3A_194 : i32
      %convert_element_type3A_196 = arith.extui %gt3A_195 : i1 to i32
      %cond3A_197 = arith.constant 0 : i32
      %cond3A_198 = arith.cmpi ne, %convert_element_type3A_196, %cond3A_197 : i32
      scf.if %cond3A_198 {
        %sub3A_290 = arith.constant 2 : i32
        %sub3A_291 = arith.subi %add3A_183, %sub3A_290 : i32
        %dma_wait3A_292 = arith.constant 0 : i32
        %dma_wait3A_293 = tpu.memref_slice %arg7[%sub3A_291, %dma_wait3A_292] : memref<160x128xi32, #tpu.memory_space<vmem>> -> memref<1x128xi32, #tpu.memory_space<vmem>>
        %dma_wait3A_294 = tpu.memref_squeeze %dma_wait3A_293 : memref<1x128xi32, #tpu.memory_space<vmem>> -> memref<128xi32, #tpu.memory_space<vmem>>
        %dma_wait3A_295 = arith.constant 0 : i32
        %dma_wait3A_296 = arith.constant 0 : i32
        %dma_wait3A_297 = tpu.memref_slice %arg15[%dma_wait3A_295, %dma_wait3A_296] : memref<10240x64xf32, #tpu.memory_space<vmem_shared>> -> memref<10240x64xf32, #tpu.memory_space<vmem_shared>>
        tpu.wait_indirect_dma semaphore(%arg21 : memref<!tpu.dma_semaphore, #tpu.memory_space<semaphore_mem>>) src(%arg13 : memref<128x64xf32, #tpu.memory_space<vmem>>) dst(%dma_wait3A_297 : memref<10240x64xf32, #tpu.memory_space<vmem_shared>>)
      } else {
      }
      %parallel_loop3A_199 = arith.constant 0 : i32
      %parallel_loop3A_200 = arith.constant 128 : i32
      %parallel_loop3A_201 = arith.constant 1 : i32
      scf.for %parallel_loop3A_290 = %parallel_loop3A_199 to %parallel_loop3A_200 step %parallel_loop3A_201  : i32 {
        %parallel_loop3A_291 = arith.index_cast %parallel_loop3A_290 : i32 to index
        %parallel_loop3A_292 = arith.constant 0 : index
        %parallel_loop3A_293 = tpu.vector_load %arg9[%parallel_loop3A_291, %parallel_loop3A_292] {strides = array<i32>} : memref<128x64xbf16, #tpu.memory_space<vmem>>, vector<32xbf16>,
        %parallel_loop3A_294 = vector.bitcast %parallel_loop3A_293 : vector<32xbf16> to vector<16xi32>
        %parallel_loop3A_295 = arith.constant 16 : i32
        %parallel_loop3A_296 = vector.broadcast %parallel_loop3A_295 : i32 to vector<16xi32>
        %parallel_loop3A_297 = arith.shli %parallel_loop3A_294, %parallel_loop3A_296 : vector<16xi32>
        %parallel_loop3A_298 = vector.bitcast %parallel_loop3A_297 : vector<16xi32> to vector<16xf32>
        %parallel_loop3A_299 = arith.index_cast %parallel_loop3A_290 : i32 to index
        %parallel_loop3A_300 = arith.constant 0 : index
        %parallel_loop3A_301 = tpu.vector_load %arg13[%parallel_loop3A_299, %parallel_loop3A_300] {strides = array<i32>} : memref<128x64xf32, #tpu.memory_space<vmem>>, vector<16xf32>,
        tpu.vector_store %arg13[%parallel_loop3A_299, %parallel_loop3A_300], %parallel_loop3A_298 {strides = array<i32>} : memref<128x64xf32, #tpu.memory_space<vmem>>, vector<16xf32>,
        %parallel_loop3A_302 = arith.andi %parallel_loop3A_294, %broadcast_in_dim3A_88 : vector<16xi32>
        %parallel_loop3A_303 = vector.bitcast %parallel_loop3A_302 : vector<16xi32> to vector<16xf32>
        %parallel_loop3A_304 = arith.index_cast %parallel_loop3A_290 : i32 to index
        %parallel_loop3A_305 = arith.constant 16 : index
        %parallel_loop3A_306 = tpu.vector_load %arg13[%parallel_loop3A_304, %parallel_loop3A_305] {strides = array<i32>} : memref<128x64xf32, #tpu.memory_space<vmem>>, vector<16xf32>,
        tpu.vector_store %arg13[%parallel_loop3A_304, %parallel_loop3A_305], %parallel_loop3A_303 {strides = array<i32>} : memref<128x64xf32, #tpu.memory_space<vmem>>, vector<16xf32>,
        %parallel_loop3A_307 = arith.index_cast %parallel_loop3A_290 : i32 to index
        %parallel_loop3A_308 = arith.constant 32 : index
        %parallel_loop3A_309 = tpu.vector_load %arg9[%parallel_loop3A_307, %parallel_loop3A_308] {strides = array<i32>} : memref<128x64xbf16, #tpu.memory_space<vmem>>, vector<32xbf16>,
        %parallel_loop3A_310 = vector.bitcast %parallel_loop3A_309 : vector<32xbf16> to vector<16xi32>
        %parallel_loop3A_311 = arith.constant 16 : i32
        %parallel_loop3A_312 = vector.broadcast %parallel_loop3A_311 : i32 to vector<16xi32>
        %parallel_loop3A_313 = arith.shli %parallel_loop3A_310, %parallel_loop3A_312 : vector<16xi32>
        %parallel_loop3A_314 = vector.bitcast %parallel_loop3A_313 : vector<16xi32> to vector<16xf32>
        %parallel_loop3A_315 = arith.index_cast %parallel_loop3A_290 : i32 to index
        %parallel_loop3A_316 = arith.constant 32 : index
        %parallel_loop3A_317 = tpu.vector_load %arg13[%parallel_loop3A_315, %parallel_loop3A_316] {strides = array<i32>} : memref<128x64xf32, #tpu.memory_space<vmem>>, vector<16xf32>,
        tpu.vector_store %arg13[%parallel_loop3A_315, %parallel_loop3A_316], %parallel_loop3A_314 {strides = array<i32>} : memref<128x64xf32, #tpu.memory_space<vmem>>, vector<16xf32>,
        %parallel_loop3A_318 = arith.andi %parallel_loop3A_310, %broadcast_in_dim3A_88 : vector<16xi32>
        %parallel_loop3A_319 = vector.bitcast %parallel_loop3A_318 : vector<16xi32> to vector<16xf32>
        %parallel_loop3A_320 = arith.index_cast %parallel_loop3A_290 : i32 to index
        %parallel_loop3A_321 = arith.constant 48 : index
        %parallel_loop3A_322 = tpu.vector_load %arg13[%parallel_loop3A_320, %parallel_loop3A_321] {strides = array<i32>} : memref<128x64xf32, #tpu.memory_space<vmem>>, vector<16xf32>,
        tpu.vector_store %arg13[%parallel_loop3A_320, %parallel_loop3A_321], %parallel_loop3A_319 {strides = array<i32>} : memref<128x64xf32, #tpu.memory_space<vmem>>, vector<16xf32>,
      } {sc.loop_unroll_factor = 4 : i64, sc.parallel_access}
      %dma_start3A_202 = arith.constant 0 : i32
      %dma_start3A_203 = tpu.memref_slice %arg7[%add3A_183, %dma_start3A_202] : memref<160x128xi32, #tpu.memory_space<vmem>> -> memref<1x128xi32, #tpu.memory_space<vmem>>
      %dma_start3A_204 = tpu.memref_squeeze %dma_start3A_203 : memref<1x128xi32, #tpu.memory_space<vmem>> -> memref<128xi32, #tpu.memory_space<vmem>>
      %dma_start3A_205 = arith.constant 0 : i32
      %dma_start3A_206 = arith.constant 0 : i32
      %dma_start3A_207 = tpu.memref_slice %arg15[%dma_start3A_205, %dma_start3A_206] : memref<10240x64xf32, #tpu.memory_space<vmem_shared>> -> memref<10240x64xf32, #tpu.memory_space<vmem_shared>>
      tpu.enqueue_indirect_dma source(%arg13 : memref<128x64xf32, #tpu.memory_space<vmem>>) target(%dma_start3A_207 : memref<10240x64xf32, #tpu.memory_space<vmem_shared>>) offsets(%dma_start3A_204 : memref<128xi32, #tpu.memory_space<vmem>>) semaphore(%arg21 : memref<!tpu.dma_semaphore, #tpu.memory_space<semaphore_mem>>) {add = true}
      %add3A_208 = arith.constant 1 : i32
      %add3A_209 = arith.addi %scan3A_149, %add3A_208 : i32
      %lt3A_210 = arith.constant 40 : i32
      %lt3A_211 = arith.cmpi slt, %add3A_209, %lt3A_210 : i32
      %convert_element_type3A_212 = arith.extui %lt3A_211 : i1 to i32
      %cond3A_213 = arith.constant 0 : i32
      %cond3A_214 = arith.cmpi ne, %convert_element_type3A_212, %cond3A_213 : i32
      scf.if %cond3A_214 {
        %add3A_290 = arith.constant 4 : i32
        %add3A_291 = arith.addi %add3A_183, %add3A_290 : i32
        %dma_start3A_292 = arith.constant 0 : i32
        %dma_start3A_293 = tpu.memref_slice %arg6[%add3A_291, %dma_start3A_292] : memref<160x128xi32, #tpu.memory_space<vmem>> -> memref<1x128xi32, #tpu.memory_space<vmem>>
        %dma_start3A_294 = tpu.memref_squeeze %dma_start3A_293 : memref<1x128xi32, #tpu.memory_space<vmem>> -> memref<128xi32, #tpu.memory_space<vmem>>
        %dma_start3A_295 = arith.constant 0 : i32
        %dma_start3A_296 = arith.constant 0 : i32
        %dma_start3A_297 = tpu.memref_slice %arg4[%arg0, %dma_start3A_295, %dma_start3A_296] : memref<2x10240x64xbf16, #tpu.memory_space<hbm>> -> memref<1x10240x64xbf16, #tpu.memory_space<hbm>>
        %dma_start3A_298 = tpu.memref_squeeze %dma_start3A_297 : memref<1x10240x64xbf16, #tpu.memory_space<hbm>> -> memref<10240x64xbf16, #tpu.memory_space<hbm>>
        %dma_start3A_299 = arith.constant 0 : i32
        %dma_start3A_300 = arith.constant 0 : i32
        %dma_start3A_301 = tpu.memref_slice %dma_start3A_298[%dma_start3A_299, %dma_start3A_300] : memref<10240x64xbf16, #tpu.memory_space<hbm>> -> memref<10240x64xbf16, #tpu.memory_space<hbm>>
        tpu.enqueue_indirect_dma source(%dma_start3A_301 : memref<10240x64xbf16, #tpu.memory_space<hbm>>) target(%arg9 : memref<128x64xbf16, #tpu.memory_space<vmem>>) offsets(%dma_start3A_294 : memref<128xi32, #tpu.memory_space<vmem>>) semaphore(%arg17 : memref<!tpu.dma_semaphore, #tpu.memory_space<semaphore_mem>>)
      } else {
      }
      %mul3A_215 = arith.constant 4 : i32
      %mul3A_216 = arith.muli %scan3A_149, %mul3A_215 : i32
      %add3A_217 = arith.constant 2 : i32
      %add3A_218 = arith.addi %mul3A_216, %add3A_217 : i32
      %dma_wait3A_219 = arith.constant 0 : i32
      %dma_wait3A_220 = tpu.memref_slice %arg6[%add3A_218, %dma_wait3A_219] : memref<160x128xi32, #tpu.memory_space<vmem>> -> memref<1x128xi32, #tpu.memory_space<vmem>>
      %dma_wait3A_221 = tpu.memref_squeeze %dma_wait3A_220 : memref<1x128xi32, #tpu.memory_space<vmem>> -> memref<128xi32, #tpu.memory_space<vmem>>
      %dma_wait3A_222 = arith.constant 0 : i32
      %dma_wait3A_223 = arith.constant 0 : i32
      %dma_wait3A_224 = tpu.memref_slice %arg4[%arg0, %dma_wait3A_222, %dma_wait3A_223] : memref<2x10240x64xbf16, #tpu.memory_space<hbm>> -> memref<1x10240x64xbf16, #tpu.memory_space<hbm>>
      %dma_wait3A_225 = tpu.memref_squeeze %dma_wait3A_224 : memref<1x10240x64xbf16, #tpu.memory_space<hbm>> -> memref<10240x64xbf16, #tpu.memory_space<hbm>>
      %dma_wait3A_226 = arith.constant 0 : i32
      %dma_wait3A_227 = arith.constant 0 : i32
      %dma_wait3A_228 = tpu.memref_slice %dma_wait3A_225[%dma_wait3A_226, %dma_wait3A_227] : memref<10240x64xbf16, #tpu.memory_space<hbm>> -> memref<10240x64xbf16, #tpu.memory_space<hbm>>
      tpu.wait_indirect_dma semaphore(%arg18 : memref<!tpu.dma_semaphore, #tpu.memory_space<semaphore_mem>>) src(%dma_wait3A_228 : memref<10240x64xbf16, #tpu.memory_space<hbm>>) dst(%arg10 : memref<128x64xbf16, #tpu.memory_space<vmem>>)
      %sub3A = arith.constant 2 : i32
      %sub3A_229 = arith.subi %add3A_218, %sub3A : i32
      %dma_wait3A_230 = arith.constant 0 : i32
      %dma_wait3A_231 = tpu.memref_slice %arg7[%sub3A_229, %dma_wait3A_230] : memref<160x128xi32, #tpu.memory_space<vmem>> -> memref<1x128xi32, #tpu.memory_space<vmem>>
      %dma_wait3A_232 = tpu.memref_squeeze %dma_wait3A_231 : memref<1x128xi32, #tpu.memory_space<vmem>> -> memref<128xi32, #tpu.memory_space<vmem>>
      %dma_wait3A_233 = arith.constant 0 : i32
      %dma_wait3A_234 = arith.constant 0 : i32
      %dma_wait3A_235 = tpu.memref_slice %arg15[%dma_wait3A_233, %dma_wait3A_234] : memref<10240x64xf32, #tpu.memory_space<vmem_shared>> -> memref<10240x64xf32, #tpu.memory_space<vmem_shared>>
      tpu.wait_indirect_dma semaphore(%arg20 : memref<!tpu.dma_semaphore, #tpu.memory_space<semaphore_mem>>) src(%arg12 : memref<128x64xf32, #tpu.memory_space<vmem>>) dst(%dma_wait3A_235 : memref<10240x64xf32, #tpu.memory_space<vmem_shared>>)
      %parallel_loop3A_236 = arith.constant 0 : i32
      %parallel_loop3A_237 = arith.constant 128 : i32
      %parallel_loop3A_238 = arith.constant 1 : i32
      scf.for %parallel_loop3A_290 = %parallel_loop3A_236 to %parallel_loop3A_237 step %parallel_loop3A_238  : i32 {
        %parallel_loop3A_291 = arith.index_cast %parallel_loop3A_290 : i32 to index
        %parallel_loop3A_292 = arith.constant 0 : index
        %parallel_loop3A_293 = tpu.vector_load %arg10[%parallel_loop3A_291, %parallel_loop3A_292] {strides = array<i32>} : memref<128x64xbf16, #tpu.memory_space<vmem>>, vector<32xbf16>,
        %parallel_loop3A_294 = vector.bitcast %parallel_loop3A_293 : vector<32xbf16> to vector<16xi32>
        %parallel_loop3A_295 = arith.constant 16 : i32
        %parallel_loop3A_296 = vector.broadcast %parallel_loop3A_295 : i32 to vector<16xi32>
        %parallel_loop3A_297 = arith.shli %parallel_loop3A_294, %parallel_loop3A_296 : vector<16xi32>
        %parallel_loop3A_298 = vector.bitcast %parallel_loop3A_297 : vector<16xi32> to vector<16xf32>
        %parallel_loop3A_299 = arith.index_cast %parallel_loop3A_290 : i32 to index
        %parallel_loop3A_300 = arith.constant 0 : index
        %parallel_loop3A_301 = tpu.vector_load %arg12[%parallel_loop3A_299, %parallel_loop3A_300] {strides = array<i32>} : memref<128x64xf32, #tpu.memory_space<vmem>>, vector<16xf32>,
        tpu.vector_store %arg12[%parallel_loop3A_299, %parallel_loop3A_300], %parallel_loop3A_298 {strides = array<i32>} : memref<128x64xf32, #tpu.memory_space<vmem>>, vector<16xf32>,
        %parallel_loop3A_302 = arith.andi %parallel_loop3A_294, %broadcast_in_dim3A_88 : vector<16xi32>
        %parallel_loop3A_303 = vector.bitcast %parallel_loop3A_302 : vector<16xi32> to vector<16xf32>
        %parallel_loop3A_304 = arith.index_cast %parallel_loop3A_290 : i32 to index
        %parallel_loop3A_305 = arith.constant 16 : index
        %parallel_loop3A_306 = tpu.vector_load %arg12[%parallel_loop3A_304, %parallel_loop3A_305] {strides = array<i32>} : memref<128x64xf32, #tpu.memory_space<vmem>>, vector<16xf32>,
        tpu.vector_store %arg12[%parallel_loop3A_304, %parallel_loop3A_305], %parallel_loop3A_303 {strides = array<i32>} : memref<128x64xf32, #tpu.memory_space<vmem>>, vector<16xf32>,
        %parallel_loop3A_307 = arith.index_cast %parallel_loop3A_290 : i32 to index
        %parallel_loop3A_308 = arith.constant 32 : index
        %parallel_loop3A_309 = tpu.vector_load %arg10[%parallel_loop3A_307, %parallel_loop3A_308] {strides = array<i32>} : memref<128x64xbf16, #tpu.memory_space<vmem>>, vector<32xbf16>,
        %parallel_loop3A_310 = vector.bitcast %parallel_loop3A_309 : vector<32xbf16> to vector<16xi32>
        %parallel_loop3A_311 = arith.constant 16 : i32
        %parallel_loop3A_312 = vector.broadcast %parallel_loop3A_311 : i32 to vector<16xi32>
        %parallel_loop3A_313 = arith.shli %parallel_loop3A_310, %parallel_loop3A_312 : vector<16xi32>
        %parallel_loop3A_314 = vector.bitcast %parallel_loop3A_313 : vector<16xi32> to vector<16xf32>
        %parallel_loop3A_315 = arith.index_cast %parallel_loop3A_290 : i32 to index
        %parallel_loop3A_316 = arith.constant 32 : index
        %parallel_loop3A_317 = tpu.vector_load %arg12[%parallel_loop3A_315, %parallel_loop3A_316] {strides = array<i32>} : memref<128x64xf32, #tpu.memory_space<vmem>>, vector<16xf32>,
        tpu.vector_store %arg12[%parallel_loop3A_315, %parallel_loop3A_316], %parallel_loop3A_314 {strides = array<i32>} : memref<128x64xf32, #tpu.memory_space<vmem>>, vector<16xf32>,
        %parallel_loop3A_318 = arith.andi %parallel_loop3A_310, %broadcast_in_dim3A_88 : vector<16xi32>
        %parallel_loop3A_319 = vector.bitcast %parallel_loop3A_318 : vector<16xi32> to vector<16xf32>
        %parallel_loop3A_320 = arith.index_cast %parallel_loop3A_290 : i32 to index
        %parallel_loop3A_321 = arith.constant 48 : index
        %parallel_loop3A_322 = tpu.vector_load %arg12[%parallel_loop3A_320, %parallel_loop3A_321] {strides = array<i32>} : memref<128x64xf32, #tpu.memory_space<vmem>>, vector<16xf32>,
        tpu.vector_store %arg12[%parallel_loop3A_320, %parallel_loop3A_321], %parallel_loop3A_319 {strides = array<i32>} : memref<128x64xf32, #tpu.memory_space<vmem>>, vector<16xf32>,
      } {sc.loop_unroll_factor = 4 : i64, sc.parallel_access}
      %dma_start3A_239 = arith.constant 0 : i32
      %dma_start3A_240 = tpu.memref_slice %arg7[%add3A_218, %dma_start3A_239] : memref<160x128xi32, #tpu.memory_space<vmem>> -> memref<1x128xi32, #tpu.memory_space<vmem>>
      %dma_start3A_241 = tpu.memref_squeeze %dma_start3A_240 : memref<1x128xi32, #tpu.memory_space<vmem>> -> memref<128xi32, #tpu.memory_space<vmem>>
      %dma_start3A_242 = arith.constant 0 : i32
      %dma_start3A_243 = arith.constant 0 : i32
      %dma_start3A_244 = tpu.memref_slice %arg15[%dma_start3A_242, %dma_start3A_243] : memref<10240x64xf32, #tpu.memory_space<vmem_shared>> -> memref<10240x64xf32, #tpu.memory_space<vmem_shared>>
      tpu.enqueue_indirect_dma source(%arg12 : memref<128x64xf32, #tpu.memory_space<vmem>>) target(%dma_start3A_244 : memref<10240x64xf32, #tpu.memory_space<vmem_shared>>) offsets(%dma_start3A_241 : memref<128xi32, #tpu.memory_space<vmem>>) semaphore(%arg20 : memref<!tpu.dma_semaphore, #tpu.memory_space<semaphore_mem>>) {add = true}
      %add3A_245 = arith.constant 1 : i32
      %add3A_246 = arith.addi %scan3A_149, %add3A_245 : i32
      %lt3A_247 = arith.constant 40 : i32
      %lt3A_248 = arith.cmpi slt, %add3A_246, %lt3A_247 : i32
      %convert_element_type3A_249 = arith.extui %lt3A_248 : i1 to i32
      %cond3A_250 = arith.constant 0 : i32
      %cond3A_251 = arith.cmpi ne, %convert_element_type3A_249, %cond3A_250 : i32
      scf.if %cond3A_251 {
        %add3A_290 = arith.constant 4 : i32
        %add3A_291 = arith.addi %add3A_218, %add3A_290 : i32
        %dma_start3A_292 = arith.constant 0 : i32
        %dma_start3A_293 = tpu.memref_slice %arg6[%add3A_291, %dma_start3A_292] : memref<160x128xi32, #tpu.memory_space<vmem>> -> memref<1x128xi32, #tpu.memory_space<vmem>>
        %dma_start3A_294 = tpu.memref_squeeze %dma_start3A_293 : memref<1x128xi32, #tpu.memory_space<vmem>> -> memref<128xi32, #tpu.memory_space<vmem>>
        %dma_start3A_295 = arith.constant 0 : i32
        %dma_start3A_296 = arith.constant 0 : i32
        %dma_start3A_297 = tpu.memref_slice %arg4[%arg0, %dma_start3A_295, %dma_start3A_296] : memref<2x10240x64xbf16, #tpu.memory_space<hbm>> -> memref<1x10240x64xbf16, #tpu.memory_space<hbm>>
        %dma_start3A_298 = tpu.memref_squeeze %dma_start3A_297 : memref<1x10240x64xbf16, #tpu.memory_space<hbm>> -> memref<10240x64xbf16, #tpu.memory_space<hbm>>
        %dma_start3A_299 = arith.constant 0 : i32
        %dma_start3A_300 = arith.constant 0 : i32
        %dma_start3A_301 = tpu.memref_slice %dma_start3A_298[%dma_start3A_299, %dma_start3A_300] : memref<10240x64xbf16, #tpu.memory_space<hbm>> -> memref<10240x64xbf16, #tpu.memory_space<hbm>>
        tpu.enqueue_indirect_dma source(%dma_start3A_301 : memref<10240x64xbf16, #tpu.memory_space<hbm>>) target(%arg10 : memref<128x64xbf16, #tpu.memory_space<vmem>>) offsets(%dma_start3A_294 : memref<128xi32, #tpu.memory_space<vmem>>) semaphore(%arg18 : memref<!tpu.dma_semaphore, #tpu.memory_space<semaphore_mem>>)
      } else {
      }
      %mul3A_252 = arith.constant 4 : i32
      %mul3A_253 = arith.muli %scan3A_149, %mul3A_252 : i32
      %add3A_254 = arith.constant 3 : i32
      %add3A_255 = arith.addi %mul3A_253, %add3A_254 : i32
      %dma_wait3A_256 = arith.constant 0 : i32
      %dma_wait3A_257 = tpu.memref_slice %arg6[%add3A_255, %dma_wait3A_256] : memref<160x128xi32, #tpu.memory_space<vmem>> -> memref<1x128xi32, #tpu.memory_space<vmem>>
      %dma_wait3A_258 = tpu.memref_squeeze %dma_wait3A_257 : memref<1x128xi32, #tpu.memory_space<vmem>> -> memref<128xi32, #tpu.memory_space<vmem>>
      %dma_wait3A_259 = arith.constant 0 : i32
      %dma_wait3A_260 = arith.constant 0 : i32
      %dma_wait3A_261 = tpu.memref_slice %arg4[%arg0, %dma_wait3A_259, %dma_wait3A_260] : memref<2x10240x64xbf16, #tpu.memory_space<hbm>> -> memref<1x10240x64xbf16, #tpu.memory_space<hbm>>
      %dma_wait3A_262 = tpu.memref_squeeze %dma_wait3A_261 : memref<1x10240x64xbf16, #tpu.memory_space<hbm>> -> memref<10240x64xbf16, #tpu.memory_space<hbm>>
      %dma_wait3A_263 = arith.constant 0 : i32
      %dma_wait3A_264 = arith.constant 0 : i32
      %dma_wait3A_265 = tpu.memref_slice %dma_wait3A_262[%dma_wait3A_263, %dma_wait3A_264] : memref<10240x64xbf16, #tpu.memory_space<hbm>> -> memref<10240x64xbf16, #tpu.memory_space<hbm>>
      tpu.wait_indirect_dma semaphore(%arg19 : memref<!tpu.dma_semaphore, #tpu.memory_space<semaphore_mem>>) src(%dma_wait3A_265 : memref<10240x64xbf16, #tpu.memory_space<hbm>>) dst(%arg11 : memref<128x64xbf16, #tpu.memory_space<vmem>>)
      %sub3A_266 = arith.constant 2 : i32
      %sub3A_267 = arith.subi %add3A_255, %sub3A_266 : i32
      %dma_wait3A_268 = arith.constant 0 : i32
      %dma_wait3A_269 = tpu.memref_slice %arg7[%sub3A_267, %dma_wait3A_268] : memref<160x128xi32, #tpu.memory_space<vmem>> -> memref<1x128xi32, #tpu.memory_space<vmem>>
      %dma_wait3A_270 = tpu.memref_squeeze %dma_wait3A_269 : memref<1x128xi32, #tpu.memory_space<vmem>> -> memref<128xi32, #tpu.memory_space<vmem>>
      %dma_wait3A_271 = arith.constant 0 : i32
      %dma_wait3A_272 = arith.constant 0 : i32
      %dma_wait3A_273 = tpu.memref_slice %arg15[%dma_wait3A_271, %dma_wait3A_272] : memref<10240x64xf32, #tpu.memory_space<vmem_shared>> -> memref<10240x64xf32, #tpu.memory_space<vmem_shared>>
      tpu.wait_indirect_dma semaphore(%arg21 : memref<!tpu.dma_semaphore, #tpu.memory_space<semaphore_mem>>) src(%arg13 : memref<128x64xf32, #tpu.memory_space<vmem>>) dst(%dma_wait3A_273 : memref<10240x64xf32, #tpu.memory_space<vmem_shared>>)
      %parallel_loop3A_274 = arith.constant 0 : i32
      %parallel_loop3A_275 = arith.constant 128 : i32
      %parallel_loop3A_276 = arith.constant 1 : i32
      scf.for %parallel_loop3A_290 = %parallel_loop3A_274 to %parallel_loop3A_275 step %parallel_loop3A_276  : i32 {
        %parallel_loop3A_291 = arith.index_cast %parallel_loop3A_290 : i32 to index
        %parallel_loop3A_292 = arith.constant 0 : index
        %parallel_loop3A_293 = tpu.vector_load %arg11[%parallel_loop3A_291, %parallel_loop3A_292] {strides = array<i32>} : memref<128x64xbf16, #tpu.memory_space<vmem>>, vector<32xbf16>,
        %parallel_loop3A_294 = vector.bitcast %parallel_loop3A_293 : vector<32xbf16> to vector<16xi32>
        %parallel_loop3A_295 = arith.constant 16 : i32
        %parallel_loop3A_296 = vector.broadcast %parallel_loop3A_295 : i32 to vector<16xi32>
        %parallel_loop3A_297 = arith.shli %parallel_loop3A_294, %parallel_loop3A_296 : vector<16xi32>
        %parallel_loop3A_298 = vector.bitcast %parallel_loop3A_297 : vector<16xi32> to vector<16xf32>
        %parallel_loop3A_299 = arith.index_cast %parallel_loop3A_290 : i32 to index
        %parallel_loop3A_300 = arith.constant 0 : index
        %parallel_loop3A_301 = tpu.vector_load %arg13[%parallel_loop3A_299, %parallel_loop3A_300] {strides = array<i32>} : memref<128x64xf32, #tpu.memory_space<vmem>>, vector<16xf32>,
        tpu.vector_store %arg13[%parallel_loop3A_299, %parallel_loop3A_300], %parallel_loop3A_298 {strides = array<i32>} : memref<128x64xf32, #tpu.memory_space<vmem>>, vector<16xf32>,
        %parallel_loop3A_302 = arith.andi %parallel_loop3A_294, %broadcast_in_dim3A_88 : vector<16xi32>
        %parallel_loop3A_303 = vector.bitcast %parallel_loop3A_302 : vector<16xi32> to vector<16xf32>
        %parallel_loop3A_304 = arith.index_cast %parallel_loop3A_290 : i32 to index
        %parallel_loop3A_305 = arith.constant 16 : index
        %parallel_loop3A_306 = tpu.vector_load %arg13[%parallel_loop3A_304, %parallel_loop3A_305] {strides = array<i32>} : memref<128x64xf32, #tpu.memory_space<vmem>>, vector<16xf32>,
        tpu.vector_store %arg13[%parallel_loop3A_304, %parallel_loop3A_305], %parallel_loop3A_303 {strides = array<i32>} : memref<128x64xf32, #tpu.memory_space<vmem>>, vector<16xf32>,
        %parallel_loop3A_307 = arith.index_cast %parallel_loop3A_290 : i32 to index
        %parallel_loop3A_308 = arith.constant 32 : index
        %parallel_loop3A_309 = tpu.vector_load %arg11[%parallel_loop3A_307, %parallel_loop3A_308] {strides = array<i32>} : memref<128x64xbf16, #tpu.memory_space<vmem>>, vector<32xbf16>,
        %parallel_loop3A_310 = vector.bitcast %parallel_loop3A_309 : vector<32xbf16> to vector<16xi32>
        %parallel_loop3A_311 = arith.constant 16 : i32
        %parallel_loop3A_312 = vector.broadcast %parallel_loop3A_311 : i32 to vector<16xi32>
        %parallel_loop3A_313 = arith.shli %parallel_loop3A_310, %parallel_loop3A_312 : vector<16xi32>
        %parallel_loop3A_314 = vector.bitcast %parallel_loop3A_313 : vector<16xi32> to vector<16xf32>
        %parallel_loop3A_315 = arith.index_cast %parallel_loop3A_290 : i32 to index
        %parallel_loop3A_316 = arith.constant 32 : index
        %parallel_loop3A_317 = tpu.vector_load %arg13[%parallel_loop3A_315, %parallel_loop3A_316] {strides = array<i32>} : memref<128x64xf32, #tpu.memory_space<vmem>>, vector<16xf32>,
        tpu.vector_store %arg13[%parallel_loop3A_315, %parallel_loop3A_316], %parallel_loop3A_314 {strides = array<i32>} : memref<128x64xf32, #tpu.memory_space<vmem>>, vector<16xf32>,
        %parallel_loop3A_318 = arith.andi %parallel_loop3A_310, %broadcast_in_dim3A_88 : vector<16xi32>
        %parallel_loop3A_319 = vector.bitcast %parallel_loop3A_318 : vector<16xi32> to vector<16xf32>
        %parallel_loop3A_320 = arith.index_cast %parallel_loop3A_290 : i32 to index
        %parallel_loop3A_321 = arith.constant 48 : index
        %parallel_loop3A_322 = tpu.vector_load %arg13[%parallel_loop3A_320, %parallel_loop3A_321] {strides = array<i32>} : memref<128x64xf32, #tpu.memory_space<vmem>>, vector<16xf32>,
        tpu.vector_store %arg13[%parallel_loop3A_320, %parallel_loop3A_321], %parallel_loop3A_319 {strides = array<i32>} : memref<128x64xf32, #tpu.memory_space<vmem>>, vector<16xf32>,
      } {sc.loop_unroll_factor = 4 : i64, sc.parallel_access}
      %dma_start3A_277 = arith.constant 0 : i32
      %dma_start3A_278 = tpu.memref_slice %arg7[%add3A_255, %dma_start3A_277] : memref<160x128xi32, #tpu.memory_space<vmem>> -> memref<1x128xi32, #tpu.memory_space<vmem>>
      %dma_start3A_279 = tpu.memref_squeeze %dma_start3A_278 : memref<1x128xi32, #tpu.memory_space<vmem>> -> memref<128xi32, #tpu.memory_space<vmem>>
      %dma_start3A_280 = arith.constant 0 : i32
      %dma_start3A_281 = arith.constant 0 : i32
      %dma_start3A_282 = tpu.memref_slice %arg15[%dma_start3A_280, %dma_start3A_281] : memref<10240x64xf32, #tpu.memory_space<vmem_shared>> -> memref<10240x64xf32, #tpu.memory_space<vmem_shared>>
      tpu.enqueue_indirect_dma source(%arg13 : memref<128x64xf32, #tpu.memory_space<vmem>>) target(%dma_start3A_282 : memref<10240x64xf32, #tpu.memory_space<vmem_shared>>) offsets(%dma_start3A_279 : memref<128xi32, #tpu.memory_space<vmem>>) semaphore(%arg21 : memref<!tpu.dma_semaphore, #tpu.memory_space<semaphore_mem>>) {add = true}
      %add3A_283 = arith.constant 1 : i32
      %add3A_284 = arith.addi %scan3A_149, %add3A_283 : i32
      %lt3A_285 = arith.constant 40 : i32
      %lt3A_286 = arith.cmpi slt, %add3A_284, %lt3A_285 : i32
      %convert_element_type3A_287 = arith.extui %lt3A_286 : i1 to i32
      %cond3A_288 = arith.constant 0 : i32
      %cond3A_289 = arith.cmpi ne, %convert_element_type3A_287, %cond3A_288 : i32
      scf.if %cond3A_289 {
        %add3A_290 = arith.constant 4 : i32
        %add3A_291 = arith.addi %add3A_255, %add3A_290 : i32
        %dma_start3A_292 = arith.constant 0 : i32
        %dma_start3A_293 = tpu.memref_slice %arg6[%add3A_291, %dma_start3A_292] : memref<160x128xi32, #tpu.memory_space<vmem>> -> memref<1x128xi32, #tpu.memory_space<vmem>>
        %dma_start3A_294 = tpu.memref_squeeze %dma_start3A_293 : memref<1x128xi32, #tpu.memory_space<vmem>> -> memref<128xi32, #tpu.memory_space<vmem>>
        %dma_start3A_295 = arith.constant 0 : i32
        %dma_start3A_296 = arith.constant 0 : i32
        %dma_start3A_297 = tpu.memref_slice %arg4[%arg0, %dma_start3A_295, %dma_start3A_296] : memref<2x10240x64xbf16, #tpu.memory_space<hbm>> -> memref<1x10240x64xbf16, #tpu.memory_space<hbm>>
        %dma_start3A_298 = tpu.memref_squeeze %dma_start3A_297 : memref<1x10240x64xbf16, #tpu.memory_space<hbm>> -> memref<10240x64xbf16, #tpu.memory_space<hbm>>
        %dma_start3A_299 = arith.constant 0 : i32
        %dma_start3A_300 = arith.constant 0 : i32
        %dma_start3A_301 = tpu.memref_slice %dma_start3A_298[%dma_start3A_299, %dma_start3A_300] : memref<10240x64xbf16, #tpu.memory_space<hbm>> -> memref<10240x64xbf16, #tpu.memory_space<hbm>>
        tpu.enqueue_indirect_dma source(%dma_start3A_301 : memref<10240x64xbf16, #tpu.memory_space<hbm>>) target(%arg11 : memref<128x64xbf16, #tpu.memory_space<vmem>>) offsets(%dma_start3A_294 : memref<128xi32, #tpu.memory_space<vmem>>) semaphore(%arg19 : memref<!tpu.dma_semaphore, #tpu.memory_space<semaphore_mem>>)
      } else {
      }
    }
    %scan3A_94 = arith.constant 40 : i32
    %dma_wait3A = arith.constant 158 : i32
    %dma_wait3A_95 = arith.constant 0 : i32
    %dma_wait3A_96 = tpu.memref_slice %arg7[%dma_wait3A, %dma_wait3A_95] : memref<160x128xi32, #tpu.memory_space<vmem>> -> memref<1x128xi32, #tpu.memory_space<vmem>>
    %dma_wait3A_97 = tpu.memref_squeeze %dma_wait3A_96 : memref<1x128xi32, #tpu.memory_space<vmem>> -> memref<128xi32, #tpu.memory_space<vmem>>
    %dma_wait3A_98 = arith.constant 0 : i32
    %dma_wait3A_99 = arith.constant 0 : i32
    %dma_wait3A_100 = tpu.memref_slice %arg15[%dma_wait3A_98, %dma_wait3A_99] : memref<10240x64xf32, #tpu.memory_space<vmem_shared>> -> memref<10240x64xf32, #tpu.memory_space<vmem_shared>>
    tpu.wait_indirect_dma semaphore(%arg20 : memref<!tpu.dma_semaphore, #tpu.memory_space<semaphore_mem>>) src(%arg12 : memref<128x64xf32, #tpu.memory_space<vmem>>) dst(%dma_wait3A_100 : memref<10240x64xf32, #tpu.memory_space<vmem_shared>>)
    %dma_wait3A_101 = arith.constant 159 : i32
    %dma_wait3A_102 = arith.constant 0 : i32
    %dma_wait3A_103 = tpu.memref_slice %arg7[%dma_wait3A_101, %dma_wait3A_102] : memref<160x128xi32, #tpu.memory_space<vmem>> -> memref<1x128xi32, #tpu.memory_space<vmem>>
    %dma_wait3A_104 = tpu.memref_squeeze %dma_wait3A_103 : memref<1x128xi32, #tpu.memory_space<vmem>> -> memref<128xi32, #tpu.memory_space<vmem>>
    %dma_wait3A_105 = arith.constant 0 : i32
    %dma_wait3A_106 = arith.constant 0 : i32
    %dma_wait3A_107 = tpu.memref_slice %arg15[%dma_wait3A_105, %dma_wait3A_106] : memref<10240x64xf32, #tpu.memory_space<vmem_shared>> -> memref<10240x64xf32, #tpu.memory_space<vmem_shared>>
    tpu.wait_indirect_dma semaphore(%arg21 : memref<!tpu.dma_semaphore, #tpu.memory_space<semaphore_mem>>) src(%arg13 : memref<128x64xf32, #tpu.memory_space<vmem>>) dst(%dma_wait3A_107 : memref<10240x64xf32, #tpu.memory_space<vmem_shared>>)
    %barrier3A_108 = arith.constant 0 : index
    tpu.barrier barrier_id(%barrier3A_108)
    %mul3A_109 = arith.constant 640 : i32
    %mul3A_110 = arith.muli %arg1, %mul3A_109 : i32
    %add3A_111 = arith.constant 0 : i32
    %add3A_112 = arith.addi %mul3A_110, %add3A_111 : i32
    "tpu.region"() ({
      %run_scoped3A = tpu.sem_alloc : memref<!tpu.dma_semaphore, #tpu.memory_space<semaphore_mem>>
      %dma_start3A_149 = arith.constant 0 : i32
      %dma_start3A_150 = tpu.memref_slice %arg5[%arg0, %add3A_112, %dma_start3A_149] : memref<2x10240x64xf32, #tpu.memory_space<hbm>> -> memref<1x64x64xf32, #tpu.memory_space<hbm>>
      %dma_start3A_151 = tpu.memref_squeeze %dma_start3A_150 : memref<1x64x64xf32, #tpu.memory_space<hbm>> -> memref<64x64xf32, #tpu.memory_space<hbm>>
      %dma_start3A_152 = arith.constant 0 : i32
      %dma_start3A_153 = tpu.memref_slice %arg15[%add3A_112, %dma_start3A_152] : memref<10240x64xf32, #tpu.memory_space<vmem_shared>> -> memref<64x64xf32, #tpu.memory_space<vmem_shared>>
      tpu.enqueue_dma source(%dma_start3A_153 : memref<64x64xf32, #tpu.memory_space<vmem_shared>>) target(%dma_start3A_151 : memref<64x64xf32, #tpu.memory_space<hbm>>) target_semaphore(%run_scoped3A : memref<!tpu.dma_semaphore, #tpu.memory_space<semaphore_mem>>)
      %dma_wait3A_154 = arith.constant 0 : i32
      %dma_wait3A_155 = tpu.memref_slice %arg5[%arg0, %add3A_112, %dma_wait3A_154] : memref<2x10240x64xf32, #tpu.memory_space<hbm>> -> memref<1x64x64xf32, #tpu.memory_space<hbm>>
      %dma_wait3A_156 = tpu.memref_squeeze %dma_wait3A_155 : memref<1x64x64xf32, #tpu.memory_space<hbm>> -> memref<64x64xf32, #tpu.memory_space<hbm>>
      %dma_wait3A_157 = arith.constant 0 : i32
      %dma_wait3A_158 = tpu.memref_slice %arg15[%add3A_112, %dma_wait3A_157] : memref<10240x64xf32, #tpu.memory_space<vmem_shared>> -> memref<64x64xf32, #tpu.memory_space<vmem_shared>>
      tpu.wait_dma2 semaphore(%run_scoped3A : memref<!tpu.dma_semaphore, #tpu.memory_space<semaphore_mem>>) src(%dma_wait3A_158 : memref<64x64xf32, #tpu.memory_space<vmem_shared>>) dst(%dma_wait3A_156 : memref<64x64xf32, #tpu.memory_space<hbm>>)
      tpu.yield
    }) : () -> ()
    %mul3A_113 = arith.constant 640 : i32
    %mul3A_114 = arith.muli %arg1, %mul3A_113 : i32
    %add3A_115 = arith.constant 64 : i32
    %add3A_116 = arith.addi %mul3A_114, %add3A_115 : i32
    "tpu.region"() ({
      %run_scoped3A = tpu.sem_alloc : memref<!tpu.dma_semaphore, #tpu.memory_space<semaphore_mem>>
      %dma_start3A_149 = arith.constant 0 : i32
      %dma_start3A_150 = tpu.memref_slice %arg5[%arg0, %add3A_116, %dma_start3A_149] : memref<2x10240x64xf32, #tpu.memory_space<hbm>> -> memref<1x64x64xf32, #tpu.memory_space<hbm>>
      %dma_start3A_151 = tpu.memref_squeeze %dma_start3A_150 : memref<1x64x64xf32, #tpu.memory_space<hbm>> -> memref<64x64xf32, #tpu.memory_space<hbm>>
      %dma_start3A_152 = arith.constant 0 : i32
      %dma_start3A_153 = tpu.memref_slice %arg15[%add3A_116, %dma_start3A_152] : memref<10240x64xf32, #tpu.memory_space<vmem_shared>> -> memref<64x64xf32, #tpu.memory_space<vmem_shared>>
      tpu.enqueue_dma source(%dma_start3A_153 : memref<64x64xf32, #tpu.memory_space<vmem_shared>>) target(%dma_start3A_151 : memref<64x64xf32, #tpu.memory_space<hbm>>) target_semaphore(%run_scoped3A : memref<!tpu.dma_semaphore, #tpu.memory_space<semaphore_mem>>)
      %dma_wait3A_154 = arith.constant 0 : i32
      %dma_wait3A_155 = tpu.memref_slice %arg5[%arg0, %add3A_116, %dma_wait3A_154] : memref<2x10240x64xf32, #tpu.memory_space<hbm>> -> memref<1x64x64xf32, #tpu.memory_space<hbm>>
      %dma_wait3A_156 = tpu.memref_squeeze %dma_wait3A_155 : memref<1x64x64xf32, #tpu.memory_space<hbm>> -> memref<64x64xf32, #tpu.memory_space<hbm>>
      %dma_wait3A_157 = arith.constant 0 : i32
      %dma_wait3A_158 = tpu.memref_slice %arg15[%add3A_116, %dma_wait3A_157] : memref<10240x64xf32, #tpu.memory_space<vmem_shared>> -> memref<64x64xf32, #tpu.memory_space<vmem_shared>>
      tpu.wait_dma2 semaphore(%run_scoped3A : memref<!tpu.dma_semaphore, #tpu.memory_space<semaphore_mem>>) src(%dma_wait3A_158 : memref<64x64xf32, #tpu.memory_space<vmem_shared>>) dst(%dma_wait3A_156 : memref<64x64xf32, #tpu.memory_space<hbm>>)
      tpu.yield
    }) : () -> ()
    %mul3A_117 = arith.constant 640 : i32
    %mul3A_118 = arith.muli %arg1, %mul3A_117 : i32
    %add3A_119 = arith.constant 128 : i32
    %add3A_120 = arith.addi %mul3A_118, %add3A_119 : i32
    "tpu.region"() ({
      %run_scoped3A = tpu.sem_alloc : memref<!tpu.dma_semaphore, #tpu.memory_space<semaphore_mem>>
      %dma_start3A_149 = arith.constant 0 : i32
      %dma_start3A_150 = tpu.memref_slice %arg5[%arg0, %add3A_120, %dma_start3A_149] : memref<2x10240x64xf32, #tpu.memory_space<hbm>> -> memref<1x64x64xf32, #tpu.memory_space<hbm>>
      %dma_start3A_151 = tpu.memref_squeeze %dma_start3A_150 : memref<1x64x64xf32, #tpu.memory_space<hbm>> -> memref<64x64xf32, #tpu.memory_space<hbm>>
      %dma_start3A_152 = arith.constant 0 : i32
      %dma_start3A_153 = tpu.memref_slice %arg15[%add3A_120, %dma_start3A_152] : memref<10240x64xf32, #tpu.memory_space<vmem_shared>> -> memref<64x64xf32, #tpu.memory_space<vmem_shared>>
      tpu.enqueue_dma source(%dma_start3A_153 : memref<64x64xf32, #tpu.memory_space<vmem_shared>>) target(%dma_start3A_151 : memref<64x64xf32, #tpu.memory_space<hbm>>) target_semaphore(%run_scoped3A : memref<!tpu.dma_semaphore, #tpu.memory_space<semaphore_mem>>)
      %dma_wait3A_154 = arith.constant 0 : i32
      %dma_wait3A_155 = tpu.memref_slice %arg5[%arg0, %add3A_120, %dma_wait3A_154] : memref<2x10240x64xf32, #tpu.memory_space<hbm>> -> memref<1x64x64xf32, #tpu.memory_space<hbm>>
      %dma_wait3A_156 = tpu.memref_squeeze %dma_wait3A_155 : memref<1x64x64xf32, #tpu.memory_space<hbm>> -> memref<64x64xf32, #tpu.memory_space<hbm>>
      %dma_wait3A_157 = arith.constant 0 : i32
      %dma_wait3A_158 = tpu.memref_slice %arg15[%add3A_120, %dma_wait3A_157] : memref<10240x64xf32, #tpu.memory_space<vmem_shared>> -> memref<64x64xf32, #tpu.memory_space<vmem_shared>>
      tpu.wait_dma2 semaphore(%run_scoped3A : memref<!tpu.dma_semaphore, #tpu.memory_space<semaphore_mem>>) src(%dma_wait3A_158 : memref<64x64xf32, #tpu.memory_space<vmem_shared>>) dst(%dma_wait3A_156 : memref<64x64xf32, #tpu.memory_space<hbm>>)
      tpu.yield
    }) : () -> ()
    %mul3A_121 = arith.constant 640 : i32
    %mul3A_122 = arith.muli %arg1, %mul3A_121 : i32
    %add3A_123 = arith.constant 192 : i32
    %add3A_124 = arith.addi %mul3A_122, %add3A_123 : i32
    "tpu.region"() ({
      %run_scoped3A = tpu.sem_alloc : memref<!tpu.dma_semaphore, #tpu.memory_space<semaphore_mem>>
      %dma_start3A_149 = arith.constant 0 : i32
      %dma_start3A_150 = tpu.memref_slice %arg5[%arg0, %add3A_124, %dma_start3A_149] : memref<2x10240x64xf32, #tpu.memory_space<hbm>> -> memref<1x64x64xf32, #tpu.memory_space<hbm>>
      %dma_start3A_151 = tpu.memref_squeeze %dma_start3A_150 : memref<1x64x64xf32, #tpu.memory_space<hbm>> -> memref<64x64xf32, #tpu.memory_space<hbm>>
      %dma_start3A_152 = arith.constant 0 : i32
      %dma_start3A_153 = tpu.memref_slice %arg15[%add3A_124, %dma_start3A_152] : memref<10240x64xf32, #tpu.memory_space<vmem_shared>> -> memref<64x64xf32, #tpu.memory_space<vmem_shared>>
      tpu.enqueue_dma source(%dma_start3A_153 : memref<64x64xf32, #tpu.memory_space<vmem_shared>>) target(%dma_start3A_151 : memref<64x64xf32, #tpu.memory_space<hbm>>) target_semaphore(%run_scoped3A : memref<!tpu.dma_semaphore, #tpu.memory_space<semaphore_mem>>)
      %dma_wait3A_154 = arith.constant 0 : i32
      %dma_wait3A_155 = tpu.memref_slice %arg5[%arg0, %add3A_124, %dma_wait3A_154] : memref<2x10240x64xf32, #tpu.memory_space<hbm>> -> memref<1x64x64xf32, #tpu.memory_space<hbm>>
      %dma_wait3A_156 = tpu.memref_squeeze %dma_wait3A_155 : memref<1x64x64xf32, #tpu.memory_space<hbm>> -> memref<64x64xf32, #tpu.memory_space<hbm>>
      %dma_wait3A_157 = arith.constant 0 : i32
      %dma_wait3A_158 = tpu.memref_slice %arg15[%add3A_124, %dma_wait3A_157] : memref<10240x64xf32, #tpu.memory_space<vmem_shared>> -> memref<64x64xf32, #tpu.memory_space<vmem_shared>>
      tpu.wait_dma2 semaphore(%run_scoped3A : memref<!tpu.dma_semaphore, #tpu.memory_space<semaphore_mem>>) src(%dma_wait3A_158 : memref<64x64xf32, #tpu.memory_space<vmem_shared>>) dst(%dma_wait3A_156 : memref<64x64xf32, #tpu.memory_space<hbm>>)
      tpu.yield
    }) : () -> ()
    %mul3A_125 = arith.constant 640 : i32
    %mul3A_126 = arith.muli %arg1, %mul3A_125 : i32
    %add3A_127 = arith.constant 256 : i32
    %add3A_128 = arith.addi %mul3A_126, %add3A_127 : i32
    "tpu.region"() ({
      %run_scoped3A = tpu.sem_alloc : memref<!tpu.dma_semaphore, #tpu.memory_space<semaphore_mem>>
      %dma_start3A_149 = arith.constant 0 : i32
      %dma_start3A_150 = tpu.memref_slice %arg5[%arg0, %add3A_128, %dma_start3A_149] : memref<2x10240x64xf32, #tpu.memory_space<hbm>> -> memref<1x64x64xf32, #tpu.memory_space<hbm>>
      %dma_start3A_151 = tpu.memref_squeeze %dma_start3A_150 : memref<1x64x64xf32, #tpu.memory_space<hbm>> -> memref<64x64xf32, #tpu.memory_space<hbm>>
      %dma_start3A_152 = arith.constant 0 : i32
      %dma_start3A_153 = tpu.memref_slice %arg15[%add3A_128, %dma_start3A_152] : memref<10240x64xf32, #tpu.memory_space<vmem_shared>> -> memref<64x64xf32, #tpu.memory_space<vmem_shared>>
      tpu.enqueue_dma source(%dma_start3A_153 : memref<64x64xf32, #tpu.memory_space<vmem_shared>>) target(%dma_start3A_151 : memref<64x64xf32, #tpu.memory_space<hbm>>) target_semaphore(%run_scoped3A : memref<!tpu.dma_semaphore, #tpu.memory_space<semaphore_mem>>)
      %dma_wait3A_154 = arith.constant 0 : i32
      %dma_wait3A_155 = tpu.memref_slice %arg5[%arg0, %add3A_128, %dma_wait3A_154] : memref<2x10240x64xf32, #tpu.memory_space<hbm>> -> memref<1x64x64xf32, #tpu.memory_space<hbm>>
      %dma_wait3A_156 = tpu.memref_squeeze %dma_wait3A_155 : memref<1x64x64xf32, #tpu.memory_space<hbm>> -> memref<64x64xf32, #tpu.memory_space<hbm>>
      %dma_wait3A_157 = arith.constant 0 : i32
      %dma_wait3A_158 = tpu.memref_slice %arg15[%add3A_128, %dma_wait3A_157] : memref<10240x64xf32, #tpu.memory_space<vmem_shared>> -> memref<64x64xf32, #tpu.memory_space<vmem_shared>>
      tpu.wait_dma2 semaphore(%run_scoped3A : memref<!tpu.dma_semaphore, #tpu.memory_space<semaphore_mem>>) src(%dma_wait3A_158 : memref<64x64xf32, #tpu.memory_space<vmem_shared>>) dst(%dma_wait3A_156 : memref<64x64xf32, #tpu.memory_space<hbm>>)
      tpu.yield
    }) : () -> ()
    %mul3A_129 = arith.constant 640 : i32
    %mul3A_130 = arith.muli %arg1, %mul3A_129 : i32
    %add3A_131 = arith.constant 320 : i32
    %add3A_132 = arith.addi %mul3A_130, %add3A_131 : i32
    "tpu.region"() ({
      %run_scoped3A = tpu.sem_alloc : memref<!tpu.dma_semaphore, #tpu.memory_space<semaphore_mem>>
      %dma_start3A_149 = arith.constant 0 : i32
      %dma_start3A_150 = tpu.memref_slice %arg5[%arg0, %add3A_132, %dma_start3A_149] : memref<2x10240x64xf32, #tpu.memory_space<hbm>> -> memref<1x64x64xf32, #tpu.memory_space<hbm>>
      %dma_start3A_151 = tpu.memref_squeeze %dma_start3A_150 : memref<1x64x64xf32, #tpu.memory_space<hbm>> -> memref<64x64xf32, #tpu.memory_space<hbm>>
      %dma_start3A_152 = arith.constant 0 : i32
      %dma_start3A_153 = tpu.memref_slice %arg15[%add3A_132, %dma_start3A_152] : memref<10240x64xf32, #tpu.memory_space<vmem_shared>> -> memref<64x64xf32, #tpu.memory_space<vmem_shared>>
      tpu.enqueue_dma source(%dma_start3A_153 : memref<64x64xf32, #tpu.memory_space<vmem_shared>>) target(%dma_start3A_151 : memref<64x64xf32, #tpu.memory_space<hbm>>) target_semaphore(%run_scoped3A : memref<!tpu.dma_semaphore, #tpu.memory_space<semaphore_mem>>)
      %dma_wait3A_154 = arith.constant 0 : i32
      %dma_wait3A_155 = tpu.memref_slice %arg5[%arg0, %add3A_132, %dma_wait3A_154] : memref<2x10240x64xf32, #tpu.memory_space<hbm>> -> memref<1x64x64xf32, #tpu.memory_space<hbm>>
      %dma_wait3A_156 = tpu.memref_squeeze %dma_wait3A_155 : memref<1x64x64xf32, #tpu.memory_space<hbm>> -> memref<64x64xf32, #tpu.memory_space<hbm>>
      %dma_wait3A_157 = arith.constant 0 : i32
      %dma_wait3A_158 = tpu.memref_slice %arg15[%add3A_132, %dma_wait3A_157] : memref<10240x64xf32, #tpu.memory_space<vmem_shared>> -> memref<64x64xf32, #tpu.memory_space<vmem_shared>>
      tpu.wait_dma2 semaphore(%run_scoped3A : memref<!tpu.dma_semaphore, #tpu.memory_space<semaphore_mem>>) src(%dma_wait3A_158 : memref<64x64xf32, #tpu.memory_space<vmem_shared>>) dst(%dma_wait3A_156 : memref<64x64xf32, #tpu.memory_space<hbm>>)
      tpu.yield
    }) : () -> ()
    %mul3A_133 = arith.constant 640 : i32
    %mul3A_134 = arith.muli %arg1, %mul3A_133 : i32
    %add3A_135 = arith.constant 384 : i32
    %add3A_136 = arith.addi %mul3A_134, %add3A_135 : i32
    "tpu.region"() ({
      %run_scoped3A = tpu.sem_alloc : memref<!tpu.dma_semaphore, #tpu.memory_space<semaphore_mem>>
      %dma_start3A_149 = arith.constant 0 : i32
      %dma_start3A_150 = tpu.memref_slice %arg5[%arg0, %add3A_136, %dma_start3A_149] : memref<2x10240x64xf32, #tpu.memory_space<hbm>> -> memref<1x64x64xf32, #tpu.memory_space<hbm>>
      %dma_start3A_151 = tpu.memref_squeeze %dma_start3A_150 : memref<1x64x64xf32, #tpu.memory_space<hbm>> -> memref<64x64xf32, #tpu.memory_space<hbm>>
      %dma_start3A_152 = arith.constant 0 : i32
      %dma_start3A_153 = tpu.memref_slice %arg15[%add3A_136, %dma_start3A_152] : memref<10240x64xf32, #tpu.memory_space<vmem_shared>> -> memref<64x64xf32, #tpu.memory_space<vmem_shared>>
      tpu.enqueue_dma source(%dma_start3A_153 : memref<64x64xf32, #tpu.memory_space<vmem_shared>>) target(%dma_start3A_151 : memref<64x64xf32, #tpu.memory_space<hbm>>) target_semaphore(%run_scoped3A : memref<!tpu.dma_semaphore, #tpu.memory_space<semaphore_mem>>)
      %dma_wait3A_154 = arith.constant 0 : i32
      %dma_wait3A_155 = tpu.memref_slice %arg5[%arg0, %add3A_136, %dma_wait3A_154] : memref<2x10240x64xf32, #tpu.memory_space<hbm>> -> memref<1x64x64xf32, #tpu.memory_space<hbm>>
      %dma_wait3A_156 = tpu.memref_squeeze %dma_wait3A_155 : memref<1x64x64xf32, #tpu.memory_space<hbm>> -> memref<64x64xf32, #tpu.memory_space<hbm>>
      %dma_wait3A_157 = arith.constant 0 : i32
      %dma_wait3A_158 = tpu.memref_slice %arg15[%add3A_136, %dma_wait3A_157] : memref<10240x64xf32, #tpu.memory_space<vmem_shared>> -> memref<64x64xf32, #tpu.memory_space<vmem_shared>>
      tpu.wait_dma2 semaphore(%run_scoped3A : memref<!tpu.dma_semaphore, #tpu.memory_space<semaphore_mem>>) src(%dma_wait3A_158 : memref<64x64xf32, #tpu.memory_space<vmem_shared>>) dst(%dma_wait3A_156 : memref<64x64xf32, #tpu.memory_space<hbm>>)
      tpu.yield
    }) : () -> ()
    %mul3A_137 = arith.constant 640 : i32
    %mul3A_138 = arith.muli %arg1, %mul3A_137 : i32
    %add3A_139 = arith.constant 448 : i32
    %add3A_140 = arith.addi %mul3A_138, %add3A_139 : i32
    "tpu.region"() ({
      %run_scoped3A = tpu.sem_alloc : memref<!tpu.dma_semaphore, #tpu.memory_space<semaphore_mem>>
      %dma_start3A_149 = arith.constant 0 : i32
      %dma_start3A_150 = tpu.memref_slice %arg5[%arg0, %add3A_140, %dma_start3A_149] : memref<2x10240x64xf32, #tpu.memory_space<hbm>> -> memref<1x64x64xf32, #tpu.memory_space<hbm>>
      %dma_start3A_151 = tpu.memref_squeeze %dma_start3A_150 : memref<1x64x64xf32, #tpu.memory_space<hbm>> -> memref<64x64xf32, #tpu.memory_space<hbm>>
      %dma_start3A_152 = arith.constant 0 : i32
      %dma_start3A_153 = tpu.memref_slice %arg15[%add3A_140, %dma_start3A_152] : memref<10240x64xf32, #tpu.memory_space<vmem_shared>> -> memref<64x64xf32, #tpu.memory_space<vmem_shared>>
      tpu.enqueue_dma source(%dma_start3A_153 : memref<64x64xf32, #tpu.memory_space<vmem_shared>>) target(%dma_start3A_151 : memref<64x64xf32, #tpu.memory_space<hbm>>) target_semaphore(%run_scoped3A : memref<!tpu.dma_semaphore, #tpu.memory_space<semaphore_mem>>)
      %dma_wait3A_154 = arith.constant 0 : i32
      %dma_wait3A_155 = tpu.memref_slice %arg5[%arg0, %add3A_140, %dma_wait3A_154] : memref<2x10240x64xf32, #tpu.memory_space<hbm>> -> memref<1x64x64xf32, #tpu.memory_space<hbm>>
      %dma_wait3A_156 = tpu.memref_squeeze %dma_wait3A_155 : memref<1x64x64xf32, #tpu.memory_space<hbm>> -> memref<64x64xf32, #tpu.memory_space<hbm>>
      %dma_wait3A_157 = arith.constant 0 : i32
      %dma_wait3A_158 = tpu.memref_slice %arg15[%add3A_140, %dma_wait3A_157] : memref<10240x64xf32, #tpu.memory_space<vmem_shared>> -> memref<64x64xf32, #tpu.memory_space<vmem_shared>>
      tpu.wait_dma2 semaphore(%run_scoped3A : memref<!tpu.dma_semaphore, #tpu.memory_space<semaphore_mem>>) src(%dma_wait3A_158 : memref<64x64xf32, #tpu.memory_space<vmem_shared>>) dst(%dma_wait3A_156 : memref<64x64xf32, #tpu.memory_space<hbm>>)
      tpu.yield
    }) : () -> ()
    %mul3A_141 = arith.constant 640 : i32
    %mul3A_142 = arith.muli %arg1, %mul3A_141 : i32
    %add3A_143 = arith.constant 512 : i32
    %add3A_144 = arith.addi %mul3A_142, %add3A_143 : i32
    "tpu.region"() ({
      %run_scoped3A = tpu.sem_alloc : memref<!tpu.dma_semaphore, #tpu.memory_space<semaphore_mem>>
      %dma_start3A_149 = arith.constant 0 : i32
      %dma_start3A_150 = tpu.memref_slice %arg5[%arg0, %add3A_144, %dma_start3A_149] : memref<2x10240x64xf32, #tpu.memory_space<hbm>> -> memref<1x64x64xf32, #tpu.memory_space<hbm>>
      %dma_start3A_151 = tpu.memref_squeeze %dma_start3A_150 : memref<1x64x64xf32, #tpu.memory_space<hbm>> -> memref<64x64xf32, #tpu.memory_space<hbm>>
      %dma_start3A_152 = arith.constant 0 : i32
      %dma_start3A_153 = tpu.memref_slice %arg15[%add3A_144, %dma_start3A_152] : memref<10240x64xf32, #tpu.memory_space<vmem_shared>> -> memref<64x64xf32, #tpu.memory_space<vmem_shared>>
      tpu.enqueue_dma source(%dma_start3A_153 : memref<64x64xf32, #tpu.memory_space<vmem_shared>>) target(%dma_start3A_151 : memref<64x64xf32, #tpu.memory_space<hbm>>) target_semaphore(%run_scoped3A : memref<!tpu.dma_semaphore, #tpu.memory_space<semaphore_mem>>)
      %dma_wait3A_154 = arith.constant 0 : i32
      %dma_wait3A_155 = tpu.memref_slice %arg5[%arg0, %add3A_144, %dma_wait3A_154] : memref<2x10240x64xf32, #tpu.memory_space<hbm>> -> memref<1x64x64xf32, #tpu.memory_space<hbm>>
      %dma_wait3A_156 = tpu.memref_squeeze %dma_wait3A_155 : memref<1x64x64xf32, #tpu.memory_space<hbm>> -> memref<64x64xf32, #tpu.memory_space<hbm>>
      %dma_wait3A_157 = arith.constant 0 : i32
      %dma_wait3A_158 = tpu.memref_slice %arg15[%add3A_144, %dma_wait3A_157] : memref<10240x64xf32, #tpu.memory_space<vmem_shared>> -> memref<64x64xf32, #tpu.memory_space<vmem_shared>>
      tpu.wait_dma2 semaphore(%run_scoped3A : memref<!tpu.dma_semaphore, #tpu.memory_space<semaphore_mem>>) src(%dma_wait3A_158 : memref<64x64xf32, #tpu.memory_space<vmem_shared>>) dst(%dma_wait3A_156 : memref<64x64xf32, #tpu.memory_space<hbm>>)
      tpu.yield
    }) : () -> ()
    %mul3A_145 = arith.constant 640 : i32
    %mul3A_146 = arith.muli %arg1, %mul3A_145 : i32
    %add3A_147 = arith.constant 576 : i32
    %add3A_148 = arith.addi %mul3A_146, %add3A_147 : i32
    "tpu.region"() ({
      %run_scoped3A = tpu.sem_alloc : memref<!tpu.dma_semaphore, #tpu.memory_space<semaphore_mem>>
      %dma_start3A_149 = arith.constant 0 : i32
      %dma_start3A_150 = tpu.memref_slice %arg5[%arg0, %add3A_148, %dma_start3A_149] : memref<2x10240x64xf32, #tpu.memory_space<hbm>> -> memref<1x64x64xf32, #tpu.memory_space<hbm>>
      %dma_start3A_151 = tpu.memref_squeeze %dma_start3A_150 : memref<1x64x64xf32, #tpu.memory_space<hbm>> -> memref<64x64xf32, #tpu.memory_space<hbm>>
      %dma_start3A_152 = arith.constant 0 : i32
      %dma_start3A_153 = tpu.memref_slice %arg15[%add3A_148, %dma_start3A_152] : memref<10240x64xf32, #tpu.memory_space<vmem_shared>> -> memref<64x64xf32, #tpu.memory_space<vmem_shared>>
      tpu.enqueue_dma source(%dma_start3A_153 : memref<64x64xf32, #tpu.memory_space<vmem_shared>>) target(%dma_start3A_151 : memref<64x64xf32, #tpu.memory_space<hbm>>) target_semaphore(%run_scoped3A : memref<!tpu.dma_semaphore, #tpu.memory_space<semaphore_mem>>)
      %dma_wait3A_154 = arith.constant 0 : i32
      %dma_wait3A_155 = tpu.memref_slice %arg5[%arg0, %add3A_148, %dma_wait3A_154] : memref<2x10240x64xf32, #tpu.memory_space<hbm>> -> memref<1x64x64xf32, #tpu.memory_space<hbm>>
      %dma_wait3A_156 = tpu.memref_squeeze %dma_wait3A_155 : memref<1x64x64xf32, #tpu.memory_space<hbm>> -> memref<64x64xf32, #tpu.memory_space<hbm>>
      %dma_wait3A_157 = arith.constant 0 : i32
      %dma_wait3A_158 = tpu.memref_slice %arg15[%add3A_148, %dma_wait3A_157] : memref<10240x64xf32, #tpu.memory_space<vmem_shared>> -> memref<64x64xf32, #tpu.memory_space<vmem_shared>>
      tpu.wait_dma2 semaphore(%run_scoped3A : memref<!tpu.dma_semaphore, #tpu.memory_space<semaphore_mem>>) src(%dma_wait3A_158 : memref<64x64xf32, #tpu.memory_space<vmem_shared>>) dst(%dma_wait3A_156 : memref<64x64xf32, #tpu.memory_space<hbm>>)
      tpu.yield
    }) : () -> ()
    return
  }
}

#map = affine_map<(d0, d1) -> (0, 0, 0)>
module attributes {stable_mosaic.version = 14 : i64} {
  func.func @_sc_agg_128(%arg0: i32, %arg1: i32, %arg2: memref<16x160x128xi32, #tpu.memory_space<hbm>>, %arg3: memref<16x160x128xi32, #tpu.memory_space<hbm>>, %arg4: memref<2x10240x64xbf16, #tpu.memory_space<hbm>>, %arg5: memref<2x10240x64xf32, #tpu.memory_space<hbm>>, %arg6: memref<160x128xi32, #tpu.memory_space<vmem>>, %arg7: memref<160x128xi32, #tpu.memory_space<vmem>>, %arg8: memref<128x64xbf16, #tpu.memory_space<vmem>>, %arg9: memref<128x64xbf16, #tpu.memory_space<vmem>>, %arg10: memref<128x64xbf16, #tpu.memory_space<vmem>>, %arg11: memref<128x64xbf16, #tpu.memory_space<vmem>>, %arg12: memref<128x64xf32, #tpu.memory_space<vmem>>, %arg13: memref<128x64xf32, #tpu.memory_space<vmem>>, %arg14: memref<64x64xf32, #tpu.memory_space<vmem>>, %arg15: memref<10240x64xf32, #tpu.memory_space<vmem_shared>>, %arg16: memref<!tpu.dma_semaphore, #tpu.memory_space<semaphore_mem>>, %arg17: memref<!tpu.dma_semaphore, #tpu.memory_space<semaphore_mem>>, %arg18: memref<!tpu.dma_semaphore, #tpu.memory_space<semaphore_mem>>, %arg19: memref<!tpu.dma_semaphore, #tpu.memory_space<semaphore_mem>>, %arg20: memref<!tpu.dma_semaphore, #tpu.memory_space<semaphore_mem>>, %arg21: memref<!tpu.dma_semaphore, #tpu.memory_space<semaphore_mem>>) attributes {dimension_semantics = [#tpu.dimension_semantics<core_parallel>, #tpu.dimension_semantics<subcore_parallel>], iteration_bounds = array<i64: 2, 16>, scalar_prefetch = 0 : i64, scratch_operands = 16 : i64, tpu.core_type = #tpu.core_type<sc_vector_subcore>, window_params = [{transform_indices = #map}, {transform_indices = #map}, {transform_indices = #map}, {transform_indices = #map}]} {
    "tpu.region"() ({
      %run_scoped3A = tpu.sem_alloc : memref<!tpu.dma_semaphore, #tpu.memory_space<semaphore_mem>>
      %dma_start3A_149 = arith.constant 0 : i32
      %dma_start3A_150 = arith.constant 0 : i32
      %dma_start3A_151 = tpu.memref_slice %arg2[%arg1, %dma_start3A_149, %dma_start3A_150] : memref<16x160x128xi32, #tpu.memory_space<hbm>> -> memref<1x160x128xi32, #tpu.memory_space<hbm>>
      %dma_start3A_152 = tpu.memref_squeeze %dma_start3A_151 : memref<1x160x128xi32, #tpu.memory_space<hbm>> -> memref<160x128xi32, #tpu.memory_space<hbm>>
      %dma_start3A_153 = arith.constant 0 : i32
      %dma_start3A_154 = arith.constant 0 : i32
      %dma_start3A_155 = tpu.memref_slice %arg2[%arg1, %dma_start3A_153, %dma_start3A_154] : memref<16x160x128xi32, #tpu.memory_space<hbm>> -> memref<1x160x128xi32, #tpu.memory_space<hbm>>
      %dma_start3A_156 = tpu.memref_squeeze %dma_start3A_155 : memref<1x160x128xi32, #tpu.memory_space<hbm>> -> memref<160x128xi32, #tpu.memory_space<hbm>>
      tpu.enqueue_dma source(%dma_start3A_156 : memref<160x128xi32, #tpu.memory_space<hbm>>) target(%arg6 : memref<160x128xi32, #tpu.memory_space<vmem>>) target_semaphore(%run_scoped3A : memref<!tpu.dma_semaphore, #tpu.memory_space<semaphore_mem>>)
      %dma_wait3A_157 = arith.constant 0 : i32
      %dma_wait3A_158 = arith.constant 0 : i32
      %dma_wait3A_159 = tpu.memref_slice %arg2[%arg1, %dma_wait3A_157, %dma_wait3A_158] : memref<16x160x128xi32, #tpu.memory_space<hbm>> -> memref<1x160x128xi32, #tpu.memory_space<hbm>>
      %dma_wait3A_160 = tpu.memref_squeeze %dma_wait3A_159 : memref<1x160x128xi32, #tpu.memory_space<hbm>> -> memref<160x128xi32, #tpu.memory_space<hbm>>
      %dma_wait3A_161 = arith.constant 0 : i32
      %dma_wait3A_162 = arith.constant 0 : i32
      %dma_wait3A_163 = tpu.memref_slice %arg2[%arg1, %dma_wait3A_161, %dma_wait3A_162] : memref<16x160x128xi32, #tpu.memory_space<hbm>> -> memref<1x160x128xi32, #tpu.memory_space<hbm>>
      %dma_wait3A_164 = tpu.memref_squeeze %dma_wait3A_163 : memref<1x160x128xi32, #tpu.memory_space<hbm>> -> memref<160x128xi32, #tpu.memory_space<hbm>>
      tpu.wait_dma2 semaphore(%run_scoped3A : memref<!tpu.dma_semaphore, #tpu.memory_space<semaphore_mem>>) src(%dma_wait3A_164 : memref<160x128xi32, #tpu.memory_space<hbm>>) dst(%arg6 : memref<160x128xi32, #tpu.memory_space<vmem>>)
      tpu.yield
    }) : () -> ()
    "tpu.region"() ({
      %run_scoped3A = tpu.sem_alloc : memref<!tpu.dma_semaphore, #tpu.memory_space<semaphore_mem>>
      %dma_start3A_149 = arith.constant 0 : i32
      %dma_start3A_150 = arith.constant 0 : i32
      %dma_start3A_151 = tpu.memref_slice %arg3[%arg1, %dma_start3A_149, %dma_start3A_150] : memref<16x160x128xi32, #tpu.memory_space<hbm>> -> memref<1x160x128xi32, #tpu.memory_space<hbm>>
      %dma_start3A_152 = tpu.memref_squeeze %dma_start3A_151 : memref<1x160x128xi32, #tpu.memory_space<hbm>> -> memref<160x128xi32, #tpu.memory_space<hbm>>
      %dma_start3A_153 = arith.constant 0 : i32
      %dma_start3A_154 = arith.constant 0 : i32
      %dma_start3A_155 = tpu.memref_slice %arg3[%arg1, %dma_start3A_153, %dma_start3A_154] : memref<16x160x128xi32, #tpu.memory_space<hbm>> -> memref<1x160x128xi32, #tpu.memory_space<hbm>>
      %dma_start3A_156 = tpu.memref_squeeze %dma_start3A_155 : memref<1x160x128xi32, #tpu.memory_space<hbm>> -> memref<160x128xi32, #tpu.memory_space<hbm>>
      tpu.enqueue_dma source(%dma_start3A_156 : memref<160x128xi32, #tpu.memory_space<hbm>>) target(%arg7 : memref<160x128xi32, #tpu.memory_space<vmem>>) target_semaphore(%run_scoped3A : memref<!tpu.dma_semaphore, #tpu.memory_space<semaphore_mem>>)
      %dma_wait3A_157 = arith.constant 0 : i32
      %dma_wait3A_158 = arith.constant 0 : i32
      %dma_wait3A_159 = tpu.memref_slice %arg3[%arg1, %dma_wait3A_157, %dma_wait3A_158] : memref<16x160x128xi32, #tpu.memory_space<hbm>> -> memref<1x160x128xi32, #tpu.memory_space<hbm>>
      %dma_wait3A_160 = tpu.memref_squeeze %dma_wait3A_159 : memref<1x160x128xi32, #tpu.memory_space<hbm>> -> memref<160x128xi32, #tpu.memory_space<hbm>>
      %dma_wait3A_161 = arith.constant 0 : i32
      %dma_wait3A_162 = arith.constant 0 : i32
      %dma_wait3A_163 = tpu.memref_slice %arg3[%arg1, %dma_wait3A_161, %dma_wait3A_162] : memref<16x160x128xi32, #tpu.memory_space<hbm>> -> memref<1x160x128xi32, #tpu.memory_space<hbm>>
      %dma_wait3A_164 = tpu.memref_squeeze %dma_wait3A_163 : memref<1x160x128xi32, #tpu.memory_space<hbm>> -> memref<160x128xi32, #tpu.memory_space<hbm>>
      tpu.wait_dma2 semaphore(%run_scoped3A : memref<!tpu.dma_semaphore, #tpu.memory_space<semaphore_mem>>) src(%dma_wait3A_164 : memref<160x128xi32, #tpu.memory_space<hbm>>) dst(%arg7 : memref<160x128xi32, #tpu.memory_space<vmem>>)
      tpu.yield
    }) : () -> ()
    %broadcast_in_dim3A = arith.constant 0.000000e+00 : f32
    %broadcast_in_dim3A_0 = vector.broadcast %broadcast_in_dim3A : f32 to vector<16xf32>
    %scan3A = arith.constant 0 : i32
    %scan3A_1 = arith.constant 0 : i32
    %scan3A_2 = arith.constant 64 : i32
    %scan3A_3 = arith.addi %scan3A_1, %scan3A_2 : i32
    %scan3A_4 = arith.constant 1 : i32
    scf.for %scan3A_149 = %scan3A_1 to %scan3A_3 step %scan3A_4  : i32 {
      %swap3A = arith.index_cast %scan3A_149 : i32 to index
      %swap3A_150 = arith.constant 0 : index
      %swap3A_151 = tpu.vector_load %arg14[%swap3A, %swap3A_150] {strides = array<i32>} : memref<64x64xf32, #tpu.memory_space<vmem>>, vector<16xf32>,
      tpu.vector_store %arg14[%swap3A, %swap3A_150], %broadcast_in_dim3A_0 {strides = array<i32>} : memref<64x64xf32, #tpu.memory_space<vmem>>, vector<16xf32>,
      %swap3A_152 = arith.index_cast %scan3A_149 : i32 to index
      %swap3A_153 = arith.constant 16 : index
      %swap3A_154 = tpu.vector_load %arg14[%swap3A_152, %swap3A_153] {strides = array<i32>} : memref<64x64xf32, #tpu.memory_space<vmem>>, vector<16xf32>,
      tpu.vector_store %arg14[%swap3A_152, %swap3A_153], %broadcast_in_dim3A_0 {strides = array<i32>} : memref<64x64xf32, #tpu.memory_space<vmem>>, vector<16xf32>,
      %swap3A_155 = arith.index_cast %scan3A_149 : i32 to index
      %swap3A_156 = arith.constant 32 : index
      %swap3A_157 = tpu.vector_load %arg14[%swap3A_155, %swap3A_156] {strides = array<i32>} : memref<64x64xf32, #tpu.memory_space<vmem>>, vector<16xf32>,
      tpu.vector_store %arg14[%swap3A_155, %swap3A_156], %broadcast_in_dim3A_0 {strides = array<i32>} : memref<64x64xf32, #tpu.memory_space<vmem>>, vector<16xf32>,
      %swap3A_158 = arith.index_cast %scan3A_149 : i32 to index
      %swap3A_159 = arith.constant 48 : index
      %swap3A_160 = tpu.vector_load %arg14[%swap3A_158, %swap3A_159] {strides = array<i32>} : memref<64x64xf32, #tpu.memory_space<vmem>>, vector<16xf32>,
      tpu.vector_store %arg14[%swap3A_158, %swap3A_159], %broadcast_in_dim3A_0 {strides = array<i32>} : memref<64x64xf32, #tpu.memory_space<vmem>>, vector<16xf32>,
    }
    %scan3A_5 = arith.constant 64 : i32
    %mul3A = arith.constant 640 : i32
    %mul3A_6 = arith.muli %arg1, %mul3A : i32
    %add3A = arith.constant 0 : i32
    %add3A_7 = arith.addi %mul3A_6, %add3A : i32
    "tpu.region"() ({
      %run_scoped3A = tpu.sem_alloc : memref<!tpu.dma_semaphore, #tpu.memory_space<semaphore_mem>>
      %dma_start3A_149 = arith.constant 0 : i32
      %dma_start3A_150 = tpu.memref_slice %arg15[%add3A_7, %dma_start3A_149] : memref<10240x64xf32, #tpu.memory_space<vmem_shared>> -> memref<64x64xf32, #tpu.memory_space<vmem_shared>>
      %dma_start3A_151 = arith.constant 0 : i32
      %dma_start3A_152 = tpu.memref_slice %arg15[%add3A_7, %dma_start3A_151] : memref<10240x64xf32, #tpu.memory_space<vmem_shared>> -> memref<64x64xf32, #tpu.memory_space<vmem_shared>>
      tpu.enqueue_dma source(%arg14 : memref<64x64xf32, #tpu.memory_space<vmem>>) target(%dma_start3A_152 : memref<64x64xf32, #tpu.memory_space<vmem_shared>>) target_semaphore(%run_scoped3A : memref<!tpu.dma_semaphore, #tpu.memory_space<semaphore_mem>>)
      %dma_wait3A_153 = arith.constant 0 : i32
      %dma_wait3A_154 = tpu.memref_slice %arg15[%add3A_7, %dma_wait3A_153] : memref<10240x64xf32, #tpu.memory_space<vmem_shared>> -> memref<64x64xf32, #tpu.memory_space<vmem_shared>>
      %dma_wait3A_155 = arith.constant 0 : i32
      %dma_wait3A_156 = tpu.memref_slice %arg15[%add3A_7, %dma_wait3A_155] : memref<10240x64xf32, #tpu.memory_space<vmem_shared>> -> memref<64x64xf32, #tpu.memory_space<vmem_shared>>
      tpu.wait_dma2 semaphore(%run_scoped3A : memref<!tpu.dma_semaphore, #tpu.memory_space<semaphore_mem>>) src(%arg14 : memref<64x64xf32, #tpu.memory_space<vmem>>) dst(%dma_wait3A_156 : memref<64x64xf32, #tpu.memory_space<vmem_shared>>)
      tpu.yield
    }) : () -> ()
    %mul3A_8 = arith.constant 640 : i32
    %mul3A_9 = arith.muli %arg1, %mul3A_8 : i32
    %add3A_10 = arith.constant 64 : i32
    %add3A_11 = arith.addi %mul3A_9, %add3A_10 : i32
    "tpu.region"() ({
      %run_scoped3A = tpu.sem_alloc : memref<!tpu.dma_semaphore, #tpu.memory_space<semaphore_mem>>
      %dma_start3A_149 = arith.constant 0 : i32
      %dma_start3A_150 = tpu.memref_slice %arg15[%add3A_11, %dma_start3A_149] : memref<10240x64xf32, #tpu.memory_space<vmem_shared>> -> memref<64x64xf32, #tpu.memory_space<vmem_shared>>
      %dma_start3A_151 = arith.constant 0 : i32
      %dma_start3A_152 = tpu.memref_slice %arg15[%add3A_11, %dma_start3A_151] : memref<10240x64xf32, #tpu.memory_space<vmem_shared>> -> memref<64x64xf32, #tpu.memory_space<vmem_shared>>
      tpu.enqueue_dma source(%arg14 : memref<64x64xf32, #tpu.memory_space<vmem>>) target(%dma_start3A_152 : memref<64x64xf32, #tpu.memory_space<vmem_shared>>) target_semaphore(%run_scoped3A : memref<!tpu.dma_semaphore, #tpu.memory_space<semaphore_mem>>)
      %dma_wait3A_153 = arith.constant 0 : i32
      %dma_wait3A_154 = tpu.memref_slice %arg15[%add3A_11, %dma_wait3A_153] : memref<10240x64xf32, #tpu.memory_space<vmem_shared>> -> memref<64x64xf32, #tpu.memory_space<vmem_shared>>
      %dma_wait3A_155 = arith.constant 0 : i32
      %dma_wait3A_156 = tpu.memref_slice %arg15[%add3A_11, %dma_wait3A_155] : memref<10240x64xf32, #tpu.memory_space<vmem_shared>> -> memref<64x64xf32, #tpu.memory_space<vmem_shared>>
      tpu.wait_dma2 semaphore(%run_scoped3A : memref<!tpu.dma_semaphore, #tpu.memory_space<semaphore_mem>>) src(%arg14 : memref<64x64xf32, #tpu.memory_space<vmem>>) dst(%dma_wait3A_156 : memref<64x64xf32, #tpu.memory_space<vmem_shared>>)
      tpu.yield
    }) : () -> ()
    %mul3A_12 = arith.constant 640 : i32
    %mul3A_13 = arith.muli %arg1, %mul3A_12 : i32
    %add3A_14 = arith.constant 128 : i32
    %add3A_15 = arith.addi %mul3A_13, %add3A_14 : i32
    "tpu.region"() ({
      %run_scoped3A = tpu.sem_alloc : memref<!tpu.dma_semaphore, #tpu.memory_space<semaphore_mem>>
      %dma_start3A_149 = arith.constant 0 : i32
      %dma_start3A_150 = tpu.memref_slice %arg15[%add3A_15, %dma_start3A_149] : memref<10240x64xf32, #tpu.memory_space<vmem_shared>> -> memref<64x64xf32, #tpu.memory_space<vmem_shared>>
      %dma_start3A_151 = arith.constant 0 : i32
      %dma_start3A_152 = tpu.memref_slice %arg15[%add3A_15, %dma_start3A_151] : memref<10240x64xf32, #tpu.memory_space<vmem_shared>> -> memref<64x64xf32, #tpu.memory_space<vmem_shared>>
      tpu.enqueue_dma source(%arg14 : memref<64x64xf32, #tpu.memory_space<vmem>>) target(%dma_start3A_152 : memref<64x64xf32, #tpu.memory_space<vmem_shared>>) target_semaphore(%run_scoped3A : memref<!tpu.dma_semaphore, #tpu.memory_space<semaphore_mem>>)
      %dma_wait3A_153 = arith.constant 0 : i32
      %dma_wait3A_154 = tpu.memref_slice %arg15[%add3A_15, %dma_wait3A_153] : memref<10240x64xf32, #tpu.memory_space<vmem_shared>> -> memref<64x64xf32, #tpu.memory_space<vmem_shared>>
      %dma_wait3A_155 = arith.constant 0 : i32
      %dma_wait3A_156 = tpu.memref_slice %arg15[%add3A_15, %dma_wait3A_155] : memref<10240x64xf32, #tpu.memory_space<vmem_shared>> -> memref<64x64xf32, #tpu.memory_space<vmem_shared>>
      tpu.wait_dma2 semaphore(%run_scoped3A : memref<!tpu.dma_semaphore, #tpu.memory_space<semaphore_mem>>) src(%arg14 : memref<64x64xf32, #tpu.memory_space<vmem>>) dst(%dma_wait3A_156 : memref<64x64xf32, #tpu.memory_space<vmem_shared>>)
      tpu.yield
    }) : () -> ()
    %mul3A_16 = arith.constant 640 : i32
    %mul3A_17 = arith.muli %arg1, %mul3A_16 : i32
    %add3A_18 = arith.constant 192 : i32
    %add3A_19 = arith.addi %mul3A_17, %add3A_18 : i32
    "tpu.region"() ({
      %run_scoped3A = tpu.sem_alloc : memref<!tpu.dma_semaphore, #tpu.memory_space<semaphore_mem>>
      %dma_start3A_149 = arith.constant 0 : i32
      %dma_start3A_150 = tpu.memref_slice %arg15[%add3A_19, %dma_start3A_149] : memref<10240x64xf32, #tpu.memory_space<vmem_shared>> -> memref<64x64xf32, #tpu.memory_space<vmem_shared>>
      %dma_start3A_151 = arith.constant 0 : i32
      %dma_start3A_152 = tpu.memref_slice %arg15[%add3A_19, %dma_start3A_151] : memref<10240x64xf32, #tpu.memory_space<vmem_shared>> -> memref<64x64xf32, #tpu.memory_space<vmem_shared>>
      tpu.enqueue_dma source(%arg14 : memref<64x64xf32, #tpu.memory_space<vmem>>) target(%dma_start3A_152 : memref<64x64xf32, #tpu.memory_space<vmem_shared>>) target_semaphore(%run_scoped3A : memref<!tpu.dma_semaphore, #tpu.memory_space<semaphore_mem>>)
      %dma_wait3A_153 = arith.constant 0 : i32
      %dma_wait3A_154 = tpu.memref_slice %arg15[%add3A_19, %dma_wait3A_153] : memref<10240x64xf32, #tpu.memory_space<vmem_shared>> -> memref<64x64xf32, #tpu.memory_space<vmem_shared>>
      %dma_wait3A_155 = arith.constant 0 : i32
      %dma_wait3A_156 = tpu.memref_slice %arg15[%add3A_19, %dma_wait3A_155] : memref<10240x64xf32, #tpu.memory_space<vmem_shared>> -> memref<64x64xf32, #tpu.memory_space<vmem_shared>>
      tpu.wait_dma2 semaphore(%run_scoped3A : memref<!tpu.dma_semaphore, #tpu.memory_space<semaphore_mem>>) src(%arg14 : memref<64x64xf32, #tpu.memory_space<vmem>>) dst(%dma_wait3A_156 : memref<64x64xf32, #tpu.memory_space<vmem_shared>>)
      tpu.yield
    }) : () -> ()
    %mul3A_20 = arith.constant 640 : i32
    %mul3A_21 = arith.muli %arg1, %mul3A_20 : i32
    %add3A_22 = arith.constant 256 : i32
    %add3A_23 = arith.addi %mul3A_21, %add3A_22 : i32
    "tpu.region"() ({
      %run_scoped3A = tpu.sem_alloc : memref<!tpu.dma_semaphore, #tpu.memory_space<semaphore_mem>>
      %dma_start3A_149 = arith.constant 0 : i32
      %dma_start3A_150 = tpu.memref_slice %arg15[%add3A_23, %dma_start3A_149] : memref<10240x64xf32, #tpu.memory_space<vmem_shared>> -> memref<64x64xf32, #tpu.memory_space<vmem_shared>>
      %dma_start3A_151 = arith.constant 0 : i32
      %dma_start3A_152 = tpu.memref_slice %arg15[%add3A_23, %dma_start3A_151] : memref<10240x64xf32, #tpu.memory_space<vmem_shared>> -> memref<64x64xf32, #tpu.memory_space<vmem_shared>>
      tpu.enqueue_dma source(%arg14 : memref<64x64xf32, #tpu.memory_space<vmem>>) target(%dma_start3A_152 : memref<64x64xf32, #tpu.memory_space<vmem_shared>>) target_semaphore(%run_scoped3A : memref<!tpu.dma_semaphore, #tpu.memory_space<semaphore_mem>>)
      %dma_wait3A_153 = arith.constant 0 : i32
      %dma_wait3A_154 = tpu.memref_slice %arg15[%add3A_23, %dma_wait3A_153] : memref<10240x64xf32, #tpu.memory_space<vmem_shared>> -> memref<64x64xf32, #tpu.memory_space<vmem_shared>>
      %dma_wait3A_155 = arith.constant 0 : i32
      %dma_wait3A_156 = tpu.memref_slice %arg15[%add3A_23, %dma_wait3A_155] : memref<10240x64xf32, #tpu.memory_space<vmem_shared>> -> memref<64x64xf32, #tpu.memory_space<vmem_shared>>
      tpu.wait_dma2 semaphore(%run_scoped3A : memref<!tpu.dma_semaphore, #tpu.memory_space<semaphore_mem>>) src(%arg14 : memref<64x64xf32, #tpu.memory_space<vmem>>) dst(%dma_wait3A_156 : memref<64x64xf32, #tpu.memory_space<vmem_shared>>)
      tpu.yield
    }) : () -> ()
    %mul3A_24 = arith.constant 640 : i32
    %mul3A_25 = arith.muli %arg1, %mul3A_24 : i32
    %add3A_26 = arith.constant 320 : i32
    %add3A_27 = arith.addi %mul3A_25, %add3A_26 : i32
    "tpu.region"() ({
      %run_scoped3A = tpu.sem_alloc : memref<!tpu.dma_semaphore, #tpu.memory_space<semaphore_mem>>
      %dma_start3A_149 = arith.constant 0 : i32
      %dma_start3A_150 = tpu.memref_slice %arg15[%add3A_27, %dma_start3A_149] : memref<10240x64xf32, #tpu.memory_space<vmem_shared>> -> memref<64x64xf32, #tpu.memory_space<vmem_shared>>
      %dma_start3A_151 = arith.constant 0 : i32
      %dma_start3A_152 = tpu.memref_slice %arg15[%add3A_27, %dma_start3A_151] : memref<10240x64xf32, #tpu.memory_space<vmem_shared>> -> memref<64x64xf32, #tpu.memory_space<vmem_shared>>
      tpu.enqueue_dma source(%arg14 : memref<64x64xf32, #tpu.memory_space<vmem>>) target(%dma_start3A_152 : memref<64x64xf32, #tpu.memory_space<vmem_shared>>) target_semaphore(%run_scoped3A : memref<!tpu.dma_semaphore, #tpu.memory_space<semaphore_mem>>)
      %dma_wait3A_153 = arith.constant 0 : i32
      %dma_wait3A_154 = tpu.memref_slice %arg15[%add3A_27, %dma_wait3A_153] : memref<10240x64xf32, #tpu.memory_space<vmem_shared>> -> memref<64x64xf32, #tpu.memory_space<vmem_shared>>
      %dma_wait3A_155 = arith.constant 0 : i32
      %dma_wait3A_156 = tpu.memref_slice %arg15[%add3A_27, %dma_wait3A_155] : memref<10240x64xf32, #tpu.memory_space<vmem_shared>> -> memref<64x64xf32, #tpu.memory_space<vmem_shared>>
      tpu.wait_dma2 semaphore(%run_scoped3A : memref<!tpu.dma_semaphore, #tpu.memory_space<semaphore_mem>>) src(%arg14 : memref<64x64xf32, #tpu.memory_space<vmem>>) dst(%dma_wait3A_156 : memref<64x64xf32, #tpu.memory_space<vmem_shared>>)
      tpu.yield
    }) : () -> ()
    %mul3A_28 = arith.constant 640 : i32
    %mul3A_29 = arith.muli %arg1, %mul3A_28 : i32
    %add3A_30 = arith.constant 384 : i32
    %add3A_31 = arith.addi %mul3A_29, %add3A_30 : i32
    "tpu.region"() ({
      %run_scoped3A = tpu.sem_alloc : memref<!tpu.dma_semaphore, #tpu.memory_space<semaphore_mem>>
      %dma_start3A_149 = arith.constant 0 : i32
      %dma_start3A_150 = tpu.memref_slice %arg15[%add3A_31, %dma_start3A_149] : memref<10240x64xf32, #tpu.memory_space<vmem_shared>> -> memref<64x64xf32, #tpu.memory_space<vmem_shared>>
      %dma_start3A_151 = arith.constant 0 : i32
      %dma_start3A_152 = tpu.memref_slice %arg15[%add3A_31, %dma_start3A_151] : memref<10240x64xf32, #tpu.memory_space<vmem_shared>> -> memref<64x64xf32, #tpu.memory_space<vmem_shared>>
      tpu.enqueue_dma source(%arg14 : memref<64x64xf32, #tpu.memory_space<vmem>>) target(%dma_start3A_152 : memref<64x64xf32, #tpu.memory_space<vmem_shared>>) target_semaphore(%run_scoped3A : memref<!tpu.dma_semaphore, #tpu.memory_space<semaphore_mem>>)
      %dma_wait3A_153 = arith.constant 0 : i32
      %dma_wait3A_154 = tpu.memref_slice %arg15[%add3A_31, %dma_wait3A_153] : memref<10240x64xf32, #tpu.memory_space<vmem_shared>> -> memref<64x64xf32, #tpu.memory_space<vmem_shared>>
      %dma_wait3A_155 = arith.constant 0 : i32
      %dma_wait3A_156 = tpu.memref_slice %arg15[%add3A_31, %dma_wait3A_155] : memref<10240x64xf32, #tpu.memory_space<vmem_shared>> -> memref<64x64xf32, #tpu.memory_space<vmem_shared>>
      tpu.wait_dma2 semaphore(%run_scoped3A : memref<!tpu.dma_semaphore, #tpu.memory_space<semaphore_mem>>) src(%arg14 : memref<64x64xf32, #tpu.memory_space<vmem>>) dst(%dma_wait3A_156 : memref<64x64xf32, #tpu.memory_space<vmem_shared>>)
      tpu.yield
    }) : () -> ()
    %mul3A_32 = arith.constant 640 : i32
    %mul3A_33 = arith.muli %arg1, %mul3A_32 : i32
    %add3A_34 = arith.constant 448 : i32
    %add3A_35 = arith.addi %mul3A_33, %add3A_34 : i32
    "tpu.region"() ({
      %run_scoped3A = tpu.sem_alloc : memref<!tpu.dma_semaphore, #tpu.memory_space<semaphore_mem>>
      %dma_start3A_149 = arith.constant 0 : i32
      %dma_start3A_150 = tpu.memref_slice %arg15[%add3A_35, %dma_start3A_149] : memref<10240x64xf32, #tpu.memory_space<vmem_shared>> -> memref<64x64xf32, #tpu.memory_space<vmem_shared>>
      %dma_start3A_151 = arith.constant 0 : i32
      %dma_start3A_152 = tpu.memref_slice %arg15[%add3A_35, %dma_start3A_151] : memref<10240x64xf32, #tpu.memory_space<vmem_shared>> -> memref<64x64xf32, #tpu.memory_space<vmem_shared>>
      tpu.enqueue_dma source(%arg14 : memref<64x64xf32, #tpu.memory_space<vmem>>) target(%dma_start3A_152 : memref<64x64xf32, #tpu.memory_space<vmem_shared>>) target_semaphore(%run_scoped3A : memref<!tpu.dma_semaphore, #tpu.memory_space<semaphore_mem>>)
      %dma_wait3A_153 = arith.constant 0 : i32
      %dma_wait3A_154 = tpu.memref_slice %arg15[%add3A_35, %dma_wait3A_153] : memref<10240x64xf32, #tpu.memory_space<vmem_shared>> -> memref<64x64xf32, #tpu.memory_space<vmem_shared>>
      %dma_wait3A_155 = arith.constant 0 : i32
      %dma_wait3A_156 = tpu.memref_slice %arg15[%add3A_35, %dma_wait3A_155] : memref<10240x64xf32, #tpu.memory_space<vmem_shared>> -> memref<64x64xf32, #tpu.memory_space<vmem_shared>>
      tpu.wait_dma2 semaphore(%run_scoped3A : memref<!tpu.dma_semaphore, #tpu.memory_space<semaphore_mem>>) src(%arg14 : memref<64x64xf32, #tpu.memory_space<vmem>>) dst(%dma_wait3A_156 : memref<64x64xf32, #tpu.memory_space<vmem_shared>>)
      tpu.yield
    }) : () -> ()
    %mul3A_36 = arith.constant 640 : i32
    %mul3A_37 = arith.muli %arg1, %mul3A_36 : i32
    %add3A_38 = arith.constant 512 : i32
    %add3A_39 = arith.addi %mul3A_37, %add3A_38 : i32
    "tpu.region"() ({
      %run_scoped3A = tpu.sem_alloc : memref<!tpu.dma_semaphore, #tpu.memory_space<semaphore_mem>>
      %dma_start3A_149 = arith.constant 0 : i32
      %dma_start3A_150 = tpu.memref_slice %arg15[%add3A_39, %dma_start3A_149] : memref<10240x64xf32, #tpu.memory_space<vmem_shared>> -> memref<64x64xf32, #tpu.memory_space<vmem_shared>>
      %dma_start3A_151 = arith.constant 0 : i32
      %dma_start3A_152 = tpu.memref_slice %arg15[%add3A_39, %dma_start3A_151] : memref<10240x64xf32, #tpu.memory_space<vmem_shared>> -> memref<64x64xf32, #tpu.memory_space<vmem_shared>>
      tpu.enqueue_dma source(%arg14 : memref<64x64xf32, #tpu.memory_space<vmem>>) target(%dma_start3A_152 : memref<64x64xf32, #tpu.memory_space<vmem_shared>>) target_semaphore(%run_scoped3A : memref<!tpu.dma_semaphore, #tpu.memory_space<semaphore_mem>>)
      %dma_wait3A_153 = arith.constant 0 : i32
      %dma_wait3A_154 = tpu.memref_slice %arg15[%add3A_39, %dma_wait3A_153] : memref<10240x64xf32, #tpu.memory_space<vmem_shared>> -> memref<64x64xf32, #tpu.memory_space<vmem_shared>>
      %dma_wait3A_155 = arith.constant 0 : i32
      %dma_wait3A_156 = tpu.memref_slice %arg15[%add3A_39, %dma_wait3A_155] : memref<10240x64xf32, #tpu.memory_space<vmem_shared>> -> memref<64x64xf32, #tpu.memory_space<vmem_shared>>
      tpu.wait_dma2 semaphore(%run_scoped3A : memref<!tpu.dma_semaphore, #tpu.memory_space<semaphore_mem>>) src(%arg14 : memref<64x64xf32, #tpu.memory_space<vmem>>) dst(%dma_wait3A_156 : memref<64x64xf32, #tpu.memory_space<vmem_shared>>)
      tpu.yield
    }) : () -> ()
    %mul3A_40 = arith.constant 640 : i32
    %mul3A_41 = arith.muli %arg1, %mul3A_40 : i32
    %add3A_42 = arith.constant 576 : i32
    %add3A_43 = arith.addi %mul3A_41, %add3A_42 : i32
    "tpu.region"() ({
      %run_scoped3A = tpu.sem_alloc : memref<!tpu.dma_semaphore, #tpu.memory_space<semaphore_mem>>
      %dma_start3A_149 = arith.constant 0 : i32
      %dma_start3A_150 = tpu.memref_slice %arg15[%add3A_43, %dma_start3A_149] : memref<10240x64xf32, #tpu.memory_space<vmem_shared>> -> memref<64x64xf32, #tpu.memory_space<vmem_shared>>
      %dma_start3A_151 = arith.constant 0 : i32
      %dma_start3A_152 = tpu.memref_slice %arg15[%add3A_43, %dma_start3A_151] : memref<10240x64xf32, #tpu.memory_space<vmem_shared>> -> memref<64x64xf32, #tpu.memory_space<vmem_shared>>
      tpu.enqueue_dma source(%arg14 : memref<64x64xf32, #tpu.memory_space<vmem>>) target(%dma_start3A_152 : memref<64x64xf32, #tpu.memory_space<vmem_shared>>) target_semaphore(%run_scoped3A : memref<!tpu.dma_semaphore, #tpu.memory_space<semaphore_mem>>)
      %dma_wait3A_153 = arith.constant 0 : i32
      %dma_wait3A_154 = tpu.memref_slice %arg15[%add3A_43, %dma_wait3A_153] : memref<10240x64xf32, #tpu.memory_space<vmem_shared>> -> memref<64x64xf32, #tpu.memory_space<vmem_shared>>
      %dma_wait3A_155 = arith.constant 0 : i32
      %dma_wait3A_156 = tpu.memref_slice %arg15[%add3A_43, %dma_wait3A_155] : memref<10240x64xf32, #tpu.memory_space<vmem_shared>> -> memref<64x64xf32, #tpu.memory_space<vmem_shared>>
      tpu.wait_dma2 semaphore(%run_scoped3A : memref<!tpu.dma_semaphore, #tpu.memory_space<semaphore_mem>>) src(%arg14 : memref<64x64xf32, #tpu.memory_space<vmem>>) dst(%dma_wait3A_156 : memref<64x64xf32, #tpu.memory_space<vmem_shared>>)
      tpu.yield
    }) : () -> ()
    %barrier3A = arith.constant 0 : index
    tpu.barrier barrier_id(%barrier3A)
    %dma_start3A = arith.constant 0 : i32
    %dma_start3A_44 = arith.constant 0 : i32
    %dma_start3A_45 = tpu.memref_slice %arg6[%dma_start3A, %dma_start3A_44] : memref<160x128xi32, #tpu.memory_space<vmem>> -> memref<1x128xi32, #tpu.memory_space<vmem>>
    %dma_start3A_46 = tpu.memref_squeeze %dma_start3A_45 : memref<1x128xi32, #tpu.memory_space<vmem>> -> memref<128xi32, #tpu.memory_space<vmem>>
    %dma_start3A_47 = arith.constant 0 : i32
    %dma_start3A_48 = arith.constant 0 : i32
    %dma_start3A_49 = tpu.memref_slice %arg4[%arg0, %dma_start3A_47, %dma_start3A_48] : memref<2x10240x64xbf16, #tpu.memory_space<hbm>> -> memref<1x10240x64xbf16, #tpu.memory_space<hbm>>
    %dma_start3A_50 = tpu.memref_squeeze %dma_start3A_49 : memref<1x10240x64xbf16, #tpu.memory_space<hbm>> -> memref<10240x64xbf16, #tpu.memory_space<hbm>>
    %dma_start3A_51 = arith.constant 0 : i32
    %dma_start3A_52 = arith.constant 0 : i32
    %dma_start3A_53 = tpu.memref_slice %dma_start3A_50[%dma_start3A_51, %dma_start3A_52] : memref<10240x64xbf16, #tpu.memory_space<hbm>> -> memref<10240x64xbf16, #tpu.memory_space<hbm>>
    tpu.enqueue_indirect_dma source(%dma_start3A_53 : memref<10240x64xbf16, #tpu.memory_space<hbm>>) target(%arg8 : memref<128x64xbf16, #tpu.memory_space<vmem>>) offsets(%dma_start3A_46 : memref<128xi32, #tpu.memory_space<vmem>>) semaphore(%arg16 : memref<!tpu.dma_semaphore, #tpu.memory_space<semaphore_mem>>)
    %dma_start3A_54 = arith.constant 1 : i32
    %dma_start3A_55 = arith.constant 0 : i32
    %dma_start3A_56 = tpu.memref_slice %arg6[%dma_start3A_54, %dma_start3A_55] : memref<160x128xi32, #tpu.memory_space<vmem>> -> memref<1x128xi32, #tpu.memory_space<vmem>>
    %dma_start3A_57 = tpu.memref_squeeze %dma_start3A_56 : memref<1x128xi32, #tpu.memory_space<vmem>> -> memref<128xi32, #tpu.memory_space<vmem>>
    %dma_start3A_58 = arith.constant 0 : i32
    %dma_start3A_59 = arith.constant 0 : i32
    %dma_start3A_60 = tpu.memref_slice %arg4[%arg0, %dma_start3A_58, %dma_start3A_59] : memref<2x10240x64xbf16, #tpu.memory_space<hbm>> -> memref<1x10240x64xbf16, #tpu.memory_space<hbm>>
    %dma_start3A_61 = tpu.memref_squeeze %dma_start3A_60 : memref<1x10240x64xbf16, #tpu.memory_space<hbm>> -> memref<10240x64xbf16, #tpu.memory_space<hbm>>
    %dma_start3A_62 = arith.constant 0 : i32
    %dma_start3A_63 = arith.constant 0 : i32
    %dma_start3A_64 = tpu.memref_slice %dma_start3A_61[%dma_start3A_62, %dma_start3A_63] : memref<10240x64xbf16, #tpu.memory_space<hbm>> -> memref<10240x64xbf16, #tpu.memory_space<hbm>>
    tpu.enqueue_indirect_dma source(%dma_start3A_64 : memref<10240x64xbf16, #tpu.memory_space<hbm>>) target(%arg9 : memref<128x64xbf16, #tpu.memory_space<vmem>>) offsets(%dma_start3A_57 : memref<128xi32, #tpu.memory_space<vmem>>) semaphore(%arg17 : memref<!tpu.dma_semaphore, #tpu.memory_space<semaphore_mem>>)
    %dma_start3A_65 = arith.constant 2 : i32
    %dma_start3A_66 = arith.constant 0 : i32
    %dma_start3A_67 = tpu.memref_slice %arg6[%dma_start3A_65, %dma_start3A_66] : memref<160x128xi32, #tpu.memory_space<vmem>> -> memref<1x128xi32, #tpu.memory_space<vmem>>
    %dma_start3A_68 = tpu.memref_squeeze %dma_start3A_67 : memref<1x128xi32, #tpu.memory_space<vmem>> -> memref<128xi32, #tpu.memory_space<vmem>>
    %dma_start3A_69 = arith.constant 0 : i32
    %dma_start3A_70 = arith.constant 0 : i32
    %dma_start3A_71 = tpu.memref_slice %arg4[%arg0, %dma_start3A_69, %dma_start3A_70] : memref<2x10240x64xbf16, #tpu.memory_space<hbm>> -> memref<1x10240x64xbf16, #tpu.memory_space<hbm>>
    %dma_start3A_72 = tpu.memref_squeeze %dma_start3A_71 : memref<1x10240x64xbf16, #tpu.memory_space<hbm>> -> memref<10240x64xbf16, #tpu.memory_space<hbm>>
    %dma_start3A_73 = arith.constant 0 : i32
    %dma_start3A_74 = arith.constant 0 : i32
    %dma_start3A_75 = tpu.memref_slice %dma_start3A_72[%dma_start3A_73, %dma_start3A_74] : memref<10240x64xbf16, #tpu.memory_space<hbm>> -> memref<10240x64xbf16, #tpu.memory_space<hbm>>
    tpu.enqueue_indirect_dma source(%dma_start3A_75 : memref<10240x64xbf16, #tpu.memory_space<hbm>>) target(%arg10 : memref<128x64xbf16, #tpu.memory_space<vmem>>) offsets(%dma_start3A_68 : memref<128xi32, #tpu.memory_space<vmem>>) semaphore(%arg18 : memref<!tpu.dma_semaphore, #tpu.memory_space<semaphore_mem>>)
    %dma_start3A_76 = arith.constant 3 : i32
    %dma_start3A_77 = arith.constant 0 : i32
    %dma_start3A_78 = tpu.memref_slice %arg6[%dma_start3A_76, %dma_start3A_77] : memref<160x128xi32, #tpu.memory_space<vmem>> -> memref<1x128xi32, #tpu.memory_space<vmem>>
    %dma_start3A_79 = tpu.memref_squeeze %dma_start3A_78 : memref<1x128xi32, #tpu.memory_space<vmem>> -> memref<128xi32, #tpu.memory_space<vmem>>
    %dma_start3A_80 = arith.constant 0 : i32
    %dma_start3A_81 = arith.constant 0 : i32
    %dma_start3A_82 = tpu.memref_slice %arg4[%arg0, %dma_start3A_80, %dma_start3A_81] : memref<2x10240x64xbf16, #tpu.memory_space<hbm>> -> memref<1x10240x64xbf16, #tpu.memory_space<hbm>>
    %dma_start3A_83 = tpu.memref_squeeze %dma_start3A_82 : memref<1x10240x64xbf16, #tpu.memory_space<hbm>> -> memref<10240x64xbf16, #tpu.memory_space<hbm>>
    %dma_start3A_84 = arith.constant 0 : i32
    %dma_start3A_85 = arith.constant 0 : i32
    %dma_start3A_86 = tpu.memref_slice %dma_start3A_83[%dma_start3A_84, %dma_start3A_85] : memref<10240x64xbf16, #tpu.memory_space<hbm>> -> memref<10240x64xbf16, #tpu.memory_space<hbm>>
    tpu.enqueue_indirect_dma source(%dma_start3A_86 : memref<10240x64xbf16, #tpu.memory_space<hbm>>) target(%arg11 : memref<128x64xbf16, #tpu.memory_space<vmem>>) offsets(%dma_start3A_79 : memref<128xi32, #tpu.memory_space<vmem>>) semaphore(%arg19 : memref<!tpu.dma_semaphore, #tpu.memory_space<semaphore_mem>>)
    %broadcast_in_dim3A_87 = arith.constant -65536 : i32
    %broadcast_in_dim3A_88 = vector.broadcast %broadcast_in_dim3A_87 : i32 to vector<16xi32>
    %scan3A_89 = arith.constant 0 : i32
    %scan3A_90 = arith.constant 0 : i32
    %scan3A_91 = arith.constant 40 : i32
    %scan3A_92 = arith.addi %scan3A_90, %scan3A_91 : i32
    %scan3A_93 = arith.constant 1 : i32
    scf.for %scan3A_149 = %scan3A_90 to %scan3A_92 step %scan3A_93  : i32 {
      %mul3A_150 = arith.constant 4 : i32
      %mul3A_151 = arith.muli %scan3A_149, %mul3A_150 : i32
      %add3A_152 = arith.constant 0 : i32
      %add3A_153 = arith.addi %mul3A_151, %add3A_152 : i32
      %dma_wait3A_154 = arith.constant 0 : i32
      %dma_wait3A_155 = tpu.memref_slice %arg6[%add3A_153, %dma_wait3A_154] : memref<160x128xi32, #tpu.memory_space<vmem>> -> memref<1x128xi32, #tpu.memory_space<vmem>>
      %dma_wait3A_156 = tpu.memref_squeeze %dma_wait3A_155 : memref<1x128xi32, #tpu.memory_space<vmem>> -> memref<128xi32, #tpu.memory_space<vmem>>
      %dma_wait3A_157 = arith.constant 0 : i32
      %dma_wait3A_158 = arith.constant 0 : i32
      %dma_wait3A_159 = tpu.memref_slice %arg4[%arg0, %dma_wait3A_157, %dma_wait3A_158] : memref<2x10240x64xbf16, #tpu.memory_space<hbm>> -> memref<1x10240x64xbf16, #tpu.memory_space<hbm>>
      %dma_wait3A_160 = tpu.memref_squeeze %dma_wait3A_159 : memref<1x10240x64xbf16, #tpu.memory_space<hbm>> -> memref<10240x64xbf16, #tpu.memory_space<hbm>>
      %dma_wait3A_161 = arith.constant 0 : i32
      %dma_wait3A_162 = arith.constant 0 : i32
      %dma_wait3A_163 = tpu.memref_slice %dma_wait3A_160[%dma_wait3A_161, %dma_wait3A_162] : memref<10240x64xbf16, #tpu.memory_space<hbm>> -> memref<10240x64xbf16, #tpu.memory_space<hbm>>
      tpu.wait_indirect_dma semaphore(%arg16 : memref<!tpu.dma_semaphore, #tpu.memory_space<semaphore_mem>>) src(%dma_wait3A_163 : memref<10240x64xbf16, #tpu.memory_space<hbm>>) dst(%arg8 : memref<128x64xbf16, #tpu.memory_space<vmem>>)
      %gt3A = arith.constant 0 : i32
      %gt3A_164 = arith.cmpi sgt, %scan3A_149, %gt3A : i32
      %convert_element_type3A = arith.extui %gt3A_164 : i1 to i32
      %cond3A = arith.constant 0 : i32
      %cond3A_165 = arith.cmpi ne, %convert_element_type3A, %cond3A : i32
      scf.if %cond3A_165 {
        %sub3A_290 = arith.constant 2 : i32
        %sub3A_291 = arith.subi %add3A_153, %sub3A_290 : i32
        %dma_wait3A_292 = arith.constant 0 : i32
        %dma_wait3A_293 = tpu.memref_slice %arg7[%sub3A_291, %dma_wait3A_292] : memref<160x128xi32, #tpu.memory_space<vmem>> -> memref<1x128xi32, #tpu.memory_space<vmem>>
        %dma_wait3A_294 = tpu.memref_squeeze %dma_wait3A_293 : memref<1x128xi32, #tpu.memory_space<vmem>> -> memref<128xi32, #tpu.memory_space<vmem>>
        %dma_wait3A_295 = arith.constant 0 : i32
        %dma_wait3A_296 = arith.constant 0 : i32
        %dma_wait3A_297 = tpu.memref_slice %arg15[%dma_wait3A_295, %dma_wait3A_296] : memref<10240x64xf32, #tpu.memory_space<vmem_shared>> -> memref<10240x64xf32, #tpu.memory_space<vmem_shared>>
        tpu.wait_indirect_dma semaphore(%arg20 : memref<!tpu.dma_semaphore, #tpu.memory_space<semaphore_mem>>) src(%arg12 : memref<128x64xf32, #tpu.memory_space<vmem>>) dst(%dma_wait3A_297 : memref<10240x64xf32, #tpu.memory_space<vmem_shared>>)
      } else {
      }
      %parallel_loop3A = arith.constant 0 : i32
      %parallel_loop3A_166 = arith.constant 128 : i32
      %parallel_loop3A_167 = arith.constant 1 : i32
      scf.for %parallel_loop3A_290 = %parallel_loop3A to %parallel_loop3A_166 step %parallel_loop3A_167  : i32 {
        %parallel_loop3A_291 = arith.index_cast %parallel_loop3A_290 : i32 to index
        %parallel_loop3A_292 = arith.constant 0 : index
        %parallel_loop3A_293 = tpu.vector_load %arg8[%parallel_loop3A_291, %parallel_loop3A_292] {strides = array<i32>} : memref<128x64xbf16, #tpu.memory_space<vmem>>, vector<32xbf16>,
        %parallel_loop3A_294 = vector.bitcast %parallel_loop3A_293 : vector<32xbf16> to vector<16xi32>
        %parallel_loop3A_295 = arith.constant 16 : i32
        %parallel_loop3A_296 = vector.broadcast %parallel_loop3A_295 : i32 to vector<16xi32>
        %parallel_loop3A_297 = arith.shli %parallel_loop3A_294, %parallel_loop3A_296 : vector<16xi32>
        %parallel_loop3A_298 = vector.bitcast %parallel_loop3A_297 : vector<16xi32> to vector<16xf32>
        %parallel_loop3A_299 = arith.index_cast %parallel_loop3A_290 : i32 to index
        %parallel_loop3A_300 = arith.constant 0 : index
        %parallel_loop3A_301 = tpu.vector_load %arg12[%parallel_loop3A_299, %parallel_loop3A_300] {strides = array<i32>} : memref<128x64xf32, #tpu.memory_space<vmem>>, vector<16xf32>,
        tpu.vector_store %arg12[%parallel_loop3A_299, %parallel_loop3A_300], %parallel_loop3A_298 {strides = array<i32>} : memref<128x64xf32, #tpu.memory_space<vmem>>, vector<16xf32>,
        %parallel_loop3A_302 = arith.andi %parallel_loop3A_294, %broadcast_in_dim3A_88 : vector<16xi32>
        %parallel_loop3A_303 = vector.bitcast %parallel_loop3A_302 : vector<16xi32> to vector<16xf32>
        %parallel_loop3A_304 = arith.index_cast %parallel_loop3A_290 : i32 to index
        %parallel_loop3A_305 = arith.constant 16 : index
        %parallel_loop3A_306 = tpu.vector_load %arg12[%parallel_loop3A_304, %parallel_loop3A_305] {strides = array<i32>} : memref<128x64xf32, #tpu.memory_space<vmem>>, vector<16xf32>,
        tpu.vector_store %arg12[%parallel_loop3A_304, %parallel_loop3A_305], %parallel_loop3A_303 {strides = array<i32>} : memref<128x64xf32, #tpu.memory_space<vmem>>, vector<16xf32>,
        %parallel_loop3A_307 = arith.index_cast %parallel_loop3A_290 : i32 to index
        %parallel_loop3A_308 = arith.constant 32 : index
        %parallel_loop3A_309 = tpu.vector_load %arg8[%parallel_loop3A_307, %parallel_loop3A_308] {strides = array<i32>} : memref<128x64xbf16, #tpu.memory_space<vmem>>, vector<32xbf16>,
        %parallel_loop3A_310 = vector.bitcast %parallel_loop3A_309 : vector<32xbf16> to vector<16xi32>
        %parallel_loop3A_311 = arith.constant 16 : i32
        %parallel_loop3A_312 = vector.broadcast %parallel_loop3A_311 : i32 to vector<16xi32>
        %parallel_loop3A_313 = arith.shli %parallel_loop3A_310, %parallel_loop3A_312 : vector<16xi32>
        %parallel_loop3A_314 = vector.bitcast %parallel_loop3A_313 : vector<16xi32> to vector<16xf32>
        %parallel_loop3A_315 = arith.index_cast %parallel_loop3A_290 : i32 to index
        %parallel_loop3A_316 = arith.constant 32 : index
        %parallel_loop3A_317 = tpu.vector_load %arg12[%parallel_loop3A_315, %parallel_loop3A_316] {strides = array<i32>} : memref<128x64xf32, #tpu.memory_space<vmem>>, vector<16xf32>,
        tpu.vector_store %arg12[%parallel_loop3A_315, %parallel_loop3A_316], %parallel_loop3A_314 {strides = array<i32>} : memref<128x64xf32, #tpu.memory_space<vmem>>, vector<16xf32>,
        %parallel_loop3A_318 = arith.andi %parallel_loop3A_310, %broadcast_in_dim3A_88 : vector<16xi32>
        %parallel_loop3A_319 = vector.bitcast %parallel_loop3A_318 : vector<16xi32> to vector<16xf32>
        %parallel_loop3A_320 = arith.index_cast %parallel_loop3A_290 : i32 to index
        %parallel_loop3A_321 = arith.constant 48 : index
        %parallel_loop3A_322 = tpu.vector_load %arg12[%parallel_loop3A_320, %parallel_loop3A_321] {strides = array<i32>} : memref<128x64xf32, #tpu.memory_space<vmem>>, vector<16xf32>,
        tpu.vector_store %arg12[%parallel_loop3A_320, %parallel_loop3A_321], %parallel_loop3A_319 {strides = array<i32>} : memref<128x64xf32, #tpu.memory_space<vmem>>, vector<16xf32>,
      } {sc.loop_unroll_factor = 4 : i64, sc.parallel_access}
      %dma_start3A_168 = arith.constant 0 : i32
      %dma_start3A_169 = tpu.memref_slice %arg7[%add3A_153, %dma_start3A_168] : memref<160x128xi32, #tpu.memory_space<vmem>> -> memref<1x128xi32, #tpu.memory_space<vmem>>
      %dma_start3A_170 = tpu.memref_squeeze %dma_start3A_169 : memref<1x128xi32, #tpu.memory_space<vmem>> -> memref<128xi32, #tpu.memory_space<vmem>>
      %dma_start3A_171 = arith.constant 0 : i32
      %dma_start3A_172 = arith.constant 0 : i32
      %dma_start3A_173 = tpu.memref_slice %arg15[%dma_start3A_171, %dma_start3A_172] : memref<10240x64xf32, #tpu.memory_space<vmem_shared>> -> memref<10240x64xf32, #tpu.memory_space<vmem_shared>>
      tpu.enqueue_indirect_dma source(%arg12 : memref<128x64xf32, #tpu.memory_space<vmem>>) target(%dma_start3A_173 : memref<10240x64xf32, #tpu.memory_space<vmem_shared>>) offsets(%dma_start3A_170 : memref<128xi32, #tpu.memory_space<vmem>>) semaphore(%arg20 : memref<!tpu.dma_semaphore, #tpu.memory_space<semaphore_mem>>) {add = true}
      %add3A_174 = arith.constant 1 : i32
      %add3A_175 = arith.addi %scan3A_149, %add3A_174 : i32
      %lt3A = arith.constant 40 : i32
      %lt3A_176 = arith.cmpi slt, %add3A_175, %lt3A : i32
      %convert_element_type3A_177 = arith.extui %lt3A_176 : i1 to i32
      %cond3A_178 = arith.constant 0 : i32
      %cond3A_179 = arith.cmpi ne, %convert_element_type3A_177, %cond3A_178 : i32
      scf.if %cond3A_179 {
        %add3A_290 = arith.constant 4 : i32
        %add3A_291 = arith.addi %add3A_153, %add3A_290 : i32
        %dma_start3A_292 = arith.constant 0 : i32
        %dma_start3A_293 = tpu.memref_slice %arg6[%add3A_291, %dma_start3A_292] : memref<160x128xi32, #tpu.memory_space<vmem>> -> memref<1x128xi32, #tpu.memory_space<vmem>>
        %dma_start3A_294 = tpu.memref_squeeze %dma_start3A_293 : memref<1x128xi32, #tpu.memory_space<vmem>> -> memref<128xi32, #tpu.memory_space<vmem>>
        %dma_start3A_295 = arith.constant 0 : i32
        %dma_start3A_296 = arith.constant 0 : i32
        %dma_start3A_297 = tpu.memref_slice %arg4[%arg0, %dma_start3A_295, %dma_start3A_296] : memref<2x10240x64xbf16, #tpu.memory_space<hbm>> -> memref<1x10240x64xbf16, #tpu.memory_space<hbm>>
        %dma_start3A_298 = tpu.memref_squeeze %dma_start3A_297 : memref<1x10240x64xbf16, #tpu.memory_space<hbm>> -> memref<10240x64xbf16, #tpu.memory_space<hbm>>
        %dma_start3A_299 = arith.constant 0 : i32
        %dma_start3A_300 = arith.constant 0 : i32
        %dma_start3A_301 = tpu.memref_slice %dma_start3A_298[%dma_start3A_299, %dma_start3A_300] : memref<10240x64xbf16, #tpu.memory_space<hbm>> -> memref<10240x64xbf16, #tpu.memory_space<hbm>>
        tpu.enqueue_indirect_dma source(%dma_start3A_301 : memref<10240x64xbf16, #tpu.memory_space<hbm>>) target(%arg8 : memref<128x64xbf16, #tpu.memory_space<vmem>>) offsets(%dma_start3A_294 : memref<128xi32, #tpu.memory_space<vmem>>) semaphore(%arg16 : memref<!tpu.dma_semaphore, #tpu.memory_space<semaphore_mem>>)
      } else {
      }
      %mul3A_180 = arith.constant 4 : i32
      %mul3A_181 = arith.muli %scan3A_149, %mul3A_180 : i32
      %add3A_182 = arith.constant 1 : i32
      %add3A_183 = arith.addi %mul3A_181, %add3A_182 : i32
      %dma_wait3A_184 = arith.constant 0 : i32
      %dma_wait3A_185 = tpu.memref_slice %arg6[%add3A_183, %dma_wait3A_184] : memref<160x128xi32, #tpu.memory_space<vmem>> -> memref<1x128xi32, #tpu.memory_space<vmem>>
      %dma_wait3A_186 = tpu.memref_squeeze %dma_wait3A_185 : memref<1x128xi32, #tpu.memory_space<vmem>> -> memref<128xi32, #tpu.memory_space<vmem>>
      %dma_wait3A_187 = arith.constant 0 : i32
      %dma_wait3A_188 = arith.constant 0 : i32
      %dma_wait3A_189 = tpu.memref_slice %arg4[%arg0, %dma_wait3A_187, %dma_wait3A_188] : memref<2x10240x64xbf16, #tpu.memory_space<hbm>> -> memref<1x10240x64xbf16, #tpu.memory_space<hbm>>
      %dma_wait3A_190 = tpu.memref_squeeze %dma_wait3A_189 : memref<1x10240x64xbf16, #tpu.memory_space<hbm>> -> memref<10240x64xbf16, #tpu.memory_space<hbm>>
      %dma_wait3A_191 = arith.constant 0 : i32
      %dma_wait3A_192 = arith.constant 0 : i32
      %dma_wait3A_193 = tpu.memref_slice %dma_wait3A_190[%dma_wait3A_191, %dma_wait3A_192] : memref<10240x64xbf16, #tpu.memory_space<hbm>> -> memref<10240x64xbf16, #tpu.memory_space<hbm>>
      tpu.wait_indirect_dma semaphore(%arg17 : memref<!tpu.dma_semaphore, #tpu.memory_space<semaphore_mem>>) src(%dma_wait3A_193 : memref<10240x64xbf16, #tpu.memory_space<hbm>>) dst(%arg9 : memref<128x64xbf16, #tpu.memory_space<vmem>>)
      %gt3A_194 = arith.constant 0 : i32
      %gt3A_195 = arith.cmpi sgt, %scan3A_149, %gt3A_194 : i32
      %convert_element_type3A_196 = arith.extui %gt3A_195 : i1 to i32
      %cond3A_197 = arith.constant 0 : i32
      %cond3A_198 = arith.cmpi ne, %convert_element_type3A_196, %cond3A_197 : i32
      scf.if %cond3A_198 {
        %sub3A_290 = arith.constant 2 : i32
        %sub3A_291 = arith.subi %add3A_183, %sub3A_290 : i32
        %dma_wait3A_292 = arith.constant 0 : i32
        %dma_wait3A_293 = tpu.memref_slice %arg7[%sub3A_291, %dma_wait3A_292] : memref<160x128xi32, #tpu.memory_space<vmem>> -> memref<1x128xi32, #tpu.memory_space<vmem>>
        %dma_wait3A_294 = tpu.memref_squeeze %dma_wait3A_293 : memref<1x128xi32, #tpu.memory_space<vmem>> -> memref<128xi32, #tpu.memory_space<vmem>>
        %dma_wait3A_295 = arith.constant 0 : i32
        %dma_wait3A_296 = arith.constant 0 : i32
        %dma_wait3A_297 = tpu.memref_slice %arg15[%dma_wait3A_295, %dma_wait3A_296] : memref<10240x64xf32, #tpu.memory_space<vmem_shared>> -> memref<10240x64xf32, #tpu.memory_space<vmem_shared>>
        tpu.wait_indirect_dma semaphore(%arg21 : memref<!tpu.dma_semaphore, #tpu.memory_space<semaphore_mem>>) src(%arg13 : memref<128x64xf32, #tpu.memory_space<vmem>>) dst(%dma_wait3A_297 : memref<10240x64xf32, #tpu.memory_space<vmem_shared>>)
      } else {
      }
      %parallel_loop3A_199 = arith.constant 0 : i32
      %parallel_loop3A_200 = arith.constant 128 : i32
      %parallel_loop3A_201 = arith.constant 1 : i32
      scf.for %parallel_loop3A_290 = %parallel_loop3A_199 to %parallel_loop3A_200 step %parallel_loop3A_201  : i32 {
        %parallel_loop3A_291 = arith.index_cast %parallel_loop3A_290 : i32 to index
        %parallel_loop3A_292 = arith.constant 0 : index
        %parallel_loop3A_293 = tpu.vector_load %arg9[%parallel_loop3A_291, %parallel_loop3A_292] {strides = array<i32>} : memref<128x64xbf16, #tpu.memory_space<vmem>>, vector<32xbf16>,
        %parallel_loop3A_294 = vector.bitcast %parallel_loop3A_293 : vector<32xbf16> to vector<16xi32>
        %parallel_loop3A_295 = arith.constant 16 : i32
        %parallel_loop3A_296 = vector.broadcast %parallel_loop3A_295 : i32 to vector<16xi32>
        %parallel_loop3A_297 = arith.shli %parallel_loop3A_294, %parallel_loop3A_296 : vector<16xi32>
        %parallel_loop3A_298 = vector.bitcast %parallel_loop3A_297 : vector<16xi32> to vector<16xf32>
        %parallel_loop3A_299 = arith.index_cast %parallel_loop3A_290 : i32 to index
        %parallel_loop3A_300 = arith.constant 0 : index
        %parallel_loop3A_301 = tpu.vector_load %arg13[%parallel_loop3A_299, %parallel_loop3A_300] {strides = array<i32>} : memref<128x64xf32, #tpu.memory_space<vmem>>, vector<16xf32>,
        tpu.vector_store %arg13[%parallel_loop3A_299, %parallel_loop3A_300], %parallel_loop3A_298 {strides = array<i32>} : memref<128x64xf32, #tpu.memory_space<vmem>>, vector<16xf32>,
        %parallel_loop3A_302 = arith.andi %parallel_loop3A_294, %broadcast_in_dim3A_88 : vector<16xi32>
        %parallel_loop3A_303 = vector.bitcast %parallel_loop3A_302 : vector<16xi32> to vector<16xf32>
        %parallel_loop3A_304 = arith.index_cast %parallel_loop3A_290 : i32 to index
        %parallel_loop3A_305 = arith.constant 16 : index
        %parallel_loop3A_306 = tpu.vector_load %arg13[%parallel_loop3A_304, %parallel_loop3A_305] {strides = array<i32>} : memref<128x64xf32, #tpu.memory_space<vmem>>, vector<16xf32>,
        tpu.vector_store %arg13[%parallel_loop3A_304, %parallel_loop3A_305], %parallel_loop3A_303 {strides = array<i32>} : memref<128x64xf32, #tpu.memory_space<vmem>>, vector<16xf32>,
        %parallel_loop3A_307 = arith.index_cast %parallel_loop3A_290 : i32 to index
        %parallel_loop3A_308 = arith.constant 32 : index
        %parallel_loop3A_309 = tpu.vector_load %arg9[%parallel_loop3A_307, %parallel_loop3A_308] {strides = array<i32>} : memref<128x64xbf16, #tpu.memory_space<vmem>>, vector<32xbf16>,
        %parallel_loop3A_310 = vector.bitcast %parallel_loop3A_309 : vector<32xbf16> to vector<16xi32>
        %parallel_loop3A_311 = arith.constant 16 : i32
        %parallel_loop3A_312 = vector.broadcast %parallel_loop3A_311 : i32 to vector<16xi32>
        %parallel_loop3A_313 = arith.shli %parallel_loop3A_310, %parallel_loop3A_312 : vector<16xi32>
        %parallel_loop3A_314 = vector.bitcast %parallel_loop3A_313 : vector<16xi32> to vector<16xf32>
        %parallel_loop3A_315 = arith.index_cast %parallel_loop3A_290 : i32 to index
        %parallel_loop3A_316 = arith.constant 32 : index
        %parallel_loop3A_317 = tpu.vector_load %arg13[%parallel_loop3A_315, %parallel_loop3A_316] {strides = array<i32>} : memref<128x64xf32, #tpu.memory_space<vmem>>, vector<16xf32>,
        tpu.vector_store %arg13[%parallel_loop3A_315, %parallel_loop3A_316], %parallel_loop3A_314 {strides = array<i32>} : memref<128x64xf32, #tpu.memory_space<vmem>>, vector<16xf32>,
        %parallel_loop3A_318 = arith.andi %parallel_loop3A_310, %broadcast_in_dim3A_88 : vector<16xi32>
        %parallel_loop3A_319 = vector.bitcast %parallel_loop3A_318 : vector<16xi32> to vector<16xf32>
        %parallel_loop3A_320 = arith.index_cast %parallel_loop3A_290 : i32 to index
        %parallel_loop3A_321 = arith.constant 48 : index
        %parallel_loop3A_322 = tpu.vector_load %arg13[%parallel_loop3A_320, %parallel_loop3A_321] {strides = array<i32>} : memref<128x64xf32, #tpu.memory_space<vmem>>, vector<16xf32>,
        tpu.vector_store %arg13[%parallel_loop3A_320, %parallel_loop3A_321], %parallel_loop3A_319 {strides = array<i32>} : memref<128x64xf32, #tpu.memory_space<vmem>>, vector<16xf32>,
      } {sc.loop_unroll_factor = 4 : i64, sc.parallel_access}
      %dma_start3A_202 = arith.constant 0 : i32
      %dma_start3A_203 = tpu.memref_slice %arg7[%add3A_183, %dma_start3A_202] : memref<160x128xi32, #tpu.memory_space<vmem>> -> memref<1x128xi32, #tpu.memory_space<vmem>>
      %dma_start3A_204 = tpu.memref_squeeze %dma_start3A_203 : memref<1x128xi32, #tpu.memory_space<vmem>> -> memref<128xi32, #tpu.memory_space<vmem>>
      %dma_start3A_205 = arith.constant 0 : i32
      %dma_start3A_206 = arith.constant 0 : i32
      %dma_start3A_207 = tpu.memref_slice %arg15[%dma_start3A_205, %dma_start3A_206] : memref<10240x64xf32, #tpu.memory_space<vmem_shared>> -> memref<10240x64xf32, #tpu.memory_space<vmem_shared>>
      tpu.enqueue_indirect_dma source(%arg13 : memref<128x64xf32, #tpu.memory_space<vmem>>) target(%dma_start3A_207 : memref<10240x64xf32, #tpu.memory_space<vmem_shared>>) offsets(%dma_start3A_204 : memref<128xi32, #tpu.memory_space<vmem>>) semaphore(%arg21 : memref<!tpu.dma_semaphore, #tpu.memory_space<semaphore_mem>>) {add = true}
      %add3A_208 = arith.constant 1 : i32
      %add3A_209 = arith.addi %scan3A_149, %add3A_208 : i32
      %lt3A_210 = arith.constant 40 : i32
      %lt3A_211 = arith.cmpi slt, %add3A_209, %lt3A_210 : i32
      %convert_element_type3A_212 = arith.extui %lt3A_211 : i1 to i32
      %cond3A_213 = arith.constant 0 : i32
      %cond3A_214 = arith.cmpi ne, %convert_element_type3A_212, %cond3A_213 : i32
      scf.if %cond3A_214 {
        %add3A_290 = arith.constant 4 : i32
        %add3A_291 = arith.addi %add3A_183, %add3A_290 : i32
        %dma_start3A_292 = arith.constant 0 : i32
        %dma_start3A_293 = tpu.memref_slice %arg6[%add3A_291, %dma_start3A_292] : memref<160x128xi32, #tpu.memory_space<vmem>> -> memref<1x128xi32, #tpu.memory_space<vmem>>
        %dma_start3A_294 = tpu.memref_squeeze %dma_start3A_293 : memref<1x128xi32, #tpu.memory_space<vmem>> -> memref<128xi32, #tpu.memory_space<vmem>>
        %dma_start3A_295 = arith.constant 0 : i32
        %dma_start3A_296 = arith.constant 0 : i32
        %dma_start3A_297 = tpu.memref_slice %arg4[%arg0, %dma_start3A_295, %dma_start3A_296] : memref<2x10240x64xbf16, #tpu.memory_space<hbm>> -> memref<1x10240x64xbf16, #tpu.memory_space<hbm>>
        %dma_start3A_298 = tpu.memref_squeeze %dma_start3A_297 : memref<1x10240x64xbf16, #tpu.memory_space<hbm>> -> memref<10240x64xbf16, #tpu.memory_space<hbm>>
        %dma_start3A_299 = arith.constant 0 : i32
        %dma_start3A_300 = arith.constant 0 : i32
        %dma_start3A_301 = tpu.memref_slice %dma_start3A_298[%dma_start3A_299, %dma_start3A_300] : memref<10240x64xbf16, #tpu.memory_space<hbm>> -> memref<10240x64xbf16, #tpu.memory_space<hbm>>
        tpu.enqueue_indirect_dma source(%dma_start3A_301 : memref<10240x64xbf16, #tpu.memory_space<hbm>>) target(%arg9 : memref<128x64xbf16, #tpu.memory_space<vmem>>) offsets(%dma_start3A_294 : memref<128xi32, #tpu.memory_space<vmem>>) semaphore(%arg17 : memref<!tpu.dma_semaphore, #tpu.memory_space<semaphore_mem>>)
      } else {
      }
      %mul3A_215 = arith.constant 4 : i32
      %mul3A_216 = arith.muli %scan3A_149, %mul3A_215 : i32
      %add3A_217 = arith.constant 2 : i32
      %add3A_218 = arith.addi %mul3A_216, %add3A_217 : i32
      %dma_wait3A_219 = arith.constant 0 : i32
      %dma_wait3A_220 = tpu.memref_slice %arg6[%add3A_218, %dma_wait3A_219] : memref<160x128xi32, #tpu.memory_space<vmem>> -> memref<1x128xi32, #tpu.memory_space<vmem>>
      %dma_wait3A_221 = tpu.memref_squeeze %dma_wait3A_220 : memref<1x128xi32, #tpu.memory_space<vmem>> -> memref<128xi32, #tpu.memory_space<vmem>>
      %dma_wait3A_222 = arith.constant 0 : i32
      %dma_wait3A_223 = arith.constant 0 : i32
      %dma_wait3A_224 = tpu.memref_slice %arg4[%arg0, %dma_wait3A_222, %dma_wait3A_223] : memref<2x10240x64xbf16, #tpu.memory_space<hbm>> -> memref<1x10240x64xbf16, #tpu.memory_space<hbm>>
      %dma_wait3A_225 = tpu.memref_squeeze %dma_wait3A_224 : memref<1x10240x64xbf16, #tpu.memory_space<hbm>> -> memref<10240x64xbf16, #tpu.memory_space<hbm>>
      %dma_wait3A_226 = arith.constant 0 : i32
      %dma_wait3A_227 = arith.constant 0 : i32
      %dma_wait3A_228 = tpu.memref_slice %dma_wait3A_225[%dma_wait3A_226, %dma_wait3A_227] : memref<10240x64xbf16, #tpu.memory_space<hbm>> -> memref<10240x64xbf16, #tpu.memory_space<hbm>>
      tpu.wait_indirect_dma semaphore(%arg18 : memref<!tpu.dma_semaphore, #tpu.memory_space<semaphore_mem>>) src(%dma_wait3A_228 : memref<10240x64xbf16, #tpu.memory_space<hbm>>) dst(%arg10 : memref<128x64xbf16, #tpu.memory_space<vmem>>)
      %sub3A = arith.constant 2 : i32
      %sub3A_229 = arith.subi %add3A_218, %sub3A : i32
      %dma_wait3A_230 = arith.constant 0 : i32
      %dma_wait3A_231 = tpu.memref_slice %arg7[%sub3A_229, %dma_wait3A_230] : memref<160x128xi32, #tpu.memory_space<vmem>> -> memref<1x128xi32, #tpu.memory_space<vmem>>
      %dma_wait3A_232 = tpu.memref_squeeze %dma_wait3A_231 : memref<1x128xi32, #tpu.memory_space<vmem>> -> memref<128xi32, #tpu.memory_space<vmem>>
      %dma_wait3A_233 = arith.constant 0 : i32
      %dma_wait3A_234 = arith.constant 0 : i32
      %dma_wait3A_235 = tpu.memref_slice %arg15[%dma_wait3A_233, %dma_wait3A_234] : memref<10240x64xf32, #tpu.memory_space<vmem_shared>> -> memref<10240x64xf32, #tpu.memory_space<vmem_shared>>
      tpu.wait_indirect_dma semaphore(%arg20 : memref<!tpu.dma_semaphore, #tpu.memory_space<semaphore_mem>>) src(%arg12 : memref<128x64xf32, #tpu.memory_space<vmem>>) dst(%dma_wait3A_235 : memref<10240x64xf32, #tpu.memory_space<vmem_shared>>)
      %parallel_loop3A_236 = arith.constant 0 : i32
      %parallel_loop3A_237 = arith.constant 128 : i32
      %parallel_loop3A_238 = arith.constant 1 : i32
      scf.for %parallel_loop3A_290 = %parallel_loop3A_236 to %parallel_loop3A_237 step %parallel_loop3A_238  : i32 {
        %parallel_loop3A_291 = arith.index_cast %parallel_loop3A_290 : i32 to index
        %parallel_loop3A_292 = arith.constant 0 : index
        %parallel_loop3A_293 = tpu.vector_load %arg10[%parallel_loop3A_291, %parallel_loop3A_292] {strides = array<i32>} : memref<128x64xbf16, #tpu.memory_space<vmem>>, vector<32xbf16>,
        %parallel_loop3A_294 = vector.bitcast %parallel_loop3A_293 : vector<32xbf16> to vector<16xi32>
        %parallel_loop3A_295 = arith.constant 16 : i32
        %parallel_loop3A_296 = vector.broadcast %parallel_loop3A_295 : i32 to vector<16xi32>
        %parallel_loop3A_297 = arith.shli %parallel_loop3A_294, %parallel_loop3A_296 : vector<16xi32>
        %parallel_loop3A_298 = vector.bitcast %parallel_loop3A_297 : vector<16xi32> to vector<16xf32>
        %parallel_loop3A_299 = arith.index_cast %parallel_loop3A_290 : i32 to index
        %parallel_loop3A_300 = arith.constant 0 : index
        %parallel_loop3A_301 = tpu.vector_load %arg12[%parallel_loop3A_299, %parallel_loop3A_300] {strides = array<i32>} : memref<128x64xf32, #tpu.memory_space<vmem>>, vector<16xf32>,
        tpu.vector_store %arg12[%parallel_loop3A_299, %parallel_loop3A_300], %parallel_loop3A_298 {strides = array<i32>} : memref<128x64xf32, #tpu.memory_space<vmem>>, vector<16xf32>,
        %parallel_loop3A_302 = arith.andi %parallel_loop3A_294, %broadcast_in_dim3A_88 : vector<16xi32>
        %parallel_loop3A_303 = vector.bitcast %parallel_loop3A_302 : vector<16xi32> to vector<16xf32>
        %parallel_loop3A_304 = arith.index_cast %parallel_loop3A_290 : i32 to index
        %parallel_loop3A_305 = arith.constant 16 : index
        %parallel_loop3A_306 = tpu.vector_load %arg12[%parallel_loop3A_304, %parallel_loop3A_305] {strides = array<i32>} : memref<128x64xf32, #tpu.memory_space<vmem>>, vector<16xf32>,
        tpu.vector_store %arg12[%parallel_loop3A_304, %parallel_loop3A_305], %parallel_loop3A_303 {strides = array<i32>} : memref<128x64xf32, #tpu.memory_space<vmem>>, vector<16xf32>,
        %parallel_loop3A_307 = arith.index_cast %parallel_loop3A_290 : i32 to index
        %parallel_loop3A_308 = arith.constant 32 : index
        %parallel_loop3A_309 = tpu.vector_load %arg10[%parallel_loop3A_307, %parallel_loop3A_308] {strides = array<i32>} : memref<128x64xbf16, #tpu.memory_space<vmem>>, vector<32xbf16>,
        %parallel_loop3A_310 = vector.bitcast %parallel_loop3A_309 : vector<32xbf16> to vector<16xi32>
        %parallel_loop3A_311 = arith.constant 16 : i32
        %parallel_loop3A_312 = vector.broadcast %parallel_loop3A_311 : i32 to vector<16xi32>
        %parallel_loop3A_313 = arith.shli %parallel_loop3A_310, %parallel_loop3A_312 : vector<16xi32>
        %parallel_loop3A_314 = vector.bitcast %parallel_loop3A_313 : vector<16xi32> to vector<16xf32>
        %parallel_loop3A_315 = arith.index_cast %parallel_loop3A_290 : i32 to index
        %parallel_loop3A_316 = arith.constant 32 : index
        %parallel_loop3A_317 = tpu.vector_load %arg12[%parallel_loop3A_315, %parallel_loop3A_316] {strides = array<i32>} : memref<128x64xf32, #tpu.memory_space<vmem>>, vector<16xf32>,
        tpu.vector_store %arg12[%parallel_loop3A_315, %parallel_loop3A_316], %parallel_loop3A_314 {strides = array<i32>} : memref<128x64xf32, #tpu.memory_space<vmem>>, vector<16xf32>,
        %parallel_loop3A_318 = arith.andi %parallel_loop3A_310, %broadcast_in_dim3A_88 : vector<16xi32>
        %parallel_loop3A_319 = vector.bitcast %parallel_loop3A_318 : vector<16xi32> to vector<16xf32>
        %parallel_loop3A_320 = arith.index_cast %parallel_loop3A_290 : i32 to index
        %parallel_loop3A_321 = arith.constant 48 : index
        %parallel_loop3A_322 = tpu.vector_load %arg12[%parallel_loop3A_320, %parallel_loop3A_321] {strides = array<i32>} : memref<128x64xf32, #tpu.memory_space<vmem>>, vector<16xf32>,
        tpu.vector_store %arg12[%parallel_loop3A_320, %parallel_loop3A_321], %parallel_loop3A_319 {strides = array<i32>} : memref<128x64xf32, #tpu.memory_space<vmem>>, vector<16xf32>,
      } {sc.loop_unroll_factor = 4 : i64, sc.parallel_access}
      %dma_start3A_239 = arith.constant 0 : i32
      %dma_start3A_240 = tpu.memref_slice %arg7[%add3A_218, %dma_start3A_239] : memref<160x128xi32, #tpu.memory_space<vmem>> -> memref<1x128xi32, #tpu.memory_space<vmem>>
      %dma_start3A_241 = tpu.memref_squeeze %dma_start3A_240 : memref<1x128xi32, #tpu.memory_space<vmem>> -> memref<128xi32, #tpu.memory_space<vmem>>
      %dma_start3A_242 = arith.constant 0 : i32
      %dma_start3A_243 = arith.constant 0 : i32
      %dma_start3A_244 = tpu.memref_slice %arg15[%dma_start3A_242, %dma_start3A_243] : memref<10240x64xf32, #tpu.memory_space<vmem_shared>> -> memref<10240x64xf32, #tpu.memory_space<vmem_shared>>
      tpu.enqueue_indirect_dma source(%arg12 : memref<128x64xf32, #tpu.memory_space<vmem>>) target(%dma_start3A_244 : memref<10240x64xf32, #tpu.memory_space<vmem_shared>>) offsets(%dma_start3A_241 : memref<128xi32, #tpu.memory_space<vmem>>) semaphore(%arg20 : memref<!tpu.dma_semaphore, #tpu.memory_space<semaphore_mem>>) {add = true}
      %add3A_245 = arith.constant 1 : i32
      %add3A_246 = arith.addi %scan3A_149, %add3A_245 : i32
      %lt3A_247 = arith.constant 40 : i32
      %lt3A_248 = arith.cmpi slt, %add3A_246, %lt3A_247 : i32
      %convert_element_type3A_249 = arith.extui %lt3A_248 : i1 to i32
      %cond3A_250 = arith.constant 0 : i32
      %cond3A_251 = arith.cmpi ne, %convert_element_type3A_249, %cond3A_250 : i32
      scf.if %cond3A_251 {
        %add3A_290 = arith.constant 4 : i32
        %add3A_291 = arith.addi %add3A_218, %add3A_290 : i32
        %dma_start3A_292 = arith.constant 0 : i32
        %dma_start3A_293 = tpu.memref_slice %arg6[%add3A_291, %dma_start3A_292] : memref<160x128xi32, #tpu.memory_space<vmem>> -> memref<1x128xi32, #tpu.memory_space<vmem>>
        %dma_start3A_294 = tpu.memref_squeeze %dma_start3A_293 : memref<1x128xi32, #tpu.memory_space<vmem>> -> memref<128xi32, #tpu.memory_space<vmem>>
        %dma_start3A_295 = arith.constant 0 : i32
        %dma_start3A_296 = arith.constant 0 : i32
        %dma_start3A_297 = tpu.memref_slice %arg4[%arg0, %dma_start3A_295, %dma_start3A_296] : memref<2x10240x64xbf16, #tpu.memory_space<hbm>> -> memref<1x10240x64xbf16, #tpu.memory_space<hbm>>
        %dma_start3A_298 = tpu.memref_squeeze %dma_start3A_297 : memref<1x10240x64xbf16, #tpu.memory_space<hbm>> -> memref<10240x64xbf16, #tpu.memory_space<hbm>>
        %dma_start3A_299 = arith.constant 0 : i32
        %dma_start3A_300 = arith.constant 0 : i32
        %dma_start3A_301 = tpu.memref_slice %dma_start3A_298[%dma_start3A_299, %dma_start3A_300] : memref<10240x64xbf16, #tpu.memory_space<hbm>> -> memref<10240x64xbf16, #tpu.memory_space<hbm>>
        tpu.enqueue_indirect_dma source(%dma_start3A_301 : memref<10240x64xbf16, #tpu.memory_space<hbm>>) target(%arg10 : memref<128x64xbf16, #tpu.memory_space<vmem>>) offsets(%dma_start3A_294 : memref<128xi32, #tpu.memory_space<vmem>>) semaphore(%arg18 : memref<!tpu.dma_semaphore, #tpu.memory_space<semaphore_mem>>)
      } else {
      }
      %mul3A_252 = arith.constant 4 : i32
      %mul3A_253 = arith.muli %scan3A_149, %mul3A_252 : i32
      %add3A_254 = arith.constant 3 : i32
      %add3A_255 = arith.addi %mul3A_253, %add3A_254 : i32
      %dma_wait3A_256 = arith.constant 0 : i32
      %dma_wait3A_257 = tpu.memref_slice %arg6[%add3A_255, %dma_wait3A_256] : memref<160x128xi32, #tpu.memory_space<vmem>> -> memref<1x128xi32, #tpu.memory_space<vmem>>
      %dma_wait3A_258 = tpu.memref_squeeze %dma_wait3A_257 : memref<1x128xi32, #tpu.memory_space<vmem>> -> memref<128xi32, #tpu.memory_space<vmem>>
      %dma_wait3A_259 = arith.constant 0 : i32
      %dma_wait3A_260 = arith.constant 0 : i32
      %dma_wait3A_261 = tpu.memref_slice %arg4[%arg0, %dma_wait3A_259, %dma_wait3A_260] : memref<2x10240x64xbf16, #tpu.memory_space<hbm>> -> memref<1x10240x64xbf16, #tpu.memory_space<hbm>>
      %dma_wait3A_262 = tpu.memref_squeeze %dma_wait3A_261 : memref<1x10240x64xbf16, #tpu.memory_space<hbm>> -> memref<10240x64xbf16, #tpu.memory_space<hbm>>
      %dma_wait3A_263 = arith.constant 0 : i32
      %dma_wait3A_264 = arith.constant 0 : i32
      %dma_wait3A_265 = tpu.memref_slice %dma_wait3A_262[%dma_wait3A_263, %dma_wait3A_264] : memref<10240x64xbf16, #tpu.memory_space<hbm>> -> memref<10240x64xbf16, #tpu.memory_space<hbm>>
      tpu.wait_indirect_dma semaphore(%arg19 : memref<!tpu.dma_semaphore, #tpu.memory_space<semaphore_mem>>) src(%dma_wait3A_265 : memref<10240x64xbf16, #tpu.memory_space<hbm>>) dst(%arg11 : memref<128x64xbf16, #tpu.memory_space<vmem>>)
      %sub3A_266 = arith.constant 2 : i32
      %sub3A_267 = arith.subi %add3A_255, %sub3A_266 : i32
      %dma_wait3A_268 = arith.constant 0 : i32
      %dma_wait3A_269 = tpu.memref_slice %arg7[%sub3A_267, %dma_wait3A_268] : memref<160x128xi32, #tpu.memory_space<vmem>> -> memref<1x128xi32, #tpu.memory_space<vmem>>
      %dma_wait3A_270 = tpu.memref_squeeze %dma_wait3A_269 : memref<1x128xi32, #tpu.memory_space<vmem>> -> memref<128xi32, #tpu.memory_space<vmem>>
      %dma_wait3A_271 = arith.constant 0 : i32
      %dma_wait3A_272 = arith.constant 0 : i32
      %dma_wait3A_273 = tpu.memref_slice %arg15[%dma_wait3A_271, %dma_wait3A_272] : memref<10240x64xf32, #tpu.memory_space<vmem_shared>> -> memref<10240x64xf32, #tpu.memory_space<vmem_shared>>
      tpu.wait_indirect_dma semaphore(%arg21 : memref<!tpu.dma_semaphore, #tpu.memory_space<semaphore_mem>>) src(%arg13 : memref<128x64xf32, #tpu.memory_space<vmem>>) dst(%dma_wait3A_273 : memref<10240x64xf32, #tpu.memory_space<vmem_shared>>)
      %parallel_loop3A_274 = arith.constant 0 : i32
      %parallel_loop3A_275 = arith.constant 128 : i32
      %parallel_loop3A_276 = arith.constant 1 : i32
      scf.for %parallel_loop3A_290 = %parallel_loop3A_274 to %parallel_loop3A_275 step %parallel_loop3A_276  : i32 {
        %parallel_loop3A_291 = arith.index_cast %parallel_loop3A_290 : i32 to index
        %parallel_loop3A_292 = arith.constant 0 : index
        %parallel_loop3A_293 = tpu.vector_load %arg11[%parallel_loop3A_291, %parallel_loop3A_292] {strides = array<i32>} : memref<128x64xbf16, #tpu.memory_space<vmem>>, vector<32xbf16>,
        %parallel_loop3A_294 = vector.bitcast %parallel_loop3A_293 : vector<32xbf16> to vector<16xi32>
        %parallel_loop3A_295 = arith.constant 16 : i32
        %parallel_loop3A_296 = vector.broadcast %parallel_loop3A_295 : i32 to vector<16xi32>
        %parallel_loop3A_297 = arith.shli %parallel_loop3A_294, %parallel_loop3A_296 : vector<16xi32>
        %parallel_loop3A_298 = vector.bitcast %parallel_loop3A_297 : vector<16xi32> to vector<16xf32>
        %parallel_loop3A_299 = arith.index_cast %parallel_loop3A_290 : i32 to index
        %parallel_loop3A_300 = arith.constant 0 : index
        %parallel_loop3A_301 = tpu.vector_load %arg13[%parallel_loop3A_299, %parallel_loop3A_300] {strides = array<i32>} : memref<128x64xf32, #tpu.memory_space<vmem>>, vector<16xf32>,
        tpu.vector_store %arg13[%parallel_loop3A_299, %parallel_loop3A_300], %parallel_loop3A_298 {strides = array<i32>} : memref<128x64xf32, #tpu.memory_space<vmem>>, vector<16xf32>,
        %parallel_loop3A_302 = arith.andi %parallel_loop3A_294, %broadcast_in_dim3A_88 : vector<16xi32>
        %parallel_loop3A_303 = vector.bitcast %parallel_loop3A_302 : vector<16xi32> to vector<16xf32>
        %parallel_loop3A_304 = arith.index_cast %parallel_loop3A_290 : i32 to index
        %parallel_loop3A_305 = arith.constant 16 : index
        %parallel_loop3A_306 = tpu.vector_load %arg13[%parallel_loop3A_304, %parallel_loop3A_305] {strides = array<i32>} : memref<128x64xf32, #tpu.memory_space<vmem>>, vector<16xf32>,
        tpu.vector_store %arg13[%parallel_loop3A_304, %parallel_loop3A_305], %parallel_loop3A_303 {strides = array<i32>} : memref<128x64xf32, #tpu.memory_space<vmem>>, vector<16xf32>,
        %parallel_loop3A_307 = arith.index_cast %parallel_loop3A_290 : i32 to index
        %parallel_loop3A_308 = arith.constant 32 : index
        %parallel_loop3A_309 = tpu.vector_load %arg11[%parallel_loop3A_307, %parallel_loop3A_308] {strides = array<i32>} : memref<128x64xbf16, #tpu.memory_space<vmem>>, vector<32xbf16>,
        %parallel_loop3A_310 = vector.bitcast %parallel_loop3A_309 : vector<32xbf16> to vector<16xi32>
        %parallel_loop3A_311 = arith.constant 16 : i32
        %parallel_loop3A_312 = vector.broadcast %parallel_loop3A_311 : i32 to vector<16xi32>
        %parallel_loop3A_313 = arith.shli %parallel_loop3A_310, %parallel_loop3A_312 : vector<16xi32>
        %parallel_loop3A_314 = vector.bitcast %parallel_loop3A_313 : vector<16xi32> to vector<16xf32>
        %parallel_loop3A_315 = arith.index_cast %parallel_loop3A_290 : i32 to index
        %parallel_loop3A_316 = arith.constant 32 : index
        %parallel_loop3A_317 = tpu.vector_load %arg13[%parallel_loop3A_315, %parallel_loop3A_316] {strides = array<i32>} : memref<128x64xf32, #tpu.memory_space<vmem>>, vector<16xf32>,
        tpu.vector_store %arg13[%parallel_loop3A_315, %parallel_loop3A_316], %parallel_loop3A_314 {strides = array<i32>} : memref<128x64xf32, #tpu.memory_space<vmem>>, vector<16xf32>,
        %parallel_loop3A_318 = arith.andi %parallel_loop3A_310, %broadcast_in_dim3A_88 : vector<16xi32>
        %parallel_loop3A_319 = vector.bitcast %parallel_loop3A_318 : vector<16xi32> to vector<16xf32>
        %parallel_loop3A_320 = arith.index_cast %parallel_loop3A_290 : i32 to index
        %parallel_loop3A_321 = arith.constant 48 : index
        %parallel_loop3A_322 = tpu.vector_load %arg13[%parallel_loop3A_320, %parallel_loop3A_321] {strides = array<i32>} : memref<128x64xf32, #tpu.memory_space<vmem>>, vector<16xf32>,
        tpu.vector_store %arg13[%parallel_loop3A_320, %parallel_loop3A_321], %parallel_loop3A_319 {strides = array<i32>} : memref<128x64xf32, #tpu.memory_space<vmem>>, vector<16xf32>,
      } {sc.loop_unroll_factor = 4 : i64, sc.parallel_access}
      %dma_start3A_277 = arith.constant 0 : i32
      %dma_start3A_278 = tpu.memref_slice %arg7[%add3A_255, %dma_start3A_277] : memref<160x128xi32, #tpu.memory_space<vmem>> -> memref<1x128xi32, #tpu.memory_space<vmem>>
      %dma_start3A_279 = tpu.memref_squeeze %dma_start3A_278 : memref<1x128xi32, #tpu.memory_space<vmem>> -> memref<128xi32, #tpu.memory_space<vmem>>
      %dma_start3A_280 = arith.constant 0 : i32
      %dma_start3A_281 = arith.constant 0 : i32
      %dma_start3A_282 = tpu.memref_slice %arg15[%dma_start3A_280, %dma_start3A_281] : memref<10240x64xf32, #tpu.memory_space<vmem_shared>> -> memref<10240x64xf32, #tpu.memory_space<vmem_shared>>
      tpu.enqueue_indirect_dma source(%arg13 : memref<128x64xf32, #tpu.memory_space<vmem>>) target(%dma_start3A_282 : memref<10240x64xf32, #tpu.memory_space<vmem_shared>>) offsets(%dma_start3A_279 : memref<128xi32, #tpu.memory_space<vmem>>) semaphore(%arg21 : memref<!tpu.dma_semaphore, #tpu.memory_space<semaphore_mem>>) {add = true}
      %add3A_283 = arith.constant 1 : i32
      %add3A_284 = arith.addi %scan3A_149, %add3A_283 : i32
      %lt3A_285 = arith.constant 40 : i32
      %lt3A_286 = arith.cmpi slt, %add3A_284, %lt3A_285 : i32
      %convert_element_type3A_287 = arith.extui %lt3A_286 : i1 to i32
      %cond3A_288 = arith.constant 0 : i32
      %cond3A_289 = arith.cmpi ne, %convert_element_type3A_287, %cond3A_288 : i32
      scf.if %cond3A_289 {
        %add3A_290 = arith.constant 4 : i32
        %add3A_291 = arith.addi %add3A_255, %add3A_290 : i32
        %dma_start3A_292 = arith.constant 0 : i32
        %dma_start3A_293 = tpu.memref_slice %arg6[%add3A_291, %dma_start3A_292] : memref<160x128xi32, #tpu.memory_space<vmem>> -> memref<1x128xi32, #tpu.memory_space<vmem>>
        %dma_start3A_294 = tpu.memref_squeeze %dma_start3A_293 : memref<1x128xi32, #tpu.memory_space<vmem>> -> memref<128xi32, #tpu.memory_space<vmem>>
        %dma_start3A_295 = arith.constant 0 : i32
        %dma_start3A_296 = arith.constant 0 : i32
        %dma_start3A_297 = tpu.memref_slice %arg4[%arg0, %dma_start3A_295, %dma_start3A_296] : memref<2x10240x64xbf16, #tpu.memory_space<hbm>> -> memref<1x10240x64xbf16, #tpu.memory_space<hbm>>
        %dma_start3A_298 = tpu.memref_squeeze %dma_start3A_297 : memref<1x10240x64xbf16, #tpu.memory_space<hbm>> -> memref<10240x64xbf16, #tpu.memory_space<hbm>>
        %dma_start3A_299 = arith.constant 0 : i32
        %dma_start3A_300 = arith.constant 0 : i32
        %dma_start3A_301 = tpu.memref_slice %dma_start3A_298[%dma_start3A_299, %dma_start3A_300] : memref<10240x64xbf16, #tpu.memory_space<hbm>> -> memref<10240x64xbf16, #tpu.memory_space<hbm>>
        tpu.enqueue_indirect_dma source(%dma_start3A_301 : memref<10240x64xbf16, #tpu.memory_space<hbm>>) target(%arg11 : memref<128x64xbf16, #tpu.memory_space<vmem>>) offsets(%dma_start3A_294 : memref<128xi32, #tpu.memory_space<vmem>>) semaphore(%arg19 : memref<!tpu.dma_semaphore, #tpu.memory_space<semaphore_mem>>)
      } else {
      }
    }
    %scan3A_94 = arith.constant 40 : i32
    %dma_wait3A = arith.constant 158 : i32
    %dma_wait3A_95 = arith.constant 0 : i32
    %dma_wait3A_96 = tpu.memref_slice %arg7[%dma_wait3A, %dma_wait3A_95] : memref<160x128xi32, #tpu.memory_space<vmem>> -> memref<1x128xi32, #tpu.memory_space<vmem>>
    %dma_wait3A_97 = tpu.memref_squeeze %dma_wait3A_96 : memref<1x128xi32, #tpu.memory_space<vmem>> -> memref<128xi32, #tpu.memory_space<vmem>>
    %dma_wait3A_98 = arith.constant 0 : i32
    %dma_wait3A_99 = arith.constant 0 : i32
    %dma_wait3A_100 = tpu.memref_slice %arg15[%dma_wait3A_98, %dma_wait3A_99] : memref<10240x64xf32, #tpu.memory_space<vmem_shared>> -> memref<10240x64xf32, #tpu.memory_space<vmem_shared>>
    tpu.wait_indirect_dma semaphore(%arg20 : memref<!tpu.dma_semaphore, #tpu.memory_space<semaphore_mem>>) src(%arg12 : memref<128x64xf32, #tpu.memory_space<vmem>>) dst(%dma_wait3A_100 : memref<10240x64xf32, #tpu.memory_space<vmem_shared>>)
    %dma_wait3A_101 = arith.constant 159 : i32
    %dma_wait3A_102 = arith.constant 0 : i32
    %dma_wait3A_103 = tpu.memref_slice %arg7[%dma_wait3A_101, %dma_wait3A_102] : memref<160x128xi32, #tpu.memory_space<vmem>> -> memref<1x128xi32, #tpu.memory_space<vmem>>
    %dma_wait3A_104 = tpu.memref_squeeze %dma_wait3A_103 : memref<1x128xi32, #tpu.memory_space<vmem>> -> memref<128xi32, #tpu.memory_space<vmem>>
    %dma_wait3A_105 = arith.constant 0 : i32
    %dma_wait3A_106 = arith.constant 0 : i32
    %dma_wait3A_107 = tpu.memref_slice %arg15[%dma_wait3A_105, %dma_wait3A_106] : memref<10240x64xf32, #tpu.memory_space<vmem_shared>> -> memref<10240x64xf32, #tpu.memory_space<vmem_shared>>
    tpu.wait_indirect_dma semaphore(%arg21 : memref<!tpu.dma_semaphore, #tpu.memory_space<semaphore_mem>>) src(%arg13 : memref<128x64xf32, #tpu.memory_space<vmem>>) dst(%dma_wait3A_107 : memref<10240x64xf32, #tpu.memory_space<vmem_shared>>)
    %barrier3A_108 = arith.constant 0 : index
    tpu.barrier barrier_id(%barrier3A_108)
    %mul3A_109 = arith.constant 640 : i32
    %mul3A_110 = arith.muli %arg1, %mul3A_109 : i32
    %add3A_111 = arith.constant 0 : i32
    %add3A_112 = arith.addi %mul3A_110, %add3A_111 : i32
    "tpu.region"() ({
      %run_scoped3A = tpu.sem_alloc : memref<!tpu.dma_semaphore, #tpu.memory_space<semaphore_mem>>
      %dma_start3A_149 = arith.constant 0 : i32
      %dma_start3A_150 = tpu.memref_slice %arg5[%arg0, %add3A_112, %dma_start3A_149] : memref<2x10240x64xf32, #tpu.memory_space<hbm>> -> memref<1x64x64xf32, #tpu.memory_space<hbm>>
      %dma_start3A_151 = tpu.memref_squeeze %dma_start3A_150 : memref<1x64x64xf32, #tpu.memory_space<hbm>> -> memref<64x64xf32, #tpu.memory_space<hbm>>
      %dma_start3A_152 = arith.constant 0 : i32
      %dma_start3A_153 = tpu.memref_slice %arg15[%add3A_112, %dma_start3A_152] : memref<10240x64xf32, #tpu.memory_space<vmem_shared>> -> memref<64x64xf32, #tpu.memory_space<vmem_shared>>
      tpu.enqueue_dma source(%dma_start3A_153 : memref<64x64xf32, #tpu.memory_space<vmem_shared>>) target(%dma_start3A_151 : memref<64x64xf32, #tpu.memory_space<hbm>>) target_semaphore(%run_scoped3A : memref<!tpu.dma_semaphore, #tpu.memory_space<semaphore_mem>>)
      %dma_wait3A_154 = arith.constant 0 : i32
      %dma_wait3A_155 = tpu.memref_slice %arg5[%arg0, %add3A_112, %dma_wait3A_154] : memref<2x10240x64xf32, #tpu.memory_space<hbm>> -> memref<1x64x64xf32, #tpu.memory_space<hbm>>
      %dma_wait3A_156 = tpu.memref_squeeze %dma_wait3A_155 : memref<1x64x64xf32, #tpu.memory_space<hbm>> -> memref<64x64xf32, #tpu.memory_space<hbm>>
      %dma_wait3A_157 = arith.constant 0 : i32
      %dma_wait3A_158 = tpu.memref_slice %arg15[%add3A_112, %dma_wait3A_157] : memref<10240x64xf32, #tpu.memory_space<vmem_shared>> -> memref<64x64xf32, #tpu.memory_space<vmem_shared>>
      tpu.wait_dma2 semaphore(%run_scoped3A : memref<!tpu.dma_semaphore, #tpu.memory_space<semaphore_mem>>) src(%dma_wait3A_158 : memref<64x64xf32, #tpu.memory_space<vmem_shared>>) dst(%dma_wait3A_156 : memref<64x64xf32, #tpu.memory_space<hbm>>)
      tpu.yield
    }) : () -> ()
    %mul3A_113 = arith.constant 640 : i32
    %mul3A_114 = arith.muli %arg1, %mul3A_113 : i32
    %add3A_115 = arith.constant 64 : i32
    %add3A_116 = arith.addi %mul3A_114, %add3A_115 : i32
    "tpu.region"() ({
      %run_scoped3A = tpu.sem_alloc : memref<!tpu.dma_semaphore, #tpu.memory_space<semaphore_mem>>
      %dma_start3A_149 = arith.constant 0 : i32
      %dma_start3A_150 = tpu.memref_slice %arg5[%arg0, %add3A_116, %dma_start3A_149] : memref<2x10240x64xf32, #tpu.memory_space<hbm>> -> memref<1x64x64xf32, #tpu.memory_space<hbm>>
      %dma_start3A_151 = tpu.memref_squeeze %dma_start3A_150 : memref<1x64x64xf32, #tpu.memory_space<hbm>> -> memref<64x64xf32, #tpu.memory_space<hbm>>
      %dma_start3A_152 = arith.constant 0 : i32
      %dma_start3A_153 = tpu.memref_slice %arg15[%add3A_116, %dma_start3A_152] : memref<10240x64xf32, #tpu.memory_space<vmem_shared>> -> memref<64x64xf32, #tpu.memory_space<vmem_shared>>
      tpu.enqueue_dma source(%dma_start3A_153 : memref<64x64xf32, #tpu.memory_space<vmem_shared>>) target(%dma_start3A_151 : memref<64x64xf32, #tpu.memory_space<hbm>>) target_semaphore(%run_scoped3A : memref<!tpu.dma_semaphore, #tpu.memory_space<semaphore_mem>>)
      %dma_wait3A_154 = arith.constant 0 : i32
      %dma_wait3A_155 = tpu.memref_slice %arg5[%arg0, %add3A_116, %dma_wait3A_154] : memref<2x10240x64xf32, #tpu.memory_space<hbm>> -> memref<1x64x64xf32, #tpu.memory_space<hbm>>
      %dma_wait3A_156 = tpu.memref_squeeze %dma_wait3A_155 : memref<1x64x64xf32, #tpu.memory_space<hbm>> -> memref<64x64xf32, #tpu.memory_space<hbm>>
      %dma_wait3A_157 = arith.constant 0 : i32
      %dma_wait3A_158 = tpu.memref_slice %arg15[%add3A_116, %dma_wait3A_157] : memref<10240x64xf32, #tpu.memory_space<vmem_shared>> -> memref<64x64xf32, #tpu.memory_space<vmem_shared>>
      tpu.wait_dma2 semaphore(%run_scoped3A : memref<!tpu.dma_semaphore, #tpu.memory_space<semaphore_mem>>) src(%dma_wait3A_158 : memref<64x64xf32, #tpu.memory_space<vmem_shared>>) dst(%dma_wait3A_156 : memref<64x64xf32, #tpu.memory_space<hbm>>)
      tpu.yield
    }) : () -> ()
    %mul3A_117 = arith.constant 640 : i32
    %mul3A_118 = arith.muli %arg1, %mul3A_117 : i32
    %add3A_119 = arith.constant 128 : i32
    %add3A_120 = arith.addi %mul3A_118, %add3A_119 : i32
    "tpu.region"() ({
      %run_scoped3A = tpu.sem_alloc : memref<!tpu.dma_semaphore, #tpu.memory_space<semaphore_mem>>
      %dma_start3A_149 = arith.constant 0 : i32
      %dma_start3A_150 = tpu.memref_slice %arg5[%arg0, %add3A_120, %dma_start3A_149] : memref<2x10240x64xf32, #tpu.memory_space<hbm>> -> memref<1x64x64xf32, #tpu.memory_space<hbm>>
      %dma_start3A_151 = tpu.memref_squeeze %dma_start3A_150 : memref<1x64x64xf32, #tpu.memory_space<hbm>> -> memref<64x64xf32, #tpu.memory_space<hbm>>
      %dma_start3A_152 = arith.constant 0 : i32
      %dma_start3A_153 = tpu.memref_slice %arg15[%add3A_120, %dma_start3A_152] : memref<10240x64xf32, #tpu.memory_space<vmem_shared>> -> memref<64x64xf32, #tpu.memory_space<vmem_shared>>
      tpu.enqueue_dma source(%dma_start3A_153 : memref<64x64xf32, #tpu.memory_space<vmem_shared>>) target(%dma_start3A_151 : memref<64x64xf32, #tpu.memory_space<hbm>>) target_semaphore(%run_scoped3A : memref<!tpu.dma_semaphore, #tpu.memory_space<semaphore_mem>>)
      %dma_wait3A_154 = arith.constant 0 : i32
      %dma_wait3A_155 = tpu.memref_slice %arg5[%arg0, %add3A_120, %dma_wait3A_154] : memref<2x10240x64xf32, #tpu.memory_space<hbm>> -> memref<1x64x64xf32, #tpu.memory_space<hbm>>
      %dma_wait3A_156 = tpu.memref_squeeze %dma_wait3A_155 : memref<1x64x64xf32, #tpu.memory_space<hbm>> -> memref<64x64xf32, #tpu.memory_space<hbm>>
      %dma_wait3A_157 = arith.constant 0 : i32
      %dma_wait3A_158 = tpu.memref_slice %arg15[%add3A_120, %dma_wait3A_157] : memref<10240x64xf32, #tpu.memory_space<vmem_shared>> -> memref<64x64xf32, #tpu.memory_space<vmem_shared>>
      tpu.wait_dma2 semaphore(%run_scoped3A : memref<!tpu.dma_semaphore, #tpu.memory_space<semaphore_mem>>) src(%dma_wait3A_158 : memref<64x64xf32, #tpu.memory_space<vmem_shared>>) dst(%dma_wait3A_156 : memref<64x64xf32, #tpu.memory_space<hbm>>)
      tpu.yield
    }) : () -> ()
    %mul3A_121 = arith.constant 640 : i32
    %mul3A_122 = arith.muli %arg1, %mul3A_121 : i32
    %add3A_123 = arith.constant 192 : i32
    %add3A_124 = arith.addi %mul3A_122, %add3A_123 : i32
    "tpu.region"() ({
      %run_scoped3A = tpu.sem_alloc : memref<!tpu.dma_semaphore, #tpu.memory_space<semaphore_mem>>
      %dma_start3A_149 = arith.constant 0 : i32
      %dma_start3A_150 = tpu.memref_slice %arg5[%arg0, %add3A_124, %dma_start3A_149] : memref<2x10240x64xf32, #tpu.memory_space<hbm>> -> memref<1x64x64xf32, #tpu.memory_space<hbm>>
      %dma_start3A_151 = tpu.memref_squeeze %dma_start3A_150 : memref<1x64x64xf32, #tpu.memory_space<hbm>> -> memref<64x64xf32, #tpu.memory_space<hbm>>
      %dma_start3A_152 = arith.constant 0 : i32
      %dma_start3A_153 = tpu.memref_slice %arg15[%add3A_124, %dma_start3A_152] : memref<10240x64xf32, #tpu.memory_space<vmem_shared>> -> memref<64x64xf32, #tpu.memory_space<vmem_shared>>
      tpu.enqueue_dma source(%dma_start3A_153 : memref<64x64xf32, #tpu.memory_space<vmem_shared>>) target(%dma_start3A_151 : memref<64x64xf32, #tpu.memory_space<hbm>>) target_semaphore(%run_scoped3A : memref<!tpu.dma_semaphore, #tpu.memory_space<semaphore_mem>>)
      %dma_wait3A_154 = arith.constant 0 : i32
      %dma_wait3A_155 = tpu.memref_slice %arg5[%arg0, %add3A_124, %dma_wait3A_154] : memref<2x10240x64xf32, #tpu.memory_space<hbm>> -> memref<1x64x64xf32, #tpu.memory_space<hbm>>
      %dma_wait3A_156 = tpu.memref_squeeze %dma_wait3A_155 : memref<1x64x64xf32, #tpu.memory_space<hbm>> -> memref<64x64xf32, #tpu.memory_space<hbm>>
      %dma_wait3A_157 = arith.constant 0 : i32
      %dma_wait3A_158 = tpu.memref_slice %arg15[%add3A_124, %dma_wait3A_157] : memref<10240x64xf32, #tpu.memory_space<vmem_shared>> -> memref<64x64xf32, #tpu.memory_space<vmem_shared>>
      tpu.wait_dma2 semaphore(%run_scoped3A : memref<!tpu.dma_semaphore, #tpu.memory_space<semaphore_mem>>) src(%dma_wait3A_158 : memref<64x64xf32, #tpu.memory_space<vmem_shared>>) dst(%dma_wait3A_156 : memref<64x64xf32, #tpu.memory_space<hbm>>)
      tpu.yield
    }) : () -> ()
    %mul3A_125 = arith.constant 640 : i32
    %mul3A_126 = arith.muli %arg1, %mul3A_125 : i32
    %add3A_127 = arith.constant 256 : i32
    %add3A_128 = arith.addi %mul3A_126, %add3A_127 : i32
    "tpu.region"() ({
      %run_scoped3A = tpu.sem_alloc : memref<!tpu.dma_semaphore, #tpu.memory_space<semaphore_mem>>
      %dma_start3A_149 = arith.constant 0 : i32
      %dma_start3A_150 = tpu.memref_slice %arg5[%arg0, %add3A_128, %dma_start3A_149] : memref<2x10240x64xf32, #tpu.memory_space<hbm>> -> memref<1x64x64xf32, #tpu.memory_space<hbm>>
      %dma_start3A_151 = tpu.memref_squeeze %dma_start3A_150 : memref<1x64x64xf32, #tpu.memory_space<hbm>> -> memref<64x64xf32, #tpu.memory_space<hbm>>
      %dma_start3A_152 = arith.constant 0 : i32
      %dma_start3A_153 = tpu.memref_slice %arg15[%add3A_128, %dma_start3A_152] : memref<10240x64xf32, #tpu.memory_space<vmem_shared>> -> memref<64x64xf32, #tpu.memory_space<vmem_shared>>
      tpu.enqueue_dma source(%dma_start3A_153 : memref<64x64xf32, #tpu.memory_space<vmem_shared>>) target(%dma_start3A_151 : memref<64x64xf32, #tpu.memory_space<hbm>>) target_semaphore(%run_scoped3A : memref<!tpu.dma_semaphore, #tpu.memory_space<semaphore_mem>>)
      %dma_wait3A_154 = arith.constant 0 : i32
      %dma_wait3A_155 = tpu.memref_slice %arg5[%arg0, %add3A_128, %dma_wait3A_154] : memref<2x10240x64xf32, #tpu.memory_space<hbm>> -> memref<1x64x64xf32, #tpu.memory_space<hbm>>
      %dma_wait3A_156 = tpu.memref_squeeze %dma_wait3A_155 : memref<1x64x64xf32, #tpu.memory_space<hbm>> -> memref<64x64xf32, #tpu.memory_space<hbm>>
      %dma_wait3A_157 = arith.constant 0 : i32
      %dma_wait3A_158 = tpu.memref_slice %arg15[%add3A_128, %dma_wait3A_157] : memref<10240x64xf32, #tpu.memory_space<vmem_shared>> -> memref<64x64xf32, #tpu.memory_space<vmem_shared>>
      tpu.wait_dma2 semaphore(%run_scoped3A : memref<!tpu.dma_semaphore, #tpu.memory_space<semaphore_mem>>) src(%dma_wait3A_158 : memref<64x64xf32, #tpu.memory_space<vmem_shared>>) dst(%dma_wait3A_156 : memref<64x64xf32, #tpu.memory_space<hbm>>)
      tpu.yield
    }) : () -> ()
    %mul3A_129 = arith.constant 640 : i32
    %mul3A_130 = arith.muli %arg1, %mul3A_129 : i32
    %add3A_131 = arith.constant 320 : i32
    %add3A_132 = arith.addi %mul3A_130, %add3A_131 : i32
    "tpu.region"() ({
      %run_scoped3A = tpu.sem_alloc : memref<!tpu.dma_semaphore, #tpu.memory_space<semaphore_mem>>
      %dma_start3A_149 = arith.constant 0 : i32
      %dma_start3A_150 = tpu.memref_slice %arg5[%arg0, %add3A_132, %dma_start3A_149] : memref<2x10240x64xf32, #tpu.memory_space<hbm>> -> memref<1x64x64xf32, #tpu.memory_space<hbm>>
      %dma_start3A_151 = tpu.memref_squeeze %dma_start3A_150 : memref<1x64x64xf32, #tpu.memory_space<hbm>> -> memref<64x64xf32, #tpu.memory_space<hbm>>
      %dma_start3A_152 = arith.constant 0 : i32
      %dma_start3A_153 = tpu.memref_slice %arg15[%add3A_132, %dma_start3A_152] : memref<10240x64xf32, #tpu.memory_space<vmem_shared>> -> memref<64x64xf32, #tpu.memory_space<vmem_shared>>
      tpu.enqueue_dma source(%dma_start3A_153 : memref<64x64xf32, #tpu.memory_space<vmem_shared>>) target(%dma_start3A_151 : memref<64x64xf32, #tpu.memory_space<hbm>>) target_semaphore(%run_scoped3A : memref<!tpu.dma_semaphore, #tpu.memory_space<semaphore_mem>>)
      %dma_wait3A_154 = arith.constant 0 : i32
      %dma_wait3A_155 = tpu.memref_slice %arg5[%arg0, %add3A_132, %dma_wait3A_154] : memref<2x10240x64xf32, #tpu.memory_space<hbm>> -> memref<1x64x64xf32, #tpu.memory_space<hbm>>
      %dma_wait3A_156 = tpu.memref_squeeze %dma_wait3A_155 : memref<1x64x64xf32, #tpu.memory_space<hbm>> -> memref<64x64xf32, #tpu.memory_space<hbm>>
      %dma_wait3A_157 = arith.constant 0 : i32
      %dma_wait3A_158 = tpu.memref_slice %arg15[%add3A_132, %dma_wait3A_157] : memref<10240x64xf32, #tpu.memory_space<vmem_shared>> -> memref<64x64xf32, #tpu.memory_space<vmem_shared>>
      tpu.wait_dma2 semaphore(%run_scoped3A : memref<!tpu.dma_semaphore, #tpu.memory_space<semaphore_mem>>) src(%dma_wait3A_158 : memref<64x64xf32, #tpu.memory_space<vmem_shared>>) dst(%dma_wait3A_156 : memref<64x64xf32, #tpu.memory_space<hbm>>)
      tpu.yield
    }) : () -> ()
    %mul3A_133 = arith.constant 640 : i32
    %mul3A_134 = arith.muli %arg1, %mul3A_133 : i32
    %add3A_135 = arith.constant 384 : i32
    %add3A_136 = arith.addi %mul3A_134, %add3A_135 : i32
    "tpu.region"() ({
      %run_scoped3A = tpu.sem_alloc : memref<!tpu.dma_semaphore, #tpu.memory_space<semaphore_mem>>
      %dma_start3A_149 = arith.constant 0 : i32
      %dma_start3A_150 = tpu.memref_slice %arg5[%arg0, %add3A_136, %dma_start3A_149] : memref<2x10240x64xf32, #tpu.memory_space<hbm>> -> memref<1x64x64xf32, #tpu.memory_space<hbm>>
      %dma_start3A_151 = tpu.memref_squeeze %dma_start3A_150 : memref<1x64x64xf32, #tpu.memory_space<hbm>> -> memref<64x64xf32, #tpu.memory_space<hbm>>
      %dma_start3A_152 = arith.constant 0 : i32
      %dma_start3A_153 = tpu.memref_slice %arg15[%add3A_136, %dma_start3A_152] : memref<10240x64xf32, #tpu.memory_space<vmem_shared>> -> memref<64x64xf32, #tpu.memory_space<vmem_shared>>
      tpu.enqueue_dma source(%dma_start3A_153 : memref<64x64xf32, #tpu.memory_space<vmem_shared>>) target(%dma_start3A_151 : memref<64x64xf32, #tpu.memory_space<hbm>>) target_semaphore(%run_scoped3A : memref<!tpu.dma_semaphore, #tpu.memory_space<semaphore_mem>>)
      %dma_wait3A_154 = arith.constant 0 : i32
      %dma_wait3A_155 = tpu.memref_slice %arg5[%arg0, %add3A_136, %dma_wait3A_154] : memref<2x10240x64xf32, #tpu.memory_space<hbm>> -> memref<1x64x64xf32, #tpu.memory_space<hbm>>
      %dma_wait3A_156 = tpu.memref_squeeze %dma_wait3A_155 : memref<1x64x64xf32, #tpu.memory_space<hbm>> -> memref<64x64xf32, #tpu.memory_space<hbm>>
      %dma_wait3A_157 = arith.constant 0 : i32
      %dma_wait3A_158 = tpu.memref_slice %arg15[%add3A_136, %dma_wait3A_157] : memref<10240x64xf32, #tpu.memory_space<vmem_shared>> -> memref<64x64xf32, #tpu.memory_space<vmem_shared>>
      tpu.wait_dma2 semaphore(%run_scoped3A : memref<!tpu.dma_semaphore, #tpu.memory_space<semaphore_mem>>) src(%dma_wait3A_158 : memref<64x64xf32, #tpu.memory_space<vmem_shared>>) dst(%dma_wait3A_156 : memref<64x64xf32, #tpu.memory_space<hbm>>)
      tpu.yield
    }) : () -> ()
    %mul3A_137 = arith.constant 640 : i32
    %mul3A_138 = arith.muli %arg1, %mul3A_137 : i32
    %add3A_139 = arith.constant 448 : i32
    %add3A_140 = arith.addi %mul3A_138, %add3A_139 : i32
    "tpu.region"() ({
      %run_scoped3A = tpu.sem_alloc : memref<!tpu.dma_semaphore, #tpu.memory_space<semaphore_mem>>
      %dma_start3A_149 = arith.constant 0 : i32
      %dma_start3A_150 = tpu.memref_slice %arg5[%arg0, %add3A_140, %dma_start3A_149] : memref<2x10240x64xf32, #tpu.memory_space<hbm>> -> memref<1x64x64xf32, #tpu.memory_space<hbm>>
      %dma_start3A_151 = tpu.memref_squeeze %dma_start3A_150 : memref<1x64x64xf32, #tpu.memory_space<hbm>> -> memref<64x64xf32, #tpu.memory_space<hbm>>
      %dma_start3A_152 = arith.constant 0 : i32
      %dma_start3A_153 = tpu.memref_slice %arg15[%add3A_140, %dma_start3A_152] : memref<10240x64xf32, #tpu.memory_space<vmem_shared>> -> memref<64x64xf32, #tpu.memory_space<vmem_shared>>
      tpu.enqueue_dma source(%dma_start3A_153 : memref<64x64xf32, #tpu.memory_space<vmem_shared>>) target(%dma_start3A_151 : memref<64x64xf32, #tpu.memory_space<hbm>>) target_semaphore(%run_scoped3A : memref<!tpu.dma_semaphore, #tpu.memory_space<semaphore_mem>>)
      %dma_wait3A_154 = arith.constant 0 : i32
      %dma_wait3A_155 = tpu.memref_slice %arg5[%arg0, %add3A_140, %dma_wait3A_154] : memref<2x10240x64xf32, #tpu.memory_space<hbm>> -> memref<1x64x64xf32, #tpu.memory_space<hbm>>
      %dma_wait3A_156 = tpu.memref_squeeze %dma_wait3A_155 : memref<1x64x64xf32, #tpu.memory_space<hbm>> -> memref<64x64xf32, #tpu.memory_space<hbm>>
      %dma_wait3A_157 = arith.constant 0 : i32
      %dma_wait3A_158 = tpu.memref_slice %arg15[%add3A_140, %dma_wait3A_157] : memref<10240x64xf32, #tpu.memory_space<vmem_shared>> -> memref<64x64xf32, #tpu.memory_space<vmem_shared>>
      tpu.wait_dma2 semaphore(%run_scoped3A : memref<!tpu.dma_semaphore, #tpu.memory_space<semaphore_mem>>) src(%dma_wait3A_158 : memref<64x64xf32, #tpu.memory_space<vmem_shared>>) dst(%dma_wait3A_156 : memref<64x64xf32, #tpu.memory_space<hbm>>)
      tpu.yield
    }) : () -> ()
    %mul3A_141 = arith.constant 640 : i32
    %mul3A_142 = arith.muli %arg1, %mul3A_141 : i32
    %add3A_143 = arith.constant 512 : i32
    %add3A_144 = arith.addi %mul3A_142, %add3A_143 : i32
    "tpu.region"() ({
      %run_scoped3A = tpu.sem_alloc : memref<!tpu.dma_semaphore, #tpu.memory_space<semaphore_mem>>
      %dma_start3A_149 = arith.constant 0 : i32
      %dma_start3A_150 = tpu.memref_slice %arg5[%arg0, %add3A_144, %dma_start3A_149] : memref<2x10240x64xf32, #tpu.memory_space<hbm>> -> memref<1x64x64xf32, #tpu.memory_space<hbm>>
      %dma_start3A_151 = tpu.memref_squeeze %dma_start3A_150 : memref<1x64x64xf32, #tpu.memory_space<hbm>> -> memref<64x64xf32, #tpu.memory_space<hbm>>
      %dma_start3A_152 = arith.constant 0 : i32
      %dma_start3A_153 = tpu.memref_slice %arg15[%add3A_144, %dma_start3A_152] : memref<10240x64xf32, #tpu.memory_space<vmem_shared>> -> memref<64x64xf32, #tpu.memory_space<vmem_shared>>
      tpu.enqueue_dma source(%dma_start3A_153 : memref<64x64xf32, #tpu.memory_space<vmem_shared>>) target(%dma_start3A_151 : memref<64x64xf32, #tpu.memory_space<hbm>>) target_semaphore(%run_scoped3A : memref<!tpu.dma_semaphore, #tpu.memory_space<semaphore_mem>>)
      %dma_wait3A_154 = arith.constant 0 : i32
      %dma_wait3A_155 = tpu.memref_slice %arg5[%arg0, %add3A_144, %dma_wait3A_154] : memref<2x10240x64xf32, #tpu.memory_space<hbm>> -> memref<1x64x64xf32, #tpu.memory_space<hbm>>
      %dma_wait3A_156 = tpu.memref_squeeze %dma_wait3A_155 : memref<1x64x64xf32, #tpu.memory_space<hbm>> -> memref<64x64xf32, #tpu.memory_space<hbm>>
      %dma_wait3A_157 = arith.constant 0 : i32
      %dma_wait3A_158 = tpu.memref_slice %arg15[%add3A_144, %dma_wait3A_157] : memref<10240x64xf32, #tpu.memory_space<vmem_shared>> -> memref<64x64xf32, #tpu.memory_space<vmem_shared>>
      tpu.wait_dma2 semaphore(%run_scoped3A : memref<!tpu.dma_semaphore, #tpu.memory_space<semaphore_mem>>) src(%dma_wait3A_158 : memref<64x64xf32, #tpu.memory_space<vmem_shared>>) dst(%dma_wait3A_156 : memref<64x64xf32, #tpu.memory_space<hbm>>)
      tpu.yield
    }) : () -> ()
    %mul3A_145 = arith.constant 640 : i32
    %mul3A_146 = arith.muli %arg1, %mul3A_145 : i32
    %add3A_147 = arith.constant 576 : i32
    %add3A_148 = arith.addi %mul3A_146, %add3A_147 : i32
    "tpu.region"() ({
      %run_scoped3A = tpu.sem_alloc : memref<!tpu.dma_semaphore, #tpu.memory_space<semaphore_mem>>
      %dma_start3A_149 = arith.constant 0 : i32
      %dma_start3A_150 = tpu.memref_slice %arg5[%arg0, %add3A_148, %dma_start3A_149] : memref<2x10240x64xf32, #tpu.memory_space<hbm>> -> memref<1x64x64xf32, #tpu.memory_space<hbm>>
      %dma_start3A_151 = tpu.memref_squeeze %dma_start3A_150 : memref<1x64x64xf32, #tpu.memory_space<hbm>> -> memref<64x64xf32, #tpu.memory_space<hbm>>
      %dma_start3A_152 = arith.constant 0 : i32
      %dma_start3A_153 = tpu.memref_slice %arg15[%add3A_148, %dma_start3A_152] : memref<10240x64xf32, #tpu.memory_space<vmem_shared>> -> memref<64x64xf32, #tpu.memory_space<vmem_shared>>
      tpu.enqueue_dma source(%dma_start3A_153 : memref<64x64xf32, #tpu.memory_space<vmem_shared>>) target(%dma_start3A_151 : memref<64x64xf32, #tpu.memory_space<hbm>>) target_semaphore(%run_scoped3A : memref<!tpu.dma_semaphore, #tpu.memory_space<semaphore_mem>>)
      %dma_wait3A_154 = arith.constant 0 : i32
      %dma_wait3A_155 = tpu.memref_slice %arg5[%arg0, %add3A_148, %dma_wait3A_154] : memref<2x10240x64xf32, #tpu.memory_space<hbm>> -> memref<1x64x64xf32, #tpu.memory_space<hbm>>
      %dma_wait3A_156 = tpu.memref_squeeze %dma_wait3A_155 : memref<1x64x64xf32, #tpu.memory_space<hbm>> -> memref<64x64xf32, #tpu.memory_space<hbm>>
      %dma_wait3A_157 = arith.constant 0 : i32
      %dma_wait3A_158 = tpu.memref_slice %arg15[%add3A_148, %dma_wait3A_157] : memref<10240x64xf32, #tpu.memory_space<vmem_shared>> -> memref<64x64xf32, #tpu.memory_space<vmem_shared>>
      tpu.wait_dma2 semaphore(%run_scoped3A : memref<!tpu.dma_semaphore, #tpu.memory_space<semaphore_mem>>) src(%dma_wait3A_158 : memref<64x64xf32, #tpu.memory_space<vmem_shared>>) dst(%dma_wait3A_156 : memref<64x64xf32, #tpu.memory_space<hbm>>)
      tpu.yield
    }) : () -> ()
    return
  }
}

module attributes {stable_mosaic.version = 14 : i64} {
  func.func @body(%arg0: memref<2x80x128xf32, #tpu.memory_space<vmem>>, %arg1: memref<80x128xf32, #tpu.memory_space<vmem>>) attributes {dimension_semantics = [], scalar_prefetch = 0 : i64, scratch_operands = 0 : i64, tpu.core_type = #tpu.core_type<tc>} {
    %get3A = arith.constant 0 : index
    %get3A_0 = arith.constant 0 : index
    %get3A_1 = arith.constant 0 : index
    %get3A_2 = vector.load %arg0[%get3A, %get3A_0, %get3A_1] : memref<2x80x128xf32, #tpu.memory_space<vmem>>, vector<1x80x128xf32>
    %get3A_3 = vector.shape_cast %get3A_2 : vector<1x80x128xf32> to vector<80x128xf32>
    %get3A_4 = arith.constant 1 : index
    %get3A_5 = arith.constant 0 : index
    %get3A_6 = arith.constant 0 : index
    %get3A_7 = vector.load %arg0[%get3A_4, %get3A_5, %get3A_6] : memref<2x80x128xf32, #tpu.memory_space<vmem>>, vector<1x80x128xf32>
    %get3A_8 = vector.shape_cast %get3A_7 : vector<1x80x128xf32> to vector<80x128xf32>
    %add3A = arith.addf %get3A_3, %get3A_8 : vector<80x128xf32>
    %gt3A = arith.constant 0.000000e+00 : f32
    %gt3A_9 = vector.broadcast %gt3A : f32 to vector<80x128xf32>
    %gt3A_10 = arith.cmpf ogt, %add3A, %gt3A_9 : vector<80x128xf32>
    %max3A = arith.constant 1.000000e+00 : f32
    %max3A_11 = vector.broadcast %max3A : f32 to vector<80x128xf32>
    %max3A_12 = arith.maximumf %add3A, %max3A_11 : vector<80x128xf32>
    %rsqrt3A = math.rsqrt %max3A_12 : vector<80x128xf32>
    %jit3A = arith.constant 0.000000e+00 : f32
    %broadcast_in_dim3A = vector.broadcast %jit3A : f32 to vector<80x128xf32>
    %select_n3A = arith.select %gt3A_10, %rsqrt3A, %broadcast_in_dim3A : vector<80x128xi1>, vector<80x128xf32>
    %swap3A = arith.constant 0 : index
    %swap3A_13 = arith.constant 0 : index
    %swap3A_14 = vector.load %arg1[%swap3A, %swap3A_13] : memref<80x128xf32, #tpu.memory_space<vmem>>, vector<80x128xf32>
    tpu.vector_store %arg1[%swap3A, %swap3A_13], %select_n3A {strides = array<i32>} : memref<80x128xf32, #tpu.memory_space<vmem>>, vector<80x128xf32>,
    return
  }
}

module attributes {stable_mosaic.version = 14 : i64} {
  func.func @body(%arg0: i32, %arg1: memref<512x128xf32, #tpu.memory_space<vmem>>, %arg2: memref<512x1xf32, #tpu.memory_space<vmem>>, %arg3: memref<128x128xf32, #tpu.memory_space<vmem>>, %arg4: memref<2x512x64xbf16, #tpu.memory_space<vmem>>) attributes {dimension_semantics = [#tpu.dimension_semantics<arbitrary>], iteration_bounds = array<i64: 20>, scalar_prefetch = 0 : i64, scratch_operands = 0 : i64, tpu.core_type = #tpu.core_type<tc>, window_params = [{transform_indices = @transform_0, window_bounds = array<i64: 512, 128>}, {transform_indices = @transform_1, window_bounds = array<i64: 512, 1>}, {pipeline_mode = #tpu.pipeline_mode<synchronous>, transform_indices = @transform_2, window_bounds = array<i64: 128, 128>}, {transform_indices = @transform_3, window_bounds = array<i64: 2, 512, 64>}]} {
    %get3A = arith.constant 0 : index
    %get3A_0 = arith.constant 0 : index
    %get3A_1 = vector.load %arg1[%get3A, %get3A_0] : memref<512x128xf32, #tpu.memory_space<vmem>>, vector<512x128xf32>
    %get3A_2 = arith.constant 0 : index
    %get3A_3 = arith.constant 0 : index
    %get3A_4 = vector.load %arg2[%get3A_2, %get3A_3] : memref<512x1xf32, #tpu.memory_space<vmem>>, vector<512x1xf32>
    %mul3A = vector.broadcast %get3A_4 : vector<512x1xf32> to vector<512x128xf32>
    %mul3A_5 = arith.mulf %get3A_1, %mul3A : vector<512x128xf32>
    %get3A_6 = arith.constant 0 : index
    %get3A_7 = arith.constant 0 : index
    %get3A_8 = vector.load %arg3[%get3A_6, %get3A_7] : memref<128x128xf32, #tpu.memory_space<vmem>>, vector<128x128xf32>
    %dot_general3A = arith.constant dense<0.000000e+00> : vector<512x128xf32>
    %dot_general3A_9 = tpu.matmul %mul3A_5, %get3A_8, %dot_general3A {dimension_numbers = #tpu.dot_dimension_numbers<[1], [0], [0], [1], [0, 0, 1, 1], [], []>, transpose_lhs_hint = false} : vector<512x128xf32>, vector<128x128xf32>, vector<512x128xf32> -> vector<512x128xf32>
    %slice3A = vector.extract_strided_slice %dot_general3A_9 {offsets = [0, 0], sizes = [512, 64], strides = [1, 1]} : vector<512x128xf32> to vector<512x64xf32>
    %convert_element_type3A = arith.truncf %slice3A : vector<512x64xf32> to vector<512x64xbf16>
    %swap3A = arith.constant 0 : index
    %swap3A_10 = arith.constant 0 : index
    %swap3A_11 = arith.constant 0 : index
    %swap3A_12 = vector.load %arg4[%swap3A, %swap3A_10, %swap3A_11] : memref<2x512x64xbf16, #tpu.memory_space<vmem>>, vector<1x512x64xbf16>
    %swap3A_13 = vector.shape_cast %swap3A_12 : vector<1x512x64xbf16> to vector<512x64xbf16>
    %swap3A_14 = vector.shape_cast %convert_element_type3A : vector<512x64xbf16> to vector<1x512x64xbf16>
    tpu.vector_store %arg4[%swap3A, %swap3A_10, %swap3A_11], %swap3A_14 {strides = array<i32>} : memref<2x512x64xbf16, #tpu.memory_space<vmem>>, vector<1x512x64xbf16>,
    %slice3A_15 = vector.extract_strided_slice %dot_general3A_9 {offsets = [0, 64], sizes = [512, 64], strides = [1, 1]} : vector<512x128xf32> to vector<512x64xf32>
    %convert_element_type3A_16 = arith.truncf %slice3A_15 : vector<512x64xf32> to vector<512x64xbf16>
    %swap3A_17 = arith.constant 1 : index
    %swap3A_18 = arith.constant 0 : index
    %swap3A_19 = arith.constant 0 : index
    %swap3A_20 = vector.load %arg4[%swap3A_17, %swap3A_18, %swap3A_19] : memref<2x512x64xbf16, #tpu.memory_space<vmem>>, vector<1x512x64xbf16>
    %swap3A_21 = vector.shape_cast %swap3A_20 : vector<1x512x64xbf16> to vector<512x64xbf16>
    %swap3A_22 = vector.shape_cast %convert_element_type3A_16 : vector<512x64xbf16> to vector<1x512x64xbf16>
    tpu.vector_store %arg4[%swap3A_17, %swap3A_18, %swap3A_19], %swap3A_22 {strides = array<i32>} : memref<2x512x64xbf16, #tpu.memory_space<vmem>>, vector<1x512x64xbf16>,
    return
  }
  func.func @transform_0(%arg0: i32) -> (i32, i32) {
    %c0_i32 = arith.constant 0 : i32
    %c0_i32_0 = arith.constant 0 : i32
    return %arg0, %c0_i32 : i32, i32
  }
  func.func @transform_1(%arg0: i32) -> (i32, i32) {
    %c0_i32 = arith.constant 0 : i32
    %c0_i32_0 = arith.constant 0 : i32
    return %arg0, %c0_i32 : i32, i32
  }
  func.func @transform_2(%arg0: i32) -> (i32, i32) {
    %c0_i32 = arith.constant 0 : i32
    %c0_i32_0 = arith.constant 0 : i32
    %c0_i32_1 = arith.constant 0 : i32
    return %c0_i32, %c0_i32_0 : i32, i32
  }
  func.func @transform_3(%arg0: i32) -> (i32, i32, i32) {
    %c0_i32 = arith.constant 0 : i32
    %c0_i32_0 = arith.constant 0 : i32
    %c0_i32_1 = arith.constant 0 : i32
    return %c0_i32, %arg0, %c0_i32_0 : i32, i32, i32
  }
}

module attributes {stable_mosaic.version = 14 : i64} {
  func.func @body(%arg0: i32, %arg1: memref<2x512x64xf32, #tpu.memory_space<vmem>>, %arg2: memref<512x1xf32, #tpu.memory_space<vmem>>, %arg3: memref<1x128xf32, #tpu.memory_space<vmem>>, %arg4: memref<512x1xf32, #tpu.memory_space<vmem>>, %arg5: memref<128x128xf32, #tpu.memory_space<vmem>>, %arg6: memref<2x512x64xbf16, #tpu.memory_space<vmem>>) attributes {dimension_semantics = [#tpu.dimension_semantics<arbitrary>], iteration_bounds = array<i64: 20>, scalar_prefetch = 0 : i64, scratch_operands = 0 : i64, tpu.core_type = #tpu.core_type<tc>, window_params = [{transform_indices = @transform_0, window_bounds = array<i64: 2, 512, 64>}, {transform_indices = @transform_1, window_bounds = array<i64: 512, 1>}, {pipeline_mode = #tpu.pipeline_mode<synchronous>, transform_indices = @transform_2, window_bounds = array<i64: 1, 128>}, {transform_indices = @transform_3, window_bounds = array<i64: 512, 1>}, {pipeline_mode = #tpu.pipeline_mode<synchronous>, transform_indices = @transform_4, window_bounds = array<i64: 128, 128>}, {transform_indices = @transform_5, window_bounds = array<i64: 2, 512, 64>}]} {
    %get3A = arith.constant 0 : index
    %get3A_0 = arith.constant 0 : index
    %get3A_1 = arith.constant 0 : index
    %get3A_2 = vector.load %arg1[%get3A, %get3A_0, %get3A_1] : memref<2x512x64xf32, #tpu.memory_space<vmem>>, vector<1x512x64xf32>
    %get3A_3 = vector.shape_cast %get3A_2 : vector<1x512x64xf32> to vector<512x64xf32>
    %get3A_4 = arith.constant 0 : index
    %get3A_5 = arith.constant 0 : index
    %get3A_6 = vector.load %arg2[%get3A_4, %get3A_5] : memref<512x1xf32, #tpu.memory_space<vmem>>, vector<512x1xf32>
    %mul3A = vector.broadcast %get3A_6 : vector<512x1xf32> to vector<512x64xf32>
    %mul3A_7 = arith.mulf %get3A_3, %mul3A : vector<512x64xf32>
    %get3A_8 = arith.constant 0 : index
    %get3A_9 = arith.constant 0 : index
    %get3A_10 = vector.load %arg3[%get3A_8, %get3A_9] : memref<1x128xf32, #tpu.memory_space<vmem>>, vector<1x64xf32>
    %add3A = vector.broadcast %get3A_10 : vector<1x64xf32> to vector<512x64xf32>
    %add3A_11 = arith.addf %mul3A_7, %add3A : vector<512x64xf32>
    %get3A_12 = arith.constant 1 : index
    %get3A_13 = arith.constant 0 : index
    %get3A_14 = arith.constant 0 : index
    %get3A_15 = vector.load %arg1[%get3A_12, %get3A_13, %get3A_14] : memref<2x512x64xf32, #tpu.memory_space<vmem>>, vector<1x512x64xf32>
    %get3A_16 = vector.shape_cast %get3A_15 : vector<1x512x64xf32> to vector<512x64xf32>
    %get3A_17 = arith.constant 0 : index
    %get3A_18 = arith.constant 0 : index
    %get3A_19 = vector.load %arg2[%get3A_17, %get3A_18] : memref<512x1xf32, #tpu.memory_space<vmem>>, vector<512x1xf32>
    %mul3A_20 = vector.broadcast %get3A_19 : vector<512x1xf32> to vector<512x64xf32>
    %mul3A_21 = arith.mulf %get3A_16, %mul3A_20 : vector<512x64xf32>
    %get3A_22 = arith.constant 0 : index
    %get3A_23 = arith.constant 64 : index
    %get3A_24 = vector.load %arg3[%get3A_22, %get3A_23] : memref<1x128xf32, #tpu.memory_space<vmem>>, vector<1x64xf32>
    %add3A_25 = vector.broadcast %get3A_24 : vector<1x64xf32> to vector<512x64xf32>
    %add3A_26 = arith.addf %mul3A_21, %add3A_25 : vector<512x64xf32>
    %max3A = arith.constant 0.000000e+00 : f32
    %max3A_27 = vector.broadcast %max3A : f32 to vector<512x64xf32>
    %max3A_28 = arith.maximumf %add3A_11, %max3A_27 : vector<512x64xf32>
    %get3A_29 = arith.constant 0 : index
    %get3A_30 = arith.constant 0 : index
    %get3A_31 = vector.load %arg4[%get3A_29, %get3A_30] : memref<512x1xf32, #tpu.memory_space<vmem>>, vector<512x1xf32>
    %mul3A_32 = vector.broadcast %get3A_31 : vector<512x1xf32> to vector<512x64xf32>
    %mul3A_33 = arith.mulf %max3A_28, %mul3A_32 : vector<512x64xf32>
    %max3A_34 = arith.constant 0.000000e+00 : f32
    %max3A_35 = vector.broadcast %max3A_34 : f32 to vector<512x64xf32>
    %max3A_36 = arith.maximumf %add3A_26, %max3A_35 : vector<512x64xf32>
    %get3A_37 = arith.constant 0 : index
    %get3A_38 = arith.constant 0 : index
    %get3A_39 = vector.load %arg4[%get3A_37, %get3A_38] : memref<512x1xf32, #tpu.memory_space<vmem>>, vector<512x1xf32>
    %mul3A_40 = vector.broadcast %get3A_39 : vector<512x1xf32> to vector<512x64xf32>
    %mul3A_41 = arith.mulf %max3A_36, %mul3A_40 : vector<512x64xf32>
    %get3A_42 = arith.constant 0 : index
    %get3A_43 = arith.constant 0 : index
    %get3A_44 = vector.load %arg5[%get3A_42, %get3A_43] : memref<128x128xf32, #tpu.memory_space<vmem>>, vector<64x128xf32>
    %dot_general3A = arith.constant dense<0.000000e+00> : vector<512x128xf32>
    %dot_general3A_45 = tpu.matmul %mul3A_33, %get3A_44, %dot_general3A {dimension_numbers = #tpu.dot_dimension_numbers<[1], [0], [0], [1], [0, 0, 1, 1], [], []>, transpose_lhs_hint = false} : vector<512x64xf32>, vector<64x128xf32>, vector<512x128xf32> -> vector<512x128xf32>
    %get3A_46 = arith.constant 64 : index
    %get3A_47 = arith.constant 0 : index
    %get3A_48 = vector.load %arg5[%get3A_46, %get3A_47] : memref<128x128xf32, #tpu.memory_space<vmem>>, vector<64x128xf32>
    %dot_general3A_49 = arith.constant dense<0.000000e+00> : vector<512x128xf32>
    %dot_general3A_50 = tpu.matmul %mul3A_41, %get3A_48, %dot_general3A_49 {dimension_numbers = #tpu.dot_dimension_numbers<[1], [0], [0], [1], [0, 0, 1, 1], [], []>, transpose_lhs_hint = false} : vector<512x64xf32>, vector<64x128xf32>, vector<512x128xf32> -> vector<512x128xf32>
    %add3A_51 = arith.addf %dot_general3A_45, %dot_general3A_50 : vector<512x128xf32>
    %slice3A = vector.extract_strided_slice %add3A_51 {offsets = [0, 0], sizes = [512, 64], strides = [1, 1]} : vector<512x128xf32> to vector<512x64xf32>
    %convert_element_type3A = arith.truncf %slice3A : vector<512x64xf32> to vector<512x64xbf16>
    %swap3A = arith.constant 0 : index
    %swap3A_52 = arith.constant 0 : index
    %swap3A_53 = arith.constant 0 : index
    %swap3A_54 = vector.load %arg6[%swap3A, %swap3A_52, %swap3A_53] : memref<2x512x64xbf16, #tpu.memory_space<vmem>>, vector<1x512x64xbf16>
    %swap3A_55 = vector.shape_cast %swap3A_54 : vector<1x512x64xbf16> to vector<512x64xbf16>
    %swap3A_56 = vector.shape_cast %convert_element_type3A : vector<512x64xbf16> to vector<1x512x64xbf16>
    tpu.vector_store %arg6[%swap3A, %swap3A_52, %swap3A_53], %swap3A_56 {strides = array<i32>} : memref<2x512x64xbf16, #tpu.memory_space<vmem>>, vector<1x512x64xbf16>,
    %slice3A_57 = vector.extract_strided_slice %add3A_51 {offsets = [0, 64], sizes = [512, 64], strides = [1, 1]} : vector<512x128xf32> to vector<512x64xf32>
    %convert_element_type3A_58 = arith.truncf %slice3A_57 : vector<512x64xf32> to vector<512x64xbf16>
    %swap3A_59 = arith.constant 1 : index
    %swap3A_60 = arith.constant 0 : index
    %swap3A_61 = arith.constant 0 : index
    %swap3A_62 = vector.load %arg6[%swap3A_59, %swap3A_60, %swap3A_61] : memref<2x512x64xbf16, #tpu.memory_space<vmem>>, vector<1x512x64xbf16>
    %swap3A_63 = vector.shape_cast %swap3A_62 : vector<1x512x64xbf16> to vector<512x64xbf16>
    %swap3A_64 = vector.shape_cast %convert_element_type3A_58 : vector<512x64xbf16> to vector<1x512x64xbf16>
    tpu.vector_store %arg6[%swap3A_59, %swap3A_60, %swap3A_61], %swap3A_64 {strides = array<i32>} : memref<2x512x64xbf16, #tpu.memory_space<vmem>>, vector<1x512x64xbf16>,
    return
  }
  func.func @transform_0(%arg0: i32) -> (i32, i32, i32) {
    %c0_i32 = arith.constant 0 : i32
    %c0_i32_0 = arith.constant 0 : i32
    %c0_i32_1 = arith.constant 0 : i32
    return %c0_i32, %arg0, %c0_i32_0 : i32, i32, i32
  }
  func.func @transform_1(%arg0: i32) -> (i32, i32) {
    %c0_i32 = arith.constant 0 : i32
    %c0_i32_0 = arith.constant 0 : i32
    return %arg0, %c0_i32 : i32, i32
  }
  func.func @transform_2(%arg0: i32) -> (i32, i32) {
    %c0_i32 = arith.constant 0 : i32
    %c0_i32_0 = arith.constant 0 : i32
    %c0_i32_1 = arith.constant 0 : i32
    return %c0_i32, %c0_i32_0 : i32, i32
  }
  func.func @transform_3(%arg0: i32) -> (i32, i32) {
    %c0_i32 = arith.constant 0 : i32
    %c0_i32_0 = arith.constant 0 : i32
    return %arg0, %c0_i32 : i32, i32
  }
  func.func @transform_4(%arg0: i32) -> (i32, i32) {
    %c0_i32 = arith.constant 0 : i32
    %c0_i32_0 = arith.constant 0 : i32
    %c0_i32_1 = arith.constant 0 : i32
    return %c0_i32, %c0_i32_0 : i32, i32
  }
  func.func @transform_5(%arg0: i32) -> (i32, i32, i32) {
    %c0_i32 = arith.constant 0 : i32
    %c0_i32_0 = arith.constant 0 : i32
    %c0_i32_1 = arith.constant 0 : i32
    return %c0_i32, %arg0, %c0_i32_0 : i32, i32, i32
  }
}

module attributes {stable_mosaic.version = 14 : i64} {
  func.func @body(%arg0: i32, %arg1: memref<2x512x64xf32, #tpu.memory_space<vmem>>, %arg2: memref<512x1xf32, #tpu.memory_space<vmem>>, %arg3: memref<1x128xf32, #tpu.memory_space<vmem>>, %arg4: memref<512x1xf32, #tpu.memory_space<vmem>>, %arg5: memref<128x16xf32, #tpu.memory_space<vmem>>, %arg6: memref<512x16xf32, #tpu.memory_space<vmem>>) attributes {dimension_semantics = [#tpu.dimension_semantics<arbitrary>], iteration_bounds = array<i64: 20>, scalar_prefetch = 0 : i64, scratch_operands = 0 : i64, tpu.core_type = #tpu.core_type<tc>, window_params = [{transform_indices = @transform_0, window_bounds = array<i64: 2, 512, 64>}, {transform_indices = @transform_1, window_bounds = array<i64: 512, 1>}, {pipeline_mode = #tpu.pipeline_mode<synchronous>, transform_indices = @transform_2, window_bounds = array<i64: 1, 128>}, {transform_indices = @transform_3, window_bounds = array<i64: 512, 1>}, {pipeline_mode = #tpu.pipeline_mode<synchronous>, transform_indices = @transform_4, window_bounds = array<i64: 128, 16>}, {transform_indices = @transform_5, window_bounds = array<i64: 512, 16>}]} {
    %get3A = arith.constant 0 : index
    %get3A_0 = arith.constant 0 : index
    %get3A_1 = arith.constant 0 : index
    %get3A_2 = vector.load %arg1[%get3A, %get3A_0, %get3A_1] : memref<2x512x64xf32, #tpu.memory_space<vmem>>, vector<1x512x64xf32>
    %get3A_3 = vector.shape_cast %get3A_2 : vector<1x512x64xf32> to vector<512x64xf32>
    %get3A_4 = arith.constant 0 : index
    %get3A_5 = arith.constant 0 : index
    %get3A_6 = vector.load %arg2[%get3A_4, %get3A_5] : memref<512x1xf32, #tpu.memory_space<vmem>>, vector<512x1xf32>
    %mul3A = vector.broadcast %get3A_6 : vector<512x1xf32> to vector<512x64xf32>
    %mul3A_7 = arith.mulf %get3A_3, %mul3A : vector<512x64xf32>
    %get3A_8 = arith.constant 0 : index
    %get3A_9 = arith.constant 0 : index
    %get3A_10 = vector.load %arg3[%get3A_8, %get3A_9] : memref<1x128xf32, #tpu.memory_space<vmem>>, vector<1x64xf32>
    %add3A = vector.broadcast %get3A_10 : vector<1x64xf32> to vector<512x64xf32>
    %add3A_11 = arith.addf %mul3A_7, %add3A : vector<512x64xf32>
    %get3A_12 = arith.constant 1 : index
    %get3A_13 = arith.constant 0 : index
    %get3A_14 = arith.constant 0 : index
    %get3A_15 = vector.load %arg1[%get3A_12, %get3A_13, %get3A_14] : memref<2x512x64xf32, #tpu.memory_space<vmem>>, vector<1x512x64xf32>
    %get3A_16 = vector.shape_cast %get3A_15 : vector<1x512x64xf32> to vector<512x64xf32>
    %get3A_17 = arith.constant 0 : index
    %get3A_18 = arith.constant 0 : index
    %get3A_19 = vector.load %arg2[%get3A_17, %get3A_18] : memref<512x1xf32, #tpu.memory_space<vmem>>, vector<512x1xf32>
    %mul3A_20 = vector.broadcast %get3A_19 : vector<512x1xf32> to vector<512x64xf32>
    %mul3A_21 = arith.mulf %get3A_16, %mul3A_20 : vector<512x64xf32>
    %get3A_22 = arith.constant 0 : index
    %get3A_23 = arith.constant 64 : index
    %get3A_24 = vector.load %arg3[%get3A_22, %get3A_23] : memref<1x128xf32, #tpu.memory_space<vmem>>, vector<1x64xf32>
    %add3A_25 = vector.broadcast %get3A_24 : vector<1x64xf32> to vector<512x64xf32>
    %add3A_26 = arith.addf %mul3A_21, %add3A_25 : vector<512x64xf32>
    %max3A = arith.constant 0.000000e+00 : f32
    %max3A_27 = vector.broadcast %max3A : f32 to vector<512x64xf32>
    %max3A_28 = arith.maximumf %add3A_11, %max3A_27 : vector<512x64xf32>
    %get3A_29 = arith.constant 0 : index
    %get3A_30 = arith.constant 0 : index
    %get3A_31 = vector.load %arg4[%get3A_29, %get3A_30] : memref<512x1xf32, #tpu.memory_space<vmem>>, vector<512x1xf32>
    %mul3A_32 = vector.broadcast %get3A_31 : vector<512x1xf32> to vector<512x64xf32>
    %mul3A_33 = arith.mulf %max3A_28, %mul3A_32 : vector<512x64xf32>
    %max3A_34 = arith.constant 0.000000e+00 : f32
    %max3A_35 = vector.broadcast %max3A_34 : f32 to vector<512x64xf32>
    %max3A_36 = arith.maximumf %add3A_26, %max3A_35 : vector<512x64xf32>
    %get3A_37 = arith.constant 0 : index
    %get3A_38 = arith.constant 0 : index
    %get3A_39 = vector.load %arg4[%get3A_37, %get3A_38] : memref<512x1xf32, #tpu.memory_space<vmem>>, vector<512x1xf32>
    %mul3A_40 = vector.broadcast %get3A_39 : vector<512x1xf32> to vector<512x64xf32>
    %mul3A_41 = arith.mulf %max3A_36, %mul3A_40 : vector<512x64xf32>
    %get3A_42 = arith.constant 0 : index
    %get3A_43 = arith.constant 0 : index
    %get3A_44 = vector.load %arg5[%get3A_42, %get3A_43] : memref<128x16xf32, #tpu.memory_space<vmem>>, vector<64x16xf32>
    %dot_general3A = arith.constant dense<0.000000e+00> : vector<512x16xf32>
    %dot_general3A_45 = tpu.matmul %mul3A_33, %get3A_44, %dot_general3A {dimension_numbers = #tpu.dot_dimension_numbers<[1], [0], [0], [1], [0, 0, 1, 1], [], []>, transpose_lhs_hint = false} : vector<512x64xf32>, vector<64x16xf32>, vector<512x16xf32> -> vector<512x16xf32>
    %get3A_46 = arith.constant 64 : index
    %get3A_47 = arith.constant 0 : index
    %get3A_48 = vector.load %arg5[%get3A_46, %get3A_47] : memref<128x16xf32, #tpu.memory_space<vmem>>, vector<64x16xf32>
    %dot_general3A_49 = arith.constant dense<0.000000e+00> : vector<512x16xf32>
    %dot_general3A_50 = tpu.matmul %mul3A_41, %get3A_48, %dot_general3A_49 {dimension_numbers = #tpu.dot_dimension_numbers<[1], [0], [0], [1], [0, 0, 1, 1], [], []>, transpose_lhs_hint = false} : vector<512x64xf32>, vector<64x16xf32>, vector<512x16xf32> -> vector<512x16xf32>
    %add3A_51 = arith.addf %dot_general3A_45, %dot_general3A_50 : vector<512x16xf32>
    %swap3A = arith.constant 0 : index
    %swap3A_52 = arith.constant 0 : index
    %swap3A_53 = vector.load %arg6[%swap3A, %swap3A_52] : memref<512x16xf32, #tpu.memory_space<vmem>>, vector<512x16xf32>
    tpu.vector_store %arg6[%swap3A, %swap3A_52], %add3A_51 {strides = array<i32>} : memref<512x16xf32, #tpu.memory_space<vmem>>, vector<512x16xf32>,
    return
  }
  func.func @transform_0(%arg0: i32) -> (i32, i32, i32) {
    %c0_i32 = arith.constant 0 : i32
    %c0_i32_0 = arith.constant 0 : i32
    %c0_i32_1 = arith.constant 0 : i32
    return %c0_i32, %arg0, %c0_i32_0 : i32, i32, i32
  }
  func.func @transform_1(%arg0: i32) -> (i32, i32) {
    %c0_i32 = arith.constant 0 : i32
    %c0_i32_0 = arith.constant 0 : i32
    return %arg0, %c0_i32 : i32, i32
  }
  func.func @transform_2(%arg0: i32) -> (i32, i32) {
    %c0_i32 = arith.constant 0 : i32
    %c0_i32_0 = arith.constant 0 : i32
    %c0_i32_1 = arith.constant 0 : i32
    return %c0_i32, %c0_i32_0 : i32, i32
  }
  func.func @transform_3(%arg0: i32) -> (i32, i32) {
    %c0_i32 = arith.constant 0 : i32
    %c0_i32_0 = arith.constant 0 : i32
    return %arg0, %c0_i32 : i32, i32
  }
  func.func @transform_4(%arg0: i32) -> (i32, i32) {
    %c0_i32 = arith.constant 0 : i32
    %c0_i32_0 = arith.constant 0 : i32
    %c0_i32_1 = arith.constant 0 : i32
    return %c0_i32, %c0_i32_0 : i32, i32
  }
  func.func @transform_5(%arg0: i32) -> (i32, i32) {
    %c0_i32 = arith.constant 0 : i32
    %c0_i32_0 = arith.constant 0 : i32
    return %arg0, %c0_i32 : i32, i32
  }
}

module attributes {stable_mosaic.version = 14 : i64} {
  func.func @body(%arg0: i32, %arg1: memref<2x512x16xf32, #tpu.memory_space<vmem>>, %arg2: memref<512x1xf32, #tpu.memory_space<vmem>>, %arg3: memref<1x16xf32, #tpu.memory_space<vmem>>, %arg4: memref<512x16xf32, #tpu.memory_space<vmem>>) attributes {dimension_semantics = [#tpu.dimension_semantics<arbitrary>], iteration_bounds = array<i64: 20>, scalar_prefetch = 0 : i64, scratch_operands = 0 : i64, tpu.core_type = #tpu.core_type<tc>, window_params = [{transform_indices = @transform_0, window_bounds = array<i64: 2, 512, 16>}, {transform_indices = @transform_1, window_bounds = array<i64: 512, 1>}, {pipeline_mode = #tpu.pipeline_mode<synchronous>, transform_indices = @transform_2, window_bounds = array<i64: 1, 16>}, {transform_indices = @transform_3, window_bounds = array<i64: 512, 16>}]} {
    %get3A = arith.constant 0 : index
    %get3A_0 = arith.constant 0 : index
    %get3A_1 = arith.constant 0 : index
    %get3A_2 = vector.load %arg1[%get3A, %get3A_0, %get3A_1] : memref<2x512x16xf32, #tpu.memory_space<vmem>>, vector<1x512x16xf32>
    %get3A_3 = vector.shape_cast %get3A_2 : vector<1x512x16xf32> to vector<512x16xf32>
    %get3A_4 = arith.constant 1 : index
    %get3A_5 = arith.constant 0 : index
    %get3A_6 = arith.constant 0 : index
    %get3A_7 = vector.load %arg1[%get3A_4, %get3A_5, %get3A_6] : memref<2x512x16xf32, #tpu.memory_space<vmem>>, vector<1x512x16xf32>
    %get3A_8 = vector.shape_cast %get3A_7 : vector<1x512x16xf32> to vector<512x16xf32>
    %add3A = arith.addf %get3A_3, %get3A_8 : vector<512x16xf32>
    %get3A_9 = arith.constant 0 : index
    %get3A_10 = arith.constant 0 : index
    %get3A_11 = vector.load %arg2[%get3A_9, %get3A_10] : memref<512x1xf32, #tpu.memory_space<vmem>>, vector<512x1xf32>
    %mul3A = vector.broadcast %get3A_11 : vector<512x1xf32> to vector<512x16xf32>
    %mul3A_12 = arith.mulf %add3A, %mul3A : vector<512x16xf32>
    %get3A_13 = arith.constant 0 : index
    %get3A_14 = arith.constant 0 : index
    %get3A_15 = vector.load %arg3[%get3A_13, %get3A_14] : memref<1x16xf32, #tpu.memory_space<vmem>>, vector<1x16xf32>
    %add3A_16 = vector.broadcast %get3A_15 : vector<1x16xf32> to vector<512x16xf32>
    %add3A_17 = arith.addf %mul3A_12, %add3A_16 : vector<512x16xf32>
    %swap3A = arith.constant 0 : index
    %swap3A_18 = arith.constant 0 : index
    %swap3A_19 = vector.load %arg4[%swap3A, %swap3A_18] : memref<512x16xf32, #tpu.memory_space<vmem>>, vector<512x16xf32>
    tpu.vector_store %arg4[%swap3A, %swap3A_18], %add3A_17 {strides = array<i32>} : memref<512x16xf32, #tpu.memory_space<vmem>>, vector<512x16xf32>,
    return
  }
  func.func @transform_0(%arg0: i32) -> (i32, i32, i32) {
    %c0_i32 = arith.constant 0 : i32
    %c0_i32_0 = arith.constant 0 : i32
    %c0_i32_1 = arith.constant 0 : i32
    return %c0_i32, %arg0, %c0_i32_0 : i32, i32, i32
  }
  func.func @transform_1(%arg0: i32) -> (i32, i32) {
    %c0_i32 = arith.constant 0 : i32
    %c0_i32_0 = arith.constant 0 : i32
    return %arg0, %c0_i32 : i32, i32
  }
  func.func @transform_2(%arg0: i32) -> (i32, i32) {
    %c0_i32 = arith.constant 0 : i32
    %c0_i32_0 = arith.constant 0 : i32
    %c0_i32_1 = arith.constant 0 : i32
    return %c0_i32, %c0_i32_0 : i32, i32
  }
  func.func @transform_3(%arg0: i32) -> (i32, i32) {
    %c0_i32 = arith.constant 0 : i32
    %c0_i32_0 = arith.constant 0 : i32
    return %arg0, %c0_i32 : i32, i32
  }
}

</mosaic_0001>

<sc_bundles>
// kernel: kernel.12.cloned.1.call-start
scs
__scs_entry_jumppad:
0x0: {  	(pc) =	sbr.rel $0x88, $3  }
0x1: {  	(tag) =	ssettag $0x0;
	lr =	simm.s32 $0x1  }
0x2: {  	[smem:$0x3F99] =	sst lr;
	_ =	strace $0xD0000000  }
0x3: {  	_ = 	snop  }
0x4: {  	_ = 	snop  }
0x5: {  	_ = 	snop  }
0x6: {  	_ = 	snop  }
0x7: {  	_ = 	snop  }
__scs_overlays_trampoline_lowered:
0x8: {  	[smem:$0x3FA8] =	sst s0  }
0x9: {  	[smem:$0x3FA9] =	sst s1  }
0xa: {  	[smem:$0x3FAA] =	sst s2  }
0xb: {  	[smem:$0x3FAB] =	sst s3  }
0xc: {  	[smem:$0x3FAC] =	sst s4  }
0xd: {  	[smem:$0x3FAD] =	sst s5  }
0xe: {  	[smem:$0x3FAE] =	sst s6  }
0xf: {  	[smem:$0x3FAF] =	sst s7  }
0x10: {  	[smem:$0x3FB0] =	sst s8  }
0x11: {  	[smem:$0x3FB1] =	sst s9;
	s0 =	simm.s32 @!p0 $0x0  }
0x12: {  	s1 =	sld [smem:$0x3F97];
	s0 =	simm.s32 @p0 $0x1  }
0x13: {  	[smem:$0x3FB2] =	sst s0;
	s0 =	simm.s32 @!p1 $0x0  }
0x14: {  	s2 =	sld [smem:$0x3F96];
	s0 =	simm.s32 @p1 $0x1  }
0x15: {  	[smem:$0x3FB3] =	sst s0;
	s0 =	simm.s32 @!p2 $0x0  }
0x16: {  	s3 =	sld [smem:$0x3FDB];
	s0 =	simm.s32 @p2 $0x1  }
0x17: {  	s4 =	simm.s32 $0x1BF5;
	[smem:$0x3FB5] =	sst s0  }
0x18: {  	s0 =	sld [smem:$0x3F98];
	_ =	swait.ge [sflag:s4], $0x0  }
0x19: {  	s7 =	sld [smem:$0x3F99]  }
0x1a: {  	s8 =	sadd.s32 $0xFFFFE003, lr  }
0x1b: {  	s9 =	sadd.s32 $0xFFFFFEF7, lr;
	s5 =	simm.s32 $0xFFFFFFFF;
	p2 =	slt.u32 s8, $0xFFFFF086  }
0x1c: {  	p1 =	slt.u32 s9, $0xF7A;
	s5 =	simm.s32 @!p2 $0x0  }
0x1d: {  	s5 =	simm.s32 @p1 $0x1;
	p0 =	seq.s32 s7, s2  }
0x1e: {  	s7 =	smul.u32 @!p0 $0xF7A, s2;
	p2 =	seq.s32 @!p0 s5, $0x0  }
0x1f: {  	s9 =	smul.u32 $0xF7A, s1;
	s8 =	simm.s32 @!p0 $0x1BF5;
	p2 =	por !p2, p0  }
0x20: {  	[sflag:s8] =	ssyncset.s32 @!p0 $0xFFFFF086;
	s6 =	sadd.s32 @!p0 s3, s7;
	s7 =	simm.s32 @!p0 $0x108  }
0x21: {  	s3 =	sadd.s32 s3, s9;
	s6 =	sadd.s32 @!p0 $0x88, s6;
	s7 =	simm.s32 @p2 $0x1082  }
0x22: {  	[simem:s7], [sflag:s8] =	dma.local @!p0 [hbm:s6], $0xF7A  }
0x23: {  	s9 =	sor.u32 $0xD0000000, s2;
	s6 =	simm.s32 $0x108;
	_ =	swait.ge @!p0 [sflag:s8], $0x0  }
0x24: {  	s3 =	sadd.s32 $0x88, s3;
	s6 =	simm.s32 @!p1 $0x1082;
	[sflag:s4] =	ssyncset.s32 $0xFFFFF086  }
0x25: {  	[simem:s6], [sflag:s4] =	dma.local [hbm:s3], $0xF7A  }
0x26: {  	[smem:$0x3F99] =	sst s1;
	(tag) =	ssettag s2;
	_ =	strace s9  }
0x27: {  	s1 =	sld [smem:$0x3FA9]  }
0x28: {  	s2 =	sld [smem:$0x3FAA]  }
0x29: {  	s4 =	sld [smem:$0x3FAC]  }
0x2a: {  	p0 =	seq.s32 s5, $0x0;
	s5 =	sld [smem:$0x3FAD]  }
0x2b: {  	s6 =	sld [smem:$0x3FAE]  }
0x2c: {  	s7 =	sld [smem:$0x3FAF]  }
0x2d: {  	s3 =	simm.s32 $0x108;
	s8 =	sld [smem:$0x3FB0]  }
0x2e: {  	s3 =	simm.s32 @!p0 $0x1082;
	s9 =	sld [smem:$0x3FB1]  }
0x2f: {  	lr =	sadd.s32 s0, s3;
	s0 =	sld [smem:$0x3FA8]  }
0x30: {  	s3 =	sld [smem:$0x3FAB]  }
0x31: {  	[smem:$0x3FB4] =	sst s10  }
0x32: {  	s10 =	sld [smem:$0x3FB2];
	_ =	sdelay $0x3  }
0x33: {  	p0 =	seq.s32 s10, $0x1;
	s10 =	sld [smem:$0x3FB4];
	_ =	sdelay $0x3  }
0x34: {  	[smem:$0x3FB4] =	sst s10  }
0x35: {  	s10 =	sld [smem:$0x3FB3];
	_ =	sdelay $0x3  }
0x36: {  	p1 =	seq.s32 s10, $0x1;
	s10 =	sld [smem:$0x3FB4];
	_ =	sdelay $0x3  }
0x37: {  	[smem:$0x3FB4] =	sst s10  }
0x38: {  	s10 =	sld [smem:$0x3FB5]  }
0x39: {  	_ = 	snop;
	(pc) =	sbr.ind lr, $3  }
0x3a: {  	_ = 	snop  }
0x3b: {  	_ = 	snop  }
0x3c: {  	p2 =	seq.s32 s10, $0x1;
	s10 =	sld [smem:$0x3FB4]  }
0x3d: {  	_ =	shalt  }
0x3e: {  	_ =	shalt  }
0x3f: {  	_ =	shalt  }
0x40: {  	_ =	shalt  }
0x41: {  	_ =	shalt  }
0x42: {  	_ =	shalt  }
0x43: {  	_ =	shalt  }
0x44: {  	_ =	shalt  }
0x45: {  	_ =	shalt  }
0x46: {  	_ =	shalt  }
0x47: {  	_ =	shalt  }
0x48: {  	_ =	shalt  }
0x49: {  	_ =	shalt  }
0x4a: {  	_ =	shalt  }
0x4b: {  	_ =	shalt  }
0x4c: {  	_ =	shalt  }
0x4d: {  	_ =	shalt  }
0x4e: {  	_ =	shalt  }
0x4f: {  	_ =	shalt  }
0x50: {  	_ =	shalt  }
0x51: {  	_ =	shalt  }
0x52: {  	_ =	shalt  }
0x53: {  	_ =	shalt  }
0x54: {  	_ =	shalt  }
0x55: {  	_ =	shalt  }
0x56: {  	_ =	shalt  }
0x57: {  	_ =	shalt  }
0x58: {  	_ =	shalt  }
0x59: {  	_ =	shalt  }
0x5a: {  	_ =	shalt  }
0x5b: {  	_ =	shalt  }
0x5c: {  	_ =	shalt  }
0x5d: {  	_ =	shalt  }
0x5e: {  	_ =	shalt  }
0x5f: {  	_ =	shalt  }
0x60: {  	_ =	shalt  }
0x61: {  	_ =	shalt  }
0x62: {  	_ =	shalt  }
0x63: {  	_ =	shalt  }
0x64: {  	_ =	shalt  }
0x65: {  	_ =	shalt  }
0x66: {  	_ =	shalt  }
0x67: {  	_ =	shalt  }
0x68: {  	_ =	shalt  }
0x69: {  	_ =	shalt  }
0x6a: {  	_ =	shalt  }
0x6b: {  	_ =	shalt  }
0x6c: {  	_ =	shalt  }
0x6d: {  	_ =	shalt  }
0x6e: {  	_ =	shalt  }
0x6f: {  	_ =	shalt  }
0x70: {  	_ =	shalt  }
0x71: {  	_ =	shalt  }
0x72: {  	_ =	shalt  }
0x73: {  	_ =	shalt  }
0x74: {  	_ =	shalt  }
0x75: {  	_ =	shalt  }
0x76: {  	_ =	shalt  }
0x77: {  	_ =	shalt  }
0x78: {  	_ =	shalt  }
0x79: {  	_ =	shalt  }
0x7a: {  	_ =	shalt  }
0x7b: {  	_ =	shalt  }
0x7c: {  	_ =	shalt  }
0x7d: {  	_ =	shalt  }
0x7e: {  	_ =	shalt  }
0x7f: {  	_ =	shalt  }
0x80: {  	_ =	shalt  }
0x81: {  	_ =	shalt  }
0x82: {  	_ =	shalt  }
0x83: {  	_ =	shalt  }
0x84: {  	_ =	shalt  }
0x85: {  	_ =	shalt  }
0x86: {  	_ =	shalt  }
0x87: {  	_ =	shalt  }
.Lfunc_end0:
.L_simem_size_0:
called_computation_lowered:
.L_overlay_start_0:
0x88: {  	s2 =	sld [smem:$0x3FD9]  }
0x89: {  	s3 =	sld [smem:$0x3FFE];
	_ =	sdelay $0x1  }
0x8a: {  	s1 =	srdreg.scid  }
0x8b: {  	s0 =	sand.u32 $0x1, s1  }
0x8c: {  	s17 =	sshll.u32 s0, $0xA;
	s2 =	sadd.s32 s3, s2  }
0x8d: {  	s2 =	sadd.s32 s2, s17  }
0x8e: {  	[smem:$0x3FC0] =	sst s2  }
0x8f: {  	_ = 	snop  }
0x90: {  	s2 =	sld [smem:$0x3FD0];
	(tm) =	ssettm $0x1  }
0x91: {  	s18 =	sld [smem:$0x3FFB];
	_ =	sdelay $0x3  }
0x92: {  	_ =	strace s18  }
0x93: {  	s3 =	sld [smem:$0x3FFC];
	_ =	sdelay $0x3  }
0x94: {  	_ =	strace s3  }
0x95: {  	s3 =	sld [smem:$0x3FFD];
	_ =	sdelay $0x3  }
0x96: {  	_ =	strace s3  }
0x97: {  	_ =	strace $0x8FFFFFFF  }
0x98: {  	s19 =	sld [smem:$0x3FDB];
	_ =	sdelay $0x1  }
0x99: {  	s4 =	simm.s32 $_scs_section_size  }
0x9a: {  	s5 =	simm.s32 $_size__tile_overlayer_lowered;
	s6 =	simm.s32 $_tile_overlayer_lowered  }
0x9b: {  	s22 =	simm.s32 $0x1BFF;
	s21 =	sshll.u32 s6, $0x1;
	s3 =	sadd.s32 s4, s19  }
0x9c: {  	s7 =	simm.s32 $0x0;
	s20 =	sshll.u32 s5, $0x1;
	s5 =	sadd.s32 s21, s3  }
0x9d: {  	[timem:s7], [sflag:s22] =	dma.local [hbm:s5], s20  }
0x9e: {  	_ =	swait.ge [sflag:s22], s20  }
0x9f: {  	s4 =	ssub.s32 $0x0, s20;
	[sflag:s22] =	ssyncset.done $0x0  }
0xa0: {  	[sflag:s22] =	ssyncadd.s32 s4;
	_ =	sdelay $0x1  }
0xa1: {  	s23 =	simm.s32 $0x1B8B  }
0xa2: {  	_ =	swait.ge [sflag:s23], $0x1  }
0xa3: {  	[sflag:s23] =	ssyncset.done $0x0  }
0xa4: {  	s25 =	simm.s32 $0x1B8E;
	s24 =	sld [smem:$0x3FFE];
	[sflag:s23] =	ssyncadd.s32 $0xFFFFFFFF  }
0xa5: {  	s26 =	simm.s32 $execute0_lowered;
	[smem:$0x3FD2] =	sst s25  }
0xa6: {  	s5 =	sshll.u32 s26, $0x1;
	_ =	strace $0x80000046;
	[dreg:$0x1] =	wrdreg $0xFFFFFFFF  }
0xa7: {  	s28 =	simm.s32 $_size_execute0_lowered;
	s3 =	sadd.s32 s3, s5;
	[dreg:$0x0] =	wrdreg $0x0  }
0xa8: {  	s5 =	sshll.u32 s28, $0x1;
	[dreg:$0x2] =	wrdreg s3  }
0xa9: {  	[dreg:$0x3] =	wrdreg s5  }
0xaa: {  	[dreg:$0x4] =	wrdreg $0xC0  }
0xab: {  	_ =	task [dreg:s7], $0x5FFFF  }
0xac: {  	[dreg:$0x1] =	wrdreg $0xFFFFFFFF  }
0xad: {  	[dreg:$0x0] =	wrdreg $0x60  }
0xae: {  	[dreg:$0x2] =	wrdreg s24  }
0xaf: {  	[dreg:$0x3] =	wrdreg s2  }
0xb0: {  	[dreg:$0x4] =	wrdreg $0x53000  }
0xb1: {  	[dreg:$0x5] =	wrdreg $0x55800  }
0xb2: {  	[dreg:$0x6] =	wrdreg $0x9  }
0xb3: {  	_ =	task.clear_ibuf [dreg:s7], $0x7FFFF;
	_ =	strace $0x90000046  }
0xb4: {  	s29 =	simm.s32 $0x9;
	_ =	strace $0x80000048  }
0xb5: {  	_ =	swait.ge [sflag:s29], $0x1  }
0xb6: {  	[sflag:s29] =	ssyncadd.s32 $0xFFFFFFFF  }
0xb7: {  	_ =	strace $0x90000048  }
0xb8: {  	_ =	sfence  }
0xb9: {  	s30 =	sld [smem:$0x0];
	_ =	sdelay $0x2  }
0xba: {  	s31 =	sshll.u32 s1, $0xD;
	s1 =	sshrl.u32 s1, $0x2  }
0xbb: {  	s3 =	sand.u32 $0x4000, s31;
	s1 =	sadd.s32 s1, s30  }
0xbc: {  	s0 =	sor.u32 s3, s0;
	s1 =	sshll.u32 s1, $0x11  }
0xbd: {  	s0 =	sor.u32 s1, s0  }
0xbe: {  	s0 =	sadd.s32 $0x8F2B, s0  }
0xbf: {  	[sflag:s0] =	ssyncadd.remote.s32 $0x1  }
0xc0: {  	_ =	sfence.sel $0xFFFF  }
0xc1: {  	[dreg:$0x0] =	wrdreg $0xFFFFFFFF;
	(pc) =	sbr.abs _section_cstart, $3  }
0xc2: {  	[dreg:$0x1] =	wrdreg $0xFFFFFFFF  }
0xc3: {  	_ =	task.clear_ibuf [dreg:s7], $0x2FFFF;
	_ =	strace $0x9FFFFFFF  }
0xc4: {  	(tm) =	ssettm $0x7FFFFFFF  }
0xc5: {  	_ =	shalt  }
tec
execute0_lowered:
.L_overlay_start_1:
0x0: {  	(tag) =	ssettag $0x1  }
0x1: {  	s5 =	rddreg [dreg:$0x0]  }
0x2: {  	s9 =	rddreg [dreg:$0x1]  }
0x3: {  	s2 =	rddreg [dreg:$0x2];
	s0 =	srdreg.scid  }
0x4: {  	s3 =	rddreg [dreg:$0x3];
	s1 =	stileid.u32  }
0x5: {  	s4 =	simm.s32 $0x0;
	s13 =	simm.s32 $0x2800;
	s14 =	simm.s32 $0x5080  }
0x6: {  	s15 =	simm.s32 $0x80;
	s16 =	simm.s32 $0x5000;
	s17 =	simm.s32 $0x1  }
0x7: {  	s18 =	simm.s32 $0x2;
	s6 =	sand.u32 $0x1, s0;
	s0 =	rddreg [dreg:$0x4]  }
0x8: {  	s22 =	simm.s32 $0x0;
	s8 =	smul.u32 $0x280, s1;
	[smem:$0x7FF] =	sst s4  }
0x9: {  	s19 =	sshll.u32 s1, $0x6;
	s7 =	sshll.u32 s6, $0x4;
	s10 =	smul.u32 $0x2800, s6  }
0xa: {  	_ =	strace $0x80000047;
	s6 =	ssub.s32 $0x2, s6;
	s7 =	sor.u32 s1, s7  }
0xb: {  	s11 =	sshrl.u32 s6, $0x1;
	s7 =	smul.u32 $0x500, s7;
	s10 =	sadd.s32 s8, s10  }
0xc: {  	s19 =	sor.u32 $0x1C03, s19;
	s11 =	ssub.s32 s6, s11;
	s10 =	sshrl.u32 s10, $0x3  }
0xd: {  	s11 =	smax.u32 s11, $0x1;
	s7 =	sadd.s32 s7, s5;
	s12 =	sadd.s32 s10, s5  }
0xe: {  	s9 =	sadd.s32 s9, s10;
	s5 =	sadd.s32 $0xC800, s7;
	s6 =	sadd.s32 $0x2800, s7  }
0xf: {  	s7 =	sadd.s32 s8, s2;
	s8 =	sadd.s32 s8, s3;
	s10 =	sadd.s32 $0x16800, s12  }
0x10: {  	v0 =	vimm.f32 $1.000000000e+00;
	v1 =	vimm.f32 $0.0e+00;
	s12 =	simm.s32 $0x3;
	s20 =	sshrl.u32 s7, $0x3;
	s21 =	sshrl.u32 s8, $0x3  }
.LBB2_1:
0x11: {  	[tilespmem:s4], [sflag:$0x3] =	stream.linear.gather [hbm4b:s5+s4], $0x2800, $0x38;
	[tilespmem:$0x5800] =	vst v63  }
0x12: {  	_ =	swait.ge [sflag:s12], $0x2800  }
0x13: {  	[sflag:s12] =	ssyncset.done $0x0  }
0x14: {  	[sflag:s12] =	ssyncadd.s32 $0xFFFFD800  }
0x15: {  	[tilespmem:s13], [sflag:$0x3] =	stream.linear.gather [hbm4b:s6+s4], $0x2800, $0x38;
	[tilespmem:$0x5800] =	vst v63  }
0x16: {  	_ =	swait.ge [sflag:s12], $0x2800  }
0x17: {  	[sflag:s12] =	ssyncset.done $0x0  }
0x18: {  	[sflag:s12] =	ssyncadd.s32 $0xFFFFD800  }
0x19: {  	[tilespmem:$0x5000] =	vst v0  }
0x1a: {  	[tilespmem:$0x5010] =	vst v0  }
0x1b: {  	[tilespmem:$0x5020] =	vst v0  }
0x1c: {  	[tilespmem:$0x5030] =	vst v0  }
0x1d: {  	[tilespmem:$0x5040] =	vst v0  }
0x1e: {  	[tilespmem:$0x5050] =	vst v0  }
0x1f: {  	[tilespmem:$0x5060] =	vst v0  }
0x20: {  	[tilespmem:$0x5070] =	vst v0  }
0x21: {  	[tilespmem:$0x5080] =	vst v1  }
0x22: {  	[tilespmem:$0x5090] =	vst v1  }
0x23: {  	[tilespmem:$0x50A0] =	vst v1  }
0x24: {  	[tilespmem:$0x50B0] =	vst v1  }
0x25: {  	[tilespmem:$0x50C0] =	vst v1  }
0x26: {  	[tilespmem:$0x50D0] =	vst v1  }
0x27: {  	[tilespmem:$0x50E0] =	vst v1  }
0x28: {  	[tilespmem:$0x50F0] =	vst v1  }
0x29: {  	[tilespmem:$0x5100] =	vst v1  }
0x2a: {  	[tilespmem:$0x5110] =	vst v1  }
0x2b: {  	[tilespmem:$0x5120] =	vst v1  }
0x2c: {  	[tilespmem:$0x5130] =	vst v1  }
0x2d: {  	[tilespmem:$0x5140] =	vst v1  }
0x2e: {  	[tilespmem:$0x5150] =	vst v1  }
0x2f: {  	[tilespmem:$0x5160] =	vst v1  }
0x30: {  	[tilespmem:$0x5170] =	vst v1  }
0x31: {  	[tilespmem:$0x5180] =	vst v1  }
0x32: {  	[tilespmem:$0x5190] =	vst v1  }
0x33: {  	[tilespmem:$0x51A0] =	vst v1  }
0x34: {  	[tilespmem:$0x51B0] =	vst v1  }
0x35: {  	[tilespmem:$0x51C0] =	vst v1  }
0x36: {  	[tilespmem:$0x51D0] =	vst v1  }
0x37: {  	[tilespmem:$0x51E0] =	vst v1  }
0x38: {  	[tilespmem:$0x51F0] =	vst v1  }
0x39: {  	[tilespmem:$0x5200] =	vst v1  }
0x3a: {  	[tilespmem:$0x5210] =	vst v1  }
0x3b: {  	[tilespmem:$0x5220] =	vst v1  }
0x3c: {  	[tilespmem:$0x5230] =	vst v1  }
0x3d: {  	[tilespmem:$0x5240] =	vst v1  }
0x3e: {  	[tilespmem:$0x5250] =	vst v1  }
0x3f: {  	[tilespmem:$0x5260] =	vst v1  }
0x40: {  	[tilespmem:$0x5270] =	vst v1  }
0x41: {  	[tilespmem:$0x5280] =	vst v1  }
0x42: {  	[tilespmem:$0x5290] =	vst v1  }
0x43: {  	[tilespmem:$0x52A0] =	vst v1  }
0x44: {  	[tilespmem:$0x52B0] =	vst v1  }
0x45: {  	[tilespmem:$0x52C0] =	vst v1  }
0x46: {  	[tilespmem:$0x52D0] =	vst v1  }
0x47: {  	[tilespmem:$0x52E0] =	vst v1  }
0x48: {  	[tilespmem:$0x52F0] =	vst v1  }
0x49: {  	[spmem:s7] =	stream.linear.scatter [tilespmem:s14], [sflag:$0x3], $0x280, $0x38;
	[tilespmem:$0x5800] =	vst v63  }
0x4a: {  	_ =	swait.ge [sflag:s12], $0x280  }
0x4b: {  	[sflag:s12] =	ssyncset.done $0x0  }
0x4c: {  	[sflag:s12] =	ssyncadd.s32 $0xFFFFFD80  }
0x4d: {  	[spmem:s8] =	stream.linear.scatter [tilespmem:s14], [sflag:$0x3], $0x280, $0x38;
	[tilespmem:$0x5800] =	vst v63  }
0x4e: {  	_ =	swait.ge [sflag:s12], $0x280  }
0x4f: {  	[sflag:s12] =	ssyncset.done $0x0  }
0x50: {  	[sflag:s12] =	ssyncadd.s32 $0xFFFFFD80  }
0x51: {  	[bflag:$0x0] =	sbarrier.arrive $0xFFFF  }
0x52: {  	[spmem:s2] =	stream.indirect.scatter.add.f32 [tilespmem:s16], [sflag:$0x1], $0x1, s4, s15, $0xb8;
	[tilespmem:$0x5800] =	vst v63  }
0x53: {  	_ = 	snop  }
0x54: {  	[spmem:s3] =	stream.indirect.scatter.add.f32 [tilespmem:s16], [sflag:$0x2], $0x1, s13, s15, $0xb8;
	[tilespmem:$0x5800] =	vst v63  }
0x55: {  	s23 =	simm.s32 $0x80  }
0x56: {  	[spmem:s2] =	stream.indirect.scatter.add.f32 [tilespmem:s16], [sflag:$0x1], $0x1, s23, s15, $0xb8;
	[tilespmem:$0x5800] =	vst v63  }
0x57: {  	s31 =	simm.s32 $0x2880  }
0x58: {  	[spmem:s3] =	stream.indirect.scatter.add.f32 [tilespmem:s16], [sflag:$0x2], $0x1, s31, s15, $0xb8;
	[tilespmem:$0x5800] =	vst v63  }
0x59: {  	_ =	swait.ge [sflag:s17], $0x80  }
0x5a: {  	[sflag:s17] =	ssyncset.done $0x0  }
0x5b: {  	[sflag:s17] =	ssyncadd.s32 $0xFFFFFF80  }
0x5c: {  	_ =	swait.ge [sflag:s18], $0x80  }
0x5d: {  	s24 =	simm.s32 $0x600;
	s23 =	simm.s32 $0x400;
	[sflag:s18] =	ssyncset.done $0x0  }
.LBB2_2:
0x5e: {  	s25 =	sshra.s32 s23, $0x2  }
0x5f: {  	[sflag:s18] =	ssyncadd.s32 $0xFFFFFF80;
	s23 =	smov.u32 s24;
	s26 =	sadd.s32 $0x200, s24  }
0x60: {  	[spmem:s2] =	stream.indirect.scatter.add.f32 [tilespmem:s16], [sflag:$0x1], $0x1, s25, s15, $0xb8;
	[tilespmem:$0x5800] =	vst v63  }
0x61: {  	p0 =	sne.s32 s24, $0x9E00;
	s24 =	sadd.s32 $0x2800, s25  }
0x62: {  	[spmem:s3] =	stream.indirect.scatter.add.f32 [tilespmem:s16], [sflag:$0x2], $0x1, s24, s15, $0xb8;
	[tilespmem:$0x5800] =	vst v63  }
.Ltmp0:
0x63: {  	_ =	swait.ge [sflag:s17], $0x80;
	(pc) =	sbr.rel @p0 .LBB2_2-.Ltmp0, $4  }
0x64: {  	[sflag:s17] =	ssyncset.done $0x0  }
0x65: {  	[sflag:s17] =	ssyncadd.s32 $0xFFFFFF80  }
0x66: {  	_ =	swait.ge [sflag:s18], $0x80  }
0x67: {  	s24 =	smov.u32 s26;
	[sflag:s18] =	ssyncset.done $0x0  }
0x68: {  	s23 =	sshra.s32 s23, $0x2;
	[sflag:s18] =	ssyncadd.s32 $0xFFFFFF80  }
0x69: {  	[spmem:s2] =	stream.indirect.scatter.add.f32 [tilespmem:s16], [sflag:$0x1], $0x1, s23, s15, $0xb8;
	[tilespmem:$0x5800] =	vst v63  }
0x6a: {  	s23 =	sadd.s32 $0x2800, s23  }
0x6b: {  	[spmem:s3] =	stream.indirect.scatter.add.f32 [tilespmem:s16], [sflag:$0x2], $0x1, s23, s15, $0xb8;
	[tilespmem:$0x5800] =	vst v63  }
0x6c: {  	_ =	swait.ge [sflag:s17], $0x80  }
0x6d: {  	[sflag:s17] =	ssyncset.done $0x0  }
0x6e: {  	[sflag:s17] =	ssyncadd.s32 $0xFFFFFF80  }
0x6f: {  	_ =	swait.ge [sflag:s18], $0x80  }
0x70: {  	[sflag:s18] =	ssyncset.done $0x0  }
0x71: {  	[sflag:s18] =	ssyncadd.s32 $0xFFFFFF80  }
0x72: {  	_ =	swait.ge [sflag:s17], $0x80  }
0x73: {  	[sflag:s17] =	ssyncset.done $0x0  }
0x74: {  	[sflag:s17] =	ssyncadd.s32 $0xFFFFFF80  }
0x75: {  	_ =	swait.ge [sflag:s18], $0x80  }
0x76: {  	[sflag:s18] =	ssyncset.done $0x0  }
0x77: {  	[sflag:s18] =	ssyncadd.s32 $0xFFFFFF80  }
0x78: {  	[bflag:$0x0] =	sbarrier.arrive $0xFFFF  }
0x79: {  	[hbm:s9], [sflag:s19] =	dma.local [spmem:s20], $0x50  }
0x7a: {  	s22 =	sadd.s32 $0x1, s22;
	_ =	swait.ge [sflag:s12], $0x50  }
0x7b: {  	p0 =	sne.s32 s22, s11;
	[sflag:s12] =	ssyncset.done $0x0  }
.Ltmp1:
0x7c: {  	[sflag:s12] =	ssyncadd.s32 $0xFFFFFFB0;
	(pc) =	sbr.rel @p0 .LBB2_1-.Ltmp1, $4  }
0x7d: {  	[hbm:s10], [sflag:s19] =	dma.local [spmem:s21], $0x50  }
0x7e: {  	_ =	swait.ge [sflag:s12], $0x50  }
0x7f: {  	[sflag:s12] =	ssyncset.done $0x0  }
0x80: {  	[sflag:s12] =	ssyncadd.s32 $0xFFFFFFB0  }
0x81: {  	_ =	sfence.sel $0x180000  }
0x82: {  	[bflag:$0x0] =	sbarrier.arrive $0xFFFF  }
0x83: {  	p0 =	sne.s32 s1, $0x0;
	_ =	strace $0x90000047  }
0x84: {  	s0 =	sadd.s32 @!p0 $0x100000, s0;
	[bflag:$0x2] =	sbarrier.arrive $0xFFFF  }
0x85: {  	[sflag:s0] =	ssyncadd.tile.s32 @!p0 $0x1;
	_ =	shalt  }
.Lfunc_end2:
_tile_overlayer_lowered:
.L_overlay_start_2:
0x86: {  	(tag) =	ssettag $0x2  }
0x87: {  	s0 =	rddreg [dreg:$0x0];
	s2 =	stileid.u32  }
0x88: {  	s1 =	rddreg [dreg:$0x1];
	p0 =	sne.s32 s2, $0x0  }
0x89: {  	s3 =	rddreg [dreg:$0x2];
	[bflag:$0x3] =	sbarrier.arrive $0xFFFF;
	s2 =	simm.s32 @!p0 $0x1C03  }
0x8a: {  	[timem:s3], [sflag:s2] =	dma.local @!p0 [hbm:s0], s1  }
0x8b: {  	s0 =	simm.s32 @!p0 $0x3  }
0x8c: {  	_ =	swait.ge @!p0 [sflag:s0], s1  }
0x8d: {  	s1 =	ssub.s32 @!p0 $0x0, s1;
	[sflag:s0] =	ssyncset.done @!p0 $0x0  }
0x8e: {  	[sflag:s0] =	ssyncadd.s32 @!p0 s1  }
0x8f: {  	[bflag:$0x3] =	sbarrier.arrive $0xFFFF  }
0x90: {  	_ =	shalt  }

// kernel: kernel.15.cloned.1.call-start
scs
__scs_entry_jumppad:
0x0: {  	(pc) =	sbr.rel $0x88, $3  }
0x1: {  	(tag) =	ssettag $0x0;
	lr =	simm.s32 $0x1  }
0x2: {  	[smem:$0x3F99] =	sst lr;
	_ =	strace $0xD0000000  }
0x3: {  	_ = 	snop  }
0x4: {  	_ = 	snop  }
0x5: {  	_ = 	snop  }
0x6: {  	_ = 	snop  }
0x7: {  	_ = 	snop  }
__scs_overlays_trampoline_lowered:
0x8: {  	[smem:$0x3FA8] =	sst s0  }
0x9: {  	[smem:$0x3FA9] =	sst s1  }
0xa: {  	[smem:$0x3FAA] =	sst s2  }
0xb: {  	[smem:$0x3FAB] =	sst s3  }
0xc: {  	[smem:$0x3FAC] =	sst s4  }
0xd: {  	[smem:$0x3FAD] =	sst s5  }
0xe: {  	[smem:$0x3FAE] =	sst s6  }
0xf: {  	[smem:$0x3FAF] =	sst s7  }
0x10: {  	[smem:$0x3FB0] =	sst s8  }
0x11: {  	[smem:$0x3FB1] =	sst s9;
	s0 =	simm.s32 @!p0 $0x0  }
0x12: {  	s1 =	sld [smem:$0x3F97];
	s0 =	simm.s32 @p0 $0x1  }
0x13: {  	[smem:$0x3FB2] =	sst s0;
	s0 =	simm.s32 @!p1 $0x0  }
0x14: {  	s2 =	sld [smem:$0x3F96];
	s0 =	simm.s32 @p1 $0x1  }
0x15: {  	[smem:$0x3FB3] =	sst s0;
	s0 =	simm.s32 @!p2 $0x0  }
0x16: {  	s3 =	sld [smem:$0x3FDB];
	s0 =	simm.s32 @p2 $0x1  }
0x17: {  	s4 =	simm.s32 $0x1BF5;
	[smem:$0x3FB5] =	sst s0  }
0x18: {  	s0 =	sld [smem:$0x3F98];
	_ =	swait.ge [sflag:s4], $0x0  }
0x19: {  	s7 =	sld [smem:$0x3F99]  }
0x1a: {  	s8 =	sadd.s32 $0xFFFFE003, lr  }
0x1b: {  	s9 =	sadd.s32 $0xFFFFFEF7, lr;
	s5 =	simm.s32 $0xFFFFFFFF;
	p2 =	slt.u32 s8, $0xFFFFF086  }
0x1c: {  	p1 =	slt.u32 s9, $0xF7A;
	s5 =	simm.s32 @!p2 $0x0  }
0x1d: {  	s5 =	simm.s32 @p1 $0x1;
	p0 =	seq.s32 s7, s2  }
0x1e: {  	s7 =	smul.u32 @!p0 $0xF7A, s2;
	p2 =	seq.s32 @!p0 s5, $0x0  }
0x1f: {  	s9 =	smul.u32 $0xF7A, s1;
	s8 =	simm.s32 @!p0 $0x1BF5;
	p2 =	por !p2, p0  }
0x20: {  	[sflag:s8] =	ssyncset.s32 @!p0 $0xFFFFF086;
	s6 =	sadd.s32 @!p0 s3, s7;
	s7 =	simm.s32 @!p0 $0x108  }
0x21: {  	s3 =	sadd.s32 s3, s9;
	s6 =	sadd.s32 @!p0 $0x88, s6;
	s7 =	simm.s32 @p2 $0x1082  }
0x22: {  	[simem:s7], [sflag:s8] =	dma.local @!p0 [hbm:s6], $0xF7A  }
0x23: {  	s9 =	sor.u32 $0xD0000000, s2;
	s6 =	simm.s32 $0x108;
	_ =	swait.ge @!p0 [sflag:s8], $0x0  }
0x24: {  	s3 =	sadd.s32 $0x88, s3;
	s6 =	simm.s32 @!p1 $0x1082;
	[sflag:s4] =	ssyncset.s32 $0xFFFFF086  }
0x25: {  	[simem:s6], [sflag:s4] =	dma.local [hbm:s3], $0xF7A  }
0x26: {  	[smem:$0x3F99] =	sst s1;
	(tag) =	ssettag s2;
	_ =	strace s9  }
0x27: {  	s1 =	sld [smem:$0x3FA9]  }
0x28: {  	s2 =	sld [smem:$0x3FAA]  }
0x29: {  	s4 =	sld [smem:$0x3FAC]  }
0x2a: {  	p0 =	seq.s32 s5, $0x0;
	s5 =	sld [smem:$0x3FAD]  }
0x2b: {  	s6 =	sld [smem:$0x3FAE]  }
0x2c: {  	s7 =	sld [smem:$0x3FAF]  }
0x2d: {  	s3 =	simm.s32 $0x108;
	s8 =	sld [smem:$0x3FB0]  }
0x2e: {  	s3 =	simm.s32 @!p0 $0x1082;
	s9 =	sld [smem:$0x3FB1]  }
0x2f: {  	lr =	sadd.s32 s0, s3;
	s0 =	sld [smem:$0x3FA8]  }
0x30: {  	s3 =	sld [smem:$0x3FAB]  }
0x31: {  	[smem:$0x3FB4] =	sst s10  }
0x32: {  	s10 =	sld [smem:$0x3FB2];
	_ =	sdelay $0x3  }
0x33: {  	p0 =	seq.s32 s10, $0x1;
	s10 =	sld [smem:$0x3FB4];
	_ =	sdelay $0x3  }
0x34: {  	[smem:$0x3FB4] =	sst s10  }
0x35: {  	s10 =	sld [smem:$0x3FB3];
	_ =	sdelay $0x3  }
0x36: {  	p1 =	seq.s32 s10, $0x1;
	s10 =	sld [smem:$0x3FB4];
	_ =	sdelay $0x3  }
0x37: {  	[smem:$0x3FB4] =	sst s10  }
0x38: {  	s10 =	sld [smem:$0x3FB5]  }
0x39: {  	_ = 	snop;
	(pc) =	sbr.ind lr, $3  }
0x3a: {  	_ = 	snop  }
0x3b: {  	_ = 	snop  }
0x3c: {  	p2 =	seq.s32 s10, $0x1;
	s10 =	sld [smem:$0x3FB4]  }
0x3d: {  	_ =	shalt  }
0x3e: {  	_ =	shalt  }
0x3f: {  	_ =	shalt  }
0x40: {  	_ =	shalt  }
0x41: {  	_ =	shalt  }
0x42: {  	_ =	shalt  }
0x43: {  	_ =	shalt  }
0x44: {  	_ =	shalt  }
0x45: {  	_ =	shalt  }
0x46: {  	_ =	shalt  }
0x47: {  	_ =	shalt  }
0x48: {  	_ =	shalt  }
0x49: {  	_ =	shalt  }
0x4a: {  	_ =	shalt  }
0x4b: {  	_ =	shalt  }
0x4c: {  	_ =	shalt  }
0x4d: {  	_ =	shalt  }
0x4e: {  	_ =	shalt  }
0x4f: {  	_ =	shalt  }
0x50: {  	_ =	shalt  }
0x51: {  	_ =	shalt  }
0x52: {  	_ =	shalt  }
0x53: {  	_ =	shalt  }
0x54: {  	_ =	shalt  }
0x55: {  	_ =	shalt  }
0x56: {  	_ =	shalt  }
0x57: {  	_ =	shalt  }
0x58: {  	_ =	shalt  }
0x59: {  	_ =	shalt  }
0x5a: {  	_ =	shalt  }
0x5b: {  	_ =	shalt  }
0x5c: {  	_ =	shalt  }
0x5d: {  	_ =	shalt  }
0x5e: {  	_ =	shalt  }
0x5f: {  	_ =	shalt  }
0x60: {  	_ =	shalt  }
0x61: {  	_ =	shalt  }
0x62: {  	_ =	shalt  }
0x63: {  	_ =	shalt  }
0x64: {  	_ =	shalt  }
0x65: {  	_ =	shalt  }
0x66: {  	_ =	shalt  }
0x67: {  	_ =	shalt  }
0x68: {  	_ =	shalt  }
0x69: {  	_ =	shalt  }
0x6a: {  	_ =	shalt  }
0x6b: {  	_ =	shalt  }
0x6c: {  	_ =	shalt  }
0x6d: {  	_ =	shalt  }
0x6e: {  	_ =	shalt  }
0x6f: {  	_ =	shalt  }
0x70: {  	_ =	shalt  }
0x71: {  	_ =	shalt  }
0x72: {  	_ =	shalt  }
0x73: {  	_ =	shalt  }
0x74: {  	_ =	shalt  }
0x75: {  	_ =	shalt  }
0x76: {  	_ =	shalt  }
0x77: {  	_ =	shalt  }
0x78: {  	_ =	shalt  }
0x79: {  	_ =	shalt  }
0x7a: {  	_ =	shalt  }
0x7b: {  	_ =	shalt  }
0x7c: {  	_ =	shalt  }
0x7d: {  	_ =	shalt  }
0x7e: {  	_ =	shalt  }
0x7f: {  	_ =	shalt  }
0x80: {  	_ =	shalt  }
0x81: {  	_ =	shalt  }
0x82: {  	_ =	shalt  }
0x83: {  	_ =	shalt  }
0x84: {  	_ =	shalt  }
0x85: {  	_ =	shalt  }
0x86: {  	_ =	shalt  }
0x87: {  	_ =	shalt  }
.Lfunc_end0:
.L_simem_size_0:
called_computation.1_lowered:
.L_overlay_start_0:
0x88: {  	s2 =	sld [smem:$0x3FD9]  }
0x89: {  	s3 =	sld [smem:$0x3FFE];
	_ =	sdelay $0x1  }
0x8a: {  	s1 =	srdreg.scid  }
0x8b: {  	s0 =	sand.u32 $0x1, s1  }
0x8c: {  	s16 =	sshll.u32 s0, $0xA;
	s2 =	sadd.s32 s3, s2  }
0x8d: {  	s2 =	sadd.s32 s2, s16  }
0x8e: {  	[smem:$0x3FC0] =	sst s2  }
0x8f: {  	_ = 	snop  }
0x90: {  	(tm) =	ssettm $0x1  }
0x91: {  	s17 =	sld [smem:$0x3FFB];
	_ =	sdelay $0x3  }
0x92: {  	_ =	strace s17  }
0x93: {  	s2 =	sld [smem:$0x3FFC];
	_ =	sdelay $0x3  }
0x94: {  	_ =	strace s2  }
0x95: {  	s2 =	sld [smem:$0x3FFD];
	_ =	sdelay $0x3  }
0x96: {  	_ =	strace s2  }
0x97: {  	_ =	strace $0x8FFFFFFF  }
0x98: {  	s18 =	sld [smem:$0x3FDB];
	_ =	sdelay $0x1  }
0x99: {  	s19 =	simm.s32 $_scs_section_size  }
0x9a: {  	s4 =	simm.s32 $_size__tile_overlayer_lowered;
	s5 =	simm.s32 $_tile_overlayer_lowered  }
0x9b: {  	s22 =	simm.s32 $0x1BFF;
	s21 =	sshll.u32 s5, $0x1;
	s2 =	sadd.s32 s19, s18  }
0x9c: {  	s6 =	simm.s32 $0x0;
	s20 =	sshll.u32 s4, $0x1;
	s4 =	sadd.s32 s21, s2  }
0x9d: {  	[timem:s6], [sflag:s22] =	dma.local [hbm:s4], s20  }
0x9e: {  	_ =	swait.ge [sflag:s22], s20  }
0x9f: {  	s3 =	ssub.s32 $0x0, s20;
	[sflag:s22] =	ssyncset.done $0x0  }
0xa0: {  	[sflag:s22] =	ssyncadd.s32 s3;
	_ =	sdelay $0x1  }
0xa1: {  	s23 =	simm.s32 $0x1B8B  }
0xa2: {  	_ =	swait.ge [sflag:s23], $0x1  }
0xa3: {  	[sflag:s23] =	ssyncset.done $0x0  }
0xa4: {  	s25 =	simm.s32 $0x1B8E;
	s24 =	sld [smem:$0x3FFE];
	[sflag:s23] =	ssyncadd.s32 $0xFFFFFFFF  }
0xa5: {  	s26 =	simm.s32 $execute0_lowered;
	[smem:$0x3FD2] =	sst s25  }
0xa6: {  	s4 =	sshll.u32 s26, $0x1;
	_ =	strace $0x80000049;
	[dreg:$0x1] =	wrdreg $0xFFFFFFFF  }
0xa7: {  	s28 =	simm.s32 $_size_execute0_lowered;
	s2 =	sadd.s32 s2, s4;
	[dreg:$0x0] =	wrdreg $0x0  }
0xa8: {  	s4 =	sshll.u32 s28, $0x1;
	[dreg:$0x2] =	wrdreg s2  }
0xa9: {  	[dreg:$0x3] =	wrdreg s4  }
0xaa: {  	[dreg:$0x4] =	wrdreg $0xC0  }
0xab: {  	_ =	task [dreg:s6], $0x5FFFF  }
0xac: {  	[dreg:$0x1] =	wrdreg $0xFFFFFFFF  }
0xad: {  	[dreg:$0x0] =	wrdreg $0x60  }
0xae: {  	[dreg:$0x2] =	wrdreg s24  }
0xaf: {  	[dreg:$0x3] =	wrdreg $0x130000  }
0xb0: {  	[dreg:$0x4] =	wrdreg $0x9  }
0xb1: {  	_ =	task.clear_ibuf [dreg:s6], $0x5FFFF;
	_ =	strace $0x90000049  }
0xb2: {  	s29 =	simm.s32 $0x9;
	_ =	strace $0x8000004B  }
0xb3: {  	_ =	swait.ge [sflag:s29], $0x1  }
0xb4: {  	[sflag:s29] =	ssyncadd.s32 $0xFFFFFFFF  }
0xb5: {  	_ =	strace $0x9000004B  }
0xb6: {  	_ =	sfence  }
0xb7: {  	s30 =	sld [smem:$0x0];
	_ =	sdelay $0x2  }
0xb8: {  	s31 =	sshll.u32 s1, $0xD;
	s1 =	sshrl.u32 s1, $0x2  }
0xb9: {  	s3 =	sand.u32 $0x4000, s31;
	s1 =	sadd.s32 s1, s30  }
0xba: {  	s0 =	sor.u32 s3, s0;
	s1 =	sshll.u32 s1, $0x11  }
0xbb: {  	s0 =	sor.u32 s1, s0  }
0xbc: {  	s0 =	sadd.s32 $0x8F2B, s0  }
0xbd: {  	[sflag:s0] =	ssyncadd.remote.s32 $0x1  }
0xbe: {  	_ =	sfence.sel $0xFFFF  }
0xbf: {  	[dreg:$0x0] =	wrdreg $0xFFFFFFFF;
	(pc) =	sbr.abs _section_cstart, $3  }
0xc0: {  	[dreg:$0x1] =	wrdreg $0xFFFFFFFF  }
0xc1: {  	_ =	task.clear_ibuf [dreg:s6], $0x2FFFF;
	_ =	strace $0x9FFFFFFF  }
0xc2: {  	(tm) =	ssettm $0x7FFFFFFF  }
0xc3: {  	_ =	shalt  }
tec
execute0_lowered:
.L_overlay_start_1:
0x0: {  	(tag) =	ssettag $0x1  }
0x1: {  	s6 =	stileid.u32  }
0x2: {  	s0 =	srdreg.scid;
	s2 =	rddreg [dreg:$0x0]  }
0x3: {  	s4 =	simm.s32 $0x0;
	s29 =	simm.s32 $0x7;
	s1 =	smul.u32 $0xA00, s6  }
0x4: {  	s31 =	simm.s32 $0x12000;
	s0 =	sand.u32 $0x1, s0;
	s6 =	smul.u32 $0xA000, s6  }
0x5: {  	s30 =	simm.s32 $0x1;
	s3 =	smul.u32 $0xA0000, s0;
	s0 =	ssub.s32 $0x2, s0  }
0x6: {  	[smem:$0x7FF] =	sst s4;
	s1 =	sadd.s32 s1, s2;
	s5 =	sshrl.u32 s0, $0x1  }
0x7: {  	s7 =	sadd.s32 $0x2000, s6;
	s8 =	sadd.s32 $0x3000, s6;
	s9 =	sadd.s32 $0x4000, s6  }
0x8: {  	s10 =	sadd.s32 $0x5000, s6;
	s12 =	sadd.s32 $0x6000, s6;
	s13 =	sadd.s32 $0x7000, s6  }
0x9: {  	s15 =	sadd.s32 $0x8000, s6;
	s16 =	sadd.s32 $0x9000, s6;
	s24 =	sshrl.u32 s3, $0x4  }
0xa: {  	s0 =	ssub.s32 s0, s5;
	s5 =	sor.u32 $0x1000, s6;
	s11 =	sadd.s32 s6, s3  }
0xb: {  	s26 =	sadd.s32 s3, s7;
	s28 =	sadd.s32 s3, s8;
	s17 =	sadd.s32 s3, s9  }
0xc: {  	s19 =	sadd.s32 s3, s10;
	s20 =	sadd.s32 s3, s12;
	s21 =	sadd.s32 s3, s13  }
0xd: {  	s4 =	sadd.s32 s24, s2;
	s2 =	sadd.s32 $0x2B200, s2;
	s14 =	sadd.s32 s3, s5  }
0xe: {  	s11 =	sshrl.u32 s11, $0x3;
	s17 =	sshrl.u32 s17, $0x3;
	s24 =	sadd.s32 s3, s15  }
0xf: {  	s3 =	sadd.s32 s3, s16;
	s0 =	smax.u32 s0, $0x1;
	s11 =	sadd.s32 s2, s11  }
0x10: {  	s14 =	sshrl.u32 s14, $0x3;
	s18 =	sadd.s32 s2, s17;
	[dreg:$0x3] =	wrdreg s11  }
0x11: {  	s17 =	sshrl.u32 s21, $0x3;
	s25 =	sadd.s32 s2, s14;
	[dreg:$0x7] =	wrdreg s18  }
0x12: {  	s11 =	sshrl.u32 s26, $0x3;
	s23 =	sadd.s32 s2, s17;
	[dreg:$0x4] =	wrdreg s25  }
0x13: {  	s14 =	sshrl.u32 s28, $0x3;
	s11 =	sadd.s32 s2, s11;
	[dreg:$0xa] =	wrdreg s23  }
0x14: {  	s14 =	sadd.s32 s2, s14;
	[dreg:$0x5] =	wrdreg s11;
	s11 =	sshrl.u32 s19, $0x3  }
0x15: {  	[dreg:$0x6] =	wrdreg s14;
	s14 =	sshrl.u32 s20, $0x3;
	s11 =	sadd.s32 s2, s11  }
0x16: {  	s3 =	sshrl.u32 s3, $0x3;
	s22 =	sadd.s32 s2, s14;
	[dreg:$0x8] =	wrdreg s11  }
0x17: {  	s25 =	sadd.s32 $0xC800, s1;
	s14 =	sshrl.u32 s24, $0x3;
	[dreg:$0x9] =	wrdreg s22  }
0x18: {  	s1 =	sadd.s32 $0x2800, s1;
	s11 =	rddreg [dreg:$0x1];
	s14 =	sadd.s32 s2, s14  }
0x19: {  	s2 =	sadd.s32 s2, s3;
	s3 =	simm.s32 $0x6;
	[dreg:$0xb] =	wrdreg s14  }
0x1a: {  	[dreg:$0xc] =	wrdreg s2;
	s14 =	sadd.s32 s6, s11;
	s26 =	sadd.s32 s5, s11  }
0x1b: {  	s28 =	sadd.s32 s7, s11;
	s19 =	sadd.s32 s8, s11;
	s20 =	sadd.s32 s9, s11  }
0x1c: {  	s21 =	sadd.s32 s10, s11;
	s22 =	sadd.s32 s12, s11;
	s23 =	sadd.s32 s13, s11  }
0x1d: {  	s24 =	sadd.s32 s15, s11;
	_ =	strace $0x8000004A;
	[dreg:$0xd] =	wrdreg s25  }
0x1e: {  	s9 =	simm.s32 $0x80;
	s2 =	simm.s32 $0x2;
	[dreg:$0xe] =	wrdreg s1  }
0x1f: {  	s5 =	simm.s32 $0x3;
	s6 =	simm.s32 $0x5;
	[dreg:$0xf] =	wrdreg s26  }
0x20: {  	s7 =	simm.s32 $0x4;
	s8 =	simm.s32 $0x0;
	[dreg:$0x10] =	wrdreg s28  }
0x21: {  	s25 =	sadd.s32 s16, s11;
	s26 =	sadd.s32 $0x17200, s4;
	[dreg:$0x11] =	wrdreg s0  }
0x22: {  	v0 =	vimm.f32 $0.0e+00;
	s0 =	simm.s32 $0xA000;
	s1 =	simm.s32 $0xE000;
	s4 =	simm.s32 $0x10000  }
.LBB2_1:
0x23: {  	s10 =	simm.s32 $0x0;
	s12 =	rddreg [dreg:$0xd]  }
0x24: {  	[tilespmem:s10], [sflag:$0x7] =	stream.linear.gather [hbm4b:s12+s10], $0x5000, $0x38;
	[tilespmem:$0x1D000] =	vst v63  }
0x25: {  	_ =	swait.ge [sflag:s29], $0x5000  }
0x26: {  	[sflag:s29] =	ssyncset.done $0x0  }
0x27: {  	s13 =	simm.s32 $0x5000;
	s28 =	rddreg [dreg:$0xe];
	[sflag:s29] =	ssyncadd.s32 $0xFFFFB000  }
0x28: {  	[tilespmem:s13], [sflag:$0x7] =	stream.linear.gather [hbm4b:s28+s10], $0x5000, $0x38;
	[tilespmem:$0x1D000] =	vst v63  }
0x29: {  	_ =	swait.ge [sflag:s29], $0x5000  }
0x2a: {  	[sflag:s29] =	ssyncset.done $0x0  }
0x2b: {  	s12 =	simm.s32 $0x100;
	s10 =	simm.s32 $0x0;
	[sflag:s29] =	ssyncadd.s32 $0xFFFFB000  }
.LBB2_2:
0x2c: {  	p0 =	sne.s32 s12, $0x3F00;
	[tilespmem:s10+$0x12030] =	vst v0;
	s13 =	smov.u32 s12;
	s12 =	sadd.s32 $0x100, s12  }
.Ltmp0:
0x2d: {  	[tilespmem:s10+$0x12020] =	vst v0;
	(pc) =	sbr.rel @p0 .LBB2_2-.Ltmp0, $3  }
0x2e: {  	[tilespmem:s10+$0x12000] =	vst v0  }
0x2f: {  	[tilespmem:s10+$0x12010] =	vst v0;
	_ =	sdelay $0x1  }
0x30: {  	s10 =	sshra.s32 s13, $0x2  }
0x31: {  	[tilespmem:s10+$0x12030] =	vst v0  }
0x32: {  	[tilespmem:s10+$0x12020] =	vst v0  }
0x33: {  	[tilespmem:s10+$0x12000] =	vst v0  }
0x34: {  	[tilespmem:s10+$0x12010] =	vst v0  }
0x35: {  	[spmem:s14] =	stream.linear.scatter [tilespmem:s31], [sflag:$0x7], $0x1000, $0x38;
	[tilespmem:$0x1D000] =	vst v63  }
0x36: {  	_ =	swait.ge [sflag:s29], $0x1000  }
0x37: {  	[sflag:s29] =	ssyncset.done $0x0  }
0x38: {  	s13 =	rddreg [dreg:$0xf];
	[sflag:s29] =	ssyncadd.s32 $0xFFFFF000  }
0x39: {  	[spmem:s13] =	stream.linear.scatter [tilespmem:s31], [sflag:$0x7], $0x1000, $0x38;
	[tilespmem:$0x1D000] =	vst v63  }
0x3a: {  	_ =	swait.ge [sflag:s29], $0x1000  }
0x3b: {  	[sflag:s29] =	ssyncset.done $0x0  }
0x3c: {  	s18 =	smov.u32 s14;
	s14 =	rddreg [dreg:$0x10];
	[sflag:s29] =	ssyncadd.s32 $0xFFFFF000  }
0x3d: {  	[spmem:s14] =	stream.linear.scatter [tilespmem:s31], [sflag:$0x7], $0x1000, $0x38;
	[tilespmem:$0x1D000] =	vst v63  }
0x3e: {  	_ =	swait.ge [sflag:s29], $0x1000  }
0x3f: {  	[sflag:s29] =	ssyncset.done $0x0  }
0x40: {  	[sflag:s29] =	ssyncadd.s32 $0xFFFFF000  }
0x41: {  	[spmem:s19] =	stream.linear.scatter [tilespmem:s31], [sflag:$0x7], $0x1000, $0x38;
	[tilespmem:$0x1D000] =	vst v63  }
0x42: {  	_ =	swait.ge [sflag:s29], $0x1000  }
0x43: {  	[sflag:s29] =	ssyncset.done $0x0  }
0x44: {  	[sflag:s29] =	ssyncadd.s32 $0xFFFFF000  }
0x45: {  	[spmem:s20] =	stream.linear.scatter [tilespmem:s31], [sflag:$0x7], $0x1000, $0x38;
	[tilespmem:$0x1D000] =	vst v63  }
0x46: {  	_ =	swait.ge [sflag:s29], $0x1000  }
0x47: {  	[sflag:s29] =	ssyncset.done $0x0  }
0x48: {  	[sflag:s29] =	ssyncadd.s32 $0xFFFFF000  }
0x49: {  	[spmem:s21] =	stream.linear.scatter [tilespmem:s31], [sflag:$0x7], $0x1000, $0x38;
	[tilespmem:$0x1D000] =	vst v63  }
0x4a: {  	_ =	swait.ge [sflag:s29], $0x1000  }
0x4b: {  	[sflag:s29] =	ssyncset.done $0x0  }
0x4c: {  	[sflag:s29] =	ssyncadd.s32 $0xFFFFF000  }
0x4d: {  	[spmem:s22] =	stream.linear.scatter [tilespmem:s31], [sflag:$0x7], $0x1000, $0x38;
	[tilespmem:$0x1D000] =	vst v63  }
0x4e: {  	_ =	swait.ge [sflag:s29], $0x1000  }
0x4f: {  	[sflag:s29] =	ssyncset.done $0x0  }
0x50: {  	[sflag:s29] =	ssyncadd.s32 $0xFFFFF000  }
0x51: {  	[spmem:s23] =	stream.linear.scatter [tilespmem:s31], [sflag:$0x7], $0x1000, $0x38;
	[tilespmem:$0x1D000] =	vst v63  }
0x52: {  	_ =	swait.ge [sflag:s29], $0x1000  }
0x53: {  	[sflag:s29] =	ssyncset.done $0x0  }
0x54: {  	[sflag:s29] =	ssyncadd.s32 $0xFFFFF000  }
0x55: {  	[spmem:s24] =	stream.linear.scatter [tilespmem:s31], [sflag:$0x7], $0x1000, $0x38;
	[tilespmem:$0x1D000] =	vst v63  }
0x56: {  	_ =	swait.ge [sflag:s29], $0x1000  }
0x57: {  	[sflag:s29] =	ssyncset.done $0x0  }
0x58: {  	[sflag:s29] =	ssyncadd.s32 $0xFFFFF000  }
0x59: {  	[spmem:s25] =	stream.linear.scatter [tilespmem:s31], [sflag:$0x7], $0x1000, $0x38;
	[tilespmem:$0x1D000] =	vst v63  }
0x5a: {  	_ =	swait.ge [sflag:s29], $0x1000  }
0x5b: {  	[sflag:s29] =	ssyncset.done $0x0  }
0x5c: {  	[sflag:s29] =	ssyncadd.s32 $0xFFFFF000  }
0x5d: {  	s12 =	simm.s32 $0x0;
	[bflag:$0x0] =	sbarrier.arrive $0xFFFF  }
0x5e: {  	[tilespmem:s0], [sflag:$0x1] =	stream.indirect.gather [hbm4b:s26+s9], $0x20, s12, s9, $0xb8;
	[tilespmem:$0x1D000] =	vst v63  }
0x5f: {  	s15 =	simm.s32 $0xB000  }
0x60: {  	[tilespmem:s15], [sflag:$0x2] =	stream.indirect.gather [hbm4b:s26+s9], $0x20, s9, s9, $0xb8;
	[tilespmem:$0x1D000] =	vst v63  }
0x61: {  	s16 =	simm.s32 $0x100;
	s13 =	simm.s32 $0xC000  }
0x62: {  	[tilespmem:s13], [sflag:$0x3] =	stream.indirect.gather [hbm4b:s26+s9], $0x20, s16, s9, $0xb8;
	[tilespmem:$0x1D000] =	vst v63  }
0x63: {  	s17 =	simm.s32 $0x180;
	s28 =	simm.s32 $0xD000  }
0x64: {  	[tilespmem:s28], [sflag:$0x4] =	stream.indirect.gather [hbm4b:s26+s9], $0x20, s17, s9, $0xb8;
	[tilespmem:$0x1D000] =	vst v63  }
.LBB2_4:
0x65: {  	_ =	swait.ge [sflag:s30], $0x1000  }
0x66: {  	p0 =	seq.s32 s12, $0x0;
	[sflag:s30] =	ssyncset.done $0x0  }
0x67: {  	s10 =	simm.s32 @!p0 $0x5;
	[sflag:s30] =	ssyncadd.s32 $0xFFFFF000  }
0x68: {  	_ =	swait.ge @!p0 [sflag:s10], $0x2000  }
0x69: {  	[sflag:s10] =	ssyncset.done @!p0 $0x0  }
0x6a: {  	s13 =	simm.s32 $0xA040;
	[sflag:s10] =	ssyncadd.s32 @!p0 $0xFFFFE000  }
0x6b: {  	v1 =	vld [tilespmem:s13+$0x20];
	_ =	sdelay $0x1  }
0x6c: {  	v2 =	vld [tilespmem:s13+$0xFFFFFFE0]  }
0x6d: {  	v3 =	vld [tilespmem:s13+$0xFFFFFFC0];
	_ =	sdelay $0x1  }
0x6e: {  	s10 =	simm.s32 $0xE080;
	v4 =	vshll.u32 v1, $0x10  }
0x6f: {  	v5 =	vld [tilespmem:s13+$0x0];
	v1 =	vand.u32 $0xFFFF0000, v1;
	[tilespmem:s10+$0x40] =	vst v4  }
0x70: {  	v4 =	vshll.u32 v2, $0x10;
	[tilespmem:s10+$0x50] =	vst v1  }
0x71: {  	v1 =	vshll.u32 v3, $0x10;
	[tilespmem:s10+$0xFFFFFFC0] =	vst v4  }
0x72: {  	v3 =	vand.u32 $0xFFFF0000, v3;
	v4 =	vld [tilespmem:s13+$0x30];
	[tilespmem:s10+$0xFFFFFF80] =	vst v1  }
0x73: {  	v1 =	vand.u32 $0xFFFF0000, v2;
	[tilespmem:s10+$0xFFFFFF90] =	vst v3  }
0x74: {  	v2 =	vshll.u32 v5, $0x10;
	[tilespmem:s10+$0xFFFFFFD0] =	vst v1;
	v3 =	vld [tilespmem:s13+$0xFFFFFFD0]  }
0x75: {  	v1 =	vand.u32 $0xFFFF0000, v5;
	[tilespmem:s10+$0x0] =	vst v2;
	v2 =	vld [tilespmem:s13+$0xFFFFFFF0]  }
0x76: {  	[tilespmem:s10+$0x10] =	vst v1  }
0x77: {  	v1 =	vld [tilespmem:s13+$0x10];
	v5 =	vand.u32 $0xFFFF0000, v4  }
0x78: {  	s14 =	simm.s32 $0x0;
	s15 =	simm.s32 $0xA0C0;
	s13 =	simm.s32 $0xE080;
	v4 =	vshll.u32 v4, $0x10;
	[tilespmem:s10+$0x70] =	vst v5  }
.LBB2_5:
0x79: {  	v5 =	vld [tilespmem:s15+$0x20];
	v6 =	vshll.u32 v3, $0x10;
	v3 =	vand.u32 $0xFFFF0000, v3;
	[tilespmem:s10+$0x60] =	vst v4  }
0x7a: {  	s14 =	sadd.s32 $0x4, s14;
	v4 =	vld [tilespmem:s15+$0xFFFFFFE0];
	[tilespmem:s10+$0xFFFFFFA0] =	vst v6;
	v6 =	vshll.u32 v2, $0x10;
	v2 =	vand.u32 $0xFFFF0000, v2  }
0x7b: {  	p1 =	slt.u32 s14, $0x7C;
	v7 =	vld [tilespmem:s15+$0x0];
	[tilespmem:s10+$0xFFFFFFB0] =	vst v3  }
0x7c: {  	v3 =	vld [tilespmem:s15+$0xFFFFFFC0];
	[tilespmem:s10+$0xFFFFFFE0] =	vst v6;
	v6 =	vshll.u32 v1, $0x10;
	v8 =	vand.u32 $0xFFFF0000, v1  }
0x7d: {  	[tilespmem:s10+$0xFFFFFFF0] =	vst v2  }
0x7e: {  	s10 =	sadd.s32 $0x100, s10;
	v1 =	vshll.u32 v5, $0x10;
	[tilespmem:s13+$0x20] =	vst v6  }
0x7f: {  	v2 =	vshll.u32 v4, $0x10;
	v4 =	vand.u32 $0xFFFF0000, v4;
	[tilespmem:s10+$0x40] =	vst v1;
	v1 =	vand.u32 $0xFFFF0000, v5  }
0x80: {  	v5 =	vshll.u32 v7, $0x10;
	v6 =	vand.u32 $0xFFFF0000, v7;
	[tilespmem:s10+$0x50] =	vst v1  }
0x81: {  	v1 =	vshll.u32 v3, $0x10;
	v3 =	vand.u32 $0xFFFF0000, v3;
	[tilespmem:s10+$0xFFFFFFC0] =	vst v2;
	v7 =	vld [tilespmem:s15+$0x30]  }
0x82: {  	[tilespmem:s10+$0xFFFFFF80] =	vst v1  }
0x83: {  	[tilespmem:s10+$0xFFFFFF90] =	vst v3  }
.Ltmp1:
0x84: {  	v3 =	vld [tilespmem:s15+$0xFFFFFFD0];
	[tilespmem:s10+$0xFFFFFFD0] =	vst v4;
	(pc) =	sbr.rel @p1 .LBB2_5-.Ltmp1, $4  }
0x85: {  	v2 =	vld [tilespmem:s15+$0xFFFFFFF0];
	[tilespmem:s10+$0x0] =	vst v5  }
0x86: {  	[tilespmem:s10+$0x10] =	vst v6;
	v4 =	vshll.u32 v7, $0x10;
	v5 =	vand.u32 $0xFFFF0000, v7  }
0x87: {  	v1 =	vld [tilespmem:s15+$0x10];
	[tilespmem:s10+$0x70] =	vst v5  }
0x88: {  	s15 =	sadd.s32 $0x80, s15;
	[tilespmem:s13+$0x30] =	vst v8;
	s13 =	smov.u32 s10  }
0x89: {  	v5 =	vshll.u32 v3, $0x10;
	[tilespmem:s10+$0x60] =	vst v4  }
0x8a: {  	v3 =	vand.u32 $0xFFFF0000, v3;
	[tilespmem:s10+$0xFFFFFFA0] =	vst v5  }
0x8b: {  	p1 =	sne.s32 s12, $0x27;
	v63 =	vshll.u32 v2, $0x10;
	[tilespmem:s10+$0xFFFFFFB0] =	vst v3  }
.Ltmp2:
0x8c: {  	v2 =	vand.u32 $0xFFFF0000, v2;
	[tilespmem:s10+$0xFFFFFFE0] =	vst v63;
	(pc) =	sbr.rel @p1 .LBB2_8-.Ltmp2, $4  }
0x8d: {  	s14 =	sshll.u32 s12, $0xB;
	[tilespmem:s10+$0xFFFFFFF0] =	vst v2;
	v3 =	vshll.u32 v1, $0x10  }
0x8e: {  	s10 =	sshrl.u32 s14, $0x2;
	v1 =	vand.u32 $0xFFFF0000, v1;
	[tilespmem:s13+$0x20] =	vst v3  }
0x8f: {  	s28 =	sadd.s32 $0x5000, s10;
	[tilespmem:s13+$0x30] =	vst v1  }
0x90: {  	[spmem:s11] =	stream.indirect.scatter.add.f32 [tilespmem:s1], [sflag:$0x5], $0x40, s28, s9, $0xb8;
	[tilespmem:$0x1D000] =	vst v63  }
.Ltmp3:
0x91: {  	(pc) =	sbr.rel .LBB2_9-.Ltmp3, $4  }
0x92: {  	_ = 	snop  }
0x93: {  	_ =	swait.ge [sflag:s2], $0x1000  }
0x94: {  	[sflag:s2] =	ssyncset.done $0x0  }
0x95: {  	[sflag:s2] =	ssyncadd.s32 $0xFFFFF000  }
.LBB2_8:
.Ltmp4:
0x96: {  	s13 =	sadd.s32 $0x200, s10;
	(pc) =	sbr.rel @p0 .LBB2_10-.Ltmp4, $4  }
0x97: {  	[tilespmem:s0], [sflag:$0x1] =	stream.indirect.gather [hbm4b:s26+s9], $0x20, s13, s9, $0xb8;
	[tilespmem:$0x1D000] =	vst v63  }
0x98: {  	_ =	swait.ge [sflag:s2], $0x1000  }
0x99: {  	[sflag:s2] =	ssyncset.done $0x0  }
0x9a: {  	[sflag:s2] =	ssyncadd.s32 $0xFFFFF000  }
.LBB2_9:
0x9b: {  	_ =	swait.ge [sflag:s3], $0x2000  }
0x9c: {  	[sflag:s3] =	ssyncset.done $0x0  }
0x9d: {  	[sflag:s3] =	ssyncadd.s32 $0xFFFFE000  }
.LBB2_10:
0x9e: {  	s17 =	simm.s32 $0xB040  }
0x9f: {  	v1 =	vld [tilespmem:s17+$0x20];
	_ =	sdelay $0x1  }
0xa0: {  	v2 =	vld [tilespmem:s17+$0xFFFFFFE0]  }
0xa1: {  	v3 =	vld [tilespmem:s17+$0xFFFFFFC0];
	_ =	sdelay $0x1  }
0xa2: {  	s15 =	simm.s32 $0x10080;
	v4 =	vshll.u32 v1, $0x10  }
0xa3: {  	v5 =	vld [tilespmem:s17+$0x0];
	v1 =	vand.u32 $0xFFFF0000, v1;
	[tilespmem:s15+$0x40] =	vst v4  }
0xa4: {  	v4 =	vshll.u32 v2, $0x10;
	[tilespmem:s15+$0x50] =	vst v1  }
0xa5: {  	v1 =	vshll.u32 v3, $0x10;
	[tilespmem:s15+$0xFFFFFFC0] =	vst v4  }
0xa6: {  	v3 =	vand.u32 $0xFFFF0000, v3;
	v4 =	vld [tilespmem:s17+$0x30];
	[tilespmem:s15+$0xFFFFFF80] =	vst v1  }
0xa7: {  	v1 =	vand.u32 $0xFFFF0000, v2;
	[tilespmem:s15+$0xFFFFFF90] =	vst v3  }
0xa8: {  	v2 =	vshll.u32 v5, $0x10;
	[tilespmem:s15+$0xFFFFFFD0] =	vst v1;
	v3 =	vld [tilespmem:s17+$0xFFFFFFD0]  }
0xa9: {  	v1 =	vand.u32 $0xFFFF0000, v5;
	[tilespmem:s15+$0x0] =	vst v2;
	v2 =	vld [tilespmem:s17+$0xFFFFFFF0]  }
0xaa: {  	[tilespmem:s15+$0x10] =	vst v1  }
0xab: {  	s13 =	sadd.s32 $0x1, s12;
	v1 =	vld [tilespmem:s17+$0x10];
	v5 =	vand.u32 $0xFFFF0000, v4  }
0xac: {  	s16 =	simm.s32 $0x0;
	s28 =	simm.s32 $0x10080;
	s17 =	simm.s32 $0xB0C0;
	v4 =	vshll.u32 v4, $0x10;
	[tilespmem:s15+$0x70] =	vst v5  }
.LBB2_11:
0xad: {  	v5 =	vld [tilespmem:s17+$0x20];
	v6 =	vshll.u32 v3, $0x10;
	v3 =	vand.u32 $0xFFFF0000, v3;
	[tilespmem:s15+$0x60] =	vst v4  }
0xae: {  	s16 =	sadd.s32 $0x4, s16;
	v4 =	vld [tilespmem:s17+$0xFFFFFFE0];
	[tilespmem:s15+$0xFFFFFFA0] =	vst v6;
	v6 =	vshll.u32 v2, $0x10;
	v2 =	vand.u32 $0xFFFF0000, v2  }
0xaf: {  	p0 =	slt.u32 s16, $0x7C;
	v7 =	vld [tilespmem:s17+$0x0];
	[tilespmem:s15+$0xFFFFFFB0] =	vst v3  }
0xb0: {  	v3 =	vld [tilespmem:s17+$0xFFFFFFC0];
	[tilespmem:s15+$0xFFFFFFE0] =	vst v6;
	v6 =	vshll.u32 v1, $0x10;
	v8 =	vand.u32 $0xFFFF0000, v1  }
0xb1: {  	[tilespmem:s15+$0xFFFFFFF0] =	vst v2  }
0xb2: {  	s15 =	sadd.s32 $0x100, s15;
	v1 =	vshll.u32 v5, $0x10;
	[tilespmem:s28+$0x20] =	vst v6  }
0xb3: {  	v2 =	vshll.u32 v4, $0x10;
	v4 =	vand.u32 $0xFFFF0000, v4;
	[tilespmem:s15+$0x40] =	vst v1;
	v1 =	vand.u32 $0xFFFF0000, v5  }
0xb4: {  	v5 =	vshll.u32 v7, $0x10;
	v6 =	vand.u32 $0xFFFF0000, v7;
	[tilespmem:s15+$0x50] =	vst v1  }
0xb5: {  	v1 =	vshll.u32 v3, $0x10;
	v3 =	vand.u32 $0xFFFF0000, v3;
	[tilespmem:s15+$0xFFFFFFC0] =	vst v2;
	v7 =	vld [tilespmem:s17+$0x30]  }
0xb6: {  	[tilespmem:s15+$0xFFFFFF80] =	vst v1  }
0xb7: {  	[tilespmem:s15+$0xFFFFFF90] =	vst v3  }
.Ltmp5:
0xb8: {  	v3 =	vld [tilespmem:s17+$0xFFFFFFD0];
	[tilespmem:s15+$0xFFFFFFD0] =	vst v4;
	(pc) =	sbr.rel @p0 .LBB2_11-.Ltmp5, $4  }
0xb9: {  	v2 =	vld [tilespmem:s17+$0xFFFFFFF0];
	[tilespmem:s15+$0x0] =	vst v5  }
0xba: {  	[tilespmem:s15+$0x10] =	vst v6;
	v4 =	vshll.u32 v7, $0x10;
	v5 =	vand.u32 $0xFFFF0000, v7  }
0xbb: {  	v1 =	vld [tilespmem:s17+$0x10];
	[tilespmem:s15+$0x70] =	vst v5  }
0xbc: {  	s17 =	sadd.s32 $0x80, s17;
	[tilespmem:s28+$0x30] =	vst v8;
	s28 =	smov.u32 s15  }
0xbd: {  	v5 =	vshll.u32 v3, $0x10;
	[tilespmem:s15+$0x60] =	vst v4  }
0xbe: {  	v3 =	vand.u32 $0xFFFF0000, v3;
	[tilespmem:s15+$0xFFFFFFA0] =	vst v5  }
0xbf: {  	v4 =	vshll.u32 v2, $0x10;
	[tilespmem:s15+$0xFFFFFFB0] =	vst v3  }
0xc0: {  	v2 =	vand.u32 $0xFFFF0000, v2;
	[tilespmem:s15+$0xFFFFFFE0] =	vst v4  }
0xc1: {  	[tilespmem:s15+$0xFFFFFFF0] =	vst v2;
	v3 =	vshll.u32 v1, $0x10  }
0xc2: {  	p0 =	seq.s32 s12, $0x27;
	v1 =	vand.u32 $0xFFFF0000, v1;
	[tilespmem:s28+$0x20] =	vst v3  }
0xc3: {  	s17 =	sadd.s32 $0x5080, s10;
	s12 =	sshrl.u32 @!p0 s14, $0x2;
	[tilespmem:s28+$0x30] =	vst v1  }
0xc4: {  	[spmem:s11] =	stream.indirect.scatter.add.f32 [tilespmem:s4], [sflag:$0x6], $0x40, s17, s9, $0xb8;
	[tilespmem:$0x1D000] =	vst v63  }
0xc5: {  	s16 =	simm.s32 @!p0 $0xB000;
	s14 =	sadd.s32 @!p0 $0x280, s12;
	s15 =	simm.s32 @!p0 $0x80  }
0xc6: {  	[tilespmem:s16], [sflag:$0x2] =	stream.indirect.gather @!p0 [hbm4b:s26+s15], $0x20, s14, s15, $0xb8;
	[tilespmem:$0x1D000] =	vst v63  }
0xc7: {  	_ =	swait.ge [sflag:s5], $0x1000  }
0xc8: {  	[sflag:s5] =	ssyncset.done $0x0  }
0xc9: {  	[sflag:s5] =	ssyncadd.s32 $0xFFFFF000  }
0xca: {  	_ =	swait.ge [sflag:s6], $0x2000  }
0xcb: {  	[sflag:s6] =	ssyncset.done $0x0  }
0xcc: {  	s28 =	simm.s32 $0xC040;
	[sflag:s6] =	ssyncadd.s32 $0xFFFFE000  }
0xcd: {  	v1 =	vld [tilespmem:s28+$0x20];
	_ =	sdelay $0x1  }
0xce: {  	v2 =	vld [tilespmem:s28+$0xFFFFFFE0]  }
0xcf: {  	v3 =	vld [tilespmem:s28+$0xFFFFFFC0];
	_ =	sdelay $0x1  }
0xd0: {  	s14 =	simm.s32 $0xE080;
	v4 =	vshll.u32 v1, $0x10  }
0xd1: {  	v5 =	vld [tilespmem:s28+$0x0];
	v1 =	vand.u32 $0xFFFF0000, v1;
	[tilespmem:s14+$0x40] =	vst v4  }
0xd2: {  	v4 =	vshll.u32 v2, $0x10;
	[tilespmem:s14+$0x50] =	vst v1  }
0xd3: {  	v1 =	vshll.u32 v3, $0x10;
	[tilespmem:s14+$0xFFFFFFC0] =	vst v4  }
0xd4: {  	v3 =	vand.u32 $0xFFFF0000, v3;
	v4 =	vld [tilespmem:s28+$0x30];
	[tilespmem:s14+$0xFFFFFF80] =	vst v1  }
0xd5: {  	v1 =	vand.u32 $0xFFFF0000, v2;
	[tilespmem:s14+$0xFFFFFF90] =	vst v3  }
0xd6: {  	v2 =	vshll.u32 v5, $0x10;
	[tilespmem:s14+$0xFFFFFFD0] =	vst v1;
	v3 =	vld [tilespmem:s28+$0xFFFFFFD0]  }
0xd7: {  	v1 =	vand.u32 $0xFFFF0000, v5;
	[tilespmem:s14+$0x0] =	vst v2;
	v2 =	vld [tilespmem:s28+$0xFFFFFFF0]  }
0xd8: {  	[tilespmem:s14+$0x10] =	vst v1  }
0xd9: {  	v1 =	vld [tilespmem:s28+$0x10];
	v5 =	vand.u32 $0xFFFF0000, v4  }
0xda: {  	s17 =	simm.s32 $0xC0C0;
	s16 =	simm.s32 $0x0;
	s15 =	simm.s32 $0xE080;
	v4 =	vshll.u32 v4, $0x10;
	[tilespmem:s14+$0x70] =	vst v5  }
.LBB2_13:
0xdb: {  	v5 =	vld [tilespmem:s17+$0x20];
	v6 =	vshll.u32 v3, $0x10;
	v3 =	vand.u32 $0xFFFF0000, v3;
	[tilespmem:s14+$0x60] =	vst v4  }
0xdc: {  	s16 =	sadd.s32 $0x4, s16;
	v4 =	vld [tilespmem:s17+$0xFFFFFFE0];
	[tilespmem:s14+$0xFFFFFFA0] =	vst v6;
	v6 =	vshll.u32 v2, $0x10;
	v2 =	vand.u32 $0xFFFF0000, v2  }
0xdd: {  	p1 =	slt.u32 s16, $0x7C;
	v7 =	vld [tilespmem:s17+$0x0];
	[tilespmem:s14+$0xFFFFFFB0] =	vst v3  }
0xde: {  	v3 =	vld [tilespmem:s17+$0xFFFFFFC0];
	[tilespmem:s14+$0xFFFFFFE0] =	vst v6;
	v6 =	vshll.u32 v1, $0x10;
	v8 =	vand.u32 $0xFFFF0000, v1  }
0xdf: {  	[tilespmem:s14+$0xFFFFFFF0] =	vst v2  }
0xe0: {  	s14 =	sadd.s32 $0x100, s14;
	v1 =	vshll.u32 v5, $0x10;
	[tilespmem:s15+$0x20] =	vst v6  }
0xe1: {  	v2 =	vshll.u32 v4, $0x10;
	v4 =	vand.u32 $0xFFFF0000, v4;
	[tilespmem:s14+$0x40] =	vst v1;
	v1 =	vand.u32 $0xFFFF0000, v5  }
0xe2: {  	v5 =	vshll.u32 v7, $0x10;
	v6 =	vand.u32 $0xFFFF0000, v7;
	[tilespmem:s14+$0x50] =	vst v1  }
0xe3: {  	v1 =	vshll.u32 v3, $0x10;
	v3 =	vand.u32 $0xFFFF0000, v3;
	[tilespmem:s14+$0xFFFFFFC0] =	vst v2;
	v7 =	vld [tilespmem:s17+$0x30]  }
0xe4: {  	[tilespmem:s14+$0xFFFFFF80] =	vst v1  }
0xe5: {  	[tilespmem:s14+$0xFFFFFF90] =	vst v3  }
.Ltmp6:
0xe6: {  	v3 =	vld [tilespmem:s17+$0xFFFFFFD0];
	[tilespmem:s14+$0xFFFFFFD0] =	vst v4;
	(pc) =	sbr.rel @p1 .LBB2_13-.Ltmp6, $4  }
0xe7: {  	v2 =	vld [tilespmem:s17+$0xFFFFFFF0];
	[tilespmem:s14+$0x0] =	vst v5  }
0xe8: {  	[tilespmem:s14+$0x10] =	vst v6;
	v4 =	vshll.u32 v7, $0x10;
	v5 =	vand.u32 $0xFFFF0000, v7  }
0xe9: {  	v1 =	vld [tilespmem:s17+$0x10];
	[tilespmem:s14+$0x70] =	vst v5  }
0xea: {  	s17 =	sadd.s32 $0x80, s17;
	[tilespmem:s15+$0x30] =	vst v8;
	s15 =	smov.u32 s14  }
0xeb: {  	v5 =	vshll.u32 v3, $0x10;
	[tilespmem:s14+$0x60] =	vst v4  }
0xec: {  	v3 =	vand.u32 $0xFFFF0000, v3;
	[tilespmem:s14+$0xFFFFFFA0] =	vst v5  }
0xed: {  	v4 =	vshll.u32 v2, $0x10;
	[tilespmem:s14+$0xFFFFFFB0] =	vst v3  }
0xee: {  	v2 =	vand.u32 $0xFFFF0000, v2;
	[tilespmem:s14+$0xFFFFFFE0] =	vst v4  }
0xef: {  	[tilespmem:s14+$0xFFFFFFF0] =	vst v2;
	v3 =	vshll.u32 v1, $0x10  }
0xf0: {  	v1 =	vand.u32 $0xFFFF0000, v1;
	[tilespmem:s15+$0x20] =	vst v3  }
0xf1: {  	s17 =	sadd.s32 $0x5100, s10;
	[tilespmem:s15+$0x30] =	vst v1  }
0xf2: {  	[spmem:s11] =	stream.indirect.scatter.add.f32 [tilespmem:s1], [sflag:$0x5], $0x40, s17, s9, $0xb8;
	[tilespmem:$0x1D000] =	vst v63  }
0xf3: {  	s16 =	simm.s32 @!p0 $0xC000;
	s14 =	sadd.s32 @!p0 $0x300, s12;
	s15 =	simm.s32 @!p0 $0x80  }
0xf4: {  	[tilespmem:s16], [sflag:$0x3] =	stream.indirect.gather @!p0 [hbm4b:s26+s15], $0x20, s14, s15, $0xb8;
	[tilespmem:$0x1D000] =	vst v63  }
0xf5: {  	_ =	swait.ge [sflag:s7], $0x1000  }
0xf6: {  	[sflag:s7] =	ssyncset.done $0x0  }
0xf7: {  	[sflag:s7] =	ssyncadd.s32 $0xFFFFF000  }
0xf8: {  	_ =	swait.ge [sflag:s3], $0x2000  }
0xf9: {  	[sflag:s3] =	ssyncset.done $0x0  }
0xfa: {  	s28 =	simm.s32 $0xD040;
	[sflag:s3] =	ssyncadd.s32 $0xFFFFE000  }
0xfb: {  	v1 =	vld [tilespmem:s28+$0x20];
	_ =	sdelay $0x1  }
0xfc: {  	v2 =	vld [tilespmem:s28+$0xFFFFFFE0]  }
0xfd: {  	v3 =	vld [tilespmem:s28+$0xFFFFFFC0];
	_ =	sdelay $0x1  }
0xfe: {  	s14 =	simm.s32 $0x10080;
	v4 =	vshll.u32 v1, $0x10  }
0xff: {  	v5 =	vld [tilespmem:s28+$0x0];
	v1 =	vand.u32 $0xFFFF0000, v1;
	[tilespmem:s14+$0x40] =	vst v4  }
0x100: {  	v4 =	vshll.u32 v2, $0x10;
	[tilespmem:s14+$0x50] =	vst v1  }
0x101: {  	v1 =	vshll.u32 v3, $0x10;
	[tilespmem:s14+$0xFFFFFFC0] =	vst v4  }
0x102: {  	v3 =	vand.u32 $0xFFFF0000, v3;
	v4 =	vld [tilespmem:s28+$0x30];
	[tilespmem:s14+$0xFFFFFF80] =	vst v1  }
0x103: {  	v1 =	vand.u32 $0xFFFF0000, v2;
	[tilespmem:s14+$0xFFFFFF90] =	vst v3  }
0x104: {  	v2 =	vshll.u32 v5, $0x10;
	[tilespmem:s14+$0xFFFFFFD0] =	vst v1;
	v3 =	vld [tilespmem:s28+$0xFFFFFFD0]  }
0x105: {  	v1 =	vand.u32 $0xFFFF0000, v5;
	[tilespmem:s14+$0x0] =	vst v2;
	v2 =	vld [tilespmem:s28+$0xFFFFFFF0]  }
0x106: {  	[tilespmem:s14+$0x10] =	vst v1  }
0x107: {  	v1 =	vld [tilespmem:s28+$0x10];
	v5 =	vand.u32 $0xFFFF0000, v4  }
0x108: {  	s17 =	simm.s32 $0xD0C0;
	s16 =	simm.s32 $0x0;
	s15 =	simm.s32 $0x10080;
	v4 =	vshll.u32 v4, $0x10;
	[tilespmem:s14+$0x70] =	vst v5  }
.LBB2_15:
0x109: {  	v5 =	vld [tilespmem:s17+$0x20];
	v6 =	vshll.u32 v3, $0x10;
	v3 =	vand.u32 $0xFFFF0000, v3;
	[tilespmem:s14+$0x60] =	vst v4  }
0x10a: {  	s16 =	sadd.s32 $0x4, s16;
	v4 =	vld [tilespmem:s17+$0xFFFFFFE0];
	[tilespmem:s14+$0xFFFFFFA0] =	vst v6;
	v6 =	vshll.u32 v2, $0x10;
	v2 =	vand.u32 $0xFFFF0000, v2  }
0x10b: {  	p1 =	slt.u32 s16, $0x7C;
	v7 =	vld [tilespmem:s17+$0x0];
	[tilespmem:s14+$0xFFFFFFB0] =	vst v3  }
0x10c: {  	v3 =	vld [tilespmem:s17+$0xFFFFFFC0];
	[tilespmem:s14+$0xFFFFFFE0] =	vst v6;
	v6 =	vshll.u32 v1, $0x10;
	v8 =	vand.u32 $0xFFFF0000, v1  }
0x10d: {  	[tilespmem:s14+$0xFFFFFFF0] =	vst v2  }
0x10e: {  	s14 =	sadd.s32 $0x100, s14;
	v1 =	vshll.u32 v5, $0x10;
	[tilespmem:s15+$0x20] =	vst v6  }
0x10f: {  	v2 =	vshll.u32 v4, $0x10;
	v4 =	vand.u32 $0xFFFF0000, v4;
	[tilespmem:s14+$0x40] =	vst v1;
	v1 =	vand.u32 $0xFFFF0000, v5  }
0x110: {  	v5 =	vshll.u32 v7, $0x10;
	v6 =	vand.u32 $0xFFFF0000, v7;
	[tilespmem:s14+$0x50] =	vst v1  }
0x111: {  	v1 =	vshll.u32 v3, $0x10;
	v3 =	vand.u32 $0xFFFF0000, v3;
	[tilespmem:s14+$0xFFFFFFC0] =	vst v2;
	v7 =	vld [tilespmem:s17+$0x30]  }
0x112: {  	[tilespmem:s14+$0xFFFFFF80] =	vst v1  }
0x113: {  	[tilespmem:s14+$0xFFFFFF90] =	vst v3  }
.Ltmp7:
0x114: {  	v3 =	vld [tilespmem:s17+$0xFFFFFFD0];
	[tilespmem:s14+$0xFFFFFFD0] =	vst v4;
	(pc) =	sbr.rel @p1 .LBB2_15-.Ltmp7, $4  }
0x115: {  	v2 =	vld [tilespmem:s17+$0xFFFFFFF0];
	[tilespmem:s14+$0x0] =	vst v5  }
0x116: {  	[tilespmem:s14+$0x10] =	vst v6;
	v4 =	vshll.u32 v7, $0x10;
	v5 =	vand.u32 $0xFFFF0000, v7  }
0x117: {  	v1 =	vld [tilespmem:s17+$0x10];
	[tilespmem:s14+$0x70] =	vst v5  }
0x118: {  	s17 =	sadd.s32 $0x80, s17;
	[tilespmem:s15+$0x30] =	vst v8;
	s15 =	smov.u32 s14  }
0x119: {  	v5 =	vshll.u32 v3, $0x10;
	[tilespmem:s14+$0x60] =	vst v4  }
0x11a: {  	v3 =	vand.u32 $0xFFFF0000, v3;
	[tilespmem:s14+$0xFFFFFFA0] =	vst v5  }
0x11b: {  	v63 =	vshll.u32 v2, $0x10;
	[tilespmem:s14+$0xFFFFFFB0] =	vst v3  }
0x11c: {  	v2 =	vand.u32 $0xFFFF0000, v2;
	[tilespmem:s14+$0xFFFFFFE0] =	vst v63  }
0x11d: {  	[tilespmem:s14+$0xFFFFFFF0] =	vst v2;
	v3 =	vshll.u32 v1, $0x10  }
0x11e: {  	v1 =	vand.u32 $0xFFFF0000, v1;
	[tilespmem:s15+$0x20] =	vst v3  }
0x11f: {  	s10 =	sadd.s32 $0x5180, s10;
	p1 =	sne.s32 @!p0 s13, $0x28;
	[tilespmem:s15+$0x30] =	vst v1  }
0x120: {  	[spmem:s11] =	stream.indirect.scatter.add.f32 [tilespmem:s4], [sflag:$0x6], $0x40, s10, s9, $0xb8;
	[tilespmem:$0x1D000] =	vst v63  }
0x121: {  	s14 =	simm.s32 @!p0 $0xD000;
	s10 =	sadd.s32 @!p0 $0x380, s12;
	s12 =	simm.s32 @!p0 $0x80  }
0x122: {  	[tilespmem:s14], [sflag:$0x4] =	stream.indirect.gather @!p0 [hbm4b:s26+s12], $0x20, s10, s12, $0xb8;
	[tilespmem:$0x1D000] =	vst v63  }
0x123: {  	p0 =	por p0, !p1  }
.Ltmp8:
0x124: {  	_ = 	snop;
	(pc) =	sbr.rel @!p0 .LBB2_4-.Ltmp8, $2  }
0x125: {  	_ =	sdelay $0x2  }
0x126: {  	s12 =	smov.u32 s13  }
0x127: {  	_ =	swait.ge [sflag:s6], $0x2000  }
0x128: {  	[sflag:s6] =	ssyncset.done $0x0  }
0x129: {  	[sflag:s6] =	ssyncadd.s32 $0xFFFFE000  }
0x12a: {  	_ =	swait.ge [sflag:s3], $0x2000  }
0x12b: {  	[sflag:s3] =	ssyncset.done $0x0  }
0x12c: {  	s10 =	stileid.u32;
	[sflag:s3] =	ssyncadd.s32 $0xFFFFE000  }
0x12d: {  	s10 =	sshll.u32 s10, $0x6;
	[bflag:$0x0] =	sbarrier.arrive $0xFFFF  }
0x12e: {  	s12 =	sshrl.u32 s18, $0x3;
	s10 =	sor.u32 $0x1C07, s10;
	s13 =	rddreg [dreg:$0x3]  }
0x12f: {  	[hbm:s13], [sflag:s10] =	dma.local [spmem:s12], $0x200  }
0x130: {  	_ =	swait.ge [sflag:s29], $0x200  }
0x131: {  	s14 =	smov.u32 s18;
	[sflag:s29] =	ssyncset.done $0x0;
	s18 =	rddreg [dreg:$0xf]  }
0x132: {  	s28 =	rddreg [dreg:$0x4];
	[sflag:s29] =	ssyncadd.s32 $0xFFFFFE00;
	s12 =	sshrl.u32 s18, $0x3  }
0x133: {  	[hbm:s28], [sflag:s10] =	dma.local [spmem:s12], $0x200  }
0x134: {  	_ =	swait.ge [sflag:s29], $0x200  }
0x135: {  	[sflag:s29] =	ssyncset.done $0x0;
	s13 =	rddreg [dreg:$0x10]  }
0x136: {  	s15 =	rddreg [dreg:$0x5];
	[sflag:s29] =	ssyncadd.s32 $0xFFFFFE00;
	s12 =	sshrl.u32 s13, $0x3  }
0x137: {  	[hbm:s15], [sflag:s10] =	dma.local [spmem:s12], $0x200  }
0x138: {  	_ =	swait.ge [sflag:s29], $0x200  }
0x139: {  	[sflag:s29] =	ssyncset.done $0x0  }
0x13a: {  	s16 =	sshrl.u32 s19, $0x3;
	s17 =	rddreg [dreg:$0x6];
	[sflag:s29] =	ssyncadd.s32 $0xFFFFFE00  }
0x13b: {  	[hbm:s17], [sflag:s10] =	dma.local [spmem:s16], $0x200  }
0x13c: {  	_ =	swait.ge [sflag:s29], $0x200  }
0x13d: {  	[sflag:s29] =	ssyncset.done $0x0  }
0x13e: {  	s18 =	sshrl.u32 s20, $0x3;
	s28 =	rddreg [dreg:$0x7];
	[sflag:s29] =	ssyncadd.s32 $0xFFFFFE00  }
0x13f: {  	[hbm:s28], [sflag:s10] =	dma.local [spmem:s18], $0x200  }
0x140: {  	_ =	swait.ge [sflag:s29], $0x200  }
0x141: {  	[sflag:s29] =	ssyncset.done $0x0  }
0x142: {  	s13 =	sshrl.u32 s21, $0x3;
	s15 =	rddreg [dreg:$0x8];
	[sflag:s29] =	ssyncadd.s32 $0xFFFFFE00  }
0x143: {  	[hbm:s15], [sflag:s10] =	dma.local [spmem:s13], $0x200  }
0x144: {  	_ =	swait.ge [sflag:s29], $0x200  }
0x145: {  	[sflag:s29] =	ssyncset.done $0x0  }
0x146: {  	s16 =	sshrl.u32 s22, $0x3;
	s17 =	rddreg [dreg:$0x9];
	[sflag:s29] =	ssyncadd.s32 $0xFFFFFE00  }
0x147: {  	[hbm:s17], [sflag:s10] =	dma.local [spmem:s16], $0x200  }
0x148: {  	_ =	swait.ge [sflag:s29], $0x200  }
0x149: {  	[sflag:s29] =	ssyncset.done $0x0  }
0x14a: {  	s18 =	sshrl.u32 s23, $0x3;
	s28 =	rddreg [dreg:$0xa];
	[sflag:s29] =	ssyncadd.s32 $0xFFFFFE00  }
0x14b: {  	[hbm:s28], [sflag:s10] =	dma.local [spmem:s18], $0x200  }
0x14c: {  	_ =	swait.ge [sflag:s29], $0x200  }
0x14d: {  	[sflag:s29] =	ssyncset.done $0x0  }
0x14e: {  	s15 =	sshrl.u32 s24, $0x3;
	s16 =	rddreg [dreg:$0xb];
	[sflag:s29] =	ssyncadd.s32 $0xFFFFFE00  }
0x14f: {  	[hbm:s16], [sflag:s10] =	dma.local [spmem:s15], $0x200  }
0x150: {  	_ =	swait.ge [sflag:s29], $0x200  }
0x151: {  	[sflag:s29] =	ssyncset.done $0x0  }
0x152: {  	s17 =	sshrl.u32 s25, $0x3;
	s18 =	rddreg [dreg:$0xc];
	[sflag:s29] =	ssyncadd.s32 $0xFFFFFE00  }
0x153: {  	[hbm:s18], [sflag:s10] =	dma.local [spmem:s17], $0x200  }
0x154: {  	_ =	swait.ge [sflag:s29], $0x200  }
0x155: {  	s8 =	sadd.s32 $0x1, s8;
	s28 =	rddreg [dreg:$0x11]  }
0x156: {  	p0 =	sne.s32 s8, s28  }
.Ltmp9:
0x157: {  	_ = 	snop;
	(pc) =	sbr.rel @p0 .LBB2_1-.Ltmp9, $3  }
0x158: {  	_ =	sdelay $0x1  }
0x159: {  	[sflag:s29] =	ssyncset.done $0x0  }
0x15a: {  	[sflag:s29] =	ssyncadd.s32 $0xFFFFFE00  }
0x15b: {  	_ =	sfence.sel $0x180000  }
0x15c: {  	[bflag:$0x0] =	sbarrier.arrive $0xFFFF  }
0x15d: {  	_ =	strace $0x9000004A  }
0x15e: {  	s0 =	stileid.u32;
	[bflag:$0x2] =	sbarrier.arrive $0xFFFF  }
0x15f: {  	p0 =	sne.s32 s0, $0x0;
	s0 =	rddreg [dreg:$0x2]  }
0x160: {  	s0 =	sadd.s32 @!p0 $0x100000, s0  }
0x161: {  	[sflag:s0] =	ssyncadd.tile.s32 @!p0 $0x1;
	_ =	shalt  }
.Lfunc_end2:
_tile_overlayer_lowered:
.L_overlay_start_2:
0x162: {  	(tag) =	ssettag $0x2  }
0x163: {  	s0 =	rddreg [dreg:$0x0];
	s2 =	stileid.u32  }
0x164: {  	s1 =	rddreg [dreg:$0x1];
	p0 =	sne.s32 s2, $0x0  }
0x165: {  	s3 =	rddreg [dreg:$0x2];
	[bflag:$0x3] =	sbarrier.arrive $0xFFFF;
	s2 =	simm.s32 @!p0 $0x1C07  }
0x166: {  	[timem:s3], [sflag:s2] =	dma.local @!p0 [hbm:s0], s1  }
0x167: {  	s0 =	simm.s32 @!p0 $0x7  }
0x168: {  	_ =	swait.ge @!p0 [sflag:s0], s1  }
0x169: {  	s1 =	ssub.s32 @!p0 $0x0, s1;
	[sflag:s0] =	ssyncset.done @!p0 $0x0  }
0x16a: {  	[sflag:s0] =	ssyncadd.s32 @!p0 s1  }
0x16b: {  	[bflag:$0x3] =	sbarrier.arrive $0xFFFF  }
0x16c: {  	_ =	shalt  }

// kernel: kernel.18.cloned.1.call-start
scs
__scs_entry_jumppad:
0x0: {  	(pc) =	sbr.rel $0x88, $3  }
0x1: {  	(tag) =	ssettag $0x0;
	lr =	simm.s32 $0x1  }
0x2: {  	[smem:$0x3F99] =	sst lr;
	_ =	strace $0xD0000000  }
0x3: {  	_ = 	snop  }
0x4: {  	_ = 	snop  }
0x5: {  	_ = 	snop  }
0x6: {  	_ = 	snop  }
0x7: {  	_ = 	snop  }
__scs_overlays_trampoline_lowered:
0x8: {  	[smem:$0x3FA8] =	sst s0  }
0x9: {  	[smem:$0x3FA9] =	sst s1  }
0xa: {  	[smem:$0x3FAA] =	sst s2  }
0xb: {  	[smem:$0x3FAB] =	sst s3  }
0xc: {  	[smem:$0x3FAC] =	sst s4  }
0xd: {  	[smem:$0x3FAD] =	sst s5  }
0xe: {  	[smem:$0x3FAE] =	sst s6  }
0xf: {  	[smem:$0x3FAF] =	sst s7  }
0x10: {  	[smem:$0x3FB0] =	sst s8  }
0x11: {  	[smem:$0x3FB1] =	sst s9;
	s0 =	simm.s32 @!p0 $0x0  }
0x12: {  	s1 =	sld [smem:$0x3F97];
	s0 =	simm.s32 @p0 $0x1  }
0x13: {  	[smem:$0x3FB2] =	sst s0;
	s0 =	simm.s32 @!p1 $0x0  }
0x14: {  	s2 =	sld [smem:$0x3F96];
	s0 =	simm.s32 @p1 $0x1  }
0x15: {  	[smem:$0x3FB3] =	sst s0;
	s0 =	simm.s32 @!p2 $0x0  }
0x16: {  	s3 =	sld [smem:$0x3FDB];
	s0 =	simm.s32 @p2 $0x1  }
0x17: {  	s4 =	simm.s32 $0x1BF5;
	[smem:$0x3FB5] =	sst s0  }
0x18: {  	s0 =	sld [smem:$0x3F98];
	_ =	swait.ge [sflag:s4], $0x0  }
0x19: {  	s7 =	sld [smem:$0x3F99]  }
0x1a: {  	s8 =	sadd.s32 $0xFFFFE003, lr  }
0x1b: {  	s9 =	sadd.s32 $0xFFFFFEF7, lr;
	s5 =	simm.s32 $0xFFFFFFFF;
	p2 =	slt.u32 s8, $0xFFFFF086  }
0x1c: {  	p1 =	slt.u32 s9, $0xF7A;
	s5 =	simm.s32 @!p2 $0x0  }
0x1d: {  	s5 =	simm.s32 @p1 $0x1;
	p0 =	seq.s32 s7, s2  }
0x1e: {  	s7 =	smul.u32 @!p0 $0xF7A, s2;
	p2 =	seq.s32 @!p0 s5, $0x0  }
0x1f: {  	s9 =	smul.u32 $0xF7A, s1;
	s8 =	simm.s32 @!p0 $0x1BF5;
	p2 =	por !p2, p0  }
0x20: {  	[sflag:s8] =	ssyncset.s32 @!p0 $0xFFFFF086;
	s6 =	sadd.s32 @!p0 s3, s7;
	s7 =	simm.s32 @!p0 $0x108  }
0x21: {  	s3 =	sadd.s32 s3, s9;
	s6 =	sadd.s32 @!p0 $0x88, s6;
	s7 =	simm.s32 @p2 $0x1082  }
0x22: {  	[simem:s7], [sflag:s8] =	dma.local @!p0 [hbm:s6], $0xF7A  }
0x23: {  	s9 =	sor.u32 $0xD0000000, s2;
	s6 =	simm.s32 $0x108;
	_ =	swait.ge @!p0 [sflag:s8], $0x0  }
0x24: {  	s3 =	sadd.s32 $0x88, s3;
	s6 =	simm.s32 @!p1 $0x1082;
	[sflag:s4] =	ssyncset.s32 $0xFFFFF086  }
0x25: {  	[simem:s6], [sflag:s4] =	dma.local [hbm:s3], $0xF7A  }
0x26: {  	[smem:$0x3F99] =	sst s1;
	(tag) =	ssettag s2;
	_ =	strace s9  }
0x27: {  	s1 =	sld [smem:$0x3FA9]  }
0x28: {  	s2 =	sld [smem:$0x3FAA]  }
0x29: {  	s4 =	sld [smem:$0x3FAC]  }
0x2a: {  	p0 =	seq.s32 s5, $0x0;
	s5 =	sld [smem:$0x3FAD]  }
0x2b: {  	s6 =	sld [smem:$0x3FAE]  }
0x2c: {  	s7 =	sld [smem:$0x3FAF]  }
0x2d: {  	s3 =	simm.s32 $0x108;
	s8 =	sld [smem:$0x3FB0]  }
0x2e: {  	s3 =	simm.s32 @!p0 $0x1082;
	s9 =	sld [smem:$0x3FB1]  }
0x2f: {  	lr =	sadd.s32 s0, s3;
	s0 =	sld [smem:$0x3FA8]  }
0x30: {  	s3 =	sld [smem:$0x3FAB]  }
0x31: {  	[smem:$0x3FB4] =	sst s10  }
0x32: {  	s10 =	sld [smem:$0x3FB2];
	_ =	sdelay $0x3  }
0x33: {  	p0 =	seq.s32 s10, $0x1;
	s10 =	sld [smem:$0x3FB4];
	_ =	sdelay $0x3  }
0x34: {  	[smem:$0x3FB4] =	sst s10  }
0x35: {  	s10 =	sld [smem:$0x3FB3];
	_ =	sdelay $0x3  }
0x36: {  	p1 =	seq.s32 s10, $0x1;
	s10 =	sld [smem:$0x3FB4];
	_ =	sdelay $0x3  }
0x37: {  	[smem:$0x3FB4] =	sst s10  }
0x38: {  	s10 =	sld [smem:$0x3FB5]  }
0x39: {  	_ = 	snop;
	(pc) =	sbr.ind lr, $3  }
0x3a: {  	_ = 	snop  }
0x3b: {  	_ = 	snop  }
0x3c: {  	p2 =	seq.s32 s10, $0x1;
	s10 =	sld [smem:$0x3FB4]  }
0x3d: {  	_ =	shalt  }
0x3e: {  	_ =	shalt  }
0x3f: {  	_ =	shalt  }
0x40: {  	_ =	shalt  }
0x41: {  	_ =	shalt  }
0x42: {  	_ =	shalt  }
0x43: {  	_ =	shalt  }
0x44: {  	_ =	shalt  }
0x45: {  	_ =	shalt  }
0x46: {  	_ =	shalt  }
0x47: {  	_ =	shalt  }
0x48: {  	_ =	shalt  }
0x49: {  	_ =	shalt  }
0x4a: {  	_ =	shalt  }
0x4b: {  	_ =	shalt  }
0x4c: {  	_ =	shalt  }
0x4d: {  	_ =	shalt  }
0x4e: {  	_ =	shalt  }
0x4f: {  	_ =	shalt  }
0x50: {  	_ =	shalt  }
0x51: {  	_ =	shalt  }
0x52: {  	_ =	shalt  }
0x53: {  	_ =	shalt  }
0x54: {  	_ =	shalt  }
0x55: {  	_ =	shalt  }
0x56: {  	_ =	shalt  }
0x57: {  	_ =	shalt  }
0x58: {  	_ =	shalt  }
0x59: {  	_ =	shalt  }
0x5a: {  	_ =	shalt  }
0x5b: {  	_ =	shalt  }
0x5c: {  	_ =	shalt  }
0x5d: {  	_ =	shalt  }
0x5e: {  	_ =	shalt  }
0x5f: {  	_ =	shalt  }
0x60: {  	_ =	shalt  }
0x61: {  	_ =	shalt  }
0x62: {  	_ =	shalt  }
0x63: {  	_ =	shalt  }
0x64: {  	_ =	shalt  }
0x65: {  	_ =	shalt  }
0x66: {  	_ =	shalt  }
0x67: {  	_ =	shalt  }
0x68: {  	_ =	shalt  }
0x69: {  	_ =	shalt  }
0x6a: {  	_ =	shalt  }
0x6b: {  	_ =	shalt  }
0x6c: {  	_ =	shalt  }
0x6d: {  	_ =	shalt  }
0x6e: {  	_ =	shalt  }
0x6f: {  	_ =	shalt  }
0x70: {  	_ =	shalt  }
0x71: {  	_ =	shalt  }
0x72: {  	_ =	shalt  }
0x73: {  	_ =	shalt  }
0x74: {  	_ =	shalt  }
0x75: {  	_ =	shalt  }
0x76: {  	_ =	shalt  }
0x77: {  	_ =	shalt  }
0x78: {  	_ =	shalt  }
0x79: {  	_ =	shalt  }
0x7a: {  	_ =	shalt  }
0x7b: {  	_ =	shalt  }
0x7c: {  	_ =	shalt  }
0x7d: {  	_ =	shalt  }
0x7e: {  	_ =	shalt  }
0x7f: {  	_ =	shalt  }
0x80: {  	_ =	shalt  }
0x81: {  	_ =	shalt  }
0x82: {  	_ =	shalt  }
0x83: {  	_ =	shalt  }
0x84: {  	_ =	shalt  }
0x85: {  	_ =	shalt  }
0x86: {  	_ =	shalt  }
0x87: {  	_ =	shalt  }
.Lfunc_end0:
.L_simem_size_0:
called_computation.2_lowered:
.L_overlay_start_0:
0x88: {  	s2 =	sld [smem:$0x3FD9]  }
0x89: {  	s3 =	sld [smem:$0x3FFE];
	_ =	sdelay $0x1  }
0x8a: {  	s1 =	srdreg.scid  }
0x8b: {  	s0 =	sand.u32 $0x1, s1  }
0x8c: {  	s16 =	sshll.u32 s0, $0xA;
	s2 =	sadd.s32 s3, s2  }
0x8d: {  	s2 =	sadd.s32 s2, s16  }
0x8e: {  	[smem:$0x3FC0] =	sst s2  }
0x8f: {  	_ = 	snop  }
0x90: {  	(tm) =	ssettm $0x1  }
0x91: {  	s17 =	sld [smem:$0x3FFB];
	_ =	sdelay $0x3  }
0x92: {  	_ =	strace s17  }
0x93: {  	s2 =	sld [smem:$0x3FFC];
	_ =	sdelay $0x3  }
0x94: {  	_ =	strace s2  }
0x95: {  	s2 =	sld [smem:$0x3FFD];
	_ =	sdelay $0x3  }
0x96: {  	_ =	strace s2  }
0x97: {  	_ =	strace $0x8FFFFFFF  }
0x98: {  	s18 =	sld [smem:$0x3FDB];
	_ =	sdelay $0x1  }
0x99: {  	s19 =	simm.s32 $_scs_section_size  }
0x9a: {  	s4 =	simm.s32 $_size__tile_overlayer_lowered;
	s5 =	simm.s32 $_tile_overlayer_lowered  }
0x9b: {  	s22 =	simm.s32 $0x1BFF;
	s21 =	sshll.u32 s5, $0x1;
	s2 =	sadd.s32 s19, s18  }
0x9c: {  	s6 =	simm.s32 $0x0;
	s20 =	sshll.u32 s4, $0x1;
	s4 =	sadd.s32 s21, s2  }
0x9d: {  	[timem:s6], [sflag:s22] =	dma.local [hbm:s4], s20  }
0x9e: {  	_ =	swait.ge [sflag:s22], s20  }
0x9f: {  	s3 =	ssub.s32 $0x0, s20;
	[sflag:s22] =	ssyncset.done $0x0  }
0xa0: {  	[sflag:s22] =	ssyncadd.s32 s3;
	_ =	sdelay $0x1  }
0xa1: {  	s23 =	simm.s32 $0x1B8B  }
0xa2: {  	_ =	swait.ge [sflag:s23], $0x1  }
0xa3: {  	[sflag:s23] =	ssyncset.done $0x0  }
0xa4: {  	s25 =	simm.s32 $0x1B8E;
	s24 =	sld [smem:$0x3FFE];
	[sflag:s23] =	ssyncadd.s32 $0xFFFFFFFF  }
0xa5: {  	s26 =	simm.s32 $execute0_lowered;
	[smem:$0x3FD2] =	sst s25  }
0xa6: {  	s4 =	sshll.u32 s26, $0x1;
	_ =	strace $0x8000004C;
	[dreg:$0x1] =	wrdreg $0xFFFFFFFF  }
0xa7: {  	s28 =	simm.s32 $_size_execute0_lowered;
	s2 =	sadd.s32 s2, s4;
	[dreg:$0x0] =	wrdreg $0x0  }
0xa8: {  	s4 =	sshll.u32 s28, $0x1;
	[dreg:$0x2] =	wrdreg s2  }
0xa9: {  	[dreg:$0x3] =	wrdreg s4  }
0xaa: {  	[dreg:$0x4] =	wrdreg $0xC0  }
0xab: {  	_ =	task [dreg:s6], $0x5FFFF  }
0xac: {  	[dreg:$0x1] =	wrdreg $0xFFFFFFFF  }
0xad: {  	[dreg:$0x0] =	wrdreg $0x60  }
0xae: {  	[dreg:$0x2] =	wrdreg s24  }
0xaf: {  	[dreg:$0x3] =	wrdreg $0x130000  }
0xb0: {  	[dreg:$0x4] =	wrdreg $0x9  }
0xb1: {  	_ =	task.clear_ibuf [dreg:s6], $0x5FFFF;
	_ =	strace $0x9000004C  }
0xb2: {  	s29 =	simm.s32 $0x9;
	_ =	strace $0x8000004E  }
0xb3: {  	_ =	swait.ge [sflag:s29], $0x1  }
0xb4: {  	[sflag:s29] =	ssyncadd.s32 $0xFFFFFFFF  }
0xb5: {  	_ =	strace $0x9000004E  }
0xb6: {  	_ =	sfence  }
0xb7: {  	s30 =	sld [smem:$0x0];
	_ =	sdelay $0x2  }
0xb8: {  	s31 =	sshll.u32 s1, $0xD;
	s1 =	sshrl.u32 s1, $0x2  }
0xb9: {  	s3 =	sand.u32 $0x4000, s31;
	s1 =	sadd.s32 s1, s30  }
0xba: {  	s0 =	sor.u32 s3, s0;
	s1 =	sshll.u32 s1, $0x11  }
0xbb: {  	s0 =	sor.u32 s1, s0  }
0xbc: {  	s0 =	sadd.s32 $0x8F2B, s0  }
0xbd: {  	[sflag:s0] =	ssyncadd.remote.s32 $0x1  }
0xbe: {  	_ =	sfence.sel $0xFFFF  }
0xbf: {  	[dreg:$0x0] =	wrdreg $0xFFFFFFFF;
	(pc) =	sbr.abs _section_cstart, $3  }
0xc0: {  	[dreg:$0x1] =	wrdreg $0xFFFFFFFF  }
0xc1: {  	_ =	task.clear_ibuf [dreg:s6], $0x2FFFF;
	_ =	strace $0x9FFFFFFF  }
0xc2: {  	(tm) =	ssettm $0x7FFFFFFF  }
0xc3: {  	_ =	shalt  }
tec
execute0_lowered:
.L_overlay_start_1:
0x0: {  	(tag) =	ssettag $0x1  }
0x1: {  	s6 =	stileid.u32  }
0x2: {  	s0 =	srdreg.scid;
	s2 =	rddreg [dreg:$0x0]  }
0x3: {  	s4 =	simm.s32 $0x0;
	s29 =	simm.s32 $0x7;
	s1 =	smul.u32 $0xA00, s6  }
0x4: {  	s31 =	simm.s32 $0x12000;
	s0 =	sand.u32 $0x1, s0;
	s6 =	smul.u32 $0xA000, s6  }
0x5: {  	s30 =	simm.s32 $0x1;
	s3 =	smul.u32 $0xA0000, s0;
	s0 =	ssub.s32 $0x2, s0  }
0x6: {  	[smem:$0x7FF] =	sst s4;
	s1 =	sadd.s32 s1, s2;
	s5 =	sshrl.u32 s0, $0x1  }
0x7: {  	s7 =	sadd.s32 $0x2000, s6;
	s8 =	sadd.s32 $0x3000, s6;
	s9 =	sadd.s32 $0x4000, s6  }
0x8: {  	s10 =	sadd.s32 $0x5000, s6;
	s12 =	sadd.s32 $0x6000, s6;
	s13 =	sadd.s32 $0x7000, s6  }
0x9: {  	s15 =	sadd.s32 $0x8000, s6;
	s16 =	sadd.s32 $0x9000, s6;
	s24 =	sshrl.u32 s3, $0x4  }
0xa: {  	s0 =	ssub.s32 s0, s5;
	s5 =	sor.u32 $0x1000, s6;
	s11 =	sadd.s32 s6, s3  }
0xb: {  	s26 =	sadd.s32 s3, s7;
	s28 =	sadd.s32 s3, s8;
	s17 =	sadd.s32 s3, s9  }
0xc: {  	s19 =	sadd.s32 s3, s10;
	s20 =	sadd.s32 s3, s12;
	s21 =	sadd.s32 s3, s13  }
0xd: {  	s4 =	sadd.s32 s24, s2;
	s2 =	sadd.s32 $0x2A800, s2;
	s14 =	sadd.s32 s3, s5  }
0xe: {  	s11 =	sshrl.u32 s11, $0x3;
	s17 =	sshrl.u32 s17, $0x3;
	s24 =	sadd.s32 s3, s15  }
0xf: {  	s3 =	sadd.s32 s3, s16;
	s0 =	smax.u32 s0, $0x1;
	s11 =	sadd.s32 s2, s11  }
0x10: {  	s14 =	sshrl.u32 s14, $0x3;
	s18 =	sadd.s32 s2, s17;
	[dreg:$0x3] =	wrdreg s11  }
0x11: {  	s17 =	sshrl.u32 s21, $0x3;
	s25 =	sadd.s32 s2, s14;
	[dreg:$0x7] =	wrdreg s18  }
0x12: {  	s11 =	sshrl.u32 s26, $0x3;
	s23 =	sadd.s32 s2, s17;
	[dreg:$0x4] =	wrdreg s25  }
0x13: {  	s14 =	sshrl.u32 s28, $0x3;
	s11 =	sadd.s32 s2, s11;
	[dreg:$0xa] =	wrdreg s23  }
0x14: {  	s14 =	sadd.s32 s2, s14;
	[dreg:$0x5] =	wrdreg s11;
	s11 =	sshrl.u32 s19, $0x3  }
0x15: {  	[dreg:$0x6] =	wrdreg s14;
	s14 =	sshrl.u32 s20, $0x3;
	s11 =	sadd.s32 s2, s11  }
0x16: {  	s3 =	sshrl.u32 s3, $0x3;
	s22 =	sadd.s32 s2, s14;
	[dreg:$0x8] =	wrdreg s11  }
0x17: {  	s25 =	sadd.s32 $0xC800, s1;
	s14 =	sshrl.u32 s24, $0x3;
	[dreg:$0x9] =	wrdreg s22  }
0x18: {  	s1 =	sadd.s32 $0x2800, s1;
	s11 =	rddreg [dreg:$0x1];
	s14 =	sadd.s32 s2, s14  }
0x19: {  	s2 =	sadd.s32 s2, s3;
	s3 =	simm.s32 $0x6;
	[dreg:$0xb] =	wrdreg s14  }
0x1a: {  	[dreg:$0xc] =	wrdreg s2;
	s14 =	sadd.s32 s6, s11;
	s26 =	sadd.s32 s5, s11  }
0x1b: {  	s28 =	sadd.s32 s7, s11;
	s19 =	sadd.s32 s8, s11;
	s20 =	sadd.s32 s9, s11  }
0x1c: {  	s21 =	sadd.s32 s10, s11;
	s22 =	sadd.s32 s12, s11;
	s23 =	sadd.s32 s13, s11  }
0x1d: {  	s24 =	sadd.s32 s15, s11;
	_ =	strace $0x8000004D;
	[dreg:$0xd] =	wrdreg s25  }
0x1e: {  	s9 =	simm.s32 $0x80;
	s2 =	simm.s32 $0x2;
	[dreg:$0xe] =	wrdreg s1  }
0x1f: {  	s5 =	simm.s32 $0x3;
	s6 =	simm.s32 $0x5;
	[dreg:$0xf] =	wrdreg s26  }
0x20: {  	s7 =	simm.s32 $0x4;
	s8 =	simm.s32 $0x0;
	[dreg:$0x10] =	wrdreg s28  }
0x21: {  	s25 =	sadd.s32 s16, s11;
	s26 =	sadd.s32 $0x16800, s4;
	[dreg:$0x11] =	wrdreg s0  }
0x22: {  	v0 =	vimm.f32 $0.0e+00;
	s0 =	simm.s32 $0xA000;
	s1 =	simm.s32 $0xE000;
	s4 =	simm.s32 $0x10000  }
.LBB2_1:
0x23: {  	s10 =	simm.s32 $0x0;
	s12 =	rddreg [dreg:$0xd]  }
0x24: {  	[tilespmem:s10], [sflag:$0x7] =	stream.linear.gather [hbm4b:s12+s10], $0x5000, $0x38;
	[tilespmem:$0x1D000] =	vst v63  }
0x25: {  	_ =	swait.ge [sflag:s29], $0x5000  }
0x26: {  	[sflag:s29] =	ssyncset.done $0x0  }
0x27: {  	s13 =	simm.s32 $0x5000;
	s28 =	rddreg [dreg:$0xe];
	[sflag:s29] =	ssyncadd.s32 $0xFFFFB000  }
0x28: {  	[tilespmem:s13], [sflag:$0x7] =	stream.linear.gather [hbm4b:s28+s10], $0x5000, $0x38;
	[tilespmem:$0x1D000] =	vst v63  }
0x29: {  	_ =	swait.ge [sflag:s29], $0x5000  }
0x2a: {  	[sflag:s29] =	ssyncset.done $0x0  }
0x2b: {  	s12 =	simm.s32 $0x100;
	s10 =	simm.s32 $0x0;
	[sflag:s29] =	ssyncadd.s32 $0xFFFFB000  }
.LBB2_2:
0x2c: {  	p0 =	sne.s32 s12, $0x3F00;
	[tilespmem:s10+$0x12030] =	vst v0;
	s13 =	smov.u32 s12;
	s12 =	sadd.s32 $0x100, s12  }
.Ltmp0:
0x2d: {  	[tilespmem:s10+$0x12020] =	vst v0;
	(pc) =	sbr.rel @p0 .LBB2_2-.Ltmp0, $3  }
0x2e: {  	[tilespmem:s10+$0x12000] =	vst v0  }
0x2f: {  	[tilespmem:s10+$0x12010] =	vst v0;
	_ =	sdelay $0x1  }
0x30: {  	s10 =	sshra.s32 s13, $0x2  }
0x31: {  	[tilespmem:s10+$0x12030] =	vst v0  }
0x32: {  	[tilespmem:s10+$0x12020] =	vst v0  }
0x33: {  	[tilespmem:s10+$0x12000] =	vst v0  }
0x34: {  	[tilespmem:s10+$0x12010] =	vst v0  }
0x35: {  	[spmem:s14] =	stream.linear.scatter [tilespmem:s31], [sflag:$0x7], $0x1000, $0x38;
	[tilespmem:$0x1D000] =	vst v63  }
0x36: {  	_ =	swait.ge [sflag:s29], $0x1000  }
0x37: {  	[sflag:s29] =	ssyncset.done $0x0  }
0x38: {  	s13 =	rddreg [dreg:$0xf];
	[sflag:s29] =	ssyncadd.s32 $0xFFFFF000  }
0x39: {  	[spmem:s13] =	stream.linear.scatter [tilespmem:s31], [sflag:$0x7], $0x1000, $0x38;
	[tilespmem:$0x1D000] =	vst v63  }
0x3a: {  	_ =	swait.ge [sflag:s29], $0x1000  }
0x3b: {  	[sflag:s29] =	ssyncset.done $0x0  }
0x3c: {  	s18 =	smov.u32 s14;
	s14 =	rddreg [dreg:$0x10];
	[sflag:s29] =	ssyncadd.s32 $0xFFFFF000  }
0x3d: {  	[spmem:s14] =	stream.linear.scatter [tilespmem:s31], [sflag:$0x7], $0x1000, $0x38;
	[tilespmem:$0x1D000] =	vst v63  }
0x3e: {  	_ =	swait.ge [sflag:s29], $0x1000  }
0x3f: {  	[sflag:s29] =	ssyncset.done $0x0  }
0x40: {  	[sflag:s29] =	ssyncadd.s32 $0xFFFFF000  }
0x41: {  	[spmem:s19] =	stream.linear.scatter [tilespmem:s31], [sflag:$0x7], $0x1000, $0x38;
	[tilespmem:$0x1D000] =	vst v63  }
0x42: {  	_ =	swait.ge [sflag:s29], $0x1000  }
0x43: {  	[sflag:s29] =	ssyncset.done $0x0  }
0x44: {  	[sflag:s29] =	ssyncadd.s32 $0xFFFFF000  }
0x45: {  	[spmem:s20] =	stream.linear.scatter [tilespmem:s31], [sflag:$0x7], $0x1000, $0x38;
	[tilespmem:$0x1D000] =	vst v63  }
0x46: {  	_ =	swait.ge [sflag:s29], $0x1000  }
0x47: {  	[sflag:s29] =	ssyncset.done $0x0  }
0x48: {  	[sflag:s29] =	ssyncadd.s32 $0xFFFFF000  }
0x49: {  	[spmem:s21] =	stream.linear.scatter [tilespmem:s31], [sflag:$0x7], $0x1000, $0x38;
	[tilespmem:$0x1D000] =	vst v63  }
0x4a: {  	_ =	swait.ge [sflag:s29], $0x1000  }
0x4b: {  	[sflag:s29] =	ssyncset.done $0x0  }
0x4c: {  	[sflag:s29] =	ssyncadd.s32 $0xFFFFF000  }
0x4d: {  	[spmem:s22] =	stream.linear.scatter [tilespmem:s31], [sflag:$0x7], $0x1000, $0x38;
	[tilespmem:$0x1D000] =	vst v63  }
0x4e: {  	_ =	swait.ge [sflag:s29], $0x1000  }
0x4f: {  	[sflag:s29] =	ssyncset.done $0x0  }
0x50: {  	[sflag:s29] =	ssyncadd.s32 $0xFFFFF000  }
0x51: {  	[spmem:s23] =	stream.linear.scatter [tilespmem:s31], [sflag:$0x7], $0x1000, $0x38;
	[tilespmem:$0x1D000] =	vst v63  }
0x52: {  	_ =	swait.ge [sflag:s29], $0x1000  }
0x53: {  	[sflag:s29] =	ssyncset.done $0x0  }
0x54: {  	[sflag:s29] =	ssyncadd.s32 $0xFFFFF000  }
0x55: {  	[spmem:s24] =	stream.linear.scatter [tilespmem:s31], [sflag:$0x7], $0x1000, $0x38;
	[tilespmem:$0x1D000] =	vst v63  }
0x56: {  	_ =	swait.ge [sflag:s29], $0x1000  }
0x57: {  	[sflag:s29] =	ssyncset.done $0x0  }
0x58: {  	[sflag:s29] =	ssyncadd.s32 $0xFFFFF000  }
0x59: {  	[spmem:s25] =	stream.linear.scatter [tilespmem:s31], [sflag:$0x7], $0x1000, $0x38;
	[tilespmem:$0x1D000] =	vst v63  }
0x5a: {  	_ =	swait.ge [sflag:s29], $0x1000  }
0x5b: {  	[sflag:s29] =	ssyncset.done $0x0  }
0x5c: {  	[sflag:s29] =	ssyncadd.s32 $0xFFFFF000  }
0x5d: {  	s12 =	simm.s32 $0x0;
	[bflag:$0x0] =	sbarrier.arrive $0xFFFF  }
0x5e: {  	[tilespmem:s0], [sflag:$0x1] =	stream.indirect.gather [hbm4b:s26+s9], $0x20, s12, s9, $0xb8;
	[tilespmem:$0x1D000] =	vst v63  }
0x5f: {  	s15 =	simm.s32 $0xB000  }
0x60: {  	[tilespmem:s15], [sflag:$0x2] =	stream.indirect.gather [hbm4b:s26+s9], $0x20, s9, s9, $0xb8;
	[tilespmem:$0x1D000] =	vst v63  }
0x61: {  	s16 =	simm.s32 $0x100;
	s13 =	simm.s32 $0xC000  }
0x62: {  	[tilespmem:s13], [sflag:$0x3] =	stream.indirect.gather [hbm4b:s26+s9], $0x20, s16, s9, $0xb8;
	[tilespmem:$0x1D000] =	vst v63  }
0x63: {  	s17 =	simm.s32 $0x180;
	s28 =	simm.s32 $0xD000  }
0x64: {  	[tilespmem:s28], [sflag:$0x4] =	stream.indirect.gather [hbm4b:s26+s9], $0x20, s17, s9, $0xb8;
	[tilespmem:$0x1D000] =	vst v63  }
.LBB2_4:
0x65: {  	_ =	swait.ge [sflag:s30], $0x1000  }
0x66: {  	p0 =	seq.s32 s12, $0x0;
	[sflag:s30] =	ssyncset.done $0x0  }
0x67: {  	s10 =	simm.s32 @!p0 $0x5;
	[sflag:s30] =	ssyncadd.s32 $0xFFFFF000  }
0x68: {  	_ =	swait.ge @!p0 [sflag:s10], $0x2000  }
0x69: {  	[sflag:s10] =	ssyncset.done @!p0 $0x0  }
0x6a: {  	s13 =	simm.s32 $0xA040;
	[sflag:s10] =	ssyncadd.s32 @!p0 $0xFFFFE000  }
0x6b: {  	v1 =	vld [tilespmem:s13+$0x20];
	_ =	sdelay $0x1  }
0x6c: {  	v2 =	vld [tilespmem:s13+$0xFFFFFFE0]  }
0x6d: {  	v3 =	vld [tilespmem:s13+$0xFFFFFFC0];
	_ =	sdelay $0x1  }
0x6e: {  	s10 =	simm.s32 $0xE080;
	v4 =	vshll.u32 v1, $0x10  }
0x6f: {  	v5 =	vld [tilespmem:s13+$0x0];
	v1 =	vand.u32 $0xFFFF0000, v1;
	[tilespmem:s10+$0x40] =	vst v4  }
0x70: {  	v4 =	vshll.u32 v2, $0x10;
	[tilespmem:s10+$0x50] =	vst v1  }
0x71: {  	v1 =	vshll.u32 v3, $0x10;
	[tilespmem:s10+$0xFFFFFFC0] =	vst v4  }
0x72: {  	v3 =	vand.u32 $0xFFFF0000, v3;
	v4 =	vld [tilespmem:s13+$0x30];
	[tilespmem:s10+$0xFFFFFF80] =	vst v1  }
0x73: {  	v1 =	vand.u32 $0xFFFF0000, v2;
	[tilespmem:s10+$0xFFFFFF90] =	vst v3  }
0x74: {  	v2 =	vshll.u32 v5, $0x10;
	[tilespmem:s10+$0xFFFFFFD0] =	vst v1;
	v3 =	vld [tilespmem:s13+$0xFFFFFFD0]  }
0x75: {  	v1 =	vand.u32 $0xFFFF0000, v5;
	[tilespmem:s10+$0x0] =	vst v2;
	v2 =	vld [tilespmem:s13+$0xFFFFFFF0]  }
0x76: {  	[tilespmem:s10+$0x10] =	vst v1  }
0x77: {  	v1 =	vld [tilespmem:s13+$0x10];
	v5 =	vand.u32 $0xFFFF0000, v4  }
0x78: {  	s14 =	simm.s32 $0x0;
	s15 =	simm.s32 $0xA0C0;
	s13 =	simm.s32 $0xE080;
	v4 =	vshll.u32 v4, $0x10;
	[tilespmem:s10+$0x70] =	vst v5  }
.LBB2_5:
0x79: {  	v5 =	vld [tilespmem:s15+$0x20];
	v6 =	vshll.u32 v3, $0x10;
	v3 =	vand.u32 $0xFFFF0000, v3;
	[tilespmem:s10+$0x60] =	vst v4  }
0x7a: {  	s14 =	sadd.s32 $0x4, s14;
	v4 =	vld [tilespmem:s15+$0xFFFFFFE0];
	[tilespmem:s10+$0xFFFFFFA0] =	vst v6;
	v6 =	vshll.u32 v2, $0x10;
	v2 =	vand.u32 $0xFFFF0000, v2  }
0x7b: {  	p1 =	slt.u32 s14, $0x7C;
	v7 =	vld [tilespmem:s15+$0x0];
	[tilespmem:s10+$0xFFFFFFB0] =	vst v3  }
0x7c: {  	v3 =	vld [tilespmem:s15+$0xFFFFFFC0];
	[tilespmem:s10+$0xFFFFFFE0] =	vst v6;
	v6 =	vshll.u32 v1, $0x10;
	v8 =	vand.u32 $0xFFFF0000, v1  }
0x7d: {  	[tilespmem:s10+$0xFFFFFFF0] =	vst v2  }
0x7e: {  	s10 =	sadd.s32 $0x100, s10;
	v1 =	vshll.u32 v5, $0x10;
	[tilespmem:s13+$0x20] =	vst v6  }
0x7f: {  	v2 =	vshll.u32 v4, $0x10;
	v4 =	vand.u32 $0xFFFF0000, v4;
	[tilespmem:s10+$0x40] =	vst v1;
	v1 =	vand.u32 $0xFFFF0000, v5  }
0x80: {  	v5 =	vshll.u32 v7, $0x10;
	v6 =	vand.u32 $0xFFFF0000, v7;
	[tilespmem:s10+$0x50] =	vst v1  }
0x81: {  	v1 =	vshll.u32 v3, $0x10;
	v3 =	vand.u32 $0xFFFF0000, v3;
	[tilespmem:s10+$0xFFFFFFC0] =	vst v2;
	v7 =	vld [tilespmem:s15+$0x30]  }
0x82: {  	[tilespmem:s10+$0xFFFFFF80] =	vst v1  }
0x83: {  	[tilespmem:s10+$0xFFFFFF90] =	vst v3  }
.Ltmp1:
0x84: {  	v3 =	vld [tilespmem:s15+$0xFFFFFFD0];
	[tilespmem:s10+$0xFFFFFFD0] =	vst v4;
	(pc) =	sbr.rel @p1 .LBB2_5-.Ltmp1, $4  }
0x85: {  	v2 =	vld [tilespmem:s15+$0xFFFFFFF0];
	[tilespmem:s10+$0x0] =	vst v5  }
0x86: {  	[tilespmem:s10+$0x10] =	vst v6;
	v4 =	vshll.u32 v7, $0x10;
	v5 =	vand.u32 $0xFFFF0000, v7  }
0x87: {  	v1 =	vld [tilespmem:s15+$0x10];
	[tilespmem:s10+$0x70] =	vst v5  }
0x88: {  	s15 =	sadd.s32 $0x80, s15;
	[tilespmem:s13+$0x30] =	vst v8;
	s13 =	smov.u32 s10  }
0x89: {  	v5 =	vshll.u32 v3, $0x10;
	[tilespmem:s10+$0x60] =	vst v4  }
0x8a: {  	v3 =	vand.u32 $0xFFFF0000, v3;
	[tilespmem:s10+$0xFFFFFFA0] =	vst v5  }
0x8b: {  	p1 =	sne.s32 s12, $0x27;
	v63 =	vshll.u32 v2, $0x10;
	[tilespmem:s10+$0xFFFFFFB0] =	vst v3  }
.Ltmp2:
0x8c: {  	v2 =	vand.u32 $0xFFFF0000, v2;
	[tilespmem:s10+$0xFFFFFFE0] =	vst v63;
	(pc) =	sbr.rel @p1 .LBB2_8-.Ltmp2, $4  }
0x8d: {  	s14 =	sshll.u32 s12, $0xB;
	[tilespmem:s10+$0xFFFFFFF0] =	vst v2;
	v3 =	vshll.u32 v1, $0x10  }
0x8e: {  	s10 =	sshrl.u32 s14, $0x2;
	v1 =	vand.u32 $0xFFFF0000, v1;
	[tilespmem:s13+$0x20] =	vst v3  }
0x8f: {  	s28 =	sadd.s32 $0x5000, s10;
	[tilespmem:s13+$0x30] =	vst v1  }
0x90: {  	[spmem:s11] =	stream.indirect.scatter.add.f32 [tilespmem:s1], [sflag:$0x5], $0x40, s28, s9, $0xb8;
	[tilespmem:$0x1D000] =	vst v63  }
.Ltmp3:
0x91: {  	(pc) =	sbr.rel .LBB2_9-.Ltmp3, $4  }
0x92: {  	_ = 	snop  }
0x93: {  	_ =	swait.ge [sflag:s2], $0x1000  }
0x94: {  	[sflag:s2] =	ssyncset.done $0x0  }
0x95: {  	[sflag:s2] =	ssyncadd.s32 $0xFFFFF000  }
.LBB2_8:
.Ltmp4:
0x96: {  	s13 =	sadd.s32 $0x200, s10;
	(pc) =	sbr.rel @p0 .LBB2_10-.Ltmp4, $4  }
0x97: {  	[tilespmem:s0], [sflag:$0x1] =	stream.indirect.gather [hbm4b:s26+s9], $0x20, s13, s9, $0xb8;
	[tilespmem:$0x1D000] =	vst v63  }
0x98: {  	_ =	swait.ge [sflag:s2], $0x1000  }
0x99: {  	[sflag:s2] =	ssyncset.done $0x0  }
0x9a: {  	[sflag:s2] =	ssyncadd.s32 $0xFFFFF000  }
.LBB2_9:
0x9b: {  	_ =	swait.ge [sflag:s3], $0x2000  }
0x9c: {  	[sflag:s3] =	ssyncset.done $0x0  }
0x9d: {  	[sflag:s3] =	ssyncadd.s32 $0xFFFFE000  }
.LBB2_10:
0x9e: {  	s17 =	simm.s32 $0xB040  }
0x9f: {  	v1 =	vld [tilespmem:s17+$0x20];
	_ =	sdelay $0x1  }
0xa0: {  	v2 =	vld [tilespmem:s17+$0xFFFFFFE0]  }
0xa1: {  	v3 =	vld [tilespmem:s17+$0xFFFFFFC0];
	_ =	sdelay $0x1  }
0xa2: {  	s15 =	simm.s32 $0x10080;
	v4 =	vshll.u32 v1, $0x10  }
0xa3: {  	v5 =	vld [tilespmem:s17+$0x0];
	v1 =	vand.u32 $0xFFFF0000, v1;
	[tilespmem:s15+$0x40] =	vst v4  }
0xa4: {  	v4 =	vshll.u32 v2, $0x10;
	[tilespmem:s15+$0x50] =	vst v1  }
0xa5: {  	v1 =	vshll.u32 v3, $0x10;
	[tilespmem:s15+$0xFFFFFFC0] =	vst v4  }
0xa6: {  	v3 =	vand.u32 $0xFFFF0000, v3;
	v4 =	vld [tilespmem:s17+$0x30];
	[tilespmem:s15+$0xFFFFFF80] =	vst v1  }
0xa7: {  	v1 =	vand.u32 $0xFFFF0000, v2;
	[tilespmem:s15+$0xFFFFFF90] =	vst v3  }
0xa8: {  	v2 =	vshll.u32 v5, $0x10;
	[tilespmem:s15+$0xFFFFFFD0] =	vst v1;
	v3 =	vld [tilespmem:s17+$0xFFFFFFD0]  }
0xa9: {  	v1 =	vand.u32 $0xFFFF0000, v5;
	[tilespmem:s15+$0x0] =	vst v2;
	v2 =	vld [tilespmem:s17+$0xFFFFFFF0]  }
0xaa: {  	[tilespmem:s15+$0x10] =	vst v1  }
0xab: {  	s13 =	sadd.s32 $0x1, s12;
	v1 =	vld [tilespmem:s17+$0x10];
	v5 =	vand.u32 $0xFFFF0000, v4  }
0xac: {  	s16 =	simm.s32 $0x0;
	s28 =	simm.s32 $0x10080;
	s17 =	simm.s32 $0xB0C0;
	v4 =	vshll.u32 v4, $0x10;
	[tilespmem:s15+$0x70] =	vst v5  }
.LBB2_11:
0xad: {  	v5 =	vld [tilespmem:s17+$0x20];
	v6 =	vshll.u32 v3, $0x10;
	v3 =	vand.u32 $0xFFFF0000, v3;
	[tilespmem:s15+$0x60] =	vst v4  }
0xae: {  	s16 =	sadd.s32 $0x4, s16;
	v4 =	vld [tilespmem:s17+$0xFFFFFFE0];
	[tilespmem:s15+$0xFFFFFFA0] =	vst v6;
	v6 =	vshll.u32 v2, $0x10;
	v2 =	vand.u32 $0xFFFF0000, v2  }
0xaf: {  	p0 =	slt.u32 s16, $0x7C;
	v7 =	vld [tilespmem:s17+$0x0];
	[tilespmem:s15+$0xFFFFFFB0] =	vst v3  }
0xb0: {  	v3 =	vld [tilespmem:s17+$0xFFFFFFC0];
	[tilespmem:s15+$0xFFFFFFE0] =	vst v6;
	v6 =	vshll.u32 v1, $0x10;
	v8 =	vand.u32 $0xFFFF0000, v1  }
0xb1: {  	[tilespmem:s15+$0xFFFFFFF0] =	vst v2  }
0xb2: {  	s15 =	sadd.s32 $0x100, s15;
	v1 =	vshll.u32 v5, $0x10;
	[tilespmem:s28+$0x20] =	vst v6  }
0xb3: {  	v2 =	vshll.u32 v4, $0x10;
	v4 =	vand.u32 $0xFFFF0000, v4;
	[tilespmem:s15+$0x40] =	vst v1;
	v1 =	vand.u32 $0xFFFF0000, v5  }
0xb4: {  	v5 =	vshll.u32 v7, $0x10;
	v6 =	vand.u32 $0xFFFF0000, v7;
	[tilespmem:s15+$0x50] =	vst v1  }
0xb5: {  	v1 =	vshll.u32 v3, $0x10;
	v3 =	vand.u32 $0xFFFF0000, v3;
	[tilespmem:s15+$0xFFFFFFC0] =	vst v2;
	v7 =	vld [tilespmem:s17+$0x30]  }
0xb6: {  	[tilespmem:s15+$0xFFFFFF80] =	vst v1  }
0xb7: {  	[tilespmem:s15+$0xFFFFFF90] =	vst v3  }
.Ltmp5:
0xb8: {  	v3 =	vld [tilespmem:s17+$0xFFFFFFD0];
	[tilespmem:s15+$0xFFFFFFD0] =	vst v4;
	(pc) =	sbr.rel @p0 .LBB2_11-.Ltmp5, $4  }
0xb9: {  	v2 =	vld [tilespmem:s17+$0xFFFFFFF0];
	[tilespmem:s15+$0x0] =	vst v5  }
0xba: {  	[tilespmem:s15+$0x10] =	vst v6;
	v4 =	vshll.u32 v7, $0x10;
	v5 =	vand.u32 $0xFFFF0000, v7  }
0xbb: {  	v1 =	vld [tilespmem:s17+$0x10];
	[tilespmem:s15+$0x70] =	vst v5  }
0xbc: {  	s17 =	sadd.s32 $0x80, s17;
	[tilespmem:s28+$0x30] =	vst v8;
	s28 =	smov.u32 s15  }
0xbd: {  	v5 =	vshll.u32 v3, $0x10;
	[tilespmem:s15+$0x60] =	vst v4  }
0xbe: {  	v3 =	vand.u32 $0xFFFF0000, v3;
	[tilespmem:s15+$0xFFFFFFA0] =	vst v5  }
0xbf: {  	v4 =	vshll.u32 v2, $0x10;
	[tilespmem:s15+$0xFFFFFFB0] =	vst v3  }
0xc0: {  	v2 =	vand.u32 $0xFFFF0000, v2;
	[tilespmem:s15+$0xFFFFFFE0] =	vst v4  }
0xc1: {  	[tilespmem:s15+$0xFFFFFFF0] =	vst v2;
	v3 =	vshll.u32 v1, $0x10  }
0xc2: {  	p0 =	seq.s32 s12, $0x27;
	v1 =	vand.u32 $0xFFFF0000, v1;
	[tilespmem:s28+$0x20] =	vst v3  }
0xc3: {  	s17 =	sadd.s32 $0x5080, s10;
	s12 =	sshrl.u32 @!p0 s14, $0x2;
	[tilespmem:s28+$0x30] =	vst v1  }
0xc4: {  	[spmem:s11] =	stream.indirect.scatter.add.f32 [tilespmem:s4], [sflag:$0x6], $0x40, s17, s9, $0xb8;
	[tilespmem:$0x1D000] =	vst v63  }
0xc5: {  	s16 =	simm.s32 @!p0 $0xB000;
	s14 =	sadd.s32 @!p0 $0x280, s12;
	s15 =	simm.s32 @!p0 $0x80  }
0xc6: {  	[tilespmem:s16], [sflag:$0x2] =	stream.indirect.gather @!p0 [hbm4b:s26+s15], $0x20, s14, s15, $0xb8;
	[tilespmem:$0x1D000] =	vst v63  }
0xc7: {  	_ =	swait.ge [sflag:s5], $0x1000  }
0xc8: {  	[sflag:s5] =	ssyncset.done $0x0  }
0xc9: {  	[sflag:s5] =	ssyncadd.s32 $0xFFFFF000  }
0xca: {  	_ =	swait.ge [sflag:s6], $0x2000  }
0xcb: {  	[sflag:s6] =	ssyncset.done $0x0  }
0xcc: {  	s28 =	simm.s32 $0xC040;
	[sflag:s6] =	ssyncadd.s32 $0xFFFFE000  }
0xcd: {  	v1 =	vld [tilespmem:s28+$0x20];
	_ =	sdelay $0x1  }
0xce: {  	v2 =	vld [tilespmem:s28+$0xFFFFFFE0]  }
0xcf: {  	v3 =	vld [tilespmem:s28+$0xFFFFFFC0];
	_ =	sdelay $0x1  }
0xd0: {  	s14 =	simm.s32 $0xE080;
	v4 =	vshll.u32 v1, $0x10  }
0xd1: {  	v5 =	vld [tilespmem:s28+$0x0];
	v1 =	vand.u32 $0xFFFF0000, v1;
	[tilespmem:s14+$0x40] =	vst v4  }
0xd2: {  	v4 =	vshll.u32 v2, $0x10;
	[tilespmem:s14+$0x50] =	vst v1  }
0xd3: {  	v1 =	vshll.u32 v3, $0x10;
	[tilespmem:s14+$0xFFFFFFC0] =	vst v4  }
0xd4: {  	v3 =	vand.u32 $0xFFFF0000, v3;
	v4 =	vld [tilespmem:s28+$0x30];
	[tilespmem:s14+$0xFFFFFF80] =	vst v1  }
0xd5: {  	v1 =	vand.u32 $0xFFFF0000, v2;
	[tilespmem:s14+$0xFFFFFF90] =	vst v3  }
0xd6: {  	v2 =	vshll.u32 v5, $0x10;
	[tilespmem:s14+$0xFFFFFFD0] =	vst v1;
	v3 =	vld [tilespmem:s28+$0xFFFFFFD0]  }
0xd7: {  	v1 =	vand.u32 $0xFFFF0000, v5;
	[tilespmem:s14+$0x0] =	vst v2;
	v2 =	vld [tilespmem:s28+$0xFFFFFFF0]  }
0xd8: {  	[tilespmem:s14+$0x10] =	vst v1  }
0xd9: {  	v1 =	vld [tilespmem:s28+$0x10];
	v5 =	vand.u32 $0xFFFF0000, v4  }
0xda: {  	s17 =	simm.s32 $0xC0C0;
	s16 =	simm.s32 $0x0;
	s15 =	simm.s32 $0xE080;
	v4 =	vshll.u32 v4, $0x10;
	[tilespmem:s14+$0x70] =	vst v5  }
.LBB2_13:
0xdb: {  	v5 =	vld [tilespmem:s17+$0x20];
	v6 =	vshll.u32 v3, $0x10;
	v3 =	vand.u32 $0xFFFF0000, v3;
	[tilespmem:s14+$0x60] =	vst v4  }
0xdc: {  	s16 =	sadd.s32 $0x4, s16;
	v4 =	vld [tilespmem:s17+$0xFFFFFFE0];
	[tilespmem:s14+$0xFFFFFFA0] =	vst v6;
	v6 =	vshll.u32 v2, $0x10;
	v2 =	vand.u32 $0xFFFF0000, v2  }
0xdd: {  	p1 =	slt.u32 s16, $0x7C;
	v7 =	vld [tilespmem:s17+$0x0];
	[tilespmem:s14+$0xFFFFFFB0] =	vst v3  }
0xde: {  	v3 =	vld [tilespmem:s17+$0xFFFFFFC0];
	[tilespmem:s14+$0xFFFFFFE0] =	vst v6;
	v6 =	vshll.u32 v1, $0x10;
	v8 =	vand.u32 $0xFFFF0000, v1  }
0xdf: {  	[tilespmem:s14+$0xFFFFFFF0] =	vst v2  }
0xe0: {  	s14 =	sadd.s32 $0x100, s14;
	v1 =	vshll.u32 v5, $0x10;
	[tilespmem:s15+$0x20] =	vst v6  }
0xe1: {  	v2 =	vshll.u32 v4, $0x10;
	v4 =	vand.u32 $0xFFFF0000, v4;
	[tilespmem:s14+$0x40] =	vst v1;
	v1 =	vand.u32 $0xFFFF0000, v5  }
0xe2: {  	v5 =	vshll.u32 v7, $0x10;
	v6 =	vand.u32 $0xFFFF0000, v7;
	[tilespmem:s14+$0x50] =	vst v1  }
0xe3: {  	v1 =	vshll.u32 v3, $0x10;
	v3 =	vand.u32 $0xFFFF0000, v3;
	[tilespmem:s14+$0xFFFFFFC0] =	vst v2;
	v7 =	vld [tilespmem:s17+$0x30]  }
0xe4: {  	[tilespmem:s14+$0xFFFFFF80] =	vst v1  }
0xe5: {  	[tilespmem:s14+$0xFFFFFF90] =	vst v3  }
.Ltmp6:
0xe6: {  	v3 =	vld [tilespmem:s17+$0xFFFFFFD0];
	[tilespmem:s14+$0xFFFFFFD0] =	vst v4;
	(pc) =	sbr.rel @p1 .LBB2_13-.Ltmp6, $4  }
0xe7: {  	v2 =	vld [tilespmem:s17+$0xFFFFFFF0];
	[tilespmem:s14+$0x0] =	vst v5  }
0xe8: {  	[tilespmem:s14+$0x10] =	vst v6;
	v4 =	vshll.u32 v7, $0x10;
	v5 =	vand.u32 $0xFFFF0000, v7  }
0xe9: {  	v1 =	vld [tilespmem:s17+$0x10];
	[tilespmem:s14+$0x70] =	vst v5  }
0xea: {  	s17 =	sadd.s32 $0x80, s17;
	[tilespmem:s15+$0x30] =	vst v8;
	s15 =	smov.u32 s14  }
0xeb: {  	v5 =	vshll.u32 v3, $0x10;
	[tilespmem:s14+$0x60] =	vst v4  }
0xec: {  	v3 =	vand.u32 $0xFFFF0000, v3;
	[tilespmem:s14+$0xFFFFFFA0] =	vst v5  }
0xed: {  	v4 =	vshll.u32 v2, $0x10;
	[tilespmem:s14+$0xFFFFFFB0] =	vst v3  }
0xee: {  	v2 =	vand.u32 $0xFFFF0000, v2;
	[tilespmem:s14+$0xFFFFFFE0] =	vst v4  }
0xef: {  	[tilespmem:s14+$0xFFFFFFF0] =	vst v2;
	v3 =	vshll.u32 v1, $0x10  }
0xf0: {  	v1 =	vand.u32 $0xFFFF0000, v1;
	[tilespmem:s15+$0x20] =	vst v3  }
0xf1: {  	s17 =	sadd.s32 $0x5100, s10;
	[tilespmem:s15+$0x30] =	vst v1  }
0xf2: {  	[spmem:s11] =	stream.indirect.scatter.add.f32 [tilespmem:s1], [sflag:$0x5], $0x40, s17, s9, $0xb8;
	[tilespmem:$0x1D000] =	vst v63  }
0xf3: {  	s16 =	simm.s32 @!p0 $0xC000;
	s14 =	sadd.s32 @!p0 $0x300, s12;
	s15 =	simm.s32 @!p0 $0x80  }
0xf4: {  	[tilespmem:s16], [sflag:$0x3] =	stream.indirect.gather @!p0 [hbm4b:s26+s15], $0x20, s14, s15, $0xb8;
	[tilespmem:$0x1D000] =	vst v63  }
0xf5: {  	_ =	swait.ge [sflag:s7], $0x1000  }
0xf6: {  	[sflag:s7] =	ssyncset.done $0x0  }
0xf7: {  	[sflag:s7] =	ssyncadd.s32 $0xFFFFF000  }
0xf8: {  	_ =	swait.ge [sflag:s3], $0x2000  }
0xf9: {  	[sflag:s3] =	ssyncset.done $0x0  }
0xfa: {  	s28 =	simm.s32 $0xD040;
	[sflag:s3] =	ssyncadd.s32 $0xFFFFE000  }
0xfb: {  	v1 =	vld [tilespmem:s28+$0x20];
	_ =	sdelay $0x1  }
0xfc: {  	v2 =	vld [tilespmem:s28+$0xFFFFFFE0]  }
0xfd: {  	v3 =	vld [tilespmem:s28+$0xFFFFFFC0];
	_ =	sdelay $0x1  }
0xfe: {  	s14 =	simm.s32 $0x10080;
	v4 =	vshll.u32 v1, $0x10  }
0xff: {  	v5 =	vld [tilespmem:s28+$0x0];
	v1 =	vand.u32 $0xFFFF0000, v1;
	[tilespmem:s14+$0x40] =	vst v4  }
0x100: {  	v4 =	vshll.u32 v2, $0x10;
	[tilespmem:s14+$0x50] =	vst v1  }
0x101: {  	v1 =	vshll.u32 v3, $0x10;
	[tilespmem:s14+$0xFFFFFFC0] =	vst v4  }
0x102: {  	v3 =	vand.u32 $0xFFFF0000, v3;
	v4 =	vld [tilespmem:s28+$0x30];
	[tilespmem:s14+$0xFFFFFF80] =	vst v1  }
0x103: {  	v1 =	vand.u32 $0xFFFF0000, v2;
	[tilespmem:s14+$0xFFFFFF90] =	vst v3  }
0x104: {  	v2 =	vshll.u32 v5, $0x10;
	[tilespmem:s14+$0xFFFFFFD0] =	vst v1;
	v3 =	vld [tilespmem:s28+$0xFFFFFFD0]  }
0x105: {  	v1 =	vand.u32 $0xFFFF0000, v5;
	[tilespmem:s14+$0x0] =	vst v2;
	v2 =	vld [tilespmem:s28+$0xFFFFFFF0]  }
0x106: {  	[tilespmem:s14+$0x10] =	vst v1  }
0x107: {  	v1 =	vld [tilespmem:s28+$0x10];
	v5 =	vand.u32 $0xFFFF0000, v4  }
0x108: {  	s17 =	simm.s32 $0xD0C0;
	s16 =	simm.s32 $0x0;
	s15 =	simm.s32 $0x10080;
	v4 =	vshll.u32 v4, $0x10;
	[tilespmem:s14+$0x70] =	vst v5  }
.LBB2_15:
0x109: {  	v5 =	vld [tilespmem:s17+$0x20];
	v6 =	vshll.u32 v3, $0x10;
	v3 =	vand.u32 $0xFFFF0000, v3;
	[tilespmem:s14+$0x60] =	vst v4  }
0x10a: {  	s16 =	sadd.s32 $0x4, s16;
	v4 =	vld [tilespmem:s17+$0xFFFFFFE0];
	[tilespmem:s14+$0xFFFFFFA0] =	vst v6;
	v6 =	vshll.u32 v2, $0x10;
	v2 =	vand.u32 $0xFFFF0000, v2  }
0x10b: {  	p1 =	slt.u32 s16, $0x7C;
	v7 =	vld [tilespmem:s17+$0x0];
	[tilespmem:s14+$0xFFFFFFB0] =	vst v3  }
0x10c: {  	v3 =	vld [tilespmem:s17+$0xFFFFFFC0];
	[tilespmem:s14+$0xFFFFFFE0] =	vst v6;
	v6 =	vshll.u32 v1, $0x10;
	v8 =	vand.u32 $0xFFFF0000, v1  }
0x10d: {  	[tilespmem:s14+$0xFFFFFFF0] =	vst v2  }
0x10e: {  	s14 =	sadd.s32 $0x100, s14;
	v1 =	vshll.u32 v5, $0x10;
	[tilespmem:s15+$0x20] =	vst v6  }
0x10f: {  	v2 =	vshll.u32 v4, $0x10;
	v4 =	vand.u32 $0xFFFF0000, v4;
	[tilespmem:s14+$0x40] =	vst v1;
	v1 =	vand.u32 $0xFFFF0000, v5  }
0x110: {  	v5 =	vshll.u32 v7, $0x10;
	v6 =	vand.u32 $0xFFFF0000, v7;
	[tilespmem:s14+$0x50] =	vst v1  }
0x111: {  	v1 =	vshll.u32 v3, $0x10;
	v3 =	vand.u32 $0xFFFF0000, v3;
	[tilespmem:s14+$0xFFFFFFC0] =	vst v2;
	v7 =	vld [tilespmem:s17+$0x30]  }
0x112: {  	[tilespmem:s14+$0xFFFFFF80] =	vst v1  }
0x113: {  	[tilespmem:s14+$0xFFFFFF90] =	vst v3  }
.Ltmp7:
0x114: {  	v3 =	vld [tilespmem:s17+$0xFFFFFFD0];
	[tilespmem:s14+$0xFFFFFFD0] =	vst v4;
	(pc) =	sbr.rel @p1 .LBB2_15-.Ltmp7, $4  }
0x115: {  	v2 =	vld [tilespmem:s17+$0xFFFFFFF0];
	[tilespmem:s14+$0x0] =	vst v5  }
0x116: {  	[tilespmem:s14+$0x10] =	vst v6;
	v4 =	vshll.u32 v7, $0x10;
	v5 =	vand.u32 $0xFFFF0000, v7  }
0x117: {  	v1 =	vld [tilespmem:s17+$0x10];
	[tilespmem:s14+$0x70] =	vst v5  }
0x118: {  	s17 =	sadd.s32 $0x80, s17;
	[tilespmem:s15+$0x30] =	vst v8;
	s15 =	smov.u32 s14  }
0x119: {  	v5 =	vshll.u32 v3, $0x10;
	[tilespmem:s14+$0x60] =	vst v4  }
0x11a: {  	v3 =	vand.u32 $0xFFFF0000, v3;
	[tilespmem:s14+$0xFFFFFFA0] =	vst v5  }
0x11b: {  	v63 =	vshll.u32 v2, $0x10;
	[tilespmem:s14+$0xFFFFFFB0] =	vst v3  }
0x11c: {  	v2 =	vand.u32 $0xFFFF0000, v2;
	[tilespmem:s14+$0xFFFFFFE0] =	vst v63  }
0x11d: {  	[tilespmem:s14+$0xFFFFFFF0] =	vst v2;
	v3 =	vshll.u32 v1, $0x10  }
0x11e: {  	v1 =	vand.u32 $0xFFFF0000, v1;
	[tilespmem:s15+$0x20] =	vst v3  }
0x11f: {  	s10 =	sadd.s32 $0x5180, s10;
	p1 =	sne.s32 @!p0 s13, $0x28;
	[tilespmem:s15+$0x30] =	vst v1  }
0x120: {  	[spmem:s11] =	stream.indirect.scatter.add.f32 [tilespmem:s4], [sflag:$0x6], $0x40, s10, s9, $0xb8;
	[tilespmem:$0x1D000] =	vst v63  }
0x121: {  	s14 =	simm.s32 @!p0 $0xD000;
	s10 =	sadd.s32 @!p0 $0x380, s12;
	s12 =	simm.s32 @!p0 $0x80  }
0x122: {  	[tilespmem:s14], [sflag:$0x4] =	stream.indirect.gather @!p0 [hbm4b:s26+s12], $0x20, s10, s12, $0xb8;
	[tilespmem:$0x1D000] =	vst v63  }
0x123: {  	p0 =	por p0, !p1  }
.Ltmp8:
0x124: {  	_ = 	snop;
	(pc) =	sbr.rel @!p0 .LBB2_4-.Ltmp8, $2  }
0x125: {  	_ =	sdelay $0x2  }
0x126: {  	s12 =	smov.u32 s13  }
0x127: {  	_ =	swait.ge [sflag:s6], $0x2000  }
0x128: {  	[sflag:s6] =	ssyncset.done $0x0  }
0x129: {  	[sflag:s6] =	ssyncadd.s32 $0xFFFFE000  }
0x12a: {  	_ =	swait.ge [sflag:s3], $0x2000  }
0x12b: {  	[sflag:s3] =	ssyncset.done $0x0  }
0x12c: {  	s10 =	stileid.u32;
	[sflag:s3] =	ssyncadd.s32 $0xFFFFE000  }
0x12d: {  	s10 =	sshll.u32 s10, $0x6;
	[bflag:$0x0] =	sbarrier.arrive $0xFFFF  }
0x12e: {  	s12 =	sshrl.u32 s18, $0x3;
	s10 =	sor.u32 $0x1C07, s10;
	s13 =	rddreg [dreg:$0x3]  }
0x12f: {  	[hbm:s13], [sflag:s10] =	dma.local [spmem:s12], $0x200  }
0x130: {  	_ =	swait.ge [sflag:s29], $0x200  }
0x131: {  	s14 =	smov.u32 s18;
	[sflag:s29] =	ssyncset.done $0x0;
	s18 =	rddreg [dreg:$0xf]  }
0x132: {  	s28 =	rddreg [dreg:$0x4];
	[sflag:s29] =	ssyncadd.s32 $0xFFFFFE00;
	s12 =	sshrl.u32 s18, $0x3  }
0x133: {  	[hbm:s28], [sflag:s10] =	dma.local [spmem:s12], $0x200  }
0x134: {  	_ =	swait.ge [sflag:s29], $0x200  }
0x135: {  	[sflag:s29] =	ssyncset.done $0x0;
	s13 =	rddreg [dreg:$0x10]  }
0x136: {  	s15 =	rddreg [dreg:$0x5];
	[sflag:s29] =	ssyncadd.s32 $0xFFFFFE00;
	s12 =	sshrl.u32 s13, $0x3  }
0x137: {  	[hbm:s15], [sflag:s10] =	dma.local [spmem:s12], $0x200  }
0x138: {  	_ =	swait.ge [sflag:s29], $0x200  }
0x139: {  	[sflag:s29] =	ssyncset.done $0x0  }
0x13a: {  	s16 =	sshrl.u32 s19, $0x3;
	s17 =	rddreg [dreg:$0x6];
	[sflag:s29] =	ssyncadd.s32 $0xFFFFFE00  }
0x13b: {  	[hbm:s17], [sflag:s10] =	dma.local [spmem:s16], $0x200  }
0x13c: {  	_ =	swait.ge [sflag:s29], $0x200  }
0x13d: {  	[sflag:s29] =	ssyncset.done $0x0  }
0x13e: {  	s18 =	sshrl.u32 s20, $0x3;
	s28 =	rddreg [dreg:$0x7];
	[sflag:s29] =	ssyncadd.s32 $0xFFFFFE00  }
0x13f: {  	[hbm:s28], [sflag:s10] =	dma.local [spmem:s18], $0x200  }
0x140: {  	_ =	swait.ge [sflag:s29], $0x200  }
0x141: {  	[sflag:s29] =	ssyncset.done $0x0  }
0x142: {  	s13 =	sshrl.u32 s21, $0x3;
	s15 =	rddreg [dreg:$0x8];
	[sflag:s29] =	ssyncadd.s32 $0xFFFFFE00  }
0x143: {  	[hbm:s15], [sflag:s10] =	dma.local [spmem:s13], $0x200  }
0x144: {  	_ =	swait.ge [sflag:s29], $0x200  }
0x145: {  	[sflag:s29] =	ssyncset.done $0x0  }
0x146: {  	s16 =	sshrl.u32 s22, $0x3;
	s17 =	rddreg [dreg:$0x9];
	[sflag:s29] =	ssyncadd.s32 $0xFFFFFE00  }
0x147: {  	[hbm:s17], [sflag:s10] =	dma.local [spmem:s16], $0x200  }
0x148: {  	_ =	swait.ge [sflag:s29], $0x200  }
0x149: {  	[sflag:s29] =	ssyncset.done $0x0  }
0x14a: {  	s18 =	sshrl.u32 s23, $0x3;
	s28 =	rddreg [dreg:$0xa];
	[sflag:s29] =	ssyncadd.s32 $0xFFFFFE00  }
0x14b: {  	[hbm:s28], [sflag:s10] =	dma.local [spmem:s18], $0x200  }
0x14c: {  	_ =	swait.ge [sflag:s29], $0x200  }
0x14d: {  	[sflag:s29] =	ssyncset.done $0x0  }
0x14e: {  	s15 =	sshrl.u32 s24, $0x3;
	s16 =	rddreg [dreg:$0xb];
	[sflag:s29] =	ssyncadd.s32 $0xFFFFFE00  }
0x14f: {  	[hbm:s16], [sflag:s10] =	dma.local [spmem:s15], $0x200  }
0x150: {  	_ =	swait.ge [sflag:s29], $0x200  }
0x151: {  	[sflag:s29] =	ssyncset.done $0x0  }
0x152: {  	s17 =	sshrl.u32 s25, $0x3;
	s18 =	rddreg [dreg:$0xc];
	[sflag:s29] =	ssyncadd.s32 $0xFFFFFE00  }
0x153: {  	[hbm:s18], [sflag:s10] =	dma.local [spmem:s17], $0x200  }
0x154: {  	_ =	swait.ge [sflag:s29], $0x200  }
0x155: {  	s8 =	sadd.s32 $0x1, s8;
	s28 =	rddreg [dreg:$0x11]  }
0x156: {  	p0 =	sne.s32 s8, s28  }
.Ltmp9:
0x157: {  	_ = 	snop;
	(pc) =	sbr.rel @p0 .LBB2_1-.Ltmp9, $3  }
0x158: {  	_ =	sdelay $0x1  }
0x159: {  	[sflag:s29] =	ssyncset.done $0x0  }
0x15a: {  	[sflag:s29] =	ssyncadd.s32 $0xFFFFFE00  }
0x15b: {  	_ =	sfence.sel $0x180000  }
0x15c: {  	[bflag:$0x0] =	sbarrier.arrive $0xFFFF  }
0x15d: {  	_ =	strace $0x9000004D  }
0x15e: {  	s0 =	stileid.u32;
	[bflag:$0x2] =	sbarrier.arrive $0xFFFF  }
0x15f: {  	p0 =	sne.s32 s0, $0x0;
	s0 =	rddreg [dreg:$0x2]  }
0x160: {  	s0 =	sadd.s32 @!p0 $0x100000, s0  }
0x161: {  	[sflag:s0] =	ssyncadd.tile.s32 @!p0 $0x1;
	_ =	shalt  }
.Lfunc_end2:
_tile_overlayer_lowered:
.L_overlay_start_2:
0x162: {  	(tag) =	ssettag $0x2  }
0x163: {  	s0 =	rddreg [dreg:$0x0];
	s2 =	stileid.u32  }
0x164: {  	s1 =	rddreg [dreg:$0x1];
	p0 =	sne.s32 s2, $0x0  }
0x165: {  	s3 =	rddreg [dreg:$0x2];
	[bflag:$0x3] =	sbarrier.arrive $0xFFFF;
	s2 =	simm.s32 @!p0 $0x1C07  }
0x166: {  	[timem:s3], [sflag:s2] =	dma.local @!p0 [hbm:s0], s1  }
0x167: {  	s0 =	simm.s32 @!p0 $0x7  }
0x168: {  	_ =	swait.ge @!p0 [sflag:s0], s1  }
0x169: {  	s1 =	ssub.s32 @!p0 $0x0, s1;
	[sflag:s0] =	ssyncset.done @!p0 $0x0  }
0x16a: {  	[sflag:s0] =	ssyncadd.s32 @!p0 s1  }
0x16b: {  	[bflag:$0x3] =	sbarrier.arrive $0xFFFF  }
0x16c: {  	_ =	shalt  }

// kernel: kernel.21.cloned.1.call-start
scs
__scs_entry_jumppad:
0x0: {  	(pc) =	sbr.rel $0x88, $3  }
0x1: {  	(tag) =	ssettag $0x0;
	lr =	simm.s32 $0x1  }
0x2: {  	[smem:$0x3F99] =	sst lr;
	_ =	strace $0xD0000000  }
0x3: {  	_ = 	snop  }
0x4: {  	_ = 	snop  }
0x5: {  	_ = 	snop  }
0x6: {  	_ = 	snop  }
0x7: {  	_ = 	snop  }
__scs_overlays_trampoline_lowered:
0x8: {  	[smem:$0x3FA8] =	sst s0  }
0x9: {  	[smem:$0x3FA9] =	sst s1  }
0xa: {  	[smem:$0x3FAA] =	sst s2  }
0xb: {  	[smem:$0x3FAB] =	sst s3  }
0xc: {  	[smem:$0x3FAC] =	sst s4  }
0xd: {  	[smem:$0x3FAD] =	sst s5  }
0xe: {  	[smem:$0x3FAE] =	sst s6  }
0xf: {  	[smem:$0x3FAF] =	sst s7  }
0x10: {  	[smem:$0x3FB0] =	sst s8  }
0x11: {  	[smem:$0x3FB1] =	sst s9;
	s0 =	simm.s32 @!p0 $0x0  }
0x12: {  	s1 =	sld [smem:$0x3F97];
	s0 =	simm.s32 @p0 $0x1  }
0x13: {  	[smem:$0x3FB2] =	sst s0;
	s0 =	simm.s32 @!p1 $0x0  }
0x14: {  	s2 =	sld [smem:$0x3F96];
	s0 =	simm.s32 @p1 $0x1  }
0x15: {  	[smem:$0x3FB3] =	sst s0;
	s0 =	simm.s32 @!p2 $0x0  }
0x16: {  	s3 =	sld [smem:$0x3FDB];
	s0 =	simm.s32 @p2 $0x1  }
0x17: {  	s4 =	simm.s32 $0x1BF5;
	[smem:$0x3FB5] =	sst s0  }
0x18: {  	s0 =	sld [smem:$0x3F98];
	_ =	swait.ge [sflag:s4], $0x0  }
0x19: {  	s7 =	sld [smem:$0x3F99]  }
0x1a: {  	s8 =	sadd.s32 $0xFFFFE003, lr  }
0x1b: {  	s9 =	sadd.s32 $0xFFFFFEF7, lr;
	s5 =	simm.s32 $0xFFFFFFFF;
	p2 =	slt.u32 s8, $0xFFFFF086  }
0x1c: {  	p1 =	slt.u32 s9, $0xF7A;
	s5 =	simm.s32 @!p2 $0x0  }
0x1d: {  	s5 =	simm.s32 @p1 $0x1;
	p0 =	seq.s32 s7, s2  }
0x1e: {  	s7 =	smul.u32 @!p0 $0xF7A, s2;
	p2 =	seq.s32 @!p0 s5, $0x0  }
0x1f: {  	s9 =	smul.u32 $0xF7A, s1;
	s8 =	simm.s32 @!p0 $0x1BF5;
	p2 =	por !p2, p0  }
0x20: {  	[sflag:s8] =	ssyncset.s32 @!p0 $0xFFFFF086;
	s6 =	sadd.s32 @!p0 s3, s7;
	s7 =	simm.s32 @!p0 $0x108  }
0x21: {  	s3 =	sadd.s32 s3, s9;
	s6 =	sadd.s32 @!p0 $0x88, s6;
	s7 =	simm.s32 @p2 $0x1082  }
0x22: {  	[simem:s7], [sflag:s8] =	dma.local @!p0 [hbm:s6], $0xF7A  }
0x23: {  	s9 =	sor.u32 $0xD0000000, s2;
	s6 =	simm.s32 $0x108;
	_ =	swait.ge @!p0 [sflag:s8], $0x0  }
0x24: {  	s3 =	sadd.s32 $0x88, s3;
	s6 =	simm.s32 @!p1 $0x1082;
	[sflag:s4] =	ssyncset.s32 $0xFFFFF086  }
0x25: {  	[simem:s6], [sflag:s4] =	dma.local [hbm:s3], $0xF7A  }
0x26: {  	[smem:$0x3F99] =	sst s1;
	(tag) =	ssettag s2;
	_ =	strace s9  }
0x27: {  	s1 =	sld [smem:$0x3FA9]  }
0x28: {  	s2 =	sld [smem:$0x3FAA]  }
0x29: {  	s4 =	sld [smem:$0x3FAC]  }
0x2a: {  	p0 =	seq.s32 s5, $0x0;
	s5 =	sld [smem:$0x3FAD]  }
0x2b: {  	s6 =	sld [smem:$0x3FAE]  }
0x2c: {  	s7 =	sld [smem:$0x3FAF]  }
0x2d: {  	s3 =	simm.s32 $0x108;
	s8 =	sld [smem:$0x3FB0]  }
0x2e: {  	s3 =	simm.s32 @!p0 $0x1082;
	s9 =	sld [smem:$0x3FB1]  }
0x2f: {  	lr =	sadd.s32 s0, s3;
	s0 =	sld [smem:$0x3FA8]  }
0x30: {  	s3 =	sld [smem:$0x3FAB]  }
0x31: {  	[smem:$0x3FB4] =	sst s10  }
0x32: {  	s10 =	sld [smem:$0x3FB2];
	_ =	sdelay $0x3  }
0x33: {  	p0 =	seq.s32 s10, $0x1;
	s10 =	sld [smem:$0x3FB4];
	_ =	sdelay $0x3  }
0x34: {  	[smem:$0x3FB4] =	sst s10  }
0x35: {  	s10 =	sld [smem:$0x3FB3];
	_ =	sdelay $0x3  }
0x36: {  	p1 =	seq.s32 s10, $0x1;
	s10 =	sld [smem:$0x3FB4];
	_ =	sdelay $0x3  }
0x37: {  	[smem:$0x3FB4] =	sst s10  }
0x38: {  	s10 =	sld [smem:$0x3FB5]  }
0x39: {  	_ = 	snop;
	(pc) =	sbr.ind lr, $3  }
0x3a: {  	_ = 	snop  }
0x3b: {  	_ = 	snop  }
0x3c: {  	p2 =	seq.s32 s10, $0x1;
	s10 =	sld [smem:$0x3FB4]  }
0x3d: {  	_ =	shalt  }
0x3e: {  	_ =	shalt  }
0x3f: {  	_ =	shalt  }
0x40: {  	_ =	shalt  }
0x41: {  	_ =	shalt  }
0x42: {  	_ =	shalt  }
0x43: {  	_ =	shalt  }
0x44: {  	_ =	shalt  }
0x45: {  	_ =	shalt  }
0x46: {  	_ =	shalt  }
0x47: {  	_ =	shalt  }
0x48: {  	_ =	shalt  }
0x49: {  	_ =	shalt  }
0x4a: {  	_ =	shalt  }
0x4b: {  	_ =	shalt  }
0x4c: {  	_ =	shalt  }
0x4d: {  	_ =	shalt  }
0x4e: {  	_ =	shalt  }
0x4f: {  	_ =	shalt  }
0x50: {  	_ =	shalt  }
0x51: {  	_ =	shalt  }
0x52: {  	_ =	shalt  }
0x53: {  	_ =	shalt  }
0x54: {  	_ =	shalt  }
0x55: {  	_ =	shalt  }
0x56: {  	_ =	shalt  }
0x57: {  	_ =	shalt  }
0x58: {  	_ =	shalt  }
0x59: {  	_ =	shalt  }
0x5a: {  	_ =	shalt  }
0x5b: {  	_ =	shalt  }
0x5c: {  	_ =	shalt  }
0x5d: {  	_ =	shalt  }
0x5e: {  	_ =	shalt  }
0x5f: {  	_ =	shalt  }
0x60: {  	_ =	shalt  }
0x61: {  	_ =	shalt  }
0x62: {  	_ =	shalt  }
0x63: {  	_ =	shalt  }
0x64: {  	_ =	shalt  }
0x65: {  	_ =	shalt  }
0x66: {  	_ =	shalt  }
0x67: {  	_ =	shalt  }
0x68: {  	_ =	shalt  }
0x69: {  	_ =	shalt  }
0x6a: {  	_ =	shalt  }
0x6b: {  	_ =	shalt  }
0x6c: {  	_ =	shalt  }
0x6d: {  	_ =	shalt  }
0x6e: {  	_ =	shalt  }
0x6f: {  	_ =	shalt  }
0x70: {  	_ =	shalt  }
0x71: {  	_ =	shalt  }
0x72: {  	_ =	shalt  }
0x73: {  	_ =	shalt  }
0x74: {  	_ =	shalt  }
0x75: {  	_ =	shalt  }
0x76: {  	_ =	shalt  }
0x77: {  	_ =	shalt  }
0x78: {  	_ =	shalt  }
0x79: {  	_ =	shalt  }
0x7a: {  	_ =	shalt  }
0x7b: {  	_ =	shalt  }
0x7c: {  	_ =	shalt  }
0x7d: {  	_ =	shalt  }
0x7e: {  	_ =	shalt  }
0x7f: {  	_ =	shalt  }
0x80: {  	_ =	shalt  }
0x81: {  	_ =	shalt  }
0x82: {  	_ =	shalt  }
0x83: {  	_ =	shalt  }
0x84: {  	_ =	shalt  }
0x85: {  	_ =	shalt  }
0x86: {  	_ =	shalt  }
0x87: {  	_ =	shalt  }
.Lfunc_end0:
.L_simem_size_0:
called_computation.3_lowered:
.L_overlay_start_0:
0x88: {  	s2 =	sld [smem:$0x3FD9]  }
0x89: {  	s3 =	sld [smem:$0x3FFE];
	_ =	sdelay $0x1  }
0x8a: {  	s1 =	srdreg.scid  }
0x8b: {  	s0 =	sand.u32 $0x1, s1  }
0x8c: {  	s16 =	sshll.u32 s0, $0xA;
	s2 =	sadd.s32 s3, s2  }
0x8d: {  	s2 =	sadd.s32 s2, s16  }
0x8e: {  	[smem:$0x3FC0] =	sst s2  }
0x8f: {  	_ = 	snop  }
0x90: {  	(tm) =	ssettm $0x1  }
0x91: {  	s17 =	sld [smem:$0x3FFB];
	_ =	sdelay $0x3  }
0x92: {  	_ =	strace s17  }
0x93: {  	s2 =	sld [smem:$0x3FFC];
	_ =	sdelay $0x3  }
0x94: {  	_ =	strace s2  }
0x95: {  	s2 =	sld [smem:$0x3FFD];
	_ =	sdelay $0x3  }
0x96: {  	_ =	strace s2  }
0x97: {  	_ =	strace $0x8FFFFFFF  }
0x98: {  	s18 =	sld [smem:$0x3FDB];
	_ =	sdelay $0x1  }
0x99: {  	s19 =	simm.s32 $_scs_section_size  }
0x9a: {  	s4 =	simm.s32 $_size__tile_overlayer_lowered;
	s5 =	simm.s32 $_tile_overlayer_lowered  }
0x9b: {  	s22 =	simm.s32 $0x1BFF;
	s21 =	sshll.u32 s5, $0x1;
	s2 =	sadd.s32 s19, s18  }
0x9c: {  	s6 =	simm.s32 $0x0;
	s20 =	sshll.u32 s4, $0x1;
	s4 =	sadd.s32 s21, s2  }
0x9d: {  	[timem:s6], [sflag:s22] =	dma.local [hbm:s4], s20  }
0x9e: {  	_ =	swait.ge [sflag:s22], s20  }
0x9f: {  	s3 =	ssub.s32 $0x0, s20;
	[sflag:s22] =	ssyncset.done $0x0  }
0xa0: {  	[sflag:s22] =	ssyncadd.s32 s3;
	_ =	sdelay $0x1  }
0xa1: {  	s23 =	simm.s32 $0x1B8B  }
0xa2: {  	_ =	swait.ge [sflag:s23], $0x1  }
0xa3: {  	[sflag:s23] =	ssyncset.done $0x0  }
0xa4: {  	s25 =	simm.s32 $0x1B8E;
	s24 =	sld [smem:$0x3FFE];
	[sflag:s23] =	ssyncadd.s32 $0xFFFFFFFF  }
0xa5: {  	s26 =	simm.s32 $execute0_lowered;
	[smem:$0x3FD2] =	sst s25  }
0xa6: {  	s4 =	sshll.u32 s26, $0x1;
	_ =	strace $0x8000004F;
	[dreg:$0x1] =	wrdreg $0xFFFFFFFF  }
0xa7: {  	s28 =	simm.s32 $_size_execute0_lowered;
	s2 =	sadd.s32 s2, s4;
	[dreg:$0x0] =	wrdreg $0x0  }
0xa8: {  	s4 =	sshll.u32 s28, $0x1;
	[dreg:$0x2] =	wrdreg s2  }
0xa9: {  	[dreg:$0x3] =	wrdreg s4  }
0xaa: {  	[dreg:$0x4] =	wrdreg $0xC0  }
0xab: {  	_ =	task [dreg:s6], $0x5FFFF  }
0xac: {  	[dreg:$0x1] =	wrdreg $0xFFFFFFFF  }
0xad: {  	[dreg:$0x0] =	wrdreg $0x60  }
0xae: {  	[dreg:$0x2] =	wrdreg s24  }
0xaf: {  	[dreg:$0x3] =	wrdreg $0x78000  }
0xb0: {  	[dreg:$0x4] =	wrdreg $0x9  }
0xb1: {  	_ =	task.clear_ibuf [dreg:s6], $0x5FFFF;
	_ =	strace $0x9000004F  }
0xb2: {  	s29 =	simm.s32 $0x9;
	_ =	strace $0x80000051  }
0xb3: {  	_ =	swait.ge [sflag:s29], $0x1  }
0xb4: {  	[sflag:s29] =	ssyncadd.s32 $0xFFFFFFFF  }
0xb5: {  	_ =	strace $0x90000051  }
0xb6: {  	_ =	sfence  }
0xb7: {  	s30 =	sld [smem:$0x0];
	_ =	sdelay $0x2  }
0xb8: {  	s31 =	sshll.u32 s1, $0xD;
	s1 =	sshrl.u32 s1, $0x2  }
0xb9: {  	s3 =	sand.u32 $0x4000, s31;
	s1 =	sadd.s32 s1, s30  }
0xba: {  	s0 =	sor.u32 s3, s0;
	s1 =	sshll.u32 s1, $0x11  }
0xbb: {  	s0 =	sor.u32 s1, s0  }
0xbc: {  	s0 =	sadd.s32 $0x8F2B, s0  }
0xbd: {  	[sflag:s0] =	ssyncadd.remote.s32 $0x1  }
0xbe: {  	_ =	sfence.sel $0xFFFF  }
0xbf: {  	[dreg:$0x0] =	wrdreg $0xFFFFFFFF;
	(pc) =	sbr.abs _section_cstart, $3  }
0xc0: {  	[dreg:$0x1] =	wrdreg $0xFFFFFFFF  }
0xc1: {  	_ =	task.clear_ibuf [dreg:s6], $0x2FFFF;
	_ =	strace $0x9FFFFFFF  }
0xc2: {  	(tm) =	ssettm $0x7FFFFFFF  }
0xc3: {  	_ =	shalt  }
tec
execute0_lowered:
.L_overlay_start_1:
0x0: {  	(tag) =	ssettag $0x1  }
0x1: {  	s0 =	srdreg.scid;
	s1 =	rddreg [dreg:$0x0]  }
0x2: {  	s2 =	rddreg [dreg:$0x1];
	s4 =	stileid.u32;
	s5 =	simm.s32 $0x0  }
0x3: {  	s18 =	simm.s32 $0x9;
	s20 =	simm.s32 $0x7000;
	s28 =	simm.s32 $0x6800  }
0x4: {  	s29 =	simm.s32 $0x1;
	s30 =	simm.s32 $0x2;
	s31 =	simm.s32 $0x3  }
0x5: {  	s19 =	simm.s32 $0x6;
	s0 =	sand.u32 $0x1, s0;
	[smem:$0x7FF] =	sst s5  }
0x6: {  	s11 =	smul.u32 $0x2800, s4;
	s3 =	sshll.u32 s0, $0x4;
	_ =	strace $0x80000050  }
0x7: {  	s21 =	ssub.s32 $0x2, s0;
	s0 =	smul.u32 $0x28000, s0;
	s3 =	sor.u32 s4, s3  }
0x8: {  	s6 =	sshrl.u32 s21, $0x1;
	s4 =	sadd.s32 $0x16800, s1;
	s7 =	sadd.s32 s11, s2  }
0x9: {  	s23 =	sadd.s32 $0x800, s11;
	s24 =	sadd.s32 $0x1000, s11;
	s14 =	sadd.s32 $0x1800, s11  }
0xa: {  	s15 =	sadd.s32 $0x2000, s11;
	s3 =	smul.u32 $0x500, s3;
	s5 =	ssub.s32 s21, s6  }
0xb: {  	s8 =	sadd.s32 s23, s2;
	s9 =	sadd.s32 s24, s2;
	s10 =	sadd.s32 s14, s2  }
0xc: {  	s12 =	sadd.s32 s11, s0;
	s11 =	sadd.s32 s15, s2;
	s25 =	sadd.s32 s0, s24  }
0xd: {  	s26 =	sadd.s32 s0, s14;
	s21 =	simm.s32 $0x80;
	s24 =	simm.s32 $0x7  }
0xe: {  	s12 =	sshrl.u32 s12, $0x3;
	s6 =	sshrl.u32 s26, $0x3;
	s3 =	sadd.s32 s3, s1  }
0xf: {  	s17 =	smax.u32 s5, $0x1;
	s26 =	simm.s32 $0x8;
	s22 =	sadd.s32 $0xC800, s3  }
0x10: {  	s1 =	sadd.s32 $0x1B800, s1;
	s3 =	sadd.s32 $0x2800, s3;
	[dreg:$0x3] =	wrdreg s22  }
0x11: {  	s12 =	sadd.s32 s1, s12;
	[dreg:$0x4] =	wrdreg s3;
	s3 =	sadd.s32 s0, s23  }
0x12: {  	[dreg:$0x5] =	wrdreg s12;
	s0 =	sadd.s32 s0, s15;
	s15 =	sadd.s32 s1, s6  }
0x13: {  	s22 =	simm.s32 $0x5000;
	s23 =	simm.s32 $0x5800;
	s3 =	sshrl.u32 s3, $0x3  }
0x14: {  	s0 =	sshrl.u32 s0, $0x3;
	s13 =	sadd.s32 s1, s3;
	s3 =	sshrl.u32 s25, $0x3  }
0x15: {  	s16 =	sadd.s32 s1, s0;
	s25 =	simm.s32 $0x6000;
	s0 =	simm.s32 $0x4  }
0x16: {  	v0 =	vimm.f32 $0.0e+00;
	s14 =	sadd.s32 s1, s3;
	s1 =	simm.s32 $0x5;
	s3 =	simm.s32 $0x0  }
.LBB2_1:
0x17: {  	s5 =	simm.s32 $0x0;
	s6 =	rddreg [dreg:$0x3]  }
0x18: {  	[tilespmem:s5], [sflag:$0x9] =	stream.linear.gather [hbm4b:s6+s5], $0x2800, $0x38;
	[tilespmem:$0xA000] =	vst v63  }
0x19: {  	_ =	swait.ge [sflag:s18], $0x2800  }
0x1a: {  	[sflag:s18] =	ssyncset.done $0x0  }
0x1b: {  	s12 =	simm.s32 $0x2800;
	s6 =	rddreg [dreg:$0x4];
	[sflag:s18] =	ssyncadd.s32 $0xFFFFD800  }
0x1c: {  	[tilespmem:s12], [sflag:$0x9] =	stream.linear.gather [hbm4b:s6+s5], $0x2800, $0x38;
	[tilespmem:$0xA000] =	vst v63  }
0x1d: {  	_ =	swait.ge [sflag:s18], $0x2800  }
0x1e: {  	[sflag:s18] =	ssyncset.done $0x0  }
0x1f: {  	s5 =	simm.s32 $0x40;
	s6 =	simm.s32 $0x0;
	[sflag:s18] =	ssyncadd.s32 $0xFFFFD800  }
.LBB2_2:
0x20: {  	p0 =	sne.s32 s5, $0x1FC0;
	[tilespmem:s6+$0x7000] =	vst v0;
	s6 =	smov.u32 s5;
	s5 =	sadd.s32 $0x40, s5  }
.Ltmp0:
0x21: {  	(pc) =	sbr.rel @p0 .LBB2_2-.Ltmp0, $2  }
0x22: {  	_ =	sdelay $0x2  }
0x23: {  	s6 =	sshra.s32 s6, $0x2  }
0x24: {  	[tilespmem:s6+$0x7000] =	vst v0  }
0x25: {  	[spmem:s7] =	stream.linear.scatter [tilespmem:s20], [sflag:$0x9], $0x800, $0x38;
	[tilespmem:$0xA000] =	vst v63  }
0x26: {  	_ =	swait.ge [sflag:s18], $0x800  }
0x27: {  	[sflag:s18] =	ssyncset.done $0x0  }
0x28: {  	[sflag:s18] =	ssyncadd.s32 $0xFFFFF800  }
0x29: {  	[spmem:s8] =	stream.linear.scatter [tilespmem:s20], [sflag:$0x9], $0x800, $0x38;
	[tilespmem:$0xA000] =	vst v63  }
0x2a: {  	_ =	swait.ge [sflag:s18], $0x800  }
0x2b: {  	[sflag:s18] =	ssyncset.done $0x0  }
0x2c: {  	[sflag:s18] =	ssyncadd.s32 $0xFFFFF800  }
0x2d: {  	[spmem:s9] =	stream.linear.scatter [tilespmem:s20], [sflag:$0x9], $0x800, $0x38;
	[tilespmem:$0xA000] =	vst v63  }
0x2e: {  	_ =	swait.ge [sflag:s18], $0x800  }
0x2f: {  	[sflag:s18] =	ssyncset.done $0x0  }
0x30: {  	[sflag:s18] =	ssyncadd.s32 $0xFFFFF800  }
0x31: {  	[spmem:s10] =	stream.linear.scatter [tilespmem:s20], [sflag:$0x9], $0x800, $0x38;
	[tilespmem:$0xA000] =	vst v63  }
0x32: {  	_ =	swait.ge [sflag:s18], $0x800  }
0x33: {  	[sflag:s18] =	ssyncset.done $0x0  }
0x34: {  	[sflag:s18] =	ssyncadd.s32 $0xFFFFF800  }
0x35: {  	[spmem:s11] =	stream.linear.scatter [tilespmem:s20], [sflag:$0x9], $0x800, $0x38;
	[tilespmem:$0xA000] =	vst v63  }
0x36: {  	_ =	swait.ge [sflag:s18], $0x800  }
0x37: {  	[sflag:s18] =	ssyncset.done $0x0  }
0x38: {  	[sflag:s18] =	ssyncadd.s32 $0xFFFFF800  }
0x39: {  	s5 =	simm.s32 $0x0;
	[bflag:$0x0] =	sbarrier.arrive $0xFFFF  }
0x3a: {  	[tilespmem:s22], [sflag:$0x1] =	stream.indirect.gather [hbm4b:s4+s21], $0x10, s5, s21, $0xb8;
	[tilespmem:$0xA000] =	vst v63  }
0x3b: {  	_ = 	snop  }
0x3c: {  	[tilespmem:s23], [sflag:$0x2] =	stream.indirect.gather [hbm4b:s4+s21], $0x10, s21, s21, $0xb8;
	[tilespmem:$0xA000] =	vst v63  }
0x3d: {  	s12 =	simm.s32 $0x100  }
0x3e: {  	[tilespmem:s25], [sflag:$0x3] =	stream.indirect.gather [hbm4b:s4+s21], $0x10, s12, s21, $0xb8;
	[tilespmem:$0xA000] =	vst v63  }
0x3f: {  	s6 =	simm.s32 $0x180  }
0x40: {  	[tilespmem:s28], [sflag:$0x4] =	stream.indirect.gather [hbm4b:s4+s21], $0x10, s6, s21, $0xb8;
	[tilespmem:$0xA000] =	vst v63  }
0x41: {  	_ =	swait.ge [sflag:s29], $0x800  }
0x42: {  	[sflag:s29] =	ssyncset.done $0x0  }
0x43: {  	s12 =	simm.s32 $0x2800;
	[sflag:s29] =	ssyncadd.s32 $0xFFFFF800  }
0x44: {  	[spmem:s2] =	stream.indirect.scatter.add.f32 [tilespmem:s22], [sflag:$0x5], $0x10, s12, s21, $0xb8;
	[tilespmem:$0xA000] =	vst v63  }
0x45: {  	_ =	swait.ge [sflag:s30], $0x800  }
0x46: {  	[sflag:s30] =	ssyncset.done $0x0  }
0x47: {  	s6 =	simm.s32 $0x2880;
	[sflag:s30] =	ssyncadd.s32 $0xFFFFF800  }
0x48: {  	[spmem:s2] =	stream.indirect.scatter.add.f32 [tilespmem:s23], [sflag:$0x6], $0x10, s6, s21, $0xb8;
	[tilespmem:$0xA000] =	vst v63  }
0x49: {  	_ =	swait.ge [sflag:s31], $0x800  }
0x4a: {  	[sflag:s31] =	ssyncset.done $0x0  }
0x4b: {  	s12 =	simm.s32 $0x2900;
	[sflag:s31] =	ssyncadd.s32 $0xFFFFF800  }
0x4c: {  	[spmem:s2] =	stream.indirect.scatter.add.f32 [tilespmem:s25], [sflag:$0x7], $0x10, s12, s21, $0xb8;
	[tilespmem:$0xA000] =	vst v63  }
0x4d: {  	_ =	swait.ge [sflag:s0], $0x800  }
0x4e: {  	[sflag:s0] =	ssyncset.done $0x0  }
0x4f: {  	s6 =	simm.s32 $0x2980;
	[sflag:s0] =	ssyncadd.s32 $0xFFFFF800  }
0x50: {  	[spmem:s2] =	stream.indirect.scatter.add.f32 [tilespmem:s28], [sflag:$0x8], $0x10, s6, s21, $0xb8;
	[tilespmem:$0xA000] =	vst v63  }
0x51: {  	_ =	swait.ge [sflag:s1], $0x800  }
0x52: {  	[sflag:s1] =	ssyncset.done $0x0  }
0x53: {  	s12 =	simm.s32 $0x200;
	[sflag:s1] =	ssyncadd.s32 $0xFFFFF800  }
0x54: {  	[tilespmem:s22], [sflag:$0x1] =	stream.indirect.gather [hbm4b:s4+s21], $0x10, s12, s21, $0xb8;
	[tilespmem:$0xA000] =	vst v63  }
0x55: {  	_ =	swait.ge [sflag:s19], $0x800  }
0x56: {  	[sflag:s19] =	ssyncset.done $0x0  }
0x57: {  	s6 =	simm.s32 $0x280;
	[sflag:s19] =	ssyncadd.s32 $0xFFFFF800  }
0x58: {  	[tilespmem:s23], [sflag:$0x2] =	stream.indirect.gather [hbm4b:s4+s21], $0x10, s6, s21, $0xb8;
	[tilespmem:$0xA000] =	vst v63  }
0x59: {  	_ =	swait.ge [sflag:s24], $0x800  }
0x5a: {  	[sflag:s24] =	ssyncset.done $0x0  }
0x5b: {  	s12 =	simm.s32 $0x300;
	[sflag:s24] =	ssyncadd.s32 $0xFFFFF800  }
0x5c: {  	[tilespmem:s25], [sflag:$0x3] =	stream.indirect.gather [hbm4b:s4+s21], $0x10, s12, s21, $0xb8;
	[tilespmem:$0xA000] =	vst v63  }
0x5d: {  	_ =	swait.ge [sflag:s26], $0x800  }
0x5e: {  	[sflag:s26] =	ssyncset.done $0x0  }
0x5f: {  	s5 =	simm.s32 $0x800;
	s6 =	simm.s32 $0x380;
	[sflag:s26] =	ssyncadd.s32 $0xFFFFF800  }
.LBB2_4:
0x60: {  	[tilespmem:s28], [sflag:$0x4] =	stream.indirect.gather [hbm4b:s4+s21], $0x10, s6, s21, $0xb8;
	[tilespmem:$0xA000] =	vst v63  }
0x61: {  	s6 =	smov.u32 s5  }
0x62: {  	p0 =	sne.s32 s5, $0x9000;
	s5 =	sadd.s32 $0x800, s5;
	_ =	swait.ge [sflag:s29], $0x800  }
0x63: {  	s6 =	sshra.s32 s6, $0x2;
	[sflag:s29] =	ssyncset.done $0x0  }
0x64: {  	s12 =	sadd.s32 $0x2800, s6;
	[sflag:s29] =	ssyncadd.s32 $0xFFFFF800  }
0x65: {  	[spmem:s2] =	stream.indirect.scatter.add.f32 [tilespmem:s22], [sflag:$0x5], $0x10, s12, s21, $0xb8;
	[tilespmem:$0xA000] =	vst v63  }
0x66: {  	_ =	swait.ge [sflag:s30], $0x800  }
0x67: {  	[sflag:s30] =	ssyncset.done $0x0  }
0x68: {  	s12 =	sadd.s32 $0x2880, s6;
	[sflag:s30] =	ssyncadd.s32 $0xFFFFF800  }
0x69: {  	[spmem:s2] =	stream.indirect.scatter.add.f32 [tilespmem:s23], [sflag:$0x6], $0x10, s12, s21, $0xb8;
	[tilespmem:$0xA000] =	vst v63  }
0x6a: {  	_ =	swait.ge [sflag:s31], $0x800  }
0x6b: {  	[sflag:s31] =	ssyncset.done $0x0  }
0x6c: {  	s12 =	sadd.s32 $0x2900, s6;
	[sflag:s31] =	ssyncadd.s32 $0xFFFFF800  }
0x6d: {  	[spmem:s2] =	stream.indirect.scatter.add.f32 [tilespmem:s25], [sflag:$0x7], $0x10, s12, s21, $0xb8;
	[tilespmem:$0xA000] =	vst v63  }
0x6e: {  	_ =	swait.ge [sflag:s0], $0x800  }
0x6f: {  	[sflag:s0] =	ssyncset.done $0x0  }
0x70: {  	s12 =	sadd.s32 $0x2980, s6;
	[sflag:s0] =	ssyncadd.s32 $0xFFFFF800  }
0x71: {  	[spmem:s2] =	stream.indirect.scatter.add.f32 [tilespmem:s28], [sflag:$0x8], $0x10, s12, s21, $0xb8;
	[tilespmem:$0xA000] =	vst v63  }
0x72: {  	_ =	swait.ge [sflag:s1], $0x800  }
0x73: {  	[sflag:s1] =	ssyncset.done $0x0  }
0x74: {  	s12 =	sadd.s32 $0x200, s6;
	[sflag:s1] =	ssyncadd.s32 $0xFFFFF800  }
0x75: {  	[tilespmem:s22], [sflag:$0x1] =	stream.indirect.gather [hbm4b:s4+s21], $0x10, s12, s21, $0xb8;
	[tilespmem:$0xA000] =	vst v63  }
0x76: {  	_ =	swait.ge [sflag:s19], $0x800  }
0x77: {  	[sflag:s19] =	ssyncset.done $0x0  }
0x78: {  	s12 =	sadd.s32 $0x280, s6;
	[sflag:s19] =	ssyncadd.s32 $0xFFFFF800  }
0x79: {  	[tilespmem:s23], [sflag:$0x2] =	stream.indirect.gather [hbm4b:s4+s21], $0x10, s12, s21, $0xb8;
	[tilespmem:$0xA000] =	vst v63  }
0x7a: {  	_ =	swait.ge [sflag:s24], $0x800  }
0x7b: {  	[sflag:s24] =	ssyncset.done $0x0  }
.Ltmp1:
0x7c: {  	s12 =	sadd.s32 $0x300, s6;
	[sflag:s24] =	ssyncadd.s32 $0xFFFFF800;
	(pc) =	sbr.rel @p0 .LBB2_4-.Ltmp1, $4  }
0x7d: {  	[tilespmem:s25], [sflag:$0x3] =	stream.indirect.gather [hbm4b:s4+s21], $0x10, s12, s21, $0xb8;
	[tilespmem:$0xA000] =	vst v63  }
0x7e: {  	_ =	swait.ge [sflag:s26], $0x800  }
0x7f: {  	[sflag:s26] =	ssyncset.done $0x0  }
0x80: {  	s6 =	sadd.s32 $0x380, s6;
	[sflag:s26] =	ssyncadd.s32 $0xFFFFF800  }
0x81: {  	[tilespmem:s28], [sflag:$0x4] =	stream.indirect.gather [hbm4b:s4+s21], $0x10, s6, s21, $0xb8;
	[tilespmem:$0xA000] =	vst v63  }
0x82: {  	_ =	swait.ge [sflag:s29], $0x800  }
0x83: {  	[sflag:s29] =	ssyncset.done $0x0  }
0x84: {  	s5 =	simm.s32 $0x4E00;
	[sflag:s29] =	ssyncadd.s32 $0xFFFFF800  }
0x85: {  	[spmem:s2] =	stream.indirect.scatter.add.f32 [tilespmem:s22], [sflag:$0x5], $0x10, s5, s21, $0xb8;
	[tilespmem:$0xA000] =	vst v63  }
0x86: {  	_ =	swait.ge [sflag:s30], $0x800  }
0x87: {  	[sflag:s30] =	ssyncset.done $0x0  }
0x88: {  	s12 =	simm.s32 $0x4E80;
	[sflag:s30] =	ssyncadd.s32 $0xFFFFF800  }
0x89: {  	[spmem:s2] =	stream.indirect.scatter.add.f32 [tilespmem:s23], [sflag:$0x6], $0x10, s12, s21, $0xb8;
	[tilespmem:$0xA000] =	vst v63  }
0x8a: {  	_ =	swait.ge [sflag:s31], $0x800  }
0x8b: {  	[sflag:s31] =	ssyncset.done $0x0  }
0x8c: {  	s6 =	simm.s32 $0x4F00;
	[sflag:s31] =	ssyncadd.s32 $0xFFFFF800  }
0x8d: {  	[spmem:s2] =	stream.indirect.scatter.add.f32 [tilespmem:s25], [sflag:$0x7], $0x10, s6, s21, $0xb8;
	[tilespmem:$0xA000] =	vst v63  }
0x8e: {  	_ =	swait.ge [sflag:s0], $0x800  }
0x8f: {  	[sflag:s0] =	ssyncset.done $0x0  }
0x90: {  	s12 =	simm.s32 $0x4F80;
	[sflag:s0] =	ssyncadd.s32 $0xFFFFF800  }
0x91: {  	[spmem:s2] =	stream.indirect.scatter.add.f32 [tilespmem:s28], [sflag:$0x8], $0x10, s12, s21, $0xb8;
	[tilespmem:$0xA000] =	vst v63  }
0x92: {  	_ =	swait.ge [sflag:s1], $0x800  }
0x93: {  	[sflag:s1] =	ssyncset.done $0x0  }
0x94: {  	[sflag:s1] =	ssyncadd.s32 $0xFFFFF800  }
0x95: {  	_ =	swait.ge [sflag:s19], $0x800  }
0x96: {  	[sflag:s19] =	ssyncset.done $0x0  }
0x97: {  	[sflag:s19] =	ssyncadd.s32 $0xFFFFF800  }
0x98: {  	_ =	swait.ge [sflag:s24], $0x800  }
0x99: {  	[sflag:s24] =	ssyncset.done $0x0  }
0x9a: {  	[sflag:s24] =	ssyncadd.s32 $0xFFFFF800  }
0x9b: {  	_ =	swait.ge [sflag:s26], $0x800  }
0x9c: {  	[sflag:s26] =	ssyncset.done $0x0  }
0x9d: {  	s6 =	stileid.u32;
	[sflag:s26] =	ssyncadd.s32 $0xFFFFF800  }
0x9e: {  	s5 =	sshll.u32 s6, $0x6;
	[bflag:$0x0] =	sbarrier.arrive $0xFFFF  }
0x9f: {  	s6 =	sshrl.u32 s7, $0x3;
	s5 =	sor.u32 $0x1C09, s5;
	s12 =	rddreg [dreg:$0x5]  }
0xa0: {  	[hbm:s12], [sflag:s5] =	dma.local [spmem:s6], $0x100  }
0xa1: {  	_ =	swait.ge [sflag:s18], $0x100  }
0xa2: {  	[sflag:s18] =	ssyncset.done $0x0  }
0xa3: {  	s12 =	sshrl.u32 s8, $0x3;
	[sflag:s18] =	ssyncadd.s32 $0xFFFFFF00  }
0xa4: {  	[hbm:s13], [sflag:s5] =	dma.local [spmem:s12], $0x100  }
0xa5: {  	_ =	swait.ge [sflag:s18], $0x100  }
0xa6: {  	[sflag:s18] =	ssyncset.done $0x0  }
0xa7: {  	s12 =	sshrl.u32 s9, $0x3;
	[sflag:s18] =	ssyncadd.s32 $0xFFFFFF00  }
0xa8: {  	[hbm:s14], [sflag:s5] =	dma.local [spmem:s12], $0x100  }
0xa9: {  	_ =	swait.ge [sflag:s18], $0x100  }
0xaa: {  	[sflag:s18] =	ssyncset.done $0x0  }
0xab: {  	s12 =	sshrl.u32 s10, $0x3;
	[sflag:s18] =	ssyncadd.s32 $0xFFFFFF00  }
0xac: {  	[hbm:s15], [sflag:s5] =	dma.local [spmem:s12], $0x100  }
0xad: {  	s3 =	sadd.s32 $0x1, s3;
	_ =	swait.ge [sflag:s18], $0x100  }
0xae: {  	p0 =	sne.s32 s3, s17;
	[sflag:s18] =	ssyncset.done $0x0  }
.Ltmp2:
0xaf: {  	s12 =	sshrl.u32 s11, $0x3;
	[sflag:s18] =	ssyncadd.s32 $0xFFFFFF00;
	(pc) =	sbr.rel @p0 .LBB2_1-.Ltmp2, $4  }
0xb0: {  	[hbm:s16], [sflag:s5] =	dma.local [spmem:s12], $0x100  }
0xb1: {  	_ =	swait.ge [sflag:s18], $0x100  }
0xb2: {  	[sflag:s18] =	ssyncset.done $0x0  }
0xb3: {  	[sflag:s18] =	ssyncadd.s32 $0xFFFFFF00  }
0xb4: {  	_ =	sfence.sel $0x180000  }
0xb5: {  	[bflag:$0x0] =	sbarrier.arrive $0xFFFF  }
0xb6: {  	_ =	strace $0x90000050  }
0xb7: {  	s0 =	stileid.u32;
	[bflag:$0x2] =	sbarrier.arrive $0xFFFF  }
0xb8: {  	p0 =	sne.s32 s0, $0x0;
	s0 =	rddreg [dreg:$0x2]  }
0xb9: {  	s0 =	sadd.s32 @!p0 $0x100000, s0  }
0xba: {  	[sflag:s0] =	ssyncadd.tile.s32 @!p0 $0x1;
	_ =	shalt  }
.Lfunc_end2:
_tile_overlayer_lowered:
.L_overlay_start_2:
0xbb: {  	(tag) =	ssettag $0x2  }
0xbc: {  	s0 =	rddreg [dreg:$0x0];
	s2 =	stileid.u32  }
0xbd: {  	s1 =	rddreg [dreg:$0x1];
	p0 =	sne.s32 s2, $0x0  }
0xbe: {  	s3 =	rddreg [dreg:$0x2];
	[bflag:$0x3] =	sbarrier.arrive $0xFFFF;
	s2 =	simm.s32 @!p0 $0x1C09  }
0xbf: {  	[timem:s3], [sflag:s2] =	dma.local @!p0 [hbm:s0], s1  }
0xc0: {  	s0 =	simm.s32 @!p0 $0x9  }
0xc1: {  	_ =	swait.ge @!p0 [sflag:s0], s1  }
0xc2: {  	s1 =	ssub.s32 @!p0 $0x0, s1;
	[sflag:s0] =	ssyncset.done @!p0 $0x0  }
0xc3: {  	[sflag:s0] =	ssyncadd.s32 @!p0 s1  }
0xc4: {  	[bflag:$0x3] =	sbarrier.arrive $0xFFFF  }
0xc5: {  	_ =	shalt  }

</sc_bundles>
